<compile_context>
chip_gen: v7x
topology: tpu7x:2x2x1
jax: 0.10.2.dev20260603
libtpu: 0.0.44.dev20260713+nightly
codegen_flags: <defaults>
</compile_context>

<pallas_src>
import functools

import jax
import jax.numpy as jnp
from jax import lax
from jax.experimental import pallas as pl
from jax.experimental.pallas import tpu as pltpu
from jax.experimental.pallas import tpu_sc as plsc

NBASIS = 128
CUTOFF = 6.0
N_NODES = 10000
N_EDGES = 320000
NPAD = 10240
PI = 3.141592653589793

DELTA = CUTOFF / (NBASIS - 1)
GAMMA = 1.0 / DELTA

NC = 2
NS = 16
LANES = 16
NW = NC * NS
E_PER_W = N_EDGES // NW
SUBCH = 2000
NSUB = E_PER_W // SUBCH
SLICE = NPAD // NS

SF0, SF1, SF2, SF3, SF4 = 2.0, 1.0, 0.5, 1.0 / 6.0, 1.0 / 24.0

BE = 512


def _edge_body(r_ref, pd_ref, pp_ref, a_ref, p_ref, q_ref, pair_ref):
    rx = r_ref[0:1, :]
    ry = r_ref[1:2, :]
    rz = r_ref[2:3, :]
    l2 = rx * rx + ry * ry + rz * rz
    li = lax.rsqrt(l2)
    l = l2 * li
    c = lax.broadcasted_iota(jnp.int32, (NBASIS, 1), 0).astype(jnp.float32) * DELTA
    pd = pd_ref[:, :]
    s = jnp.maximum(pd, 0.0) + jnp.log(1.0 + jnp.exp(-jnp.abs(pd)))
    p = pp_ref[:, :]
    u = jnp.exp((-GAMMA) * (l - c) ** 2)
    ang = (PI / CUTOFF) * l
    fc = 0.5 * (1.0 + jnp.cos(ang))
    fcp = (-PI / (2.0 * CUTOFF)) * jnp.sin(ang)
    m0 = jnp.sum(u * s, axis=0, keepdims=True)
    m1 = jnp.sum(u * p, axis=0, keepdims=True)
    m2 = jnp.sum(u * (s * c), axis=0, keepdims=True)
    m3 = jnp.sum(u * (p * c), axis=0, keepdims=True)
    halffc = 0.5 * fc
    dens = halffc * m0
    cpair = halffc * m1
    t = 0.5 * fcp - GAMMA * l * fc
    bb = t * m0 + GAMMA * fc * m2
    dd = t * m1 + GAMMA * fc * m3
    a_ref[...] = dens[0]
    p_ref[...] = (bb * li)[0]
    li2 = li * li
    q_ref[...] = (dd * li2 - cpair * li * li2)[0]

    @pl.when(pl.program_id(0) == 0)
    def _():
        pair_ref[...] = jnp.zeros((1, 1), jnp.float32)

    pair_ref[...] += jnp.sum(cpair * li).reshape(1, 1)


def _edge_stage(r_t, phi_d, phi_p):
    grid = N_EDGES // BE
    return pl.pallas_call(
        _edge_body,
        grid=(grid,),
        in_specs=[
            pl.BlockSpec((3, BE), lambda i: (0, i)),
            pl.BlockSpec((NBASIS, 1), lambda i: (0, 0)),
            pl.BlockSpec((NBASIS, 1), lambda i: (0, 0)),
        ],
        out_specs=[
            pl.BlockSpec((BE,), lambda i: (i,)),
            pl.BlockSpec((BE,), lambda i: (i,)),
            pl.BlockSpec((BE,), lambda i: (i,)),
            pl.BlockSpec((1, 1), lambda i: (0, 0)),
        ],
        out_shape=[
            jax.ShapeDtypeStruct((N_EDGES,), jnp.float32),
            jax.ShapeDtypeStruct((N_EDGES,), jnp.float32),
            jax.ShapeDtypeStruct((N_EDGES,), jnp.float32),
            jax.ShapeDtypeStruct((1, 1), jnp.float32),
        ],
    )(r_t, phi_d, phi_p)




def _node_body(rho_ref, ew_ref, fp_ref, fsum_ref):
    rho = rho_ref[0] + rho_ref[1]
    w0 = ew_ref[0, 0]
    w1 = ew_ref[0, 1]
    w2 = ew_ref[0, 2]
    w3 = ew_ref[0, 3]
    w4 = ew_ref[0, 4]
    sq = jnp.sqrt(rho)
    rho2 = rho * rho
    f = ((SF0 * w0) * sq + (SF1 * w1) * rho + (SF2 * w2) * rho2
         + (SF3 * w3) * rho2 * rho + (SF4 * w4) * rho2 * rho2)
    fsum_ref[...] = jnp.sum(f).reshape(1, 1)
    fp_ref[...] = (w0 * lax.rsqrt(rho) + SF1 * w1 + (2.0 * SF2 * w2) * rho
                   + (3.0 * SF3 * w3) * rho2 + (4.0 * SF4 * w4) * rho2 * rho)


def _node_stage(rho_parts, ew):
    nrows = NPAD // 128
    return pl.pallas_call(
        _node_body,
        out_shape=[
            jax.ShapeDtypeStruct((nrows, 128), jnp.float32),
            jax.ShapeDtypeStruct((1, 1), jnp.float32),
        ],
    )(rho_parts.reshape(2, nrows, 128), ew)




def _seg_body(dst_hbm, a_hbm, out_hbm, idx_v, val_v, acc_v, tmp_v, red_v, sh_v):
    cid = lax.axis_index("c")
    sid = lax.axis_index("s")
    wid = sid * NC + cid
    base = wid * E_PER_W

    pltpu.sync_copy(dst_hbm.at[pl.ds(base, E_PER_W)], idx_v)
    pltpu.sync_copy(a_hbm.at[pl.ds(base, E_PER_W)], val_v)

    zeros = jnp.zeros((LANES,), jnp.float32)

    def _zero(i, _):
        acc_v[pl.ds(i * LANES, LANES)] = zeros
        return 0

    lax.fori_loop(0, NPAD // LANES, _zero, 0)

    def _scat(i, _):
        sl = pl.ds(i * LANES, LANES)
        plsc.addupdate_scatter(acc_v, [idx_v[sl]], val_v[sl])
        return 0

    lax.fori_loop(0, E_PER_W // LANES, _scat, 0)

    pltpu.sync_copy(acc_v, sh_v.at[sid])
    plsc.subcore_barrier()

    off = sid * SLICE
    zeros_s = jnp.zeros((LANES,), jnp.float32)

    def _zr(i, _):
        red_v[pl.ds(i * LANES, LANES)] = zeros_s
        return 0

    lax.fori_loop(0, SLICE // LANES, _zr, 0)

    for t in range(NS):
        pltpu.sync_copy(sh_v.at[t, pl.ds(off, SLICE)], tmp_v)

        def _acc(i, _):
            sl = pl.ds(i * LANES, LANES)
            red_v[sl] += tmp_v[sl]
            return 0

        lax.fori_loop(0, SLICE // LANES, _acc, 0)

    pltpu.sync_copy(red_v, out_hbm.at[cid, pl.ds(off, SLICE)])


def _seg_sum(dst, a):
    mesh = plsc.VectorSubcoreMesh(
        core_axis_name="c", subcore_axis_name="s", num_cores=NC, num_subcores=NS
    )
    fn = pl.kernel(
        _seg_body,
        out_type=jax.ShapeDtypeStruct((2, NPAD), jnp.float32),
        mesh=mesh,
        compiler_params=pltpu.CompilerParams(needs_layout_passes=False),
        scratch_types=[
            pltpu.VMEM((E_PER_W,), jnp.int32),
            pltpu.VMEM((E_PER_W,), jnp.float32),
            pltpu.VMEM((NPAD,), jnp.float32),
            pltpu.VMEM((SLICE,), jnp.float32),
            pltpu.VMEM((SLICE,), jnp.float32),
            pltpu.VMEM_SHARED((NS, NPAD), jnp.float32),
        ],
    )
    return fn(dst, a)




def _force_body(fp_hbm, dst_hbm, src_hbm, p_hbm, q_hbm, rx_hbm, ry_hbm, rz_hbm,
                out_hbm, fp_tab, di_v, si_v, p_v, q_v, rx_v, ry_v, rz_v,
                fx_v, fy_v, fz_v, tmp_v, red_v, sh_v):
    cid = lax.axis_index("c")
    sid = lax.axis_index("s")
    wid = sid * NC + cid
    base = wid * E_PER_W

    pltpu.sync_copy(fp_hbm, fp_tab)

    zeros = jnp.zeros((LANES,), jnp.float32)

    def _zero(i, _):
        sl = pl.ds(i * LANES, LANES)
        fx_v[sl] = zeros
        fy_v[sl] = zeros
        fz_v[sl] = zeros
        return 0

    lax.fori_loop(0, NPAD // LANES, _zero, 0)

    for k in range(NSUB):
        cb = base + k * SUBCH
        pltpu.sync_copy(dst_hbm.at[pl.ds(cb, SUBCH)], di_v)
        pltpu.sync_copy(src_hbm.at[pl.ds(cb, SUBCH)], si_v)
        pltpu.sync_copy(p_hbm.at[pl.ds(cb, SUBCH)], p_v)
        pltpu.sync_copy(q_hbm.at[pl.ds(cb, SUBCH)], q_v)
        pltpu.sync_copy(rx_hbm.at[pl.ds(cb, SUBCH)], rx_v)
        pltpu.sync_copy(ry_hbm.at[pl.ds(cb, SUBCH)], ry_v)
        pltpu.sync_copy(rz_hbm.at[pl.ds(cb, SUBCH)], rz_v)

        def _edge(i, _):
            sl = pl.ds(i * LANES, LANES)
            didx = di_v[sl]
            sidx = si_v[sl]
            fpe = plsc.load_gather(fp_tab, [didx])
            coef = fpe * p_v[sl] + q_v[sl]
            vx = coef * rx_v[sl]
            vy = coef * ry_v[sl]
            vz = coef * rz_v[sl]
            plsc.addupdate_scatter(fx_v, [didx], -vx)
            plsc.addupdate_scatter(fy_v, [didx], -vy)
            plsc.addupdate_scatter(fz_v, [didx], -vz)
            plsc.addupdate_scatter(fx_v, [sidx], vx)
            plsc.addupdate_scatter(fy_v, [sidx], vy)
            plsc.addupdate_scatter(fz_v, [sidx], vz)
            return 0

        lax.fori_loop(0, SUBCH // LANES, _edge, 0)

    pltpu.sync_copy(fx_v, sh_v.at[sid, pl.ds(0, NPAD)])
    pltpu.sync_copy(fy_v, sh_v.at[sid, pl.ds(NPAD, NPAD)])
    pltpu.sync_copy(fz_v, sh_v.at[sid, pl.ds(2 * NPAD, NPAD)])
    plsc.subcore_barrier()

    off = sid * SLICE
    for c3 in range(3):

        def _zr(i, _):
            red_v[pl.ds(i * LANES, LANES)] = zeros
            return 0

        lax.fori_loop(0, SLICE // LANES, _zr, 0)

        for t in range(NS):
            pltpu.sync_copy(sh_v.at[t, pl.ds(c3 * NPAD + off, SLICE)], tmp_v)

            def _acc(i, _):
                sl = pl.ds(i * LANES, LANES)
                red_v[sl] += tmp_v[sl]
                return 0

            lax.fori_loop(0, SLICE // LANES, _acc, 0)

        pltpu.sync_copy(red_v, out_hbm.at[cid, pl.ds(c3 * NPAD + off, SLICE)])


def _force_stage(fp, dst, src, pcoef, qcoef, rx, ry, rz):
    mesh = plsc.VectorSubcoreMesh(
        core_axis_name="c", subcore_axis_name="s", num_cores=NC, num_subcores=NS
    )
    fn = pl.kernel(
        _force_body,
        out_type=jax.ShapeDtypeStruct((2, 3 * NPAD), jnp.float32),
        mesh=mesh,
        compiler_params=pltpu.CompilerParams(needs_layout_passes=False),
        scratch_types=[
            pltpu.VMEM((NPAD,), jnp.float32),
            pltpu.VMEM((SUBCH,), jnp.int32),
            pltpu.VMEM((SUBCH,), jnp.int32),
            pltpu.VMEM((SUBCH,), jnp.float32),
            pltpu.VMEM((SUBCH,), jnp.float32),
            pltpu.VMEM((SUBCH,), jnp.float32),
            pltpu.VMEM((SUBCH,), jnp.float32),
            pltpu.VMEM((SUBCH,), jnp.float32),
            pltpu.VMEM((NPAD,), jnp.float32),
            pltpu.VMEM((NPAD,), jnp.float32),
            pltpu.VMEM((NPAD,), jnp.float32),
            pltpu.VMEM((SLICE,), jnp.float32),
            pltpu.VMEM((SLICE,), jnp.float32),
            pltpu.VMEM_SHARED((NS, 3 * NPAD), jnp.float32),
        ],
    )
    return fn(fp, dst, src, pcoef, qcoef, rx, ry, rz)




def kernel(r, edge_index, phi_density, phi_pair, emb_weights):
    r_t = r.T
    src = edge_index[0]
    dst = edge_index[1]
    phi_d = phi_density.reshape(NBASIS, 1)
    phi_p = phi_pair.reshape(NBASIS, 1)
    ew = jnp.concatenate([emb_weights, jnp.zeros((3,), jnp.float32)]).reshape(1, 8)

    a_e, p_e, q_e, pair_sum = _edge_stage(r_t, phi_d, phi_p)
    rho_parts = _seg_sum(dst, a_e)
    fp_2d, f_sum = _node_stage(rho_parts, ew)
    fp = fp_2d.reshape(NPAD)
    fparts = _force_stage(fp, dst, src, p_e, q_e, r_t[0], r_t[1], r_t[2])

    forces = (fparts[0] + fparts[1]).reshape(3, NPAD)[:, :N_NODES].T
    total_energy = (pair_sum[0, 0] + f_sum[0, 0]).reshape(1)
    return (total_energy, forces)

# --- scband reference (transcript-rebuilt; emitter-appended) ---
"""Pipeline reference for scband-embedded-atom-potential-12128987644533 (READ-ONLY COPY).

The authoritative reference and input builder live on the scoring server;
editing this copy changes nothing except your own understanding.
"""

import jax, jax.numpy as jnp
import numpy as np

NBASIS = 128
CUTOFF = 6.0
N_NODES = 10000
N_EDGES = 320000
DEGREE = 4

# RBFExpansion: centers linspace(0, cutoff, bins), gamma = 1/lengthscale
_centers = jnp.linspace(0.0, CUTOFF, NBASIS)
_gamma = 1.0 / (_centers[1] - _centers[0])

# PolynomialEmbeddingFunction(degree=4, use_sqrt_term=True)
_pb = 1.0 + np.arange(DEGREE)
_sf = 1.0 / 10.0 ** np.cumsum(np.log10(_pb))
POWERS = jnp.concatenate([jnp.array([0.5], dtype=jnp.float32), jnp.asarray(_pb, dtype=jnp.float32)])
SCALEFACTORS = jnp.concatenate([jnp.array([2.0], dtype=jnp.float32), jnp.asarray(_sf, dtype=jnp.float32)])


def setup_inputs(seed: int = 0) -> dict:
    key = jax.random.key(seed)
    k1, k2, k3, k4, k5 = jax.random.split(key, 5)
    r = jax.random.normal(k1, (N_EDGES, 3), dtype=jnp.float32)
    edge_index = jax.random.randint(k2, (2, N_EDGES), 0, N_NODES)
    # GaussianSpline.reset_parameters: normal(0, 0.5)
    phi_density = 0.5 * jax.random.normal(k3, (NBASIS,), dtype=jnp.float32)
    phi_pair = 0.5 * jax.random.normal(k4, (NBASIS,), dtype=jnp.float32)
    # PolynomialEmbeddingFunction init: [-0.5, 0, 0, 0, 0] + small noise
    emb_weights = jnp.array([-0.5, 0.0, 0.0, 0.0, 0.0], dtype=jnp.float32) + 0.01 * jax.random.normal(k5, (DEGREE + 1,), dtype=jnp.float32)
    return {"r": r, "edge_index": edge_index, "phi_density": phi_density, "phi_pair": phi_pair, "emb_weights": emb_weights}


def _fcut(blen):
    return (1.0 + jnp.cos(np.pi * blen / CUTOFF)) / 2.0


def reference(r, edge_index, phi_density, phi_pair, emb_weights):
    src = edge_index[0]
    dst = edge_index[1]

    def energy_fn(r_):
        bondlen = jnp.linalg.norm(r_, axis=1)
        rbf = jnp.exp(-_gamma * (bondlen[:, None] - _centers) ** 2)
        b = rbf * _fcut(bondlen)[:, None] / 2.0
        # density spline: softplus activation on phi
        density_ij = (jax.nn.softplus(phi_density) * b).sum(axis=1)
        # message passing: sum density over edges into dst nodes
        local_density = jax.ops.segment_sum(density_ij, dst, num_segments=N_NODES)
        # embedding energy F(rho)
        F = (local_density[:, None] ** POWERS) @ (emb_weights * SCALEFACTORS)
        # pair repulsion spline (identity activation), divided by bondlen
        pair = (phi_pair * b).sum(axis=1) / bondlen
        return F.sum() + pair.sum()

    energy, dEdr = jax.value_and_grad(energy_fn)(r)
    # autograd forces: dE/dx_j += dE/dr_ij, dE/dx_i -= dE/dr_ij (r_ij = x_j - x_i); F = -dE/dx
    dEdx = jnp.zeros((N_NODES, 3), dtype=r.dtype).at[dst].add(dEdr).at[src].add(-dEdr)
    forces = -dEdx
    total_energy = jnp.reshape(energy, (1,))
    return (total_energy, forces)

if __name__ == "__main__":
    import jax
    _d = setup_inputs()
    print(jax.jit(kernel)(*tuple(_d.values())))

</pallas_src>

<mosaic_0001>
#map = affine_map<(d0, d1) -> (0)>
#map1 = affine_map<(d0, d1) -> (0, 0)>
module attributes {stable_mosaic.version = 14 : i64} {
  func.func @_seg_body(%arg0: i32, %arg1: i32, %arg2: memref<320000xi32, #tpu.memory_space<hbm>>, %arg3: memref<320000xf32, #tpu.memory_space<hbm>>, %arg4: memref<2x10240xf32, #tpu.memory_space<hbm>>, %arg5: memref<10000xi32, #tpu.memory_space<vmem>>, %arg6: memref<10000xf32, #tpu.memory_space<vmem>>, %arg7: memref<10240xf32, #tpu.memory_space<vmem>>, %arg8: memref<640xf32, #tpu.memory_space<vmem>>, %arg9: memref<640xf32, #tpu.memory_space<vmem>>, %arg10: memref<16x10240xf32, #tpu.memory_space<vmem_shared>>) attributes {dimension_semantics = [#tpu.dimension_semantics<core_parallel>, #tpu.dimension_semantics<subcore_parallel>], iteration_bounds = array<i64: 2, 16>, scalar_prefetch = 0 : i64, scratch_operands = 6 : i64, tpu.core_type = #tpu.core_type<sc_vector_subcore>, window_params = [{transform_indices = #map}, {transform_indices = #map}, {transform_indices = #map1}]} {
    %mul3A = arith.constant 2 : i32
    %mul3A_0 = arith.muli %arg1, %mul3A : i32
    %add3A = arith.addi %mul3A_0, %arg0 : i32
    %mul3A_1 = arith.constant 10000 : i32
    %mul3A_2 = arith.muli %add3A, %mul3A_1 : i32
    "tpu.region"() ({
      %run_scoped3A_155 = tpu.sem_alloc : memref<!tpu.dma_semaphore, #tpu.memory_space<semaphore_mem>>
      %dma_start3A = tpu.memref_slice %arg2[%mul3A_2] : memref<320000xi32, #tpu.memory_space<hbm>> -> memref<10000xi32, #tpu.memory_space<hbm>>
      %dma_start3A_156 = tpu.memref_slice %arg2[%mul3A_2] : memref<320000xi32, #tpu.memory_space<hbm>> -> memref<10000xi32, #tpu.memory_space<hbm>>
      tpu.enqueue_dma source(%dma_start3A_156 : memref<10000xi32, #tpu.memory_space<hbm>>) target(%arg5 : memref<10000xi32, #tpu.memory_space<vmem>>) target_semaphore(%run_scoped3A_155 : memref<!tpu.dma_semaphore, #tpu.memory_space<semaphore_mem>>)
      %dma_wait3A = tpu.memref_slice %arg2[%mul3A_2] : memref<320000xi32, #tpu.memory_space<hbm>> -> memref<10000xi32, #tpu.memory_space<hbm>>
      %dma_wait3A_157 = tpu.memref_slice %arg2[%mul3A_2] : memref<320000xi32, #tpu.memory_space<hbm>> -> memref<10000xi32, #tpu.memory_space<hbm>>
      tpu.wait_dma2 semaphore(%run_scoped3A_155 : memref<!tpu.dma_semaphore, #tpu.memory_space<semaphore_mem>>) src(%dma_wait3A_157 : memref<10000xi32, #tpu.memory_space<hbm>>) dst(%arg5 : memref<10000xi32, #tpu.memory_space<vmem>>)
      tpu.yield
    }) : () -> ()
    "tpu.region"() ({
      %run_scoped3A_155 = tpu.sem_alloc : memref<!tpu.dma_semaphore, #tpu.memory_space<semaphore_mem>>
      %dma_start3A = tpu.memref_slice %arg3[%mul3A_2] : memref<320000xf32, #tpu.memory_space<hbm>> -> memref<10000xf32, #tpu.memory_space<hbm>>
      %dma_start3A_156 = tpu.memref_slice %arg3[%mul3A_2] : memref<320000xf32, #tpu.memory_space<hbm>> -> memref<10000xf32, #tpu.memory_space<hbm>>
      tpu.enqueue_dma source(%dma_start3A_156 : memref<10000xf32, #tpu.memory_space<hbm>>) target(%arg6 : memref<10000xf32, #tpu.memory_space<vmem>>) target_semaphore(%run_scoped3A_155 : memref<!tpu.dma_semaphore, #tpu.memory_space<semaphore_mem>>)
      %dma_wait3A = tpu.memref_slice %arg3[%mul3A_2] : memref<320000xf32, #tpu.memory_space<hbm>> -> memref<10000xf32, #tpu.memory_space<hbm>>
      %dma_wait3A_157 = tpu.memref_slice %arg3[%mul3A_2] : memref<320000xf32, #tpu.memory_space<hbm>> -> memref<10000xf32, #tpu.memory_space<hbm>>
      tpu.wait_dma2 semaphore(%run_scoped3A_155 : memref<!tpu.dma_semaphore, #tpu.memory_space<semaphore_mem>>) src(%dma_wait3A_157 : memref<10000xf32, #tpu.memory_space<hbm>>) dst(%arg6 : memref<10000xf32, #tpu.memory_space<vmem>>)
      tpu.yield
    }) : () -> ()
    %broadcast_in_dim3A = arith.constant 0.000000e+00 : f32
    %broadcast_in_dim3A_3 = vector.broadcast %broadcast_in_dim3A : f32 to vector<16xf32>
    %scan3A = arith.constant 0 : i32
    %scan3A_4 = arith.constant 0 : i32
    %scan3A_5 = arith.constant 640 : i32
    %scan3A_6 = arith.addi %scan3A_4, %scan3A_5 : i32
    %scan3A_7 = arith.constant 1 : i32
    %scan3A_8 = scf.for %scan3A_155 = %scan3A_4 to %scan3A_6 step %scan3A_7 iter_args(%scan3A_156 = %scan3A) -> (i32)  : i32 {
      %mul3A_157 = arith.constant 16 : i32
      %mul3A_158 = arith.muli %scan3A_155, %mul3A_157 : i32
      %swap3A = arith.index_cast %mul3A_158 : i32 to index
      %swap3A_159 = tpu.vector_load %arg7[%swap3A] {strides = array<i32>} : memref<10240xf32, #tpu.memory_space<vmem>>, vector<16xf32>,
      tpu.vector_store %arg7[%swap3A], %broadcast_in_dim3A_3 {strides = array<i32>} : memref<10240xf32, #tpu.memory_space<vmem>>, vector<16xf32>,
      %scan3A_160 = arith.constant 0 : i32
      scf.yield %scan3A_160 : i32
    }
    %scan3A_9 = arith.constant 640 : i32
    %scan3A_10 = arith.constant 0 : i32
    %scan3A_11 = arith.constant 0 : i32
    %scan3A_12 = arith.constant 625 : i32
    %scan3A_13 = arith.addi %scan3A_11, %scan3A_12 : i32
    %scan3A_14 = arith.constant 1 : i32
    %scan3A_15 = scf.for %scan3A_155 = %scan3A_11 to %scan3A_13 step %scan3A_14 iter_args(%scan3A_156 = %scan3A_10) -> (i32)  : i32 {
      %mul3A_157 = arith.constant 16 : i32
      %mul3A_158 = arith.muli %scan3A_155, %mul3A_157 : i32
      %get3A = arith.index_cast %mul3A_158 : i32 to index
      %get3A_159 = tpu.vector_load %arg5[%get3A] {strides = array<i32>} : memref<10000xi32, #tpu.memory_space<vmem>>, vector<16xi32>,
      %get3A_160 = arith.index_cast %mul3A_158 : i32 to index
      %get3A_161 = tpu.vector_load %arg6[%get3A_160] {strides = array<i32>} : memref<10000xf32, #tpu.memory_space<vmem>>, vector<16xf32>,
      tpu.vector_store_idx %arg7[%get3A_159], %get3A_161 {add = true} : memref<10240xf32, #tpu.memory_space<vmem>>[vector<16xi32>], vector<16xf32>,
      %scan3A_162 = arith.constant 0 : i32
      scf.yield %scan3A_162 : i32
    }
    %scan3A_16 = arith.constant 625 : i32
    "tpu.region"() ({
      %run_scoped3A_155 = tpu.sem_alloc : memref<!tpu.dma_semaphore, #tpu.memory_space<semaphore_mem>>
      %dma_start3A = arith.constant 0 : i32
      %dma_start3A_156 = tpu.memref_slice %arg10[%arg1, %dma_start3A] : memref<16x10240xf32, #tpu.memory_space<vmem_shared>> -> memref<1x10240xf32, #tpu.memory_space<vmem_shared>>
      %dma_start3A_157 = tpu.memref_squeeze %dma_start3A_156 : memref<1x10240xf32, #tpu.memory_space<vmem_shared>> -> memref<10240xf32, #tpu.memory_space<vmem_shared>>
      %dma_start3A_158 = arith.constant 0 : i32
      %dma_start3A_159 = tpu.memref_slice %arg10[%arg1, %dma_start3A_158] : memref<16x10240xf32, #tpu.memory_space<vmem_shared>> -> memref<1x10240xf32, #tpu.memory_space<vmem_shared>>
      %dma_start3A_160 = tpu.memref_squeeze %dma_start3A_159 : memref<1x10240xf32, #tpu.memory_space<vmem_shared>> -> memref<10240xf32, #tpu.memory_space<vmem_shared>>
      tpu.enqueue_dma source(%arg7 : memref<10240xf32, #tpu.memory_space<vmem>>) target(%dma_start3A_160 : memref<10240xf32, #tpu.memory_space<vmem_shared>>) target_semaphore(%run_scoped3A_155 : memref<!tpu.dma_semaphore, #tpu.memory_space<semaphore_mem>>)
      %dma_wait3A = arith.constant 0 : i32
      %dma_wait3A_161 = tpu.memref_slice %arg10[%arg1, %dma_wait3A] : memref<16x10240xf32, #tpu.memory_space<vmem_shared>> -> memref<1x10240xf32, #tpu.memory_space<vmem_shared>>
      %dma_wait3A_162 = tpu.memref_squeeze %dma_wait3A_161 : memref<1x10240xf32, #tpu.memory_space<vmem_shared>> -> memref<10240xf32, #tpu.memory_space<vmem_shared>>
      %dma_wait3A_163 = arith.constant 0 : i32
      %dma_wait3A_164 = tpu.memref_slice %arg10[%arg1, %dma_wait3A_163] : memref<16x10240xf32, #tpu.memory_space<vmem_shared>> -> memref<1x10240xf32, #tpu.memory_space<vmem_shared>>
      %dma_wait3A_165 = tpu.memref_squeeze %dma_wait3A_164 : memref<1x10240xf32, #tpu.memory_space<vmem_shared>> -> memref<10240xf32, #tpu.memory_space<vmem_shared>>
      tpu.wait_dma2 semaphore(%run_scoped3A_155 : memref<!tpu.dma_semaphore, #tpu.memory_space<semaphore_mem>>) src(%arg7 : memref<10240xf32, #tpu.memory_space<vmem>>) dst(%dma_wait3A_165 : memref<10240xf32, #tpu.memory_space<vmem_shared>>)
      tpu.yield
    }) : () -> ()
    %barrier3A = arith.constant 0 : index
    tpu.barrier barrier_id(%barrier3A)
    %mul3A_17 = arith.constant 640 : i32
    %mul3A_18 = arith.muli %arg1, %mul3A_17 : i32
    %broadcast_in_dim3A_19 = arith.constant 0.000000e+00 : f32
    %broadcast_in_dim3A_20 = vector.broadcast %broadcast_in_dim3A_19 : f32 to vector<16xf32>
    %scan3A_21 = arith.constant 0 : i32
    %scan3A_22 = arith.constant 0 : i32
    %scan3A_23 = arith.constant 40 : i32
    %scan3A_24 = arith.addi %scan3A_22, %scan3A_23 : i32
    %scan3A_25 = arith.constant 1 : i32
    %scan3A_26 = scf.for %scan3A_155 = %scan3A_22 to %scan3A_24 step %scan3A_25 iter_args(%scan3A_156 = %scan3A_21) -> (i32)  : i32 {
      %mul3A_157 = arith.constant 16 : i32
      %mul3A_158 = arith.muli %scan3A_155, %mul3A_157 : i32
      %swap3A = arith.index_cast %mul3A_158 : i32 to index
      %swap3A_159 = tpu.vector_load %arg9[%swap3A] {strides = array<i32>} : memref<640xf32, #tpu.memory_space<vmem>>, vector<16xf32>,
      tpu.vector_store %arg9[%swap3A], %broadcast_in_dim3A_20 {strides = array<i32>} : memref<640xf32, #tpu.memory_space<vmem>>, vector<16xf32>,
      %scan3A_160 = arith.constant 0 : i32
      scf.yield %scan3A_160 : i32
    }
    %scan3A_27 = arith.constant 40 : i32
    %run_scoped3A = arith.constant 0 : i32
    "tpu.region"() ({
      %run_scoped3A_155 = tpu.sem_alloc : memref<!tpu.dma_semaphore, #tpu.memory_space<semaphore_mem>>
      %dma_start3A = tpu.memref_slice %arg10[%run_scoped3A, %mul3A_18] : memref<16x10240xf32, #tpu.memory_space<vmem_shared>> -> memref<1x640xf32, #tpu.memory_space<vmem_shared>>
      %dma_start3A_156 = tpu.memref_squeeze %dma_start3A : memref<1x640xf32, #tpu.memory_space<vmem_shared>> -> memref<640xf32, #tpu.memory_space<vmem_shared>>
      %dma_start3A_157 = tpu.memref_slice %arg10[%run_scoped3A, %mul3A_18] : memref<16x10240xf32, #tpu.memory_space<vmem_shared>> -> memref<1x640xf32, #tpu.memory_space<vmem_shared>>
      %dma_start3A_158 = tpu.memref_squeeze %dma_start3A_157 : memref<1x640xf32, #tpu.memory_space<vmem_shared>> -> memref<640xf32, #tpu.memory_space<vmem_shared>>
      tpu.enqueue_dma source(%dma_start3A_158 : memref<640xf32, #tpu.memory_space<vmem_shared>>) target(%arg8 : memref<640xf32, #tpu.memory_space<vmem>>) target_semaphore(%run_scoped3A_155 : memref<!tpu.dma_semaphore, #tpu.memory_space<semaphore_mem>>)
      %dma_wait3A = tpu.memref_slice %arg10[%run_scoped3A, %mul3A_18] : memref<16x10240xf32, #tpu.memory_space<vmem_shared>> -> memref<1x640xf32, #tpu.memory_space<vmem_shared>>
      %dma_wait3A_159 = tpu.memref_squeeze %dma_wait3A : memref<1x640xf32, #tpu.memory_space<vmem_shared>> -> memref<640xf32, #tpu.memory_space<vmem_shared>>
      %dma_wait3A_160 = tpu.memref_slice %arg10[%run_scoped3A, %mul3A_18] : memref<16x10240xf32, #tpu.memory_space<vmem_shared>> -> memref<1x640xf32, #tpu.memory_space<vmem_shared>>
      %dma_wait3A_161 = tpu.memref_squeeze %dma_wait3A_160 : memref<1x640xf32, #tpu.memory_space<vmem_shared>> -> memref<640xf32, #tpu.memory_space<vmem_shared>>
      tpu.wait_dma2 semaphore(%run_scoped3A_155 : memref<!tpu.dma_semaphore, #tpu.memory_space<semaphore_mem>>) src(%dma_wait3A_161 : memref<640xf32, #tpu.memory_space<vmem_shared>>) dst(%arg8 : memref<640xf32, #tpu.memory_space<vmem>>)
      tpu.yield
    }) : () -> ()
    %scan3A_28 = arith.constant 0 : i32
    %scan3A_29 = arith.constant 0 : i32
    %scan3A_30 = arith.constant 40 : i32
    %scan3A_31 = arith.addi %scan3A_29, %scan3A_30 : i32
    %scan3A_32 = arith.constant 1 : i32
    %scan3A_33 = scf.for %scan3A_155 = %scan3A_29 to %scan3A_31 step %scan3A_32 iter_args(%scan3A_156 = %scan3A_28) -> (i32)  : i32 {
      %mul3A_157 = arith.constant 16 : i32
      %mul3A_158 = arith.muli %scan3A_155, %mul3A_157 : i32
      %get3A = arith.index_cast %mul3A_158 : i32 to index
      %get3A_159 = tpu.vector_load %arg9[%get3A] {strides = array<i32>} : memref<640xf32, #tpu.memory_space<vmem>>, vector<16xf32>,
      %get3A_160 = arith.index_cast %mul3A_158 : i32 to index
      %get3A_161 = tpu.vector_load %arg8[%get3A_160] {strides = array<i32>} : memref<640xf32, #tpu.memory_space<vmem>>, vector<16xf32>,
      %add3A_162 = arith.addf %get3A_159, %get3A_161 : vector<16xf32>
      %swap3A = arith.index_cast %mul3A_158 : i32 to index
      %swap3A_163 = tpu.vector_load %arg9[%swap3A] {strides = array<i32>} : memref<640xf32, #tpu.memory_space<vmem>>, vector<16xf32>,
      tpu.vector_store %arg9[%swap3A], %add3A_162 {strides = array<i32>} : memref<640xf32, #tpu.memory_space<vmem>>, vector<16xf32>,
      %scan3A_164 = arith.constant 0 : i32
      scf.yield %scan3A_164 : i32
    }
    %scan3A_34 = arith.constant 40 : i32
    %run_scoped3A_35 = arith.constant 1 : i32
    "tpu.region"() ({
      %run_scoped3A_155 = tpu.sem_alloc : memref<!tpu.dma_semaphore, #tpu.memory_space<semaphore_mem>>
      %dma_start3A = tpu.memref_slice %arg10[%run_scoped3A_35, %mul3A_18] : memref<16x10240xf32, #tpu.memory_space<vmem_shared>> -> memref<1x640xf32, #tpu.memory_space<vmem_shared>>
      %dma_start3A_156 = tpu.memref_squeeze %dma_start3A : memref<1x640xf32, #tpu.memory_space<vmem_shared>> -> memref<640xf32, #tpu.memory_space<vmem_shared>>
      %dma_start3A_157 = tpu.memref_slice %arg10[%run_scoped3A_35, %mul3A_18] : memref<16x10240xf32, #tpu.memory_space<vmem_shared>> -> memref<1x640xf32, #tpu.memory_space<vmem_shared>>
      %dma_start3A_158 = tpu.memref_squeeze %dma_start3A_157 : memref<1x640xf32, #tpu.memory_space<vmem_shared>> -> memref<640xf32, #tpu.memory_space<vmem_shared>>
      tpu.enqueue_dma source(%dma_start3A_158 : memref<640xf32, #tpu.memory_space<vmem_shared>>) target(%arg8 : memref<640xf32, #tpu.memory_space<vmem>>) target_semaphore(%run_scoped3A_155 : memref<!tpu.dma_semaphore, #tpu.memory_space<semaphore_mem>>)
      %dma_wait3A = tpu.memref_slice %arg10[%run_scoped3A_35, %mul3A_18] : memref<16x10240xf32, #tpu.memory_space<vmem_shared>> -> memref<1x640xf32, #tpu.memory_space<vmem_shared>>
      %dma_wait3A_159 = tpu.memref_squeeze %dma_wait3A : memref<1x640xf32, #tpu.memory_space<vmem_shared>> -> memref<640xf32, #tpu.memory_space<vmem_shared>>
      %dma_wait3A_160 = tpu.memref_slice %arg10[%run_scoped3A_35, %mul3A_18] : memref<16x10240xf32, #tpu.memory_space<vmem_shared>> -> memref<1x640xf32, #tpu.memory_space<vmem_shared>>
      %dma_wait3A_161 = tpu.memref_squeeze %dma_wait3A_160 : memref<1x640xf32, #tpu.memory_space<vmem_shared>> -> memref<640xf32, #tpu.memory_space<vmem_shared>>
      tpu.wait_dma2 semaphore(%run_scoped3A_155 : memref<!tpu.dma_semaphore, #tpu.memory_space<semaphore_mem>>) src(%dma_wait3A_161 : memref<640xf32, #tpu.memory_space<vmem_shared>>) dst(%arg8 : memref<640xf32, #tpu.memory_space<vmem>>)
      tpu.yield
    }) : () -> ()
    %scan3A_36 = arith.constant 0 : i32
    %scan3A_37 = arith.constant 0 : i32
    %scan3A_38 = arith.constant 40 : i32
    %scan3A_39 = arith.addi %scan3A_37, %scan3A_38 : i32
    %scan3A_40 = arith.constant 1 : i32
    %scan3A_41 = scf.for %scan3A_155 = %scan3A_37 to %scan3A_39 step %scan3A_40 iter_args(%scan3A_156 = %scan3A_36) -> (i32)  : i32 {
      %mul3A_157 = arith.constant 16 : i32
      %mul3A_158 = arith.muli %scan3A_155, %mul3A_157 : i32
      %get3A = arith.index_cast %mul3A_158 : i32 to index
      %get3A_159 = tpu.vector_load %arg9[%get3A] {strides = array<i32>} : memref<640xf32, #tpu.memory_space<vmem>>, vector<16xf32>,
      %get3A_160 = arith.index_cast %mul3A_158 : i32 to index
      %get3A_161 = tpu.vector_load %arg8[%get3A_160] {strides = array<i32>} : memref<640xf32, #tpu.memory_space<vmem>>, vector<16xf32>,
      %add3A_162 = arith.addf %get3A_159, %get3A_161 : vector<16xf32>
      %swap3A = arith.index_cast %mul3A_158 : i32 to index
      %swap3A_163 = tpu.vector_load %arg9[%swap3A] {strides = array<i32>} : memref<640xf32, #tpu.memory_space<vmem>>, vector<16xf32>,
      tpu.vector_store %arg9[%swap3A], %add3A_162 {strides = array<i32>} : memref<640xf32, #tpu.memory_space<vmem>>, vector<16xf32>,
      %scan3A_164 = arith.constant 0 : i32
      scf.yield %scan3A_164 : i32
    }
    %scan3A_42 = arith.constant 40 : i32
    %run_scoped3A_43 = arith.constant 2 : i32
    "tpu.region"() ({
      %run_scoped3A_155 = tpu.sem_alloc : memref<!tpu.dma_semaphore, #tpu.memory_space<semaphore_mem>>
      %dma_start3A = tpu.memref_slice %arg10[%run_scoped3A_43, %mul3A_18] : memref<16x10240xf32, #tpu.memory_space<vmem_shared>> -> memref<1x640xf32, #tpu.memory_space<vmem_shared>>
      %dma_start3A_156 = tpu.memref_squeeze %dma_start3A : memref<1x640xf32, #tpu.memory_space<vmem_shared>> -> memref<640xf32, #tpu.memory_space<vmem_shared>>
      %dma_start3A_157 = tpu.memref_slice %arg10[%run_scoped3A_43, %mul3A_18] : memref<16x10240xf32, #tpu.memory_space<vmem_shared>> -> memref<1x640xf32, #tpu.memory_space<vmem_shared>>
      %dma_start3A_158 = tpu.memref_squeeze %dma_start3A_157 : memref<1x640xf32, #tpu.memory_space<vmem_shared>> -> memref<640xf32, #tpu.memory_space<vmem_shared>>
      tpu.enqueue_dma source(%dma_start3A_158 : memref<640xf32, #tpu.memory_space<vmem_shared>>) target(%arg8 : memref<640xf32, #tpu.memory_space<vmem>>) target_semaphore(%run_scoped3A_155 : memref<!tpu.dma_semaphore, #tpu.memory_space<semaphore_mem>>)
      %dma_wait3A = tpu.memref_slice %arg10[%run_scoped3A_43, %mul3A_18] : memref<16x10240xf32, #tpu.memory_space<vmem_shared>> -> memref<1x640xf32, #tpu.memory_space<vmem_shared>>
      %dma_wait3A_159 = tpu.memref_squeeze %dma_wait3A : memref<1x640xf32, #tpu.memory_space<vmem_shared>> -> memref<640xf32, #tpu.memory_space<vmem_shared>>
      %dma_wait3A_160 = tpu.memref_slice %arg10[%run_scoped3A_43, %mul3A_18] : memref<16x10240xf32, #tpu.memory_space<vmem_shared>> -> memref<1x640xf32, #tpu.memory_space<vmem_shared>>
      %dma_wait3A_161 = tpu.memref_squeeze %dma_wait3A_160 : memref<1x640xf32, #tpu.memory_space<vmem_shared>> -> memref<640xf32, #tpu.memory_space<vmem_shared>>
      tpu.wait_dma2 semaphore(%run_scoped3A_155 : memref<!tpu.dma_semaphore, #tpu.memory_space<semaphore_mem>>) src(%dma_wait3A_161 : memref<640xf32, #tpu.memory_space<vmem_shared>>) dst(%arg8 : memref<640xf32, #tpu.memory_space<vmem>>)
      tpu.yield
    }) : () -> ()
    %scan3A_44 = arith.constant 0 : i32
    %scan3A_45 = arith.constant 0 : i32
    %scan3A_46 = arith.constant 40 : i32
    %scan3A_47 = arith.addi %scan3A_45, %scan3A_46 : i32
    %scan3A_48 = arith.constant 1 : i32
    %scan3A_49 = scf.for %scan3A_155 = %scan3A_45 to %scan3A_47 step %scan3A_48 iter_args(%scan3A_156 = %scan3A_44) -> (i32)  : i32 {
      %mul3A_157 = arith.constant 16 : i32
      %mul3A_158 = arith.muli %scan3A_155, %mul3A_157 : i32
      %get3A = arith.index_cast %mul3A_158 : i32 to index
      %get3A_159 = tpu.vector_load %arg9[%get3A] {strides = array<i32>} : memref<640xf32, #tpu.memory_space<vmem>>, vector<16xf32>,
      %get3A_160 = arith.index_cast %mul3A_158 : i32 to index
      %get3A_161 = tpu.vector_load %arg8[%get3A_160] {strides = array<i32>} : memref<640xf32, #tpu.memory_space<vmem>>, vector<16xf32>,
      %add3A_162 = arith.addf %get3A_159, %get3A_161 : vector<16xf32>
      %swap3A = arith.index_cast %mul3A_158 : i32 to index
      %swap3A_163 = tpu.vector_load %arg9[%swap3A] {strides = array<i32>} : memref<640xf32, #tpu.memory_space<vmem>>, vector<16xf32>,
      tpu.vector_store %arg9[%swap3A], %add3A_162 {strides = array<i32>} : memref<640xf32, #tpu.memory_space<vmem>>, vector<16xf32>,
      %scan3A_164 = arith.constant 0 : i32
      scf.yield %scan3A_164 : i32
    }
    %scan3A_50 = arith.constant 40 : i32
    %run_scoped3A_51 = arith.constant 3 : i32
    "tpu.region"() ({
      %run_scoped3A_155 = tpu.sem_alloc : memref<!tpu.dma_semaphore, #tpu.memory_space<semaphore_mem>>
      %dma_start3A = tpu.memref_slice %arg10[%run_scoped3A_51, %mul3A_18] : memref<16x10240xf32, #tpu.memory_space<vmem_shared>> -> memref<1x640xf32, #tpu.memory_space<vmem_shared>>
      %dma_start3A_156 = tpu.memref_squeeze %dma_start3A : memref<1x640xf32, #tpu.memory_space<vmem_shared>> -> memref<640xf32, #tpu.memory_space<vmem_shared>>
      %dma_start3A_157 = tpu.memref_slice %arg10[%run_scoped3A_51, %mul3A_18] : memref<16x10240xf32, #tpu.memory_space<vmem_shared>> -> memref<1x640xf32, #tpu.memory_space<vmem_shared>>
      %dma_start3A_158 = tpu.memref_squeeze %dma_start3A_157 : memref<1x640xf32, #tpu.memory_space<vmem_shared>> -> memref<640xf32, #tpu.memory_space<vmem_shared>>
      tpu.enqueue_dma source(%dma_start3A_158 : memref<640xf32, #tpu.memory_space<vmem_shared>>) target(%arg8 : memref<640xf32, #tpu.memory_space<vmem>>) target_semaphore(%run_scoped3A_155 : memref<!tpu.dma_semaphore, #tpu.memory_space<semaphore_mem>>)
      %dma_wait3A = tpu.memref_slice %arg10[%run_scoped3A_51, %mul3A_18] : memref<16x10240xf32, #tpu.memory_space<vmem_shared>> -> memref<1x640xf32, #tpu.memory_space<vmem_shared>>
      %dma_wait3A_159 = tpu.memref_squeeze %dma_wait3A : memref<1x640xf32, #tpu.memory_space<vmem_shared>> -> memref<640xf32, #tpu.memory_space<vmem_shared>>
      %dma_wait3A_160 = tpu.memref_slice %arg10[%run_scoped3A_51, %mul3A_18] : memref<16x10240xf32, #tpu.memory_space<vmem_shared>> -> memref<1x640xf32, #tpu.memory_space<vmem_shared>>
      %dma_wait3A_161 = tpu.memref_squeeze %dma_wait3A_160 : memref<1x640xf32, #tpu.memory_space<vmem_shared>> -> memref<640xf32, #tpu.memory_space<vmem_shared>>
      tpu.wait_dma2 semaphore(%run_scoped3A_155 : memref<!tpu.dma_semaphore, #tpu.memory_space<semaphore_mem>>) src(%dma_wait3A_161 : memref<640xf32, #tpu.memory_space<vmem_shared>>) dst(%arg8 : memref<640xf32, #tpu.memory_space<vmem>>)
      tpu.yield
    }) : () -> ()
    %scan3A_52 = arith.constant 0 : i32
    %scan3A_53 = arith.constant 0 : i32
    %scan3A_54 = arith.constant 40 : i32
    %scan3A_55 = arith.addi %scan3A_53, %scan3A_54 : i32
    %scan3A_56 = arith.constant 1 : i32
    %scan3A_57 = scf.for %scan3A_155 = %scan3A_53 to %scan3A_55 step %scan3A_56 iter_args(%scan3A_156 = %scan3A_52) -> (i32)  : i32 {
      %mul3A_157 = arith.constant 16 : i32
      %mul3A_158 = arith.muli %scan3A_155, %mul3A_157 : i32
      %get3A = arith.index_cast %mul3A_158 : i32 to index
      %get3A_159 = tpu.vector_load %arg9[%get3A] {strides = array<i32>} : memref<640xf32, #tpu.memory_space<vmem>>, vector<16xf32>,
      %get3A_160 = arith.index_cast %mul3A_158 : i32 to index
      %get3A_161 = tpu.vector_load %arg8[%get3A_160] {strides = array<i32>} : memref<640xf32, #tpu.memory_space<vmem>>, vector<16xf32>,
      %add3A_162 = arith.addf %get3A_159, %get3A_161 : vector<16xf32>
      %swap3A = arith.index_cast %mul3A_158 : i32 to index
      %swap3A_163 = tpu.vector_load %arg9[%swap3A] {strides = array<i32>} : memref<640xf32, #tpu.memory_space<vmem>>, vector<16xf32>,
      tpu.vector_store %arg9[%swap3A], %add3A_162 {strides = array<i32>} : memref<640xf32, #tpu.memory_space<vmem>>, vector<16xf32>,
      %scan3A_164 = arith.constant 0 : i32
      scf.yield %scan3A_164 : i32
    }
    %scan3A_58 = arith.constant 40 : i32
    %run_scoped3A_59 = arith.constant 4 : i32
    "tpu.region"() ({
      %run_scoped3A_155 = tpu.sem_alloc : memref<!tpu.dma_semaphore, #tpu.memory_space<semaphore_mem>>
      %dma_start3A = tpu.memref_slice %arg10[%run_scoped3A_59, %mul3A_18] : memref<16x10240xf32, #tpu.memory_space<vmem_shared>> -> memref<1x640xf32, #tpu.memory_space<vmem_shared>>
      %dma_start3A_156 = tpu.memref_squeeze %dma_start3A : memref<1x640xf32, #tpu.memory_space<vmem_shared>> -> memref<640xf32, #tpu.memory_space<vmem_shared>>
      %dma_start3A_157 = tpu.memref_slice %arg10[%run_scoped3A_59, %mul3A_18] : memref<16x10240xf32, #tpu.memory_space<vmem_shared>> -> memref<1x640xf32, #tpu.memory_space<vmem_shared>>
      %dma_start3A_158 = tpu.memref_squeeze %dma_start3A_157 : memref<1x640xf32, #tpu.memory_space<vmem_shared>> -> memref<640xf32, #tpu.memory_space<vmem_shared>>
      tpu.enqueue_dma source(%dma_start3A_158 : memref<640xf32, #tpu.memory_space<vmem_shared>>) target(%arg8 : memref<640xf32, #tpu.memory_space<vmem>>) target_semaphore(%run_scoped3A_155 : memref<!tpu.dma_semaphore, #tpu.memory_space<semaphore_mem>>)
      %dma_wait3A = tpu.memref_slice %arg10[%run_scoped3A_59, %mul3A_18] : memref<16x10240xf32, #tpu.memory_space<vmem_shared>> -> memref<1x640xf32, #tpu.memory_space<vmem_shared>>
      %dma_wait3A_159 = tpu.memref_squeeze %dma_wait3A : memref<1x640xf32, #tpu.memory_space<vmem_shared>> -> memref<640xf32, #tpu.memory_space<vmem_shared>>
      %dma_wait3A_160 = tpu.memref_slice %arg10[%run_scoped3A_59, %mul3A_18] : memref<16x10240xf32, #tpu.memory_space<vmem_shared>> -> memref<1x640xf32, #tpu.memory_space<vmem_shared>>
      %dma_wait3A_161 = tpu.memref_squeeze %dma_wait3A_160 : memref<1x640xf32, #tpu.memory_space<vmem_shared>> -> memref<640xf32, #tpu.memory_space<vmem_shared>>
      tpu.wait_dma2 semaphore(%run_scoped3A_155 : memref<!tpu.dma_semaphore, #tpu.memory_space<semaphore_mem>>) src(%dma_wait3A_161 : memref<640xf32, #tpu.memory_space<vmem_shared>>) dst(%arg8 : memref<640xf32, #tpu.memory_space<vmem>>)
      tpu.yield
    }) : () -> ()
    %scan3A_60 = arith.constant 0 : i32
    %scan3A_61 = arith.constant 0 : i32
    %scan3A_62 = arith.constant 40 : i32
    %scan3A_63 = arith.addi %scan3A_61, %scan3A_62 : i32
    %scan3A_64 = arith.constant 1 : i32
    %scan3A_65 = scf.for %scan3A_155 = %scan3A_61 to %scan3A_63 step %scan3A_64 iter_args(%scan3A_156 = %scan3A_60) -> (i32)  : i32 {
      %mul3A_157 = arith.constant 16 : i32
      %mul3A_158 = arith.muli %scan3A_155, %mul3A_157 : i32
      %get3A = arith.index_cast %mul3A_158 : i32 to index
      %get3A_159 = tpu.vector_load %arg9[%get3A] {strides = array<i32>} : memref<640xf32, #tpu.memory_space<vmem>>, vector<16xf32>,
      %get3A_160 = arith.index_cast %mul3A_158 : i32 to index
      %get3A_161 = tpu.vector_load %arg8[%get3A_160] {strides = array<i32>} : memref<640xf32, #tpu.memory_space<vmem>>, vector<16xf32>,
      %add3A_162 = arith.addf %get3A_159, %get3A_161 : vector<16xf32>
      %swap3A = arith.index_cast %mul3A_158 : i32 to index
      %swap3A_163 = tpu.vector_load %arg9[%swap3A] {strides = array<i32>} : memref<640xf32, #tpu.memory_space<vmem>>, vector<16xf32>,
      tpu.vector_store %arg9[%swap3A], %add3A_162 {strides = array<i32>} : memref<640xf32, #tpu.memory_space<vmem>>, vector<16xf32>,
      %scan3A_164 = arith.constant 0 : i32
      scf.yield %scan3A_164 : i32
    }
    %scan3A_66 = arith.constant 40 : i32
    %run_scoped3A_67 = arith.constant 5 : i32
    "tpu.region"() ({
      %run_scoped3A_155 = tpu.sem_alloc : memref<!tpu.dma_semaphore, #tpu.memory_space<semaphore_mem>>
      %dma_start3A = tpu.memref_slice %arg10[%run_scoped3A_67, %mul3A_18] : memref<16x10240xf32, #tpu.memory_space<vmem_shared>> -> memref<1x640xf32, #tpu.memory_space<vmem_shared>>
      %dma_start3A_156 = tpu.memref_squeeze %dma_start3A : memref<1x640xf32, #tpu.memory_space<vmem_shared>> -> memref<640xf32, #tpu.memory_space<vmem_shared>>
      %dma_start3A_157 = tpu.memref_slice %arg10[%run_scoped3A_67, %mul3A_18] : memref<16x10240xf32, #tpu.memory_space<vmem_shared>> -> memref<1x640xf32, #tpu.memory_space<vmem_shared>>
      %dma_start3A_158 = tpu.memref_squeeze %dma_start3A_157 : memref<1x640xf32, #tpu.memory_space<vmem_shared>> -> memref<640xf32, #tpu.memory_space<vmem_shared>>
      tpu.enqueue_dma source(%dma_start3A_158 : memref<640xf32, #tpu.memory_space<vmem_shared>>) target(%arg8 : memref<640xf32, #tpu.memory_space<vmem>>) target_semaphore(%run_scoped3A_155 : memref<!tpu.dma_semaphore, #tpu.memory_space<semaphore_mem>>)
      %dma_wait3A = tpu.memref_slice %arg10[%run_scoped3A_67, %mul3A_18] : memref<16x10240xf32, #tpu.memory_space<vmem_shared>> -> memref<1x640xf32, #tpu.memory_space<vmem_shared>>
      %dma_wait3A_159 = tpu.memref_squeeze %dma_wait3A : memref<1x640xf32, #tpu.memory_space<vmem_shared>> -> memref<640xf32, #tpu.memory_space<vmem_shared>>
      %dma_wait3A_160 = tpu.memref_slice %arg10[%run_scoped3A_67, %mul3A_18] : memref<16x10240xf32, #tpu.memory_space<vmem_shared>> -> memref<1x640xf32, #tpu.memory_space<vmem_shared>>
      %dma_wait3A_161 = tpu.memref_squeeze %dma_wait3A_160 : memref<1x640xf32, #tpu.memory_space<vmem_shared>> -> memref<640xf32, #tpu.memory_space<vmem_shared>>
      tpu.wait_dma2 semaphore(%run_scoped3A_155 : memref<!tpu.dma_semaphore, #tpu.memory_space<semaphore_mem>>) src(%dma_wait3A_161 : memref<640xf32, #tpu.memory_space<vmem_shared>>) dst(%arg8 : memref<640xf32, #tpu.memory_space<vmem>>)
      tpu.yield
    }) : () -> ()
    %scan3A_68 = arith.constant 0 : i32
    %scan3A_69 = arith.constant 0 : i32
    %scan3A_70 = arith.constant 40 : i32
    %scan3A_71 = arith.addi %scan3A_69, %scan3A_70 : i32
    %scan3A_72 = arith.constant 1 : i32
    %scan3A_73 = scf.for %scan3A_155 = %scan3A_69 to %scan3A_71 step %scan3A_72 iter_args(%scan3A_156 = %scan3A_68) -> (i32)  : i32 {
      %mul3A_157 = arith.constant 16 : i32
      %mul3A_158 = arith.muli %scan3A_155, %mul3A_157 : i32
      %get3A = arith.index_cast %mul3A_158 : i32 to index
      %get3A_159 = tpu.vector_load %arg9[%get3A] {strides = array<i32>} : memref<640xf32, #tpu.memory_space<vmem>>, vector<16xf32>,
      %get3A_160 = arith.index_cast %mul3A_158 : i32 to index
      %get3A_161 = tpu.vector_load %arg8[%get3A_160] {strides = array<i32>} : memref<640xf32, #tpu.memory_space<vmem>>, vector<16xf32>,
      %add3A_162 = arith.addf %get3A_159, %get3A_161 : vector<16xf32>
      %swap3A = arith.index_cast %mul3A_158 : i32 to index
      %swap3A_163 = tpu.vector_load %arg9[%swap3A] {strides = array<i32>} : memref<640xf32, #tpu.memory_space<vmem>>, vector<16xf32>,
      tpu.vector_store %arg9[%swap3A], %add3A_162 {strides = array<i32>} : memref<640xf32, #tpu.memory_space<vmem>>, vector<16xf32>,
      %scan3A_164 = arith.constant 0 : i32
      scf.yield %scan3A_164 : i32
    }
    %scan3A_74 = arith.constant 40 : i32
    %run_scoped3A_75 = arith.constant 6 : i32
    "tpu.region"() ({
      %run_scoped3A_155 = tpu.sem_alloc : memref<!tpu.dma_semaphore, #tpu.memory_space<semaphore_mem>>
      %dma_start3A = tpu.memref_slice %arg10[%run_scoped3A_75, %mul3A_18] : memref<16x10240xf32, #tpu.memory_space<vmem_shared>> -> memref<1x640xf32, #tpu.memory_space<vmem_shared>>
      %dma_start3A_156 = tpu.memref_squeeze %dma_start3A : memref<1x640xf32, #tpu.memory_space<vmem_shared>> -> memref<640xf32, #tpu.memory_space<vmem_shared>>
      %dma_start3A_157 = tpu.memref_slice %arg10[%run_scoped3A_75, %mul3A_18] : memref<16x10240xf32, #tpu.memory_space<vmem_shared>> -> memref<1x640xf32, #tpu.memory_space<vmem_shared>>
      %dma_start3A_158 = tpu.memref_squeeze %dma_start3A_157 : memref<1x640xf32, #tpu.memory_space<vmem_shared>> -> memref<640xf32, #tpu.memory_space<vmem_shared>>
      tpu.enqueue_dma source(%dma_start3A_158 : memref<640xf32, #tpu.memory_space<vmem_shared>>) target(%arg8 : memref<640xf32, #tpu.memory_space<vmem>>) target_semaphore(%run_scoped3A_155 : memref<!tpu.dma_semaphore, #tpu.memory_space<semaphore_mem>>)
      %dma_wait3A = tpu.memref_slice %arg10[%run_scoped3A_75, %mul3A_18] : memref<16x10240xf32, #tpu.memory_space<vmem_shared>> -> memref<1x640xf32, #tpu.memory_space<vmem_shared>>
      %dma_wait3A_159 = tpu.memref_squeeze %dma_wait3A : memref<1x640xf32, #tpu.memory_space<vmem_shared>> -> memref<640xf32, #tpu.memory_space<vmem_shared>>
      %dma_wait3A_160 = tpu.memref_slice %arg10[%run_scoped3A_75, %mul3A_18] : memref<16x10240xf32, #tpu.memory_space<vmem_shared>> -> memref<1x640xf32, #tpu.memory_space<vmem_shared>>
      %dma_wait3A_161 = tpu.memref_squeeze %dma_wait3A_160 : memref<1x640xf32, #tpu.memory_space<vmem_shared>> -> memref<640xf32, #tpu.memory_space<vmem_shared>>
      tpu.wait_dma2 semaphore(%run_scoped3A_155 : memref<!tpu.dma_semaphore, #tpu.memory_space<semaphore_mem>>) src(%dma_wait3A_161 : memref<640xf32, #tpu.memory_space<vmem_shared>>) dst(%arg8 : memref<640xf32, #tpu.memory_space<vmem>>)
      tpu.yield
    }) : () -> ()
    %scan3A_76 = arith.constant 0 : i32
    %scan3A_77 = arith.constant 0 : i32
    %scan3A_78 = arith.constant 40 : i32
    %scan3A_79 = arith.addi %scan3A_77, %scan3A_78 : i32
    %scan3A_80 = arith.constant 1 : i32
    %scan3A_81 = scf.for %scan3A_155 = %scan3A_77 to %scan3A_79 step %scan3A_80 iter_args(%scan3A_156 = %scan3A_76) -> (i32)  : i32 {
      %mul3A_157 = arith.constant 16 : i32
      %mul3A_158 = arith.muli %scan3A_155, %mul3A_157 : i32
      %get3A = arith.index_cast %mul3A_158 : i32 to index
      %get3A_159 = tpu.vector_load %arg9[%get3A] {strides = array<i32>} : memref<640xf32, #tpu.memory_space<vmem>>, vector<16xf32>,
      %get3A_160 = arith.index_cast %mul3A_158 : i32 to index
      %get3A_161 = tpu.vector_load %arg8[%get3A_160] {strides = array<i32>} : memref<640xf32, #tpu.memory_space<vmem>>, vector<16xf32>,
      %add3A_162 = arith.addf %get3A_159, %get3A_161 : vector<16xf32>
      %swap3A = arith.index_cast %mul3A_158 : i32 to index
      %swap3A_163 = tpu.vector_load %arg9[%swap3A] {strides = array<i32>} : memref<640xf32, #tpu.memory_space<vmem>>, vector<16xf32>,
      tpu.vector_store %arg9[%swap3A], %add3A_162 {strides = array<i32>} : memref<640xf32, #tpu.memory_space<vmem>>, vector<16xf32>,
      %scan3A_164 = arith.constant 0 : i32
      scf.yield %scan3A_164 : i32
    }
    %scan3A_82 = arith.constant 40 : i32
    %run_scoped3A_83 = arith.constant 7 : i32
    "tpu.region"() ({
      %run_scoped3A_155 = tpu.sem_alloc : memref<!tpu.dma_semaphore, #tpu.memory_space<semaphore_mem>>
      %dma_start3A = tpu.memref_slice %arg10[%run_scoped3A_83, %mul3A_18] : memref<16x10240xf32, #tpu.memory_space<vmem_shared>> -> memref<1x640xf32, #tpu.memory_space<vmem_shared>>
      %dma_start3A_156 = tpu.memref_squeeze %dma_start3A : memref<1x640xf32, #tpu.memory_space<vmem_shared>> -> memref<640xf32, #tpu.memory_space<vmem_shared>>
      %dma_start3A_157 = tpu.memref_slice %arg10[%run_scoped3A_83, %mul3A_18] : memref<16x10240xf32, #tpu.memory_space<vmem_shared>> -> memref<1x640xf32, #tpu.memory_space<vmem_shared>>
      %dma_start3A_158 = tpu.memref_squeeze %dma_start3A_157 : memref<1x640xf32, #tpu.memory_space<vmem_shared>> -> memref<640xf32, #tpu.memory_space<vmem_shared>>
      tpu.enqueue_dma source(%dma_start3A_158 : memref<640xf32, #tpu.memory_space<vmem_shared>>) target(%arg8 : memref<640xf32, #tpu.memory_space<vmem>>) target_semaphore(%run_scoped3A_155 : memref<!tpu.dma_semaphore, #tpu.memory_space<semaphore_mem>>)
      %dma_wait3A = tpu.memref_slice %arg10[%run_scoped3A_83, %mul3A_18] : memref<16x10240xf32, #tpu.memory_space<vmem_shared>> -> memref<1x640xf32, #tpu.memory_space<vmem_shared>>
      %dma_wait3A_159 = tpu.memref_squeeze %dma_wait3A : memref<1x640xf32, #tpu.memory_space<vmem_shared>> -> memref<640xf32, #tpu.memory_space<vmem_shared>>
      %dma_wait3A_160 = tpu.memref_slice %arg10[%run_scoped3A_83, %mul3A_18] : memref<16x10240xf32, #tpu.memory_space<vmem_shared>> -> memref<1x640xf32, #tpu.memory_space<vmem_shared>>
      %dma_wait3A_161 = tpu.memref_squeeze %dma_wait3A_160 : memref<1x640xf32, #tpu.memory_space<vmem_shared>> -> memref<640xf32, #tpu.memory_space<vmem_shared>>
      tpu.wait_dma2 semaphore(%run_scoped3A_155 : memref<!tpu.dma_semaphore, #tpu.memory_space<semaphore_mem>>) src(%dma_wait3A_161 : memref<640xf32, #tpu.memory_space<vmem_shared>>) dst(%arg8 : memref<640xf32, #tpu.memory_space<vmem>>)
      tpu.yield
    }) : () -> ()
    %scan3A_84 = arith.constant 0 : i32
    %scan3A_85 = arith.constant 0 : i32
    %scan3A_86 = arith.constant 40 : i32
    %scan3A_87 = arith.addi %scan3A_85, %scan3A_86 : i32
    %scan3A_88 = arith.constant 1 : i32
    %scan3A_89 = scf.for %scan3A_155 = %scan3A_85 to %scan3A_87 step %scan3A_88 iter_args(%scan3A_156 = %scan3A_84) -> (i32)  : i32 {
      %mul3A_157 = arith.constant 16 : i32
      %mul3A_158 = arith.muli %scan3A_155, %mul3A_157 : i32
      %get3A = arith.index_cast %mul3A_158 : i32 to index
      %get3A_159 = tpu.vector_load %arg9[%get3A] {strides = array<i32>} : memref<640xf32, #tpu.memory_space<vmem>>, vector<16xf32>,
      %get3A_160 = arith.index_cast %mul3A_158 : i32 to index
      %get3A_161 = tpu.vector_load %arg8[%get3A_160] {strides = array<i32>} : memref<640xf32, #tpu.memory_space<vmem>>, vector<16xf32>,
      %add3A_162 = arith.addf %get3A_159, %get3A_161 : vector<16xf32>
      %swap3A = arith.index_cast %mul3A_158 : i32 to index
      %swap3A_163 = tpu.vector_load %arg9[%swap3A] {strides = array<i32>} : memref<640xf32, #tpu.memory_space<vmem>>, vector<16xf32>,
      tpu.vector_store %arg9[%swap3A], %add3A_162 {strides = array<i32>} : memref<640xf32, #tpu.memory_space<vmem>>, vector<16xf32>,
      %scan3A_164 = arith.constant 0 : i32
      scf.yield %scan3A_164 : i32
    }
    %scan3A_90 = arith.constant 40 : i32
    %run_scoped3A_91 = arith.constant 8 : i32
    "tpu.region"() ({
      %run_scoped3A_155 = tpu.sem_alloc : memref<!tpu.dma_semaphore, #tpu.memory_space<semaphore_mem>>
      %dma_start3A = tpu.memref_slice %arg10[%run_scoped3A_91, %mul3A_18] : memref<16x10240xf32, #tpu.memory_space<vmem_shared>> -> memref<1x640xf32, #tpu.memory_space<vmem_shared>>
      %dma_start3A_156 = tpu.memref_squeeze %dma_start3A : memref<1x640xf32, #tpu.memory_space<vmem_shared>> -> memref<640xf32, #tpu.memory_space<vmem_shared>>
      %dma_start3A_157 = tpu.memref_slice %arg10[%run_scoped3A_91, %mul3A_18] : memref<16x10240xf32, #tpu.memory_space<vmem_shared>> -> memref<1x640xf32, #tpu.memory_space<vmem_shared>>
      %dma_start3A_158 = tpu.memref_squeeze %dma_start3A_157 : memref<1x640xf32, #tpu.memory_space<vmem_shared>> -> memref<640xf32, #tpu.memory_space<vmem_shared>>
      tpu.enqueue_dma source(%dma_start3A_158 : memref<640xf32, #tpu.memory_space<vmem_shared>>) target(%arg8 : memref<640xf32, #tpu.memory_space<vmem>>) target_semaphore(%run_scoped3A_155 : memref<!tpu.dma_semaphore, #tpu.memory_space<semaphore_mem>>)
      %dma_wait3A = tpu.memref_slice %arg10[%run_scoped3A_91, %mul3A_18] : memref<16x10240xf32, #tpu.memory_space<vmem_shared>> -> memref<1x640xf32, #tpu.memory_space<vmem_shared>>
      %dma_wait3A_159 = tpu.memref_squeeze %dma_wait3A : memref<1x640xf32, #tpu.memory_space<vmem_shared>> -> memref<640xf32, #tpu.memory_space<vmem_shared>>
      %dma_wait3A_160 = tpu.memref_slice %arg10[%run_scoped3A_91, %mul3A_18] : memref<16x10240xf32, #tpu.memory_space<vmem_shared>> -> memref<1x640xf32, #tpu.memory_space<vmem_shared>>
      %dma_wait3A_161 = tpu.memref_squeeze %dma_wait3A_160 : memref<1x640xf32, #tpu.memory_space<vmem_shared>> -> memref<640xf32, #tpu.memory_space<vmem_shared>>
      tpu.wait_dma2 semaphore(%run_scoped3A_155 : memref<!tpu.dma_semaphore, #tpu.memory_space<semaphore_mem>>) src(%dma_wait3A_161 : memref<640xf32, #tpu.memory_space<vmem_shared>>) dst(%arg8 : memref<640xf32, #tpu.memory_space<vmem>>)
      tpu.yield
    }) : () -> ()
    %scan3A_92 = arith.constant 0 : i32
    %scan3A_93 = arith.constant 0 : i32
    %scan3A_94 = arith.constant 40 : i32
    %scan3A_95 = arith.addi %scan3A_93, %scan3A_94 : i32
    %scan3A_96 = arith.constant 1 : i32
    %scan3A_97 = scf.for %scan3A_155 = %scan3A_93 to %scan3A_95 step %scan3A_96 iter_args(%scan3A_156 = %scan3A_92) -> (i32)  : i32 {
      %mul3A_157 = arith.constant 16 : i32
      %mul3A_158 = arith.muli %scan3A_155, %mul3A_157 : i32
      %get3A = arith.index_cast %mul3A_158 : i32 to index
      %get3A_159 = tpu.vector_load %arg9[%get3A] {strides = array<i32>} : memref<640xf32, #tpu.memory_space<vmem>>, vector<16xf32>,
      %get3A_160 = arith.index_cast %mul3A_158 : i32 to index
      %get3A_161 = tpu.vector_load %arg8[%get3A_160] {strides = array<i32>} : memref<640xf32, #tpu.memory_space<vmem>>, vector<16xf32>,
      %add3A_162 = arith.addf %get3A_159, %get3A_161 : vector<16xf32>
      %swap3A = arith.index_cast %mul3A_158 : i32 to index
      %swap3A_163 = tpu.vector_load %arg9[%swap3A] {strides = array<i32>} : memref<640xf32, #tpu.memory_space<vmem>>, vector<16xf32>,
      tpu.vector_store %arg9[%swap3A], %add3A_162 {strides = array<i32>} : memref<640xf32, #tpu.memory_space<vmem>>, vector<16xf32>,
      %scan3A_164 = arith.constant 0 : i32
      scf.yield %scan3A_164 : i32
    }
    %scan3A_98 = arith.constant 40 : i32
    %run_scoped3A_99 = arith.constant 9 : i32
    "tpu.region"() ({
      %run_scoped3A_155 = tpu.sem_alloc : memref<!tpu.dma_semaphore, #tpu.memory_space<semaphore_mem>>
      %dma_start3A = tpu.memref_slice %arg10[%run_scoped3A_99, %mul3A_18] : memref<16x10240xf32, #tpu.memory_space<vmem_shared>> -> memref<1x640xf32, #tpu.memory_space<vmem_shared>>
      %dma_start3A_156 = tpu.memref_squeeze %dma_start3A : memref<1x640xf32, #tpu.memory_space<vmem_shared>> -> memref<640xf32, #tpu.memory_space<vmem_shared>>
      %dma_start3A_157 = tpu.memref_slice %arg10[%run_scoped3A_99, %mul3A_18] : memref<16x10240xf32, #tpu.memory_space<vmem_shared>> -> memref<1x640xf32, #tpu.memory_space<vmem_shared>>
      %dma_start3A_158 = tpu.memref_squeeze %dma_start3A_157 : memref<1x640xf32, #tpu.memory_space<vmem_shared>> -> memref<640xf32, #tpu.memory_space<vmem_shared>>
      tpu.enqueue_dma source(%dma_start3A_158 : memref<640xf32, #tpu.memory_space<vmem_shared>>) target(%arg8 : memref<640xf32, #tpu.memory_space<vmem>>) target_semaphore(%run_scoped3A_155 : memref<!tpu.dma_semaphore, #tpu.memory_space<semaphore_mem>>)
      %dma_wait3A = tpu.memref_slice %arg10[%run_scoped3A_99, %mul3A_18] : memref<16x10240xf32, #tpu.memory_space<vmem_shared>> -> memref<1x640xf32, #tpu.memory_space<vmem_shared>>
      %dma_wait3A_159 = tpu.memref_squeeze %dma_wait3A : memref<1x640xf32, #tpu.memory_space<vmem_shared>> -> memref<640xf32, #tpu.memory_space<vmem_shared>>
      %dma_wait3A_160 = tpu.memref_slice %arg10[%run_scoped3A_99, %mul3A_18] : memref<16x10240xf32, #tpu.memory_space<vmem_shared>> -> memref<1x640xf32, #tpu.memory_space<vmem_shared>>
      %dma_wait3A_161 = tpu.memref_squeeze %dma_wait3A_160 : memref<1x640xf32, #tpu.memory_space<vmem_shared>> -> memref<640xf32, #tpu.memory_space<vmem_shared>>
      tpu.wait_dma2 semaphore(%run_scoped3A_155 : memref<!tpu.dma_semaphore, #tpu.memory_space<semaphore_mem>>) src(%dma_wait3A_161 : memref<640xf32, #tpu.memory_space<vmem_shared>>) dst(%arg8 : memref<640xf32, #tpu.memory_space<vmem>>)
      tpu.yield
    }) : () -> ()
    %scan3A_100 = arith.constant 0 : i32
    %scan3A_101 = arith.constant 0 : i32
    %scan3A_102 = arith.constant 40 : i32
    %scan3A_103 = arith.addi %scan3A_101, %scan3A_102 : i32
    %scan3A_104 = arith.constant 1 : i32
    %scan3A_105 = scf.for %scan3A_155 = %scan3A_101 to %scan3A_103 step %scan3A_104 iter_args(%scan3A_156 = %scan3A_100) -> (i32)  : i32 {
      %mul3A_157 = arith.constant 16 : i32
      %mul3A_158 = arith.muli %scan3A_155, %mul3A_157 : i32
      %get3A = arith.index_cast %mul3A_158 : i32 to index
      %get3A_159 = tpu.vector_load %arg9[%get3A] {strides = array<i32>} : memref<640xf32, #tpu.memory_space<vmem>>, vector<16xf32>,
      %get3A_160 = arith.index_cast %mul3A_158 : i32 to index
      %get3A_161 = tpu.vector_load %arg8[%get3A_160] {strides = array<i32>} : memref<640xf32, #tpu.memory_space<vmem>>, vector<16xf32>,
      %add3A_162 = arith.addf %get3A_159, %get3A_161 : vector<16xf32>
      %swap3A = arith.index_cast %mul3A_158 : i32 to index
      %swap3A_163 = tpu.vector_load %arg9[%swap3A] {strides = array<i32>} : memref<640xf32, #tpu.memory_space<vmem>>, vector<16xf32>,
      tpu.vector_store %arg9[%swap3A], %add3A_162 {strides = array<i32>} : memref<640xf32, #tpu.memory_space<vmem>>, vector<16xf32>,
      %scan3A_164 = arith.constant 0 : i32
      scf.yield %scan3A_164 : i32
    }
    %scan3A_106 = arith.constant 40 : i32
    %run_scoped3A_107 = arith.constant 10 : i32
    "tpu.region"() ({
      %run_scoped3A_155 = tpu.sem_alloc : memref<!tpu.dma_semaphore, #tpu.memory_space<semaphore_mem>>
      %dma_start3A = tpu.memref_slice %arg10[%run_scoped3A_107, %mul3A_18] : memref<16x10240xf32, #tpu.memory_space<vmem_shared>> -> memref<1x640xf32, #tpu.memory_space<vmem_shared>>
      %dma_start3A_156 = tpu.memref_squeeze %dma_start3A : memref<1x640xf32, #tpu.memory_space<vmem_shared>> -> memref<640xf32, #tpu.memory_space<vmem_shared>>
      %dma_start3A_157 = tpu.memref_slice %arg10[%run_scoped3A_107, %mul3A_18] : memref<16x10240xf32, #tpu.memory_space<vmem_shared>> -> memref<1x640xf32, #tpu.memory_space<vmem_shared>>
      %dma_start3A_158 = tpu.memref_squeeze %dma_start3A_157 : memref<1x640xf32, #tpu.memory_space<vmem_shared>> -> memref<640xf32, #tpu.memory_space<vmem_shared>>
      tpu.enqueue_dma source(%dma_start3A_158 : memref<640xf32, #tpu.memory_space<vmem_shared>>) target(%arg8 : memref<640xf32, #tpu.memory_space<vmem>>) target_semaphore(%run_scoped3A_155 : memref<!tpu.dma_semaphore, #tpu.memory_space<semaphore_mem>>)
      %dma_wait3A = tpu.memref_slice %arg10[%run_scoped3A_107, %mul3A_18] : memref<16x10240xf32, #tpu.memory_space<vmem_shared>> -> memref<1x640xf32, #tpu.memory_space<vmem_shared>>
      %dma_wait3A_159 = tpu.memref_squeeze %dma_wait3A : memref<1x640xf32, #tpu.memory_space<vmem_shared>> -> memref<640xf32, #tpu.memory_space<vmem_shared>>
      %dma_wait3A_160 = tpu.memref_slice %arg10[%run_scoped3A_107, %mul3A_18] : memref<16x10240xf32, #tpu.memory_space<vmem_shared>> -> memref<1x640xf32, #tpu.memory_space<vmem_shared>>
      %dma_wait3A_161 = tpu.memref_squeeze %dma_wait3A_160 : memref<1x640xf32, #tpu.memory_space<vmem_shared>> -> memref<640xf32, #tpu.memory_space<vmem_shared>>
      tpu.wait_dma2 semaphore(%run_scoped3A_155 : memref<!tpu.dma_semaphore, #tpu.memory_space<semaphore_mem>>) src(%dma_wait3A_161 : memref<640xf32, #tpu.memory_space<vmem_shared>>) dst(%arg8 : memref<640xf32, #tpu.memory_space<vmem>>)
      tpu.yield
    }) : () -> ()
    %scan3A_108 = arith.constant 0 : i32
    %scan3A_109 = arith.constant 0 : i32
    %scan3A_110 = arith.constant 40 : i32
    %scan3A_111 = arith.addi %scan3A_109, %scan3A_110 : i32
    %scan3A_112 = arith.constant 1 : i32
    %scan3A_113 = scf.for %scan3A_155 = %scan3A_109 to %scan3A_111 step %scan3A_112 iter_args(%scan3A_156 = %scan3A_108) -> (i32)  : i32 {
      %mul3A_157 = arith.constant 16 : i32
      %mul3A_158 = arith.muli %scan3A_155, %mul3A_157 : i32
      %get3A = arith.index_cast %mul3A_158 : i32 to index
      %get3A_159 = tpu.vector_load %arg9[%get3A] {strides = array<i32>} : memref<640xf32, #tpu.memory_space<vmem>>, vector<16xf32>,
      %get3A_160 = arith.index_cast %mul3A_158 : i32 to index
      %get3A_161 = tpu.vector_load %arg8[%get3A_160] {strides = array<i32>} : memref<640xf32, #tpu.memory_space<vmem>>, vector<16xf32>,
      %add3A_162 = arith.addf %get3A_159, %get3A_161 : vector<16xf32>
      %swap3A = arith.index_cast %mul3A_158 : i32 to index
      %swap3A_163 = tpu.vector_load %arg9[%swap3A] {strides = array<i32>} : memref<640xf32, #tpu.memory_space<vmem>>, vector<16xf32>,
      tpu.vector_store %arg9[%swap3A], %add3A_162 {strides = array<i32>} : memref<640xf32, #tpu.memory_space<vmem>>, vector<16xf32>,
      %scan3A_164 = arith.constant 0 : i32
      scf.yield %scan3A_164 : i32
    }
    %scan3A_114 = arith.constant 40 : i32
    %run_scoped3A_115 = arith.constant 11 : i32
    "tpu.region"() ({
      %run_scoped3A_155 = tpu.sem_alloc : memref<!tpu.dma_semaphore, #tpu.memory_space<semaphore_mem>>
      %dma_start3A = tpu.memref_slice %arg10[%run_scoped3A_115, %mul3A_18] : memref<16x10240xf32, #tpu.memory_space<vmem_shared>> -> memref<1x640xf32, #tpu.memory_space<vmem_shared>>
      %dma_start3A_156 = tpu.memref_squeeze %dma_start3A : memref<1x640xf32, #tpu.memory_space<vmem_shared>> -> memref<640xf32, #tpu.memory_space<vmem_shared>>
      %dma_start3A_157 = tpu.memref_slice %arg10[%run_scoped3A_115, %mul3A_18] : memref<16x10240xf32, #tpu.memory_space<vmem_shared>> -> memref<1x640xf32, #tpu.memory_space<vmem_shared>>
      %dma_start3A_158 = tpu.memref_squeeze %dma_start3A_157 : memref<1x640xf32, #tpu.memory_space<vmem_shared>> -> memref<640xf32, #tpu.memory_space<vmem_shared>>
      tpu.enqueue_dma source(%dma_start3A_158 : memref<640xf32, #tpu.memory_space<vmem_shared>>) target(%arg8 : memref<640xf32, #tpu.memory_space<vmem>>) target_semaphore(%run_scoped3A_155 : memref<!tpu.dma_semaphore, #tpu.memory_space<semaphore_mem>>)
      %dma_wait3A = tpu.memref_slice %arg10[%run_scoped3A_115, %mul3A_18] : memref<16x10240xf32, #tpu.memory_space<vmem_shared>> -> memref<1x640xf32, #tpu.memory_space<vmem_shared>>
      %dma_wait3A_159 = tpu.memref_squeeze %dma_wait3A : memref<1x640xf32, #tpu.memory_space<vmem_shared>> -> memref<640xf32, #tpu.memory_space<vmem_shared>>
      %dma_wait3A_160 = tpu.memref_slice %arg10[%run_scoped3A_115, %mul3A_18] : memref<16x10240xf32, #tpu.memory_space<vmem_shared>> -> memref<1x640xf32, #tpu.memory_space<vmem_shared>>
      %dma_wait3A_161 = tpu.memref_squeeze %dma_wait3A_160 : memref<1x640xf32, #tpu.memory_space<vmem_shared>> -> memref<640xf32, #tpu.memory_space<vmem_shared>>
      tpu.wait_dma2 semaphore(%run_scoped3A_155 : memref<!tpu.dma_semaphore, #tpu.memory_space<semaphore_mem>>) src(%dma_wait3A_161 : memref<640xf32, #tpu.memory_space<vmem_shared>>) dst(%arg8 : memref<640xf32, #tpu.memory_space<vmem>>)
      tpu.yield
    }) : () -> ()
    %scan3A_116 = arith.constant 0 : i32
    %scan3A_117 = arith.constant 0 : i32
    %scan3A_118 = arith.constant 40 : i32
    %scan3A_119 = arith.addi %scan3A_117, %scan3A_118 : i32
    %scan3A_120 = arith.constant 1 : i32
    %scan3A_121 = scf.for %scan3A_155 = %scan3A_117 to %scan3A_119 step %scan3A_120 iter_args(%scan3A_156 = %scan3A_116) -> (i32)  : i32 {
      %mul3A_157 = arith.constant 16 : i32
      %mul3A_158 = arith.muli %scan3A_155, %mul3A_157 : i32
      %get3A = arith.index_cast %mul3A_158 : i32 to index
      %get3A_159 = tpu.vector_load %arg9[%get3A] {strides = array<i32>} : memref<640xf32, #tpu.memory_space<vmem>>, vector<16xf32>,
      %get3A_160 = arith.index_cast %mul3A_158 : i32 to index
      %get3A_161 = tpu.vector_load %arg8[%get3A_160] {strides = array<i32>} : memref<640xf32, #tpu.memory_space<vmem>>, vector<16xf32>,
      %add3A_162 = arith.addf %get3A_159, %get3A_161 : vector<16xf32>
      %swap3A = arith.index_cast %mul3A_158 : i32 to index
      %swap3A_163 = tpu.vector_load %arg9[%swap3A] {strides = array<i32>} : memref<640xf32, #tpu.memory_space<vmem>>, vector<16xf32>,
      tpu.vector_store %arg9[%swap3A], %add3A_162 {strides = array<i32>} : memref<640xf32, #tpu.memory_space<vmem>>, vector<16xf32>,
      %scan3A_164 = arith.constant 0 : i32
      scf.yield %scan3A_164 : i32
    }
    %scan3A_122 = arith.constant 40 : i32
    %run_scoped3A_123 = arith.constant 12 : i32
    "tpu.region"() ({
      %run_scoped3A_155 = tpu.sem_alloc : memref<!tpu.dma_semaphore, #tpu.memory_space<semaphore_mem>>
      %dma_start3A = tpu.memref_slice %arg10[%run_scoped3A_123, %mul3A_18] : memref<16x10240xf32, #tpu.memory_space<vmem_shared>> -> memref<1x640xf32, #tpu.memory_space<vmem_shared>>
      %dma_start3A_156 = tpu.memref_squeeze %dma_start3A : memref<1x640xf32, #tpu.memory_space<vmem_shared>> -> memref<640xf32, #tpu.memory_space<vmem_shared>>
      %dma_start3A_157 = tpu.memref_slice %arg10[%run_scoped3A_123, %mul3A_18] : memref<16x10240xf32, #tpu.memory_space<vmem_shared>> -> memref<1x640xf32, #tpu.memory_space<vmem_shared>>
      %dma_start3A_158 = tpu.memref_squeeze %dma_start3A_157 : memref<1x640xf32, #tpu.memory_space<vmem_shared>> -> memref<640xf32, #tpu.memory_space<vmem_shared>>
      tpu.enqueue_dma source(%dma_start3A_158 : memref<640xf32, #tpu.memory_space<vmem_shared>>) target(%arg8 : memref<640xf32, #tpu.memory_space<vmem>>) target_semaphore(%run_scoped3A_155 : memref<!tpu.dma_semaphore, #tpu.memory_space<semaphore_mem>>)
      %dma_wait3A = tpu.memref_slice %arg10[%run_scoped3A_123, %mul3A_18] : memref<16x10240xf32, #tpu.memory_space<vmem_shared>> -> memref<1x640xf32, #tpu.memory_space<vmem_shared>>
      %dma_wait3A_159 = tpu.memref_squeeze %dma_wait3A : memref<1x640xf32, #tpu.memory_space<vmem_shared>> -> memref<640xf32, #tpu.memory_space<vmem_shared>>
      %dma_wait3A_160 = tpu.memref_slice %arg10[%run_scoped3A_123, %mul3A_18] : memref<16x10240xf32, #tpu.memory_space<vmem_shared>> -> memref<1x640xf32, #tpu.memory_space<vmem_shared>>
      %dma_wait3A_161 = tpu.memref_squeeze %dma_wait3A_160 : memref<1x640xf32, #tpu.memory_space<vmem_shared>> -> memref<640xf32, #tpu.memory_space<vmem_shared>>
      tpu.wait_dma2 semaphore(%run_scoped3A_155 : memref<!tpu.dma_semaphore, #tpu.memory_space<semaphore_mem>>) src(%dma_wait3A_161 : memref<640xf32, #tpu.memory_space<vmem_shared>>) dst(%arg8 : memref<640xf32, #tpu.memory_space<vmem>>)
      tpu.yield
    }) : () -> ()
    %scan3A_124 = arith.constant 0 : i32
    %scan3A_125 = arith.constant 0 : i32
    %scan3A_126 = arith.constant 40 : i32
    %scan3A_127 = arith.addi %scan3A_125, %scan3A_126 : i32
    %scan3A_128 = arith.constant 1 : i32
    %scan3A_129 = scf.for %scan3A_155 = %scan3A_125 to %scan3A_127 step %scan3A_128 iter_args(%scan3A_156 = %scan3A_124) -> (i32)  : i32 {
      %mul3A_157 = arith.constant 16 : i32
      %mul3A_158 = arith.muli %scan3A_155, %mul3A_157 : i32
      %get3A = arith.index_cast %mul3A_158 : i32 to index
      %get3A_159 = tpu.vector_load %arg9[%get3A] {strides = array<i32>} : memref<640xf32, #tpu.memory_space<vmem>>, vector<16xf32>,
      %get3A_160 = arith.index_cast %mul3A_158 : i32 to index
      %get3A_161 = tpu.vector_load %arg8[%get3A_160] {strides = array<i32>} : memref<640xf32, #tpu.memory_space<vmem>>, vector<16xf32>,
      %add3A_162 = arith.addf %get3A_159, %get3A_161 : vector<16xf32>
      %swap3A = arith.index_cast %mul3A_158 : i32 to index
      %swap3A_163 = tpu.vector_load %arg9[%swap3A] {strides = array<i32>} : memref<640xf32, #tpu.memory_space<vmem>>, vector<16xf32>,
      tpu.vector_store %arg9[%swap3A], %add3A_162 {strides = array<i32>} : memref<640xf32, #tpu.memory_space<vmem>>, vector<16xf32>,
      %scan3A_164 = arith.constant 0 : i32
      scf.yield %scan3A_164 : i32
    }
    %scan3A_130 = arith.constant 40 : i32
    %run_scoped3A_131 = arith.constant 13 : i32
    "tpu.region"() ({
      %run_scoped3A_155 = tpu.sem_alloc : memref<!tpu.dma_semaphore, #tpu.memory_space<semaphore_mem>>
      %dma_start3A = tpu.memref_slice %arg10[%run_scoped3A_131, %mul3A_18] : memref<16x10240xf32, #tpu.memory_space<vmem_shared>> -> memref<1x640xf32, #tpu.memory_space<vmem_shared>>
      %dma_start3A_156 = tpu.memref_squeeze %dma_start3A : memref<1x640xf32, #tpu.memory_space<vmem_shared>> -> memref<640xf32, #tpu.memory_space<vmem_shared>>
      %dma_start3A_157 = tpu.memref_slice %arg10[%run_scoped3A_131, %mul3A_18] : memref<16x10240xf32, #tpu.memory_space<vmem_shared>> -> memref<1x640xf32, #tpu.memory_space<vmem_shared>>
      %dma_start3A_158 = tpu.memref_squeeze %dma_start3A_157 : memref<1x640xf32, #tpu.memory_space<vmem_shared>> -> memref<640xf32, #tpu.memory_space<vmem_shared>>
      tpu.enqueue_dma source(%dma_start3A_158 : memref<640xf32, #tpu.memory_space<vmem_shared>>) target(%arg8 : memref<640xf32, #tpu.memory_space<vmem>>) target_semaphore(%run_scoped3A_155 : memref<!tpu.dma_semaphore, #tpu.memory_space<semaphore_mem>>)
      %dma_wait3A = tpu.memref_slice %arg10[%run_scoped3A_131, %mul3A_18] : memref<16x10240xf32, #tpu.memory_space<vmem_shared>> -> memref<1x640xf32, #tpu.memory_space<vmem_shared>>
      %dma_wait3A_159 = tpu.memref_squeeze %dma_wait3A : memref<1x640xf32, #tpu.memory_space<vmem_shared>> -> memref<640xf32, #tpu.memory_space<vmem_shared>>
      %dma_wait3A_160 = tpu.memref_slice %arg10[%run_scoped3A_131, %mul3A_18] : memref<16x10240xf32, #tpu.memory_space<vmem_shared>> -> memref<1x640xf32, #tpu.memory_space<vmem_shared>>
      %dma_wait3A_161 = tpu.memref_squeeze %dma_wait3A_160 : memref<1x640xf32, #tpu.memory_space<vmem_shared>> -> memref<640xf32, #tpu.memory_space<vmem_shared>>
      tpu.wait_dma2 semaphore(%run_scoped3A_155 : memref<!tpu.dma_semaphore, #tpu.memory_space<semaphore_mem>>) src(%dma_wait3A_161 : memref<640xf32, #tpu.memory_space<vmem_shared>>) dst(%arg8 : memref<640xf32, #tpu.memory_space<vmem>>)
      tpu.yield
    }) : () -> ()
    %scan3A_132 = arith.constant 0 : i32
    %scan3A_133 = arith.constant 0 : i32
    %scan3A_134 = arith.constant 40 : i32
    %scan3A_135 = arith.addi %scan3A_133, %scan3A_134 : i32
    %scan3A_136 = arith.constant 1 : i32
    %scan3A_137 = scf.for %scan3A_155 = %scan3A_133 to %scan3A_135 step %scan3A_136 iter_args(%scan3A_156 = %scan3A_132) -> (i32)  : i32 {
      %mul3A_157 = arith.constant 16 : i32
      %mul3A_158 = arith.muli %scan3A_155, %mul3A_157 : i32
      %get3A = arith.index_cast %mul3A_158 : i32 to index
      %get3A_159 = tpu.vector_load %arg9[%get3A] {strides = array<i32>} : memref<640xf32, #tpu.memory_space<vmem>>, vector<16xf32>,
      %get3A_160 = arith.index_cast %mul3A_158 : i32 to index
      %get3A_161 = tpu.vector_load %arg8[%get3A_160] {strides = array<i32>} : memref<640xf32, #tpu.memory_space<vmem>>, vector<16xf32>,
      %add3A_162 = arith.addf %get3A_159, %get3A_161 : vector<16xf32>
      %swap3A = arith.index_cast %mul3A_158 : i32 to index
      %swap3A_163 = tpu.vector_load %arg9[%swap3A] {strides = array<i32>} : memref<640xf32, #tpu.memory_space<vmem>>, vector<16xf32>,
      tpu.vector_store %arg9[%swap3A], %add3A_162 {strides = array<i32>} : memref<640xf32, #tpu.memory_space<vmem>>, vector<16xf32>,
      %scan3A_164 = arith.constant 0 : i32
      scf.yield %scan3A_164 : i32
    }
    %scan3A_138 = arith.constant 40 : i32
    %run_scoped3A_139 = arith.constant 14 : i32
    "tpu.region"() ({
      %run_scoped3A_155 = tpu.sem_alloc : memref<!tpu.dma_semaphore, #tpu.memory_space<semaphore_mem>>
      %dma_start3A = tpu.memref_slice %arg10[%run_scoped3A_139, %mul3A_18] : memref<16x10240xf32, #tpu.memory_space<vmem_shared>> -> memref<1x640xf32, #tpu.memory_space<vmem_shared>>
      %dma_start3A_156 = tpu.memref_squeeze %dma_start3A : memref<1x640xf32, #tpu.memory_space<vmem_shared>> -> memref<640xf32, #tpu.memory_space<vmem_shared>>
      %dma_start3A_157 = tpu.memref_slice %arg10[%run_scoped3A_139, %mul3A_18] : memref<16x10240xf32, #tpu.memory_space<vmem_shared>> -> memref<1x640xf32, #tpu.memory_space<vmem_shared>>
      %dma_start3A_158 = tpu.memref_squeeze %dma_start3A_157 : memref<1x640xf32, #tpu.memory_space<vmem_shared>> -> memref<640xf32, #tpu.memory_space<vmem_shared>>
      tpu.enqueue_dma source(%dma_start3A_158 : memref<640xf32, #tpu.memory_space<vmem_shared>>) target(%arg8 : memref<640xf32, #tpu.memory_space<vmem>>) target_semaphore(%run_scoped3A_155 : memref<!tpu.dma_semaphore, #tpu.memory_space<semaphore_mem>>)
      %dma_wait3A = tpu.memref_slice %arg10[%run_scoped3A_139, %mul3A_18] : memref<16x10240xf32, #tpu.memory_space<vmem_shared>> -> memref<1x640xf32, #tpu.memory_space<vmem_shared>>
      %dma_wait3A_159 = tpu.memref_squeeze %dma_wait3A : memref<1x640xf32, #tpu.memory_space<vmem_shared>> -> memref<640xf32, #tpu.memory_space<vmem_shared>>
      %dma_wait3A_160 = tpu.memref_slice %arg10[%run_scoped3A_139, %mul3A_18] : memref<16x10240xf32, #tpu.memory_space<vmem_shared>> -> memref<1x640xf32, #tpu.memory_space<vmem_shared>>
      %dma_wait3A_161 = tpu.memref_squeeze %dma_wait3A_160 : memref<1x640xf32, #tpu.memory_space<vmem_shared>> -> memref<640xf32, #tpu.memory_space<vmem_shared>>
      tpu.wait_dma2 semaphore(%run_scoped3A_155 : memref<!tpu.dma_semaphore, #tpu.memory_space<semaphore_mem>>) src(%dma_wait3A_161 : memref<640xf32, #tpu.memory_space<vmem_shared>>) dst(%arg8 : memref<640xf32, #tpu.memory_space<vmem>>)
      tpu.yield
    }) : () -> ()
    %scan3A_140 = arith.constant 0 : i32
    %scan3A_141 = arith.constant 0 : i32
    %scan3A_142 = arith.constant 40 : i32
    %scan3A_143 = arith.addi %scan3A_141, %scan3A_142 : i32
    %scan3A_144 = arith.constant 1 : i32
    %scan3A_145 = scf.for %scan3A_155 = %scan3A_141 to %scan3A_143 step %scan3A_144 iter_args(%scan3A_156 = %scan3A_140) -> (i32)  : i32 {
      %mul3A_157 = arith.constant 16 : i32
      %mul3A_158 = arith.muli %scan3A_155, %mul3A_157 : i32
      %get3A = arith.index_cast %mul3A_158 : i32 to index
      %get3A_159 = tpu.vector_load %arg9[%get3A] {strides = array<i32>} : memref<640xf32, #tpu.memory_space<vmem>>, vector<16xf32>,
      %get3A_160 = arith.index_cast %mul3A_158 : i32 to index
      %get3A_161 = tpu.vector_load %arg8[%get3A_160] {strides = array<i32>} : memref<640xf32, #tpu.memory_space<vmem>>, vector<16xf32>,
      %add3A_162 = arith.addf %get3A_159, %get3A_161 : vector<16xf32>
      %swap3A = arith.index_cast %mul3A_158 : i32 to index
      %swap3A_163 = tpu.vector_load %arg9[%swap3A] {strides = array<i32>} : memref<640xf32, #tpu.memory_space<vmem>>, vector<16xf32>,
      tpu.vector_store %arg9[%swap3A], %add3A_162 {strides = array<i32>} : memref<640xf32, #tpu.memory_space<vmem>>, vector<16xf32>,
      %scan3A_164 = arith.constant 0 : i32
      scf.yield %scan3A_164 : i32
    }
    %scan3A_146 = arith.constant 40 : i32
    %run_scoped3A_147 = arith.constant 15 : i32
    "tpu.region"() ({
      %run_scoped3A_155 = tpu.sem_alloc : memref<!tpu.dma_semaphore, #tpu.memory_space<semaphore_mem>>
      %dma_start3A = tpu.memref_slice %arg10[%run_scoped3A_147, %mul3A_18] : memref<16x10240xf32, #tpu.memory_space<vmem_shared>> -> memref<1x640xf32, #tpu.memory_space<vmem_shared>>
      %dma_start3A_156 = tpu.memref_squeeze %dma_start3A : memref<1x640xf32, #tpu.memory_space<vmem_shared>> -> memref<640xf32, #tpu.memory_space<vmem_shared>>
      %dma_start3A_157 = tpu.memref_slice %arg10[%run_scoped3A_147, %mul3A_18] : memref<16x10240xf32, #tpu.memory_space<vmem_shared>> -> memref<1x640xf32, #tpu.memory_space<vmem_shared>>
      %dma_start3A_158 = tpu.memref_squeeze %dma_start3A_157 : memref<1x640xf32, #tpu.memory_space<vmem_shared>> -> memref<640xf32, #tpu.memory_space<vmem_shared>>
      tpu.enqueue_dma source(%dma_start3A_158 : memref<640xf32, #tpu.memory_space<vmem_shared>>) target(%arg8 : memref<640xf32, #tpu.memory_space<vmem>>) target_semaphore(%run_scoped3A_155 : memref<!tpu.dma_semaphore, #tpu.memory_space<semaphore_mem>>)
      %dma_wait3A = tpu.memref_slice %arg10[%run_scoped3A_147, %mul3A_18] : memref<16x10240xf32, #tpu.memory_space<vmem_shared>> -> memref<1x640xf32, #tpu.memory_space<vmem_shared>>
      %dma_wait3A_159 = tpu.memref_squeeze %dma_wait3A : memref<1x640xf32, #tpu.memory_space<vmem_shared>> -> memref<640xf32, #tpu.memory_space<vmem_shared>>
      %dma_wait3A_160 = tpu.memref_slice %arg10[%run_scoped3A_147, %mul3A_18] : memref<16x10240xf32, #tpu.memory_space<vmem_shared>> -> memref<1x640xf32, #tpu.memory_space<vmem_shared>>
      %dma_wait3A_161 = tpu.memref_squeeze %dma_wait3A_160 : memref<1x640xf32, #tpu.memory_space<vmem_shared>> -> memref<640xf32, #tpu.memory_space<vmem_shared>>
      tpu.wait_dma2 semaphore(%run_scoped3A_155 : memref<!tpu.dma_semaphore, #tpu.memory_space<semaphore_mem>>) src(%dma_wait3A_161 : memref<640xf32, #tpu.memory_space<vmem_shared>>) dst(%arg8 : memref<640xf32, #tpu.memory_space<vmem>>)
      tpu.yield
    }) : () -> ()
    %scan3A_148 = arith.constant 0 : i32
    %scan3A_149 = arith.constant 0 : i32
    %scan3A_150 = arith.constant 40 : i32
    %scan3A_151 = arith.addi %scan3A_149, %scan3A_150 : i32
    %scan3A_152 = arith.constant 1 : i32
    %scan3A_153 = scf.for %scan3A_155 = %scan3A_149 to %scan3A_151 step %scan3A_152 iter_args(%scan3A_156 = %scan3A_148) -> (i32)  : i32 {
      %mul3A_157 = arith.constant 16 : i32
      %mul3A_158 = arith.muli %scan3A_155, %mul3A_157 : i32
      %get3A = arith.index_cast %mul3A_158 : i32 to index
      %get3A_159 = tpu.vector_load %arg9[%get3A] {strides = array<i32>} : memref<640xf32, #tpu.memory_space<vmem>>, vector<16xf32>,
      %get3A_160 = arith.index_cast %mul3A_158 : i32 to index
      %get3A_161 = tpu.vector_load %arg8[%get3A_160] {strides = array<i32>} : memref<640xf32, #tpu.memory_space<vmem>>, vector<16xf32>,
      %add3A_162 = arith.addf %get3A_159, %get3A_161 : vector<16xf32>
      %swap3A = arith.index_cast %mul3A_158 : i32 to index
      %swap3A_163 = tpu.vector_load %arg9[%swap3A] {strides = array<i32>} : memref<640xf32, #tpu.memory_space<vmem>>, vector<16xf32>,
      tpu.vector_store %arg9[%swap3A], %add3A_162 {strides = array<i32>} : memref<640xf32, #tpu.memory_space<vmem>>, vector<16xf32>,
      %scan3A_164 = arith.constant 0 : i32
      scf.yield %scan3A_164 : i32
    }
    %scan3A_154 = arith.constant 40 : i32
    "tpu.region"() ({
      %run_scoped3A_155 = tpu.sem_alloc : memref<!tpu.dma_semaphore, #tpu.memory_space<semaphore_mem>>
      %dma_start3A = tpu.memref_slice %arg4[%arg0, %mul3A_18] : memref<2x10240xf32, #tpu.memory_space<hbm>> -> memref<1x640xf32, #tpu.memory_space<hbm>>
      %dma_start3A_156 = tpu.memref_squeeze %dma_start3A : memref<1x640xf32, #tpu.memory_space<hbm>> -> memref<640xf32, #tpu.memory_space<hbm>>
      %dma_start3A_157 = tpu.memref_slice %arg4[%arg0, %mul3A_18] : memref<2x10240xf32, #tpu.memory_space<hbm>> -> memref<1x640xf32, #tpu.memory_space<hbm>>
      %dma_start3A_158 = tpu.memref_squeeze %dma_start3A_157 : memref<1x640xf32, #tpu.memory_space<hbm>> -> memref<640xf32, #tpu.memory_space<hbm>>
      tpu.enqueue_dma source(%arg9 : memref<640xf32, #tpu.memory_space<vmem>>) target(%dma_start3A_158 : memref<640xf32, #tpu.memory_space<hbm>>) target_semaphore(%run_scoped3A_155 : memref<!tpu.dma_semaphore, #tpu.memory_space<semaphore_mem>>)
      %dma_wait3A = tpu.memref_slice %arg4[%arg0, %mul3A_18] : memref<2x10240xf32, #tpu.memory_space<hbm>> -> memref<1x640xf32, #tpu.memory_space<hbm>>
      %dma_wait3A_159 = tpu.memref_squeeze %dma_wait3A : memref<1x640xf32, #tpu.memory_space<hbm>> -> memref<640xf32, #tpu.memory_space<hbm>>
      %dma_wait3A_160 = tpu.memref_slice %arg4[%arg0, %mul3A_18] : memref<2x10240xf32, #tpu.memory_space<hbm>> -> memref<1x640xf32, #tpu.memory_space<hbm>>
      %dma_wait3A_161 = tpu.memref_squeeze %dma_wait3A_160 : memref<1x640xf32, #tpu.memory_space<hbm>> -> memref<640xf32, #tpu.memory_space<hbm>>
      tpu.wait_dma2 semaphore(%run_scoped3A_155 : memref<!tpu.dma_semaphore, #tpu.memory_space<semaphore_mem>>) src(%arg9 : memref<640xf32, #tpu.memory_space<vmem>>) dst(%dma_wait3A_161 : memref<640xf32, #tpu.memory_space<hbm>>)
      tpu.yield
    }) : () -> ()
    return
  }
}

#map = affine_map<(d0, d1) -> (0)>
#map1 = affine_map<(d0, d1) -> (0, 0)>
module attributes {stable_mosaic.version = 14 : i64} {
  func.func @_force_body(%arg0: i32, %arg1: i32, %arg2: memref<10240xf32, #tpu.memory_space<hbm>>, %arg3: memref<320000xi32, #tpu.memory_space<hbm>>, %arg4: memref<320000xi32, #tpu.memory_space<hbm>>, %arg5: memref<320000xf32, #tpu.memory_space<hbm>>, %arg6: memref<320000xf32, #tpu.memory_space<hbm>>, %arg7: memref<320000xf32, #tpu.memory_space<hbm>>, %arg8: memref<320000xf32, #tpu.memory_space<hbm>>, %arg9: memref<320000xf32, #tpu.memory_space<hbm>>, %arg10: memref<2x30720xf32, #tpu.memory_space<hbm>>, %arg11: memref<10240xf32, #tpu.memory_space<vmem>>, %arg12: memref<2000xi32, #tpu.memory_space<vmem>>, %arg13: memref<2000xi32, #tpu.memory_space<vmem>>, %arg14: memref<2000xf32, #tpu.memory_space<vmem>>, %arg15: memref<2000xf32, #tpu.memory_space<vmem>>, %arg16: memref<2000xf32, #tpu.memory_space<vmem>>, %arg17: memref<2000xf32, #tpu.memory_space<vmem>>, %arg18: memref<2000xf32, #tpu.memory_space<vmem>>, %arg19: memref<10240xf32, #tpu.memory_space<vmem>>, %arg20: memref<10240xf32, #tpu.memory_space<vmem>>, %arg21: memref<10240xf32, #tpu.memory_space<vmem>>, %arg22: memref<640xf32, #tpu.memory_space<vmem>>, %arg23: memref<640xf32, #tpu.memory_space<vmem>>, %arg24: memref<16x30720xf32, #tpu.memory_space<vmem_shared>>) attributes {dimension_semantics = [#tpu.dimension_semantics<core_parallel>, #tpu.dimension_semantics<subcore_parallel>], iteration_bounds = array<i64: 2, 16>, scalar_prefetch = 0 : i64, scratch_operands = 14 : i64, tpu.core_type = #tpu.core_type<sc_vector_subcore>, window_params = [{transform_indices = #map}, {transform_indices = #map}, {transform_indices = #map}, {transform_indices = #map}, {transform_indices = #map}, {transform_indices = #map}, {transform_indices = #map}, {transform_indices = #map}, {transform_indices = #map1}]} {
    %mul3A = arith.constant 2 : i32
    %mul3A_0 = arith.muli %arg1, %mul3A : i32
    %add3A = arith.addi %mul3A_0, %arg0 : i32
    %mul3A_1 = arith.constant 10000 : i32
    %mul3A_2 = arith.muli %add3A, %mul3A_1 : i32
    "tpu.region"() ({
      %run_scoped3A_563 = tpu.sem_alloc : memref<!tpu.dma_semaphore, #tpu.memory_space<semaphore_mem>>
      tpu.enqueue_dma source(%arg2 : memref<10240xf32, #tpu.memory_space<hbm>>) target(%arg11 : memref<10240xf32, #tpu.memory_space<vmem>>) target_semaphore(%run_scoped3A_563 : memref<!tpu.dma_semaphore, #tpu.memory_space<semaphore_mem>>)
      tpu.wait_dma2 semaphore(%run_scoped3A_563 : memref<!tpu.dma_semaphore, #tpu.memory_space<semaphore_mem>>) src(%arg2 : memref<10240xf32, #tpu.memory_space<hbm>>) dst(%arg11 : memref<10240xf32, #tpu.memory_space<vmem>>)
      tpu.yield
    }) : () -> ()
    %broadcast_in_dim3A = arith.constant 0.000000e+00 : f32
    %broadcast_in_dim3A_3 = vector.broadcast %broadcast_in_dim3A : f32 to vector<16xf32>
    %scan3A = arith.constant 0 : i32
    %scan3A_4 = arith.constant 0 : i32
    %scan3A_5 = arith.constant 640 : i32
    %scan3A_6 = arith.addi %scan3A_4, %scan3A_5 : i32
    %scan3A_7 = arith.constant 1 : i32
    %scan3A_8 = scf.for %scan3A_563 = %scan3A_4 to %scan3A_6 step %scan3A_7 iter_args(%scan3A_564 = %scan3A) -> (i32)  : i32 {
      %mul3A_565 = arith.constant 16 : i32
      %mul3A_566 = arith.muli %scan3A_563, %mul3A_565 : i32
      %swap3A = arith.index_cast %mul3A_566 : i32 to index
      %swap3A_567 = tpu.vector_load %arg19[%swap3A] {strides = array<i32>} : memref<10240xf32, #tpu.memory_space<vmem>>, vector<16xf32>,
      tpu.vector_store %arg19[%swap3A], %broadcast_in_dim3A_3 {strides = array<i32>} : memref<10240xf32, #tpu.memory_space<vmem>>, vector<16xf32>,
      %swap3A_568 = arith.index_cast %mul3A_566 : i32 to index
      %swap3A_569 = tpu.vector_load %arg20[%swap3A_568] {strides = array<i32>} : memref<10240xf32, #tpu.memory_space<vmem>>, vector<16xf32>,
      tpu.vector_store %arg20[%swap3A_568], %broadcast_in_dim3A_3 {strides = array<i32>} : memref<10240xf32, #tpu.memory_space<vmem>>, vector<16xf32>,
      %swap3A_570 = arith.index_cast %mul3A_566 : i32 to index
      %swap3A_571 = tpu.vector_load %arg21[%swap3A_570] {strides = array<i32>} : memref<10240xf32, #tpu.memory_space<vmem>>, vector<16xf32>,
      tpu.vector_store %arg21[%swap3A_570], %broadcast_in_dim3A_3 {strides = array<i32>} : memref<10240xf32, #tpu.memory_space<vmem>>, vector<16xf32>,
      %scan3A_572 = arith.constant 0 : i32
      scf.yield %scan3A_572 : i32
    }
    %scan3A_9 = arith.constant 640 : i32
    %add3A_10 = arith.constant 0 : i32
    %add3A_11 = arith.addi %mul3A_2, %add3A_10 : i32
    "tpu.region"() ({
      %run_scoped3A_563 = tpu.sem_alloc : memref<!tpu.dma_semaphore, #tpu.memory_space<semaphore_mem>>
      %dma_start3A = tpu.memref_slice %arg3[%add3A_11] : memref<320000xi32, #tpu.memory_space<hbm>> -> memref<2000xi32, #tpu.memory_space<hbm>>
      %dma_start3A_564 = tpu.memref_slice %arg3[%add3A_11] : memref<320000xi32, #tpu.memory_space<hbm>> -> memref<2000xi32, #tpu.memory_space<hbm>>
      tpu.enqueue_dma source(%dma_start3A_564 : memref<2000xi32, #tpu.memory_space<hbm>>) target(%arg12 : memref<2000xi32, #tpu.memory_space<vmem>>) target_semaphore(%run_scoped3A_563 : memref<!tpu.dma_semaphore, #tpu.memory_space<semaphore_mem>>)
      %dma_wait3A = tpu.memref_slice %arg3[%add3A_11] : memref<320000xi32, #tpu.memory_space<hbm>> -> memref<2000xi32, #tpu.memory_space<hbm>>
      %dma_wait3A_565 = tpu.memref_slice %arg3[%add3A_11] : memref<320000xi32, #tpu.memory_space<hbm>> -> memref<2000xi32, #tpu.memory_space<hbm>>
      tpu.wait_dma2 semaphore(%run_scoped3A_563 : memref<!tpu.dma_semaphore, #tpu.memory_space<semaphore_mem>>) src(%dma_wait3A_565 : memref<2000xi32, #tpu.memory_space<hbm>>) dst(%arg12 : memref<2000xi32, #tpu.memory_space<vmem>>)
      tpu.yield
    }) : () -> ()
    "tpu.region"() ({
      %run_scoped3A_563 = tpu.sem_alloc : memref<!tpu.dma_semaphore, #tpu.memory_space<semaphore_mem>>
      %dma_start3A = tpu.memref_slice %arg4[%add3A_11] : memref<320000xi32, #tpu.memory_space<hbm>> -> memref<2000xi32, #tpu.memory_space<hbm>>
      %dma_start3A_564 = tpu.memref_slice %arg4[%add3A_11] : memref<320000xi32, #tpu.memory_space<hbm>> -> memref<2000xi32, #tpu.memory_space<hbm>>
      tpu.enqueue_dma source(%dma_start3A_564 : memref<2000xi32, #tpu.memory_space<hbm>>) target(%arg13 : memref<2000xi32, #tpu.memory_space<vmem>>) target_semaphore(%run_scoped3A_563 : memref<!tpu.dma_semaphore, #tpu.memory_space<semaphore_mem>>)
      %dma_wait3A = tpu.memref_slice %arg4[%add3A_11] : memref<320000xi32, #tpu.memory_space<hbm>> -> memref<2000xi32, #tpu.memory_space<hbm>>
      %dma_wait3A_565 = tpu.memref_slice %arg4[%add3A_11] : memref<320000xi32, #tpu.memory_space<hbm>> -> memref<2000xi32, #tpu.memory_space<hbm>>
      tpu.wait_dma2 semaphore(%run_scoped3A_563 : memref<!tpu.dma_semaphore, #tpu.memory_space<semaphore_mem>>) src(%dma_wait3A_565 : memref<2000xi32, #tpu.memory_space<hbm>>) dst(%arg13 : memref<2000xi32, #tpu.memory_space<vmem>>)
      tpu.yield
    }) : () -> ()
    "tpu.region"() ({
      %run_scoped3A_563 = tpu.sem_alloc : memref<!tpu.dma_semaphore, #tpu.memory_space<semaphore_mem>>
      %dma_start3A = tpu.memref_slice %arg5[%add3A_11] : memref<320000xf32, #tpu.memory_space<hbm>> -> memref<2000xf32, #tpu.memory_space<hbm>>
      %dma_start3A_564 = tpu.memref_slice %arg5[%add3A_11] : memref<320000xf32, #tpu.memory_space<hbm>> -> memref<2000xf32, #tpu.memory_space<hbm>>
      tpu.enqueue_dma source(%dma_start3A_564 : memref<2000xf32, #tpu.memory_space<hbm>>) target(%arg14 : memref<2000xf32, #tpu.memory_space<vmem>>) target_semaphore(%run_scoped3A_563 : memref<!tpu.dma_semaphore, #tpu.memory_space<semaphore_mem>>)
      %dma_wait3A = tpu.memref_slice %arg5[%add3A_11] : memref<320000xf32, #tpu.memory_space<hbm>> -> memref<2000xf32, #tpu.memory_space<hbm>>
      %dma_wait3A_565 = tpu.memref_slice %arg5[%add3A_11] : memref<320000xf32, #tpu.memory_space<hbm>> -> memref<2000xf32, #tpu.memory_space<hbm>>
      tpu.wait_dma2 semaphore(%run_scoped3A_563 : memref<!tpu.dma_semaphore, #tpu.memory_space<semaphore_mem>>) src(%dma_wait3A_565 : memref<2000xf32, #tpu.memory_space<hbm>>) dst(%arg14 : memref<2000xf32, #tpu.memory_space<vmem>>)
      tpu.yield
    }) : () -> ()
    "tpu.region"() ({
      %run_scoped3A_563 = tpu.sem_alloc : memref<!tpu.dma_semaphore, #tpu.memory_space<semaphore_mem>>
      %dma_start3A = tpu.memref_slice %arg6[%add3A_11] : memref<320000xf32, #tpu.memory_space<hbm>> -> memref<2000xf32, #tpu.memory_space<hbm>>
      %dma_start3A_564 = tpu.memref_slice %arg6[%add3A_11] : memref<320000xf32, #tpu.memory_space<hbm>> -> memref<2000xf32, #tpu.memory_space<hbm>>
      tpu.enqueue_dma source(%dma_start3A_564 : memref<2000xf32, #tpu.memory_space<hbm>>) target(%arg15 : memref<2000xf32, #tpu.memory_space<vmem>>) target_semaphore(%run_scoped3A_563 : memref<!tpu.dma_semaphore, #tpu.memory_space<semaphore_mem>>)
      %dma_wait3A = tpu.memref_slice %arg6[%add3A_11] : memref<320000xf32, #tpu.memory_space<hbm>> -> memref<2000xf32, #tpu.memory_space<hbm>>
      %dma_wait3A_565 = tpu.memref_slice %arg6[%add3A_11] : memref<320000xf32, #tpu.memory_space<hbm>> -> memref<2000xf32, #tpu.memory_space<hbm>>
      tpu.wait_dma2 semaphore(%run_scoped3A_563 : memref<!tpu.dma_semaphore, #tpu.memory_space<semaphore_mem>>) src(%dma_wait3A_565 : memref<2000xf32, #tpu.memory_space<hbm>>) dst(%arg15 : memref<2000xf32, #tpu.memory_space<vmem>>)
      tpu.yield
    }) : () -> ()
    "tpu.region"() ({
      %run_scoped3A_563 = tpu.sem_alloc : memref<!tpu.dma_semaphore, #tpu.memory_space<semaphore_mem>>
      %dma_start3A = tpu.memref_slice %arg7[%add3A_11] : memref<320000xf32, #tpu.memory_space<hbm>> -> memref<2000xf32, #tpu.memory_space<hbm>>
      %dma_start3A_564 = tpu.memref_slice %arg7[%add3A_11] : memref<320000xf32, #tpu.memory_space<hbm>> -> memref<2000xf32, #tpu.memory_space<hbm>>
      tpu.enqueue_dma source(%dma_start3A_564 : memref<2000xf32, #tpu.memory_space<hbm>>) target(%arg16 : memref<2000xf32, #tpu.memory_space<vmem>>) target_semaphore(%run_scoped3A_563 : memref<!tpu.dma_semaphore, #tpu.memory_space<semaphore_mem>>)
      %dma_wait3A = tpu.memref_slice %arg7[%add3A_11] : memref<320000xf32, #tpu.memory_space<hbm>> -> memref<2000xf32, #tpu.memory_space<hbm>>
      %dma_wait3A_565 = tpu.memref_slice %arg7[%add3A_11] : memref<320000xf32, #tpu.memory_space<hbm>> -> memref<2000xf32, #tpu.memory_space<hbm>>
      tpu.wait_dma2 semaphore(%run_scoped3A_563 : memref<!tpu.dma_semaphore, #tpu.memory_space<semaphore_mem>>) src(%dma_wait3A_565 : memref<2000xf32, #tpu.memory_space<hbm>>) dst(%arg16 : memref<2000xf32, #tpu.memory_space<vmem>>)
      tpu.yield
    }) : () -> ()
    "tpu.region"() ({
      %run_scoped3A_563 = tpu.sem_alloc : memref<!tpu.dma_semaphore, #tpu.memory_space<semaphore_mem>>
      %dma_start3A = tpu.memref_slice %arg8[%add3A_11] : memref<320000xf32, #tpu.memory_space<hbm>> -> memref<2000xf32, #tpu.memory_space<hbm>>
      %dma_start3A_564 = tpu.memref_slice %arg8[%add3A_11] : memref<320000xf32, #tpu.memory_space<hbm>> -> memref<2000xf32, #tpu.memory_space<hbm>>
      tpu.enqueue_dma source(%dma_start3A_564 : memref<2000xf32, #tpu.memory_space<hbm>>) target(%arg17 : memref<2000xf32, #tpu.memory_space<vmem>>) target_semaphore(%run_scoped3A_563 : memref<!tpu.dma_semaphore, #tpu.memory_space<semaphore_mem>>)
      %dma_wait3A = tpu.memref_slice %arg8[%add3A_11] : memref<320000xf32, #tpu.memory_space<hbm>> -> memref<2000xf32, #tpu.memory_space<hbm>>
      %dma_wait3A_565 = tpu.memref_slice %arg8[%add3A_11] : memref<320000xf32, #tpu.memory_space<hbm>> -> memref<2000xf32, #tpu.memory_space<hbm>>
      tpu.wait_dma2 semaphore(%run_scoped3A_563 : memref<!tpu.dma_semaphore, #tpu.memory_space<semaphore_mem>>) src(%dma_wait3A_565 : memref<2000xf32, #tpu.memory_space<hbm>>) dst(%arg17 : memref<2000xf32, #tpu.memory_space<vmem>>)
      tpu.yield
    }) : () -> ()
    "tpu.region"() ({
      %run_scoped3A_563 = tpu.sem_alloc : memref<!tpu.dma_semaphore, #tpu.memory_space<semaphore_mem>>
      %dma_start3A = tpu.memref_slice %arg9[%add3A_11] : memref<320000xf32, #tpu.memory_space<hbm>> -> memref<2000xf32, #tpu.memory_space<hbm>>
      %dma_start3A_564 = tpu.memref_slice %arg9[%add3A_11] : memref<320000xf32, #tpu.memory_space<hbm>> -> memref<2000xf32, #tpu.memory_space<hbm>>
      tpu.enqueue_dma source(%dma_start3A_564 : memref<2000xf32, #tpu.memory_space<hbm>>) target(%arg18 : memref<2000xf32, #tpu.memory_space<vmem>>) target_semaphore(%run_scoped3A_563 : memref<!tpu.dma_semaphore, #tpu.memory_space<semaphore_mem>>)
      %dma_wait3A = tpu.memref_slice %arg9[%add3A_11] : memref<320000xf32, #tpu.memory_space<hbm>> -> memref<2000xf32, #tpu.memory_space<hbm>>
      %dma_wait3A_565 = tpu.memref_slice %arg9[%add3A_11] : memref<320000xf32, #tpu.memory_space<hbm>> -> memref<2000xf32, #tpu.memory_space<hbm>>
      tpu.wait_dma2 semaphore(%run_scoped3A_563 : memref<!tpu.dma_semaphore, #tpu.memory_space<semaphore_mem>>) src(%dma_wait3A_565 : memref<2000xf32, #tpu.memory_space<hbm>>) dst(%arg18 : memref<2000xf32, #tpu.memory_space<vmem>>)
      tpu.yield
    }) : () -> ()
    %scan3A_12 = arith.constant 0 : i32
    %scan3A_13 = arith.constant 0 : i32
    %scan3A_14 = arith.constant 125 : i32
    %scan3A_15 = arith.addi %scan3A_13, %scan3A_14 : i32
    %scan3A_16 = arith.constant 1 : i32
    %scan3A_17 = scf.for %scan3A_563 = %scan3A_13 to %scan3A_15 step %scan3A_16 iter_args(%scan3A_564 = %scan3A_12) -> (i32)  : i32 {
      %mul3A_565 = arith.constant 16 : i32
      %mul3A_566 = arith.muli %scan3A_563, %mul3A_565 : i32
      %get3A = arith.index_cast %mul3A_566 : i32 to index
      %get3A_567 = tpu.vector_load %arg12[%get3A] {strides = array<i32>} : memref<2000xi32, #tpu.memory_space<vmem>>, vector<16xi32>,
      %get3A_568 = arith.index_cast %mul3A_566 : i32 to index
      %get3A_569 = tpu.vector_load %arg13[%get3A_568] {strides = array<i32>} : memref<2000xi32, #tpu.memory_space<vmem>>, vector<16xi32>,
      %gather3A = tpu.vector_load_idx %arg11[%get3A_567] : memref<10240xf32, #tpu.memory_space<vmem>>[vector<16xi32>], vector<16xf32>,
      %get3A_570 = arith.index_cast %mul3A_566 : i32 to index
      %get3A_571 = tpu.vector_load %arg14[%get3A_570] {strides = array<i32>} : memref<2000xf32, #tpu.memory_space<vmem>>, vector<16xf32>,
      %mul3A_572 = arith.mulf %gather3A, %get3A_571 : vector<16xf32>
      %get3A_573 = arith.index_cast %mul3A_566 : i32 to index
      %get3A_574 = tpu.vector_load %arg15[%get3A_573] {strides = array<i32>} : memref<2000xf32, #tpu.memory_space<vmem>>, vector<16xf32>,
      %add3A_575 = arith.addf %mul3A_572, %get3A_574 : vector<16xf32>
      %get3A_576 = arith.index_cast %mul3A_566 : i32 to index
      %get3A_577 = tpu.vector_load %arg16[%get3A_576] {strides = array<i32>} : memref<2000xf32, #tpu.memory_space<vmem>>, vector<16xf32>,
      %mul3A_578 = arith.mulf %add3A_575, %get3A_577 : vector<16xf32>
      %get3A_579 = arith.index_cast %mul3A_566 : i32 to index
      %get3A_580 = tpu.vector_load %arg17[%get3A_579] {strides = array<i32>} : memref<2000xf32, #tpu.memory_space<vmem>>, vector<16xf32>,
      %mul3A_581 = arith.mulf %add3A_575, %get3A_580 : vector<16xf32>
      %get3A_582 = arith.index_cast %mul3A_566 : i32 to index
      %get3A_583 = tpu.vector_load %arg18[%get3A_582] {strides = array<i32>} : memref<2000xf32, #tpu.memory_space<vmem>>, vector<16xf32>,
      %mul3A_584 = arith.mulf %add3A_575, %get3A_583 : vector<16xf32>
      %neg3A = arith.constant 0.000000e+00 : f32
      %neg3A_585 = vector.broadcast %neg3A : f32 to vector<16xf32>
      %neg3A_586 = arith.subf %neg3A_585, %mul3A_578 : vector<16xf32>
      tpu.vector_store_idx %arg19[%get3A_567], %neg3A_586 {add = true} : memref<10240xf32, #tpu.memory_space<vmem>>[vector<16xi32>], vector<16xf32>,
      %neg3A_587 = arith.constant 0.000000e+00 : f32
      %neg3A_588 = vector.broadcast %neg3A_587 : f32 to vector<16xf32>
      %neg3A_589 = arith.subf %neg3A_588, %mul3A_581 : vector<16xf32>
      tpu.vector_store_idx %arg20[%get3A_567], %neg3A_589 {add = true} : memref<10240xf32, #tpu.memory_space<vmem>>[vector<16xi32>], vector<16xf32>,
      %neg3A_590 = arith.constant 0.000000e+00 : f32
      %neg3A_591 = vector.broadcast %neg3A_590 : f32 to vector<16xf32>
      %neg3A_592 = arith.subf %neg3A_591, %mul3A_584 : vector<16xf32>
      tpu.vector_store_idx %arg21[%get3A_567], %neg3A_592 {add = true} : memref<10240xf32, #tpu.memory_space<vmem>>[vector<16xi32>], vector<16xf32>,
      tpu.vector_store_idx %arg19[%get3A_569], %mul3A_578 {add = true} : memref<10240xf32, #tpu.memory_space<vmem>>[vector<16xi32>], vector<16xf32>,
      tpu.vector_store_idx %arg20[%get3A_569], %mul3A_581 {add = true} : memref<10240xf32, #tpu.memory_space<vmem>>[vector<16xi32>], vector<16xf32>,
      tpu.vector_store_idx %arg21[%get3A_569], %mul3A_584 {add = true} : memref<10240xf32, #tpu.memory_space<vmem>>[vector<16xi32>], vector<16xf32>,
      %scan3A_593 = arith.constant 0 : i32
      scf.yield %scan3A_593 : i32
    }
    %scan3A_18 = arith.constant 125 : i32
    %add3A_19 = arith.constant 2000 : i32
    %add3A_20 = arith.addi %mul3A_2, %add3A_19 : i32
    "tpu.region"() ({
      %run_scoped3A_563 = tpu.sem_alloc : memref<!tpu.dma_semaphore, #tpu.memory_space<semaphore_mem>>
      %dma_start3A = tpu.memref_slice %arg3[%add3A_20] : memref<320000xi32, #tpu.memory_space<hbm>> -> memref<2000xi32, #tpu.memory_space<hbm>>
      %dma_start3A_564 = tpu.memref_slice %arg3[%add3A_20] : memref<320000xi32, #tpu.memory_space<hbm>> -> memref<2000xi32, #tpu.memory_space<hbm>>
      tpu.enqueue_dma source(%dma_start3A_564 : memref<2000xi32, #tpu.memory_space<hbm>>) target(%arg12 : memref<2000xi32, #tpu.memory_space<vmem>>) target_semaphore(%run_scoped3A_563 : memref<!tpu.dma_semaphore, #tpu.memory_space<semaphore_mem>>)
      %dma_wait3A = tpu.memref_slice %arg3[%add3A_20] : memref<320000xi32, #tpu.memory_space<hbm>> -> memref<2000xi32, #tpu.memory_space<hbm>>
      %dma_wait3A_565 = tpu.memref_slice %arg3[%add3A_20] : memref<320000xi32, #tpu.memory_space<hbm>> -> memref<2000xi32, #tpu.memory_space<hbm>>
      tpu.wait_dma2 semaphore(%run_scoped3A_563 : memref<!tpu.dma_semaphore, #tpu.memory_space<semaphore_mem>>) src(%dma_wait3A_565 : memref<2000xi32, #tpu.memory_space<hbm>>) dst(%arg12 : memref<2000xi32, #tpu.memory_space<vmem>>)
      tpu.yield
    }) : () -> ()
    "tpu.region"() ({
      %run_scoped3A_563 = tpu.sem_alloc : memref<!tpu.dma_semaphore, #tpu.memory_space<semaphore_mem>>
      %dma_start3A = tpu.memref_slice %arg4[%add3A_20] : memref<320000xi32, #tpu.memory_space<hbm>> -> memref<2000xi32, #tpu.memory_space<hbm>>
      %dma_start3A_564 = tpu.memref_slice %arg4[%add3A_20] : memref<320000xi32, #tpu.memory_space<hbm>> -> memref<2000xi32, #tpu.memory_space<hbm>>
      tpu.enqueue_dma source(%dma_start3A_564 : memref<2000xi32, #tpu.memory_space<hbm>>) target(%arg13 : memref<2000xi32, #tpu.memory_space<vmem>>) target_semaphore(%run_scoped3A_563 : memref<!tpu.dma_semaphore, #tpu.memory_space<semaphore_mem>>)
      %dma_wait3A = tpu.memref_slice %arg4[%add3A_20] : memref<320000xi32, #tpu.memory_space<hbm>> -> memref<2000xi32, #tpu.memory_space<hbm>>
      %dma_wait3A_565 = tpu.memref_slice %arg4[%add3A_20] : memref<320000xi32, #tpu.memory_space<hbm>> -> memref<2000xi32, #tpu.memory_space<hbm>>
      tpu.wait_dma2 semaphore(%run_scoped3A_563 : memref<!tpu.dma_semaphore, #tpu.memory_space<semaphore_mem>>) src(%dma_wait3A_565 : memref<2000xi32, #tpu.memory_space<hbm>>) dst(%arg13 : memref<2000xi32, #tpu.memory_space<vmem>>)
      tpu.yield
    }) : () -> ()
    "tpu.region"() ({
      %run_scoped3A_563 = tpu.sem_alloc : memref<!tpu.dma_semaphore, #tpu.memory_space<semaphore_mem>>
      %dma_start3A = tpu.memref_slice %arg5[%add3A_20] : memref<320000xf32, #tpu.memory_space<hbm>> -> memref<2000xf32, #tpu.memory_space<hbm>>
      %dma_start3A_564 = tpu.memref_slice %arg5[%add3A_20] : memref<320000xf32, #tpu.memory_space<hbm>> -> memref<2000xf32, #tpu.memory_space<hbm>>
      tpu.enqueue_dma source(%dma_start3A_564 : memref<2000xf32, #tpu.memory_space<hbm>>) target(%arg14 : memref<2000xf32, #tpu.memory_space<vmem>>) target_semaphore(%run_scoped3A_563 : memref<!tpu.dma_semaphore, #tpu.memory_space<semaphore_mem>>)
      %dma_wait3A = tpu.memref_slice %arg5[%add3A_20] : memref<320000xf32, #tpu.memory_space<hbm>> -> memref<2000xf32, #tpu.memory_space<hbm>>
      %dma_wait3A_565 = tpu.memref_slice %arg5[%add3A_20] : memref<320000xf32, #tpu.memory_space<hbm>> -> memref<2000xf32, #tpu.memory_space<hbm>>
      tpu.wait_dma2 semaphore(%run_scoped3A_563 : memref<!tpu.dma_semaphore, #tpu.memory_space<semaphore_mem>>) src(%dma_wait3A_565 : memref<2000xf32, #tpu.memory_space<hbm>>) dst(%arg14 : memref<2000xf32, #tpu.memory_space<vmem>>)
      tpu.yield
    }) : () -> ()
    "tpu.region"() ({
      %run_scoped3A_563 = tpu.sem_alloc : memref<!tpu.dma_semaphore, #tpu.memory_space<semaphore_mem>>
      %dma_start3A = tpu.memref_slice %arg6[%add3A_20] : memref<320000xf32, #tpu.memory_space<hbm>> -> memref<2000xf32, #tpu.memory_space<hbm>>
      %dma_start3A_564 = tpu.memref_slice %arg6[%add3A_20] : memref<320000xf32, #tpu.memory_space<hbm>> -> memref<2000xf32, #tpu.memory_space<hbm>>
      tpu.enqueue_dma source(%dma_start3A_564 : memref<2000xf32, #tpu.memory_space<hbm>>) target(%arg15 : memref<2000xf32, #tpu.memory_space<vmem>>) target_semaphore(%run_scoped3A_563 : memref<!tpu.dma_semaphore, #tpu.memory_space<semaphore_mem>>)
      %dma_wait3A = tpu.memref_slice %arg6[%add3A_20] : memref<320000xf32, #tpu.memory_space<hbm>> -> memref<2000xf32, #tpu.memory_space<hbm>>
      %dma_wait3A_565 = tpu.memref_slice %arg6[%add3A_20] : memref<320000xf32, #tpu.memory_space<hbm>> -> memref<2000xf32, #tpu.memory_space<hbm>>
      tpu.wait_dma2 semaphore(%run_scoped3A_563 : memref<!tpu.dma_semaphore, #tpu.memory_space<semaphore_mem>>) src(%dma_wait3A_565 : memref<2000xf32, #tpu.memory_space<hbm>>) dst(%arg15 : memref<2000xf32, #tpu.memory_space<vmem>>)
      tpu.yield
    }) : () -> ()
    "tpu.region"() ({
      %run_scoped3A_563 = tpu.sem_alloc : memref<!tpu.dma_semaphore, #tpu.memory_space<semaphore_mem>>
      %dma_start3A = tpu.memref_slice %arg7[%add3A_20] : memref<320000xf32, #tpu.memory_space<hbm>> -> memref<2000xf32, #tpu.memory_space<hbm>>
      %dma_start3A_564 = tpu.memref_slice %arg7[%add3A_20] : memref<320000xf32, #tpu.memory_space<hbm>> -> memref<2000xf32, #tpu.memory_space<hbm>>
      tpu.enqueue_dma source(%dma_start3A_564 : memref<2000xf32, #tpu.memory_space<hbm>>) target(%arg16 : memref<2000xf32, #tpu.memory_space<vmem>>) target_semaphore(%run_scoped3A_563 : memref<!tpu.dma_semaphore, #tpu.memory_space<semaphore_mem>>)
      %dma_wait3A = tpu.memref_slice %arg7[%add3A_20] : memref<320000xf32, #tpu.memory_space<hbm>> -> memref<2000xf32, #tpu.memory_space<hbm>>
      %dma_wait3A_565 = tpu.memref_slice %arg7[%add3A_20] : memref<320000xf32, #tpu.memory_space<hbm>> -> memref<2000xf32, #tpu.memory_space<hbm>>
      tpu.wait_dma2 semaphore(%run_scoped3A_563 : memref<!tpu.dma_semaphore, #tpu.memory_space<semaphore_mem>>) src(%dma_wait3A_565 : memref<2000xf32, #tpu.memory_space<hbm>>) dst(%arg16 : memref<2000xf32, #tpu.memory_space<vmem>>)
      tpu.yield
    }) : () -> ()
    "tpu.region"() ({
      %run_scoped3A_563 = tpu.sem_alloc : memref<!tpu.dma_semaphore, #tpu.memory_space<semaphore_mem>>
      %dma_start3A = tpu.memref_slice %arg8[%add3A_20] : memref<320000xf32, #tpu.memory_space<hbm>> -> memref<2000xf32, #tpu.memory_space<hbm>>
      %dma_start3A_564 = tpu.memref_slice %arg8[%add3A_20] : memref<320000xf32, #tpu.memory_space<hbm>> -> memref<2000xf32, #tpu.memory_space<hbm>>
      tpu.enqueue_dma source(%dma_start3A_564 : memref<2000xf32, #tpu.memory_space<hbm>>) target(%arg17 : memref<2000xf32, #tpu.memory_space<vmem>>) target_semaphore(%run_scoped3A_563 : memref<!tpu.dma_semaphore, #tpu.memory_space<semaphore_mem>>)
      %dma_wait3A = tpu.memref_slice %arg8[%add3A_20] : memref<320000xf32, #tpu.memory_space<hbm>> -> memref<2000xf32, #tpu.memory_space<hbm>>
      %dma_wait3A_565 = tpu.memref_slice %arg8[%add3A_20] : memref<320000xf32, #tpu.memory_space<hbm>> -> memref<2000xf32, #tpu.memory_space<hbm>>
      tpu.wait_dma2 semaphore(%run_scoped3A_563 : memref<!tpu.dma_semaphore, #tpu.memory_space<semaphore_mem>>) src(%dma_wait3A_565 : memref<2000xf32, #tpu.memory_space<hbm>>) dst(%arg17 : memref<2000xf32, #tpu.memory_space<vmem>>)
      tpu.yield
    }) : () -> ()
    "tpu.region"() ({
      %run_scoped3A_563 = tpu.sem_alloc : memref<!tpu.dma_semaphore, #tpu.memory_space<semaphore_mem>>
      %dma_start3A = tpu.memref_slice %arg9[%add3A_20] : memref<320000xf32, #tpu.memory_space<hbm>> -> memref<2000xf32, #tpu.memory_space<hbm>>
      %dma_start3A_564 = tpu.memref_slice %arg9[%add3A_20] : memref<320000xf32, #tpu.memory_space<hbm>> -> memref<2000xf32, #tpu.memory_space<hbm>>
      tpu.enqueue_dma source(%dma_start3A_564 : memref<2000xf32, #tpu.memory_space<hbm>>) target(%arg18 : memref<2000xf32, #tpu.memory_space<vmem>>) target_semaphore(%run_scoped3A_563 : memref<!tpu.dma_semaphore, #tpu.memory_space<semaphore_mem>>)
      %dma_wait3A = tpu.memref_slice %arg9[%add3A_20] : memref<320000xf32, #tpu.memory_space<hbm>> -> memref<2000xf32, #tpu.memory_space<hbm>>
      %dma_wait3A_565 = tpu.memref_slice %arg9[%add3A_20] : memref<320000xf32, #tpu.memory_space<hbm>> -> memref<2000xf32, #tpu.memory_space<hbm>>
      tpu.wait_dma2 semaphore(%run_scoped3A_563 : memref<!tpu.dma_semaphore, #tpu.memory_space<semaphore_mem>>) src(%dma_wait3A_565 : memref<2000xf32, #tpu.memory_space<hbm>>) dst(%arg18 : memref<2000xf32, #tpu.memory_space<vmem>>)
      tpu.yield
    }) : () -> ()
    %scan3A_21 = arith.constant 0 : i32
    %scan3A_22 = arith.constant 0 : i32
    %scan3A_23 = arith.constant 125 : i32
    %scan3A_24 = arith.addi %scan3A_22, %scan3A_23 : i32
    %scan3A_25 = arith.constant 1 : i32
    %scan3A_26 = scf.for %scan3A_563 = %scan3A_22 to %scan3A_24 step %scan3A_25 iter_args(%scan3A_564 = %scan3A_21) -> (i32)  : i32 {
      %mul3A_565 = arith.constant 16 : i32
      %mul3A_566 = arith.muli %scan3A_563, %mul3A_565 : i32
      %get3A = arith.index_cast %mul3A_566 : i32 to index
      %get3A_567 = tpu.vector_load %arg12[%get3A] {strides = array<i32>} : memref<2000xi32, #tpu.memory_space<vmem>>, vector<16xi32>,
      %get3A_568 = arith.index_cast %mul3A_566 : i32 to index
      %get3A_569 = tpu.vector_load %arg13[%get3A_568] {strides = array<i32>} : memref<2000xi32, #tpu.memory_space<vmem>>, vector<16xi32>,
      %gather3A = tpu.vector_load_idx %arg11[%get3A_567] : memref<10240xf32, #tpu.memory_space<vmem>>[vector<16xi32>], vector<16xf32>,
      %get3A_570 = arith.index_cast %mul3A_566 : i32 to index
      %get3A_571 = tpu.vector_load %arg14[%get3A_570] {strides = array<i32>} : memref<2000xf32, #tpu.memory_space<vmem>>, vector<16xf32>,
      %mul3A_572 = arith.mulf %gather3A, %get3A_571 : vector<16xf32>
      %get3A_573 = arith.index_cast %mul3A_566 : i32 to index
      %get3A_574 = tpu.vector_load %arg15[%get3A_573] {strides = array<i32>} : memref<2000xf32, #tpu.memory_space<vmem>>, vector<16xf32>,
      %add3A_575 = arith.addf %mul3A_572, %get3A_574 : vector<16xf32>
      %get3A_576 = arith.index_cast %mul3A_566 : i32 to index
      %get3A_577 = tpu.vector_load %arg16[%get3A_576] {strides = array<i32>} : memref<2000xf32, #tpu.memory_space<vmem>>, vector<16xf32>,
      %mul3A_578 = arith.mulf %add3A_575, %get3A_577 : vector<16xf32>
      %get3A_579 = arith.index_cast %mul3A_566 : i32 to index
      %get3A_580 = tpu.vector_load %arg17[%get3A_579] {strides = array<i32>} : memref<2000xf32, #tpu.memory_space<vmem>>, vector<16xf32>,
      %mul3A_581 = arith.mulf %add3A_575, %get3A_580 : vector<16xf32>
      %get3A_582 = arith.index_cast %mul3A_566 : i32 to index
      %get3A_583 = tpu.vector_load %arg18[%get3A_582] {strides = array<i32>} : memref<2000xf32, #tpu.memory_space<vmem>>, vector<16xf32>,
      %mul3A_584 = arith.mulf %add3A_575, %get3A_583 : vector<16xf32>
      %neg3A = arith.constant 0.000000e+00 : f32
      %neg3A_585 = vector.broadcast %neg3A : f32 to vector<16xf32>
      %neg3A_586 = arith.subf %neg3A_585, %mul3A_578 : vector<16xf32>
      tpu.vector_store_idx %arg19[%get3A_567], %neg3A_586 {add = true} : memref<10240xf32, #tpu.memory_space<vmem>>[vector<16xi32>], vector<16xf32>,
      %neg3A_587 = arith.constant 0.000000e+00 : f32
      %neg3A_588 = vector.broadcast %neg3A_587 : f32 to vector<16xf32>
      %neg3A_589 = arith.subf %neg3A_588, %mul3A_581 : vector<16xf32>
      tpu.vector_store_idx %arg20[%get3A_567], %neg3A_589 {add = true} : memref<10240xf32, #tpu.memory_space<vmem>>[vector<16xi32>], vector<16xf32>,
      %neg3A_590 = arith.constant 0.000000e+00 : f32
      %neg3A_591 = vector.broadcast %neg3A_590 : f32 to vector<16xf32>
      %neg3A_592 = arith.subf %neg3A_591, %mul3A_584 : vector<16xf32>
      tpu.vector_store_idx %arg21[%get3A_567], %neg3A_592 {add = true} : memref<10240xf32, #tpu.memory_space<vmem>>[vector<16xi32>], vector<16xf32>,
      tpu.vector_store_idx %arg19[%get3A_569], %mul3A_578 {add = true} : memref<10240xf32, #tpu.memory_space<vmem>>[vector<16xi32>], vector<16xf32>,
      tpu.vector_store_idx %arg20[%get3A_569], %mul3A_581 {add = true} : memref<10240xf32, #tpu.memory_space<vmem>>[vector<16xi32>], vector<16xf32>,
      tpu.vector_store_idx %arg21[%get3A_569], %mul3A_584 {add = true} : memref<10240xf32, #tpu.memory_space<vmem>>[vector<16xi32>], vector<16xf32>,
      %scan3A_593 = arith.constant 0 : i32
      scf.yield %scan3A_593 : i32
    }
    %scan3A_27 = arith.constant 125 : i32
    %add3A_28 = arith.constant 4000 : i32
    %add3A_29 = arith.addi %mul3A_2, %add3A_28 : i32
    "tpu.region"() ({
      %run_scoped3A_563 = tpu.sem_alloc : memref<!tpu.dma_semaphore, #tpu.memory_space<semaphore_mem>>
      %dma_start3A = tpu.memref_slice %arg3[%add3A_29] : memref<320000xi32, #tpu.memory_space<hbm>> -> memref<2000xi32, #tpu.memory_space<hbm>>
      %dma_start3A_564 = tpu.memref_slice %arg3[%add3A_29] : memref<320000xi32, #tpu.memory_space<hbm>> -> memref<2000xi32, #tpu.memory_space<hbm>>
      tpu.enqueue_dma source(%dma_start3A_564 : memref<2000xi32, #tpu.memory_space<hbm>>) target(%arg12 : memref<2000xi32, #tpu.memory_space<vmem>>) target_semaphore(%run_scoped3A_563 : memref<!tpu.dma_semaphore, #tpu.memory_space<semaphore_mem>>)
      %dma_wait3A = tpu.memref_slice %arg3[%add3A_29] : memref<320000xi32, #tpu.memory_space<hbm>> -> memref<2000xi32, #tpu.memory_space<hbm>>
      %dma_wait3A_565 = tpu.memref_slice %arg3[%add3A_29] : memref<320000xi32, #tpu.memory_space<hbm>> -> memref<2000xi32, #tpu.memory_space<hbm>>
      tpu.wait_dma2 semaphore(%run_scoped3A_563 : memref<!tpu.dma_semaphore, #tpu.memory_space<semaphore_mem>>) src(%dma_wait3A_565 : memref<2000xi32, #tpu.memory_space<hbm>>) dst(%arg12 : memref<2000xi32, #tpu.memory_space<vmem>>)
      tpu.yield
    }) : () -> ()
    "tpu.region"() ({
      %run_scoped3A_563 = tpu.sem_alloc : memref<!tpu.dma_semaphore, #tpu.memory_space<semaphore_mem>>
      %dma_start3A = tpu.memref_slice %arg4[%add3A_29] : memref<320000xi32, #tpu.memory_space<hbm>> -> memref<2000xi32, #tpu.memory_space<hbm>>
      %dma_start3A_564 = tpu.memref_slice %arg4[%add3A_29] : memref<320000xi32, #tpu.memory_space<hbm>> -> memref<2000xi32, #tpu.memory_space<hbm>>
      tpu.enqueue_dma source(%dma_start3A_564 : memref<2000xi32, #tpu.memory_space<hbm>>) target(%arg13 : memref<2000xi32, #tpu.memory_space<vmem>>) target_semaphore(%run_scoped3A_563 : memref<!tpu.dma_semaphore, #tpu.memory_space<semaphore_mem>>)
      %dma_wait3A = tpu.memref_slice %arg4[%add3A_29] : memref<320000xi32, #tpu.memory_space<hbm>> -> memref<2000xi32, #tpu.memory_space<hbm>>
      %dma_wait3A_565 = tpu.memref_slice %arg4[%add3A_29] : memref<320000xi32, #tpu.memory_space<hbm>> -> memref<2000xi32, #tpu.memory_space<hbm>>
      tpu.wait_dma2 semaphore(%run_scoped3A_563 : memref<!tpu.dma_semaphore, #tpu.memory_space<semaphore_mem>>) src(%dma_wait3A_565 : memref<2000xi32, #tpu.memory_space<hbm>>) dst(%arg13 : memref<2000xi32, #tpu.memory_space<vmem>>)
      tpu.yield
    }) : () -> ()
    "tpu.region"() ({
      %run_scoped3A_563 = tpu.sem_alloc : memref<!tpu.dma_semaphore, #tpu.memory_space<semaphore_mem>>
      %dma_start3A = tpu.memref_slice %arg5[%add3A_29] : memref<320000xf32, #tpu.memory_space<hbm>> -> memref<2000xf32, #tpu.memory_space<hbm>>
      %dma_start3A_564 = tpu.memref_slice %arg5[%add3A_29] : memref<320000xf32, #tpu.memory_space<hbm>> -> memref<2000xf32, #tpu.memory_space<hbm>>
      tpu.enqueue_dma source(%dma_start3A_564 : memref<2000xf32, #tpu.memory_space<hbm>>) target(%arg14 : memref<2000xf32, #tpu.memory_space<vmem>>) target_semaphore(%run_scoped3A_563 : memref<!tpu.dma_semaphore, #tpu.memory_space<semaphore_mem>>)
      %dma_wait3A = tpu.memref_slice %arg5[%add3A_29] : memref<320000xf32, #tpu.memory_space<hbm>> -> memref<2000xf32, #tpu.memory_space<hbm>>
      %dma_wait3A_565 = tpu.memref_slice %arg5[%add3A_29] : memref<320000xf32, #tpu.memory_space<hbm>> -> memref<2000xf32, #tpu.memory_space<hbm>>
      tpu.wait_dma2 semaphore(%run_scoped3A_563 : memref<!tpu.dma_semaphore, #tpu.memory_space<semaphore_mem>>) src(%dma_wait3A_565 : memref<2000xf32, #tpu.memory_space<hbm>>) dst(%arg14 : memref<2000xf32, #tpu.memory_space<vmem>>)
      tpu.yield
    }) : () -> ()
    "tpu.region"() ({
      %run_scoped3A_563 = tpu.sem_alloc : memref<!tpu.dma_semaphore, #tpu.memory_space<semaphore_mem>>
      %dma_start3A = tpu.memref_slice %arg6[%add3A_29] : memref<320000xf32, #tpu.memory_space<hbm>> -> memref<2000xf32, #tpu.memory_space<hbm>>
      %dma_start3A_564 = tpu.memref_slice %arg6[%add3A_29] : memref<320000xf32, #tpu.memory_space<hbm>> -> memref<2000xf32, #tpu.memory_space<hbm>>
      tpu.enqueue_dma source(%dma_start3A_564 : memref<2000xf32, #tpu.memory_space<hbm>>) target(%arg15 : memref<2000xf32, #tpu.memory_space<vmem>>) target_semaphore(%run_scoped3A_563 : memref<!tpu.dma_semaphore, #tpu.memory_space<semaphore_mem>>)
      %dma_wait3A = tpu.memref_slice %arg6[%add3A_29] : memref<320000xf32, #tpu.memory_space<hbm>> -> memref<2000xf32, #tpu.memory_space<hbm>>
      %dma_wait3A_565 = tpu.memref_slice %arg6[%add3A_29] : memref<320000xf32, #tpu.memory_space<hbm>> -> memref<2000xf32, #tpu.memory_space<hbm>>
      tpu.wait_dma2 semaphore(%run_scoped3A_563 : memref<!tpu.dma_semaphore, #tpu.memory_space<semaphore_mem>>) src(%dma_wait3A_565 : memref<2000xf32, #tpu.memory_space<hbm>>) dst(%arg15 : memref<2000xf32, #tpu.memory_space<vmem>>)
      tpu.yield
    }) : () -> ()
    "tpu.region"() ({
      %run_scoped3A_563 = tpu.sem_alloc : memref<!tpu.dma_semaphore, #tpu.memory_space<semaphore_mem>>
      %dma_start3A = tpu.memref_slice %arg7[%add3A_29] : memref<320000xf32, #tpu.memory_space<hbm>> -> memref<2000xf32, #tpu.memory_space<hbm>>
      %dma_start3A_564 = tpu.memref_slice %arg7[%add3A_29] : memref<320000xf32, #tpu.memory_space<hbm>> -> memref<2000xf32, #tpu.memory_space<hbm>>
      tpu.enqueue_dma source(%dma_start3A_564 : memref<2000xf32, #tpu.memory_space<hbm>>) target(%arg16 : memref<2000xf32, #tpu.memory_space<vmem>>) target_semaphore(%run_scoped3A_563 : memref<!tpu.dma_semaphore, #tpu.memory_space<semaphore_mem>>)
      %dma_wait3A = tpu.memref_slice %arg7[%add3A_29] : memref<320000xf32, #tpu.memory_space<hbm>> -> memref<2000xf32, #tpu.memory_space<hbm>>
      %dma_wait3A_565 = tpu.memref_slice %arg7[%add3A_29] : memref<320000xf32, #tpu.memory_space<hbm>> -> memref<2000xf32, #tpu.memory_space<hbm>>
      tpu.wait_dma2 semaphore(%run_scoped3A_563 : memref<!tpu.dma_semaphore, #tpu.memory_space<semaphore_mem>>) src(%dma_wait3A_565 : memref<2000xf32, #tpu.memory_space<hbm>>) dst(%arg16 : memref<2000xf32, #tpu.memory_space<vmem>>)
      tpu.yield
    }) : () -> ()
    "tpu.region"() ({
      %run_scoped3A_563 = tpu.sem_alloc : memref<!tpu.dma_semaphore, #tpu.memory_space<semaphore_mem>>
      %dma_start3A = tpu.memref_slice %arg8[%add3A_29] : memref<320000xf32, #tpu.memory_space<hbm>> -> memref<2000xf32, #tpu.memory_space<hbm>>
      %dma_start3A_564 = tpu.memref_slice %arg8[%add3A_29] : memref<320000xf32, #tpu.memory_space<hbm>> -> memref<2000xf32, #tpu.memory_space<hbm>>
      tpu.enqueue_dma source(%dma_start3A_564 : memref<2000xf32, #tpu.memory_space<hbm>>) target(%arg17 : memref<2000xf32, #tpu.memory_space<vmem>>) target_semaphore(%run_scoped3A_563 : memref<!tpu.dma_semaphore, #tpu.memory_space<semaphore_mem>>)
      %dma_wait3A = tpu.memref_slice %arg8[%add3A_29] : memref<320000xf32, #tpu.memory_space<hbm>> -> memref<2000xf32, #tpu.memory_space<hbm>>
      %dma_wait3A_565 = tpu.memref_slice %arg8[%add3A_29] : memref<320000xf32, #tpu.memory_space<hbm>> -> memref<2000xf32, #tpu.memory_space<hbm>>
      tpu.wait_dma2 semaphore(%run_scoped3A_563 : memref<!tpu.dma_semaphore, #tpu.memory_space<semaphore_mem>>) src(%dma_wait3A_565 : memref<2000xf32, #tpu.memory_space<hbm>>) dst(%arg17 : memref<2000xf32, #tpu.memory_space<vmem>>)
      tpu.yield
    }) : () -> ()
    "tpu.region"() ({
      %run_scoped3A_563 = tpu.sem_alloc : memref<!tpu.dma_semaphore, #tpu.memory_space<semaphore_mem>>
      %dma_start3A = tpu.memref_slice %arg9[%add3A_29] : memref<320000xf32, #tpu.memory_space<hbm>> -> memref<2000xf32, #tpu.memory_space<hbm>>
      %dma_start3A_564 = tpu.memref_slice %arg9[%add3A_29] : memref<320000xf32, #tpu.memory_space<hbm>> -> memref<2000xf32, #tpu.memory_space<hbm>>
      tpu.enqueue_dma source(%dma_start3A_564 : memref<2000xf32, #tpu.memory_space<hbm>>) target(%arg18 : memref<2000xf32, #tpu.memory_space<vmem>>) target_semaphore(%run_scoped3A_563 : memref<!tpu.dma_semaphore, #tpu.memory_space<semaphore_mem>>)
      %dma_wait3A = tpu.memref_slice %arg9[%add3A_29] : memref<320000xf32, #tpu.memory_space<hbm>> -> memref<2000xf32, #tpu.memory_space<hbm>>
      %dma_wait3A_565 = tpu.memref_slice %arg9[%add3A_29] : memref<320000xf32, #tpu.memory_space<hbm>> -> memref<2000xf32, #tpu.memory_space<hbm>>
      tpu.wait_dma2 semaphore(%run_scoped3A_563 : memref<!tpu.dma_semaphore, #tpu.memory_space<semaphore_mem>>) src(%dma_wait3A_565 : memref<2000xf32, #tpu.memory_space<hbm>>) dst(%arg18 : memref<2000xf32, #tpu.memory_space<vmem>>)
      tpu.yield
    }) : () -> ()
    %scan3A_30 = arith.constant 0 : i32
    %scan3A_31 = arith.constant 0 : i32
    %scan3A_32 = arith.constant 125 : i32
    %scan3A_33 = arith.addi %scan3A_31, %scan3A_32 : i32
    %scan3A_34 = arith.constant 1 : i32
    %scan3A_35 = scf.for %scan3A_563 = %scan3A_31 to %scan3A_33 step %scan3A_34 iter_args(%scan3A_564 = %scan3A_30) -> (i32)  : i32 {
      %mul3A_565 = arith.constant 16 : i32
      %mul3A_566 = arith.muli %scan3A_563, %mul3A_565 : i32
      %get3A = arith.index_cast %mul3A_566 : i32 to index
      %get3A_567 = tpu.vector_load %arg12[%get3A] {strides = array<i32>} : memref<2000xi32, #tpu.memory_space<vmem>>, vector<16xi32>,
      %get3A_568 = arith.index_cast %mul3A_566 : i32 to index
      %get3A_569 = tpu.vector_load %arg13[%get3A_568] {strides = array<i32>} : memref<2000xi32, #tpu.memory_space<vmem>>, vector<16xi32>,
      %gather3A = tpu.vector_load_idx %arg11[%get3A_567] : memref<10240xf32, #tpu.memory_space<vmem>>[vector<16xi32>], vector<16xf32>,
      %get3A_570 = arith.index_cast %mul3A_566 : i32 to index
      %get3A_571 = tpu.vector_load %arg14[%get3A_570] {strides = array<i32>} : memref<2000xf32, #tpu.memory_space<vmem>>, vector<16xf32>,
      %mul3A_572 = arith.mulf %gather3A, %get3A_571 : vector<16xf32>
      %get3A_573 = arith.index_cast %mul3A_566 : i32 to index
      %get3A_574 = tpu.vector_load %arg15[%get3A_573] {strides = array<i32>} : memref<2000xf32, #tpu.memory_space<vmem>>, vector<16xf32>,
      %add3A_575 = arith.addf %mul3A_572, %get3A_574 : vector<16xf32>
      %get3A_576 = arith.index_cast %mul3A_566 : i32 to index
      %get3A_577 = tpu.vector_load %arg16[%get3A_576] {strides = array<i32>} : memref<2000xf32, #tpu.memory_space<vmem>>, vector<16xf32>,
      %mul3A_578 = arith.mulf %add3A_575, %get3A_577 : vector<16xf32>
      %get3A_579 = arith.index_cast %mul3A_566 : i32 to index
      %get3A_580 = tpu.vector_load %arg17[%get3A_579] {strides = array<i32>} : memref<2000xf32, #tpu.memory_space<vmem>>, vector<16xf32>,
      %mul3A_581 = arith.mulf %add3A_575, %get3A_580 : vector<16xf32>
      %get3A_582 = arith.index_cast %mul3A_566 : i32 to index
      %get3A_583 = tpu.vector_load %arg18[%get3A_582] {strides = array<i32>} : memref<2000xf32, #tpu.memory_space<vmem>>, vector<16xf32>,
      %mul3A_584 = arith.mulf %add3A_575, %get3A_583 : vector<16xf32>
      %neg3A = arith.constant 0.000000e+00 : f32
      %neg3A_585 = vector.broadcast %neg3A : f32 to vector<16xf32>
      %neg3A_586 = arith.subf %neg3A_585, %mul3A_578 : vector<16xf32>
      tpu.vector_store_idx %arg19[%get3A_567], %neg3A_586 {add = true} : memref<10240xf32, #tpu.memory_space<vmem>>[vector<16xi32>], vector<16xf32>,
      %neg3A_587 = arith.constant 0.000000e+00 : f32
      %neg3A_588 = vector.broadcast %neg3A_587 : f32 to vector<16xf32>
      %neg3A_589 = arith.subf %neg3A_588, %mul3A_581 : vector<16xf32>
      tpu.vector_store_idx %arg20[%get3A_567], %neg3A_589 {add = true} : memref<10240xf32, #tpu.memory_space<vmem>>[vector<16xi32>], vector<16xf32>,
      %neg3A_590 = arith.constant 0.000000e+00 : f32
      %neg3A_591 = vector.broadcast %neg3A_590 : f32 to vector<16xf32>
      %neg3A_592 = arith.subf %neg3A_591, %mul3A_584 : vector<16xf32>
      tpu.vector_store_idx %arg21[%get3A_567], %neg3A_592 {add = true} : memref<10240xf32, #tpu.memory_space<vmem>>[vector<16xi32>], vector<16xf32>,
      tpu.vector_store_idx %arg19[%get3A_569], %mul3A_578 {add = true} : memref<10240xf32, #tpu.memory_space<vmem>>[vector<16xi32>], vector<16xf32>,
      tpu.vector_store_idx %arg20[%get3A_569], %mul3A_581 {add = true} : memref<10240xf32, #tpu.memory_space<vmem>>[vector<16xi32>], vector<16xf32>,
      tpu.vector_store_idx %arg21[%get3A_569], %mul3A_584 {add = true} : memref<10240xf32, #tpu.memory_space<vmem>>[vector<16xi32>], vector<16xf32>,
      %scan3A_593 = arith.constant 0 : i32
      scf.yield %scan3A_593 : i32
    }
    %scan3A_36 = arith.constant 125 : i32
    %add3A_37 = arith.constant 6000 : i32
    %add3A_38 = arith.addi %mul3A_2, %add3A_37 : i32
    "tpu.region"() ({
      %run_scoped3A_563 = tpu.sem_alloc : memref<!tpu.dma_semaphore, #tpu.memory_space<semaphore_mem>>
      %dma_start3A = tpu.memref_slice %arg3[%add3A_38] : memref<320000xi32, #tpu.memory_space<hbm>> -> memref<2000xi32, #tpu.memory_space<hbm>>
      %dma_start3A_564 = tpu.memref_slice %arg3[%add3A_38] : memref<320000xi32, #tpu.memory_space<hbm>> -> memref<2000xi32, #tpu.memory_space<hbm>>
      tpu.enqueue_dma source(%dma_start3A_564 : memref<2000xi32, #tpu.memory_space<hbm>>) target(%arg12 : memref<2000xi32, #tpu.memory_space<vmem>>) target_semaphore(%run_scoped3A_563 : memref<!tpu.dma_semaphore, #tpu.memory_space<semaphore_mem>>)
      %dma_wait3A = tpu.memref_slice %arg3[%add3A_38] : memref<320000xi32, #tpu.memory_space<hbm>> -> memref<2000xi32, #tpu.memory_space<hbm>>
      %dma_wait3A_565 = tpu.memref_slice %arg3[%add3A_38] : memref<320000xi32, #tpu.memory_space<hbm>> -> memref<2000xi32, #tpu.memory_space<hbm>>
      tpu.wait_dma2 semaphore(%run_scoped3A_563 : memref<!tpu.dma_semaphore, #tpu.memory_space<semaphore_mem>>) src(%dma_wait3A_565 : memref<2000xi32, #tpu.memory_space<hbm>>) dst(%arg12 : memref<2000xi32, #tpu.memory_space<vmem>>)
      tpu.yield
    }) : () -> ()
    "tpu.region"() ({
      %run_scoped3A_563 = tpu.sem_alloc : memref<!tpu.dma_semaphore, #tpu.memory_space<semaphore_mem>>
      %dma_start3A = tpu.memref_slice %arg4[%add3A_38] : memref<320000xi32, #tpu.memory_space<hbm>> -> memref<2000xi32, #tpu.memory_space<hbm>>
      %dma_start3A_564 = tpu.memref_slice %arg4[%add3A_38] : memref<320000xi32, #tpu.memory_space<hbm>> -> memref<2000xi32, #tpu.memory_space<hbm>>
      tpu.enqueue_dma source(%dma_start3A_564 : memref<2000xi32, #tpu.memory_space<hbm>>) target(%arg13 : memref<2000xi32, #tpu.memory_space<vmem>>) target_semaphore(%run_scoped3A_563 : memref<!tpu.dma_semaphore, #tpu.memory_space<semaphore_mem>>)
      %dma_wait3A = tpu.memref_slice %arg4[%add3A_38] : memref<320000xi32, #tpu.memory_space<hbm>> -> memref<2000xi32, #tpu.memory_space<hbm>>
      %dma_wait3A_565 = tpu.memref_slice %arg4[%add3A_38] : memref<320000xi32, #tpu.memory_space<hbm>> -> memref<2000xi32, #tpu.memory_space<hbm>>
      tpu.wait_dma2 semaphore(%run_scoped3A_563 : memref<!tpu.dma_semaphore, #tpu.memory_space<semaphore_mem>>) src(%dma_wait3A_565 : memref<2000xi32, #tpu.memory_space<hbm>>) dst(%arg13 : memref<2000xi32, #tpu.memory_space<vmem>>)
      tpu.yield
    }) : () -> ()
    "tpu.region"() ({
      %run_scoped3A_563 = tpu.sem_alloc : memref<!tpu.dma_semaphore, #tpu.memory_space<semaphore_mem>>
      %dma_start3A = tpu.memref_slice %arg5[%add3A_38] : memref<320000xf32, #tpu.memory_space<hbm>> -> memref<2000xf32, #tpu.memory_space<hbm>>
      %dma_start3A_564 = tpu.memref_slice %arg5[%add3A_38] : memref<320000xf32, #tpu.memory_space<hbm>> -> memref<2000xf32, #tpu.memory_space<hbm>>
      tpu.enqueue_dma source(%dma_start3A_564 : memref<2000xf32, #tpu.memory_space<hbm>>) target(%arg14 : memref<2000xf32, #tpu.memory_space<vmem>>) target_semaphore(%run_scoped3A_563 : memref<!tpu.dma_semaphore, #tpu.memory_space<semaphore_mem>>)
      %dma_wait3A = tpu.memref_slice %arg5[%add3A_38] : memref<320000xf32, #tpu.memory_space<hbm>> -> memref<2000xf32, #tpu.memory_space<hbm>>
      %dma_wait3A_565 = tpu.memref_slice %arg5[%add3A_38] : memref<320000xf32, #tpu.memory_space<hbm>> -> memref<2000xf32, #tpu.memory_space<hbm>>
      tpu.wait_dma2 semaphore(%run_scoped3A_563 : memref<!tpu.dma_semaphore, #tpu.memory_space<semaphore_mem>>) src(%dma_wait3A_565 : memref<2000xf32, #tpu.memory_space<hbm>>) dst(%arg14 : memref<2000xf32, #tpu.memory_space<vmem>>)
      tpu.yield
    }) : () -> ()
    "tpu.region"() ({
      %run_scoped3A_563 = tpu.sem_alloc : memref<!tpu.dma_semaphore, #tpu.memory_space<semaphore_mem>>
      %dma_start3A = tpu.memref_slice %arg6[%add3A_38] : memref<320000xf32, #tpu.memory_space<hbm>> -> memref<2000xf32, #tpu.memory_space<hbm>>
      %dma_start3A_564 = tpu.memref_slice %arg6[%add3A_38] : memref<320000xf32, #tpu.memory_space<hbm>> -> memref<2000xf32, #tpu.memory_space<hbm>>
      tpu.enqueue_dma source(%dma_start3A_564 : memref<2000xf32, #tpu.memory_space<hbm>>) target(%arg15 : memref<2000xf32, #tpu.memory_space<vmem>>) target_semaphore(%run_scoped3A_563 : memref<!tpu.dma_semaphore, #tpu.memory_space<semaphore_mem>>)
      %dma_wait3A = tpu.memref_slice %arg6[%add3A_38] : memref<320000xf32, #tpu.memory_space<hbm>> -> memref<2000xf32, #tpu.memory_space<hbm>>
      %dma_wait3A_565 = tpu.memref_slice %arg6[%add3A_38] : memref<320000xf32, #tpu.memory_space<hbm>> -> memref<2000xf32, #tpu.memory_space<hbm>>
      tpu.wait_dma2 semaphore(%run_scoped3A_563 : memref<!tpu.dma_semaphore, #tpu.memory_space<semaphore_mem>>) src(%dma_wait3A_565 : memref<2000xf32, #tpu.memory_space<hbm>>) dst(%arg15 : memref<2000xf32, #tpu.memory_space<vmem>>)
      tpu.yield
    }) : () -> ()
    "tpu.region"() ({
      %run_scoped3A_563 = tpu.sem_alloc : memref<!tpu.dma_semaphore, #tpu.memory_space<semaphore_mem>>
      %dma_start3A = tpu.memref_slice %arg7[%add3A_38] : memref<320000xf32, #tpu.memory_space<hbm>> -> memref<2000xf32, #tpu.memory_space<hbm>>
      %dma_start3A_564 = tpu.memref_slice %arg7[%add3A_38] : memref<320000xf32, #tpu.memory_space<hbm>> -> memref<2000xf32, #tpu.memory_space<hbm>>
      tpu.enqueue_dma source(%dma_start3A_564 : memref<2000xf32, #tpu.memory_space<hbm>>) target(%arg16 : memref<2000xf32, #tpu.memory_space<vmem>>) target_semaphore(%run_scoped3A_563 : memref<!tpu.dma_semaphore, #tpu.memory_space<semaphore_mem>>)
      %dma_wait3A = tpu.memref_slice %arg7[%add3A_38] : memref<320000xf32, #tpu.memory_space<hbm>> -> memref<2000xf32, #tpu.memory_space<hbm>>
      %dma_wait3A_565 = tpu.memref_slice %arg7[%add3A_38] : memref<320000xf32, #tpu.memory_space<hbm>> -> memref<2000xf32, #tpu.memory_space<hbm>>
      tpu.wait_dma2 semaphore(%run_scoped3A_563 : memref<!tpu.dma_semaphore, #tpu.memory_space<semaphore_mem>>) src(%dma_wait3A_565 : memref<2000xf32, #tpu.memory_space<hbm>>) dst(%arg16 : memref<2000xf32, #tpu.memory_space<vmem>>)
      tpu.yield
    }) : () -> ()
    "tpu.region"() ({
      %run_scoped3A_563 = tpu.sem_alloc : memref<!tpu.dma_semaphore, #tpu.memory_space<semaphore_mem>>
      %dma_start3A = tpu.memref_slice %arg8[%add3A_38] : memref<320000xf32, #tpu.memory_space<hbm>> -> memref<2000xf32, #tpu.memory_space<hbm>>
      %dma_start3A_564 = tpu.memref_slice %arg8[%add3A_38] : memref<320000xf32, #tpu.memory_space<hbm>> -> memref<2000xf32, #tpu.memory_space<hbm>>
      tpu.enqueue_dma source(%dma_start3A_564 : memref<2000xf32, #tpu.memory_space<hbm>>) target(%arg17 : memref<2000xf32, #tpu.memory_space<vmem>>) target_semaphore(%run_scoped3A_563 : memref<!tpu.dma_semaphore, #tpu.memory_space<semaphore_mem>>)
      %dma_wait3A = tpu.memref_slice %arg8[%add3A_38] : memref<320000xf32, #tpu.memory_space<hbm>> -> memref<2000xf32, #tpu.memory_space<hbm>>
      %dma_wait3A_565 = tpu.memref_slice %arg8[%add3A_38] : memref<320000xf32, #tpu.memory_space<hbm>> -> memref<2000xf32, #tpu.memory_space<hbm>>
      tpu.wait_dma2 semaphore(%run_scoped3A_563 : memref<!tpu.dma_semaphore, #tpu.memory_space<semaphore_mem>>) src(%dma_wait3A_565 : memref<2000xf32, #tpu.memory_space<hbm>>) dst(%arg17 : memref<2000xf32, #tpu.memory_space<vmem>>)
      tpu.yield
    }) : () -> ()
    "tpu.region"() ({
      %run_scoped3A_563 = tpu.sem_alloc : memref<!tpu.dma_semaphore, #tpu.memory_space<semaphore_mem>>
      %dma_start3A = tpu.memref_slice %arg9[%add3A_38] : memref<320000xf32, #tpu.memory_space<hbm>> -> memref<2000xf32, #tpu.memory_space<hbm>>
      %dma_start3A_564 = tpu.memref_slice %arg9[%add3A_38] : memref<320000xf32, #tpu.memory_space<hbm>> -> memref<2000xf32, #tpu.memory_space<hbm>>
      tpu.enqueue_dma source(%dma_start3A_564 : memref<2000xf32, #tpu.memory_space<hbm>>) target(%arg18 : memref<2000xf32, #tpu.memory_space<vmem>>) target_semaphore(%run_scoped3A_563 : memref<!tpu.dma_semaphore, #tpu.memory_space<semaphore_mem>>)
      %dma_wait3A = tpu.memref_slice %arg9[%add3A_38] : memref<320000xf32, #tpu.memory_space<hbm>> -> memref<2000xf32, #tpu.memory_space<hbm>>
      %dma_wait3A_565 = tpu.memref_slice %arg9[%add3A_38] : memref<320000xf32, #tpu.memory_space<hbm>> -> memref<2000xf32, #tpu.memory_space<hbm>>
      tpu.wait_dma2 semaphore(%run_scoped3A_563 : memref<!tpu.dma_semaphore, #tpu.memory_space<semaphore_mem>>) src(%dma_wait3A_565 : memref<2000xf32, #tpu.memory_space<hbm>>) dst(%arg18 : memref<2000xf32, #tpu.memory_space<vmem>>)
      tpu.yield
    }) : () -> ()
    %scan3A_39 = arith.constant 0 : i32
    %scan3A_40 = arith.constant 0 : i32
    %scan3A_41 = arith.constant 125 : i32
    %scan3A_42 = arith.addi %scan3A_40, %scan3A_41 : i32
    %scan3A_43 = arith.constant 1 : i32
    %scan3A_44 = scf.for %scan3A_563 = %scan3A_40 to %scan3A_42 step %scan3A_43 iter_args(%scan3A_564 = %scan3A_39) -> (i32)  : i32 {
      %mul3A_565 = arith.constant 16 : i32
      %mul3A_566 = arith.muli %scan3A_563, %mul3A_565 : i32
      %get3A = arith.index_cast %mul3A_566 : i32 to index
      %get3A_567 = tpu.vector_load %arg12[%get3A] {strides = array<i32>} : memref<2000xi32, #tpu.memory_space<vmem>>, vector<16xi32>,
      %get3A_568 = arith.index_cast %mul3A_566 : i32 to index
      %get3A_569 = tpu.vector_load %arg13[%get3A_568] {strides = array<i32>} : memref<2000xi32, #tpu.memory_space<vmem>>, vector<16xi32>,
      %gather3A = tpu.vector_load_idx %arg11[%get3A_567] : memref<10240xf32, #tpu.memory_space<vmem>>[vector<16xi32>], vector<16xf32>,
      %get3A_570 = arith.index_cast %mul3A_566 : i32 to index
      %get3A_571 = tpu.vector_load %arg14[%get3A_570] {strides = array<i32>} : memref<2000xf32, #tpu.memory_space<vmem>>, vector<16xf32>,
      %mul3A_572 = arith.mulf %gather3A, %get3A_571 : vector<16xf32>
      %get3A_573 = arith.index_cast %mul3A_566 : i32 to index
      %get3A_574 = tpu.vector_load %arg15[%get3A_573] {strides = array<i32>} : memref<2000xf32, #tpu.memory_space<vmem>>, vector<16xf32>,
      %add3A_575 = arith.addf %mul3A_572, %get3A_574 : vector<16xf32>
      %get3A_576 = arith.index_cast %mul3A_566 : i32 to index
      %get3A_577 = tpu.vector_load %arg16[%get3A_576] {strides = array<i32>} : memref<2000xf32, #tpu.memory_space<vmem>>, vector<16xf32>,
      %mul3A_578 = arith.mulf %add3A_575, %get3A_577 : vector<16xf32>
      %get3A_579 = arith.index_cast %mul3A_566 : i32 to index
      %get3A_580 = tpu.vector_load %arg17[%get3A_579] {strides = array<i32>} : memref<2000xf32, #tpu.memory_space<vmem>>, vector<16xf32>,
      %mul3A_581 = arith.mulf %add3A_575, %get3A_580 : vector<16xf32>
      %get3A_582 = arith.index_cast %mul3A_566 : i32 to index
      %get3A_583 = tpu.vector_load %arg18[%get3A_582] {strides = array<i32>} : memref<2000xf32, #tpu.memory_space<vmem>>, vector<16xf32>,
      %mul3A_584 = arith.mulf %add3A_575, %get3A_583 : vector<16xf32>
      %neg3A = arith.constant 0.000000e+00 : f32
      %neg3A_585 = vector.broadcast %neg3A : f32 to vector<16xf32>
      %neg3A_586 = arith.subf %neg3A_585, %mul3A_578 : vector<16xf32>
      tpu.vector_store_idx %arg19[%get3A_567], %neg3A_586 {add = true} : memref<10240xf32, #tpu.memory_space<vmem>>[vector<16xi32>], vector<16xf32>,
      %neg3A_587 = arith.constant 0.000000e+00 : f32
      %neg3A_588 = vector.broadcast %neg3A_587 : f32 to vector<16xf32>
      %neg3A_589 = arith.subf %neg3A_588, %mul3A_581 : vector<16xf32>
      tpu.vector_store_idx %arg20[%get3A_567], %neg3A_589 {add = true} : memref<10240xf32, #tpu.memory_space<vmem>>[vector<16xi32>], vector<16xf32>,
      %neg3A_590 = arith.constant 0.000000e+00 : f32
      %neg3A_591 = vector.broadcast %neg3A_590 : f32 to vector<16xf32>
      %neg3A_592 = arith.subf %neg3A_591, %mul3A_584 : vector<16xf32>
      tpu.vector_store_idx %arg21[%get3A_567], %neg3A_592 {add = true} : memref<10240xf32, #tpu.memory_space<vmem>>[vector<16xi32>], vector<16xf32>,
      tpu.vector_store_idx %arg19[%get3A_569], %mul3A_578 {add = true} : memref<10240xf32, #tpu.memory_space<vmem>>[vector<16xi32>], vector<16xf32>,
      tpu.vector_store_idx %arg20[%get3A_569], %mul3A_581 {add = true} : memref<10240xf32, #tpu.memory_space<vmem>>[vector<16xi32>], vector<16xf32>,
      tpu.vector_store_idx %arg21[%get3A_569], %mul3A_584 {add = true} : memref<10240xf32, #tpu.memory_space<vmem>>[vector<16xi32>], vector<16xf32>,
      %scan3A_593 = arith.constant 0 : i32
      scf.yield %scan3A_593 : i32
    }
    %scan3A_45 = arith.constant 125 : i32
    %add3A_46 = arith.constant 8000 : i32
    %add3A_47 = arith.addi %mul3A_2, %add3A_46 : i32
    "tpu.region"() ({
      %run_scoped3A_563 = tpu.sem_alloc : memref<!tpu.dma_semaphore, #tpu.memory_space<semaphore_mem>>
      %dma_start3A = tpu.memref_slice %arg3[%add3A_47] : memref<320000xi32, #tpu.memory_space<hbm>> -> memref<2000xi32, #tpu.memory_space<hbm>>
      %dma_start3A_564 = tpu.memref_slice %arg3[%add3A_47] : memref<320000xi32, #tpu.memory_space<hbm>> -> memref<2000xi32, #tpu.memory_space<hbm>>
      tpu.enqueue_dma source(%dma_start3A_564 : memref<2000xi32, #tpu.memory_space<hbm>>) target(%arg12 : memref<2000xi32, #tpu.memory_space<vmem>>) target_semaphore(%run_scoped3A_563 : memref<!tpu.dma_semaphore, #tpu.memory_space<semaphore_mem>>)
      %dma_wait3A = tpu.memref_slice %arg3[%add3A_47] : memref<320000xi32, #tpu.memory_space<hbm>> -> memref<2000xi32, #tpu.memory_space<hbm>>
      %dma_wait3A_565 = tpu.memref_slice %arg3[%add3A_47] : memref<320000xi32, #tpu.memory_space<hbm>> -> memref<2000xi32, #tpu.memory_space<hbm>>
      tpu.wait_dma2 semaphore(%run_scoped3A_563 : memref<!tpu.dma_semaphore, #tpu.memory_space<semaphore_mem>>) src(%dma_wait3A_565 : memref<2000xi32, #tpu.memory_space<hbm>>) dst(%arg12 : memref<2000xi32, #tpu.memory_space<vmem>>)
      tpu.yield
    }) : () -> ()
    "tpu.region"() ({
      %run_scoped3A_563 = tpu.sem_alloc : memref<!tpu.dma_semaphore, #tpu.memory_space<semaphore_mem>>
      %dma_start3A = tpu.memref_slice %arg4[%add3A_47] : memref<320000xi32, #tpu.memory_space<hbm>> -> memref<2000xi32, #tpu.memory_space<hbm>>
      %dma_start3A_564 = tpu.memref_slice %arg4[%add3A_47] : memref<320000xi32, #tpu.memory_space<hbm>> -> memref<2000xi32, #tpu.memory_space<hbm>>
      tpu.enqueue_dma source(%dma_start3A_564 : memref<2000xi32, #tpu.memory_space<hbm>>) target(%arg13 : memref<2000xi32, #tpu.memory_space<vmem>>) target_semaphore(%run_scoped3A_563 : memref<!tpu.dma_semaphore, #tpu.memory_space<semaphore_mem>>)
      %dma_wait3A = tpu.memref_slice %arg4[%add3A_47] : memref<320000xi32, #tpu.memory_space<hbm>> -> memref<2000xi32, #tpu.memory_space<hbm>>
      %dma_wait3A_565 = tpu.memref_slice %arg4[%add3A_47] : memref<320000xi32, #tpu.memory_space<hbm>> -> memref<2000xi32, #tpu.memory_space<hbm>>
      tpu.wait_dma2 semaphore(%run_scoped3A_563 : memref<!tpu.dma_semaphore, #tpu.memory_space<semaphore_mem>>) src(%dma_wait3A_565 : memref<2000xi32, #tpu.memory_space<hbm>>) dst(%arg13 : memref<2000xi32, #tpu.memory_space<vmem>>)
      tpu.yield
    }) : () -> ()
    "tpu.region"() ({
      %run_scoped3A_563 = tpu.sem_alloc : memref<!tpu.dma_semaphore, #tpu.memory_space<semaphore_mem>>
      %dma_start3A = tpu.memref_slice %arg5[%add3A_47] : memref<320000xf32, #tpu.memory_space<hbm>> -> memref<2000xf32, #tpu.memory_space<hbm>>
      %dma_start3A_564 = tpu.memref_slice %arg5[%add3A_47] : memref<320000xf32, #tpu.memory_space<hbm>> -> memref<2000xf32, #tpu.memory_space<hbm>>
      tpu.enqueue_dma source(%dma_start3A_564 : memref<2000xf32, #tpu.memory_space<hbm>>) target(%arg14 : memref<2000xf32, #tpu.memory_space<vmem>>) target_semaphore(%run_scoped3A_563 : memref<!tpu.dma_semaphore, #tpu.memory_space<semaphore_mem>>)
      %dma_wait3A = tpu.memref_slice %arg5[%add3A_47] : memref<320000xf32, #tpu.memory_space<hbm>> -> memref<2000xf32, #tpu.memory_space<hbm>>
      %dma_wait3A_565 = tpu.memref_slice %arg5[%add3A_47] : memref<320000xf32, #tpu.memory_space<hbm>> -> memref<2000xf32, #tpu.memory_space<hbm>>
      tpu.wait_dma2 semaphore(%run_scoped3A_563 : memref<!tpu.dma_semaphore, #tpu.memory_space<semaphore_mem>>) src(%dma_wait3A_565 : memref<2000xf32, #tpu.memory_space<hbm>>) dst(%arg14 : memref<2000xf32, #tpu.memory_space<vmem>>)
      tpu.yield
    }) : () -> ()
    "tpu.region"() ({
      %run_scoped3A_563 = tpu.sem_alloc : memref<!tpu.dma_semaphore, #tpu.memory_space<semaphore_mem>>
      %dma_start3A = tpu.memref_slice %arg6[%add3A_47] : memref<320000xf32, #tpu.memory_space<hbm>> -> memref<2000xf32, #tpu.memory_space<hbm>>
      %dma_start3A_564 = tpu.memref_slice %arg6[%add3A_47] : memref<320000xf32, #tpu.memory_space<hbm>> -> memref<2000xf32, #tpu.memory_space<hbm>>
      tpu.enqueue_dma source(%dma_start3A_564 : memref<2000xf32, #tpu.memory_space<hbm>>) target(%arg15 : memref<2000xf32, #tpu.memory_space<vmem>>) target_semaphore(%run_scoped3A_563 : memref<!tpu.dma_semaphore, #tpu.memory_space<semaphore_mem>>)
      %dma_wait3A = tpu.memref_slice %arg6[%add3A_47] : memref<320000xf32, #tpu.memory_space<hbm>> -> memref<2000xf32, #tpu.memory_space<hbm>>
      %dma_wait3A_565 = tpu.memref_slice %arg6[%add3A_47] : memref<320000xf32, #tpu.memory_space<hbm>> -> memref<2000xf32, #tpu.memory_space<hbm>>
      tpu.wait_dma2 semaphore(%run_scoped3A_563 : memref<!tpu.dma_semaphore, #tpu.memory_space<semaphore_mem>>) src(%dma_wait3A_565 : memref<2000xf32, #tpu.memory_space<hbm>>) dst(%arg15 : memref<2000xf32, #tpu.memory_space<vmem>>)
      tpu.yield
    }) : () -> ()
    "tpu.region"() ({
      %run_scoped3A_563 = tpu.sem_alloc : memref<!tpu.dma_semaphore, #tpu.memory_space<semaphore_mem>>
      %dma_start3A = tpu.memref_slice %arg7[%add3A_47] : memref<320000xf32, #tpu.memory_space<hbm>> -> memref<2000xf32, #tpu.memory_space<hbm>>
      %dma_start3A_564 = tpu.memref_slice %arg7[%add3A_47] : memref<320000xf32, #tpu.memory_space<hbm>> -> memref<2000xf32, #tpu.memory_space<hbm>>
      tpu.enqueue_dma source(%dma_start3A_564 : memref<2000xf32, #tpu.memory_space<hbm>>) target(%arg16 : memref<2000xf32, #tpu.memory_space<vmem>>) target_semaphore(%run_scoped3A_563 : memref<!tpu.dma_semaphore, #tpu.memory_space<semaphore_mem>>)
      %dma_wait3A = tpu.memref_slice %arg7[%add3A_47] : memref<320000xf32, #tpu.memory_space<hbm>> -> memref<2000xf32, #tpu.memory_space<hbm>>
      %dma_wait3A_565 = tpu.memref_slice %arg7[%add3A_47] : memref<320000xf32, #tpu.memory_space<hbm>> -> memref<2000xf32, #tpu.memory_space<hbm>>
      tpu.wait_dma2 semaphore(%run_scoped3A_563 : memref<!tpu.dma_semaphore, #tpu.memory_space<semaphore_mem>>) src(%dma_wait3A_565 : memref<2000xf32, #tpu.memory_space<hbm>>) dst(%arg16 : memref<2000xf32, #tpu.memory_space<vmem>>)
      tpu.yield
    }) : () -> ()
    "tpu.region"() ({
      %run_scoped3A_563 = tpu.sem_alloc : memref<!tpu.dma_semaphore, #tpu.memory_space<semaphore_mem>>
      %dma_start3A = tpu.memref_slice %arg8[%add3A_47] : memref<320000xf32, #tpu.memory_space<hbm>> -> memref<2000xf32, #tpu.memory_space<hbm>>
      %dma_start3A_564 = tpu.memref_slice %arg8[%add3A_47] : memref<320000xf32, #tpu.memory_space<hbm>> -> memref<2000xf32, #tpu.memory_space<hbm>>
      tpu.enqueue_dma source(%dma_start3A_564 : memref<2000xf32, #tpu.memory_space<hbm>>) target(%arg17 : memref<2000xf32, #tpu.memory_space<vmem>>) target_semaphore(%run_scoped3A_563 : memref<!tpu.dma_semaphore, #tpu.memory_space<semaphore_mem>>)
      %dma_wait3A = tpu.memref_slice %arg8[%add3A_47] : memref<320000xf32, #tpu.memory_space<hbm>> -> memref<2000xf32, #tpu.memory_space<hbm>>
      %dma_wait3A_565 = tpu.memref_slice %arg8[%add3A_47] : memref<320000xf32, #tpu.memory_space<hbm>> -> memref<2000xf32, #tpu.memory_space<hbm>>
      tpu.wait_dma2 semaphore(%run_scoped3A_563 : memref<!tpu.dma_semaphore, #tpu.memory_space<semaphore_mem>>) src(%dma_wait3A_565 : memref<2000xf32, #tpu.memory_space<hbm>>) dst(%arg17 : memref<2000xf32, #tpu.memory_space<vmem>>)
      tpu.yield
    }) : () -> ()
    "tpu.region"() ({
      %run_scoped3A_563 = tpu.sem_alloc : memref<!tpu.dma_semaphore, #tpu.memory_space<semaphore_mem>>
      %dma_start3A = tpu.memref_slice %arg9[%add3A_47] : memref<320000xf32, #tpu.memory_space<hbm>> -> memref<2000xf32, #tpu.memory_space<hbm>>
      %dma_start3A_564 = tpu.memref_slice %arg9[%add3A_47] : memref<320000xf32, #tpu.memory_space<hbm>> -> memref<2000xf32, #tpu.memory_space<hbm>>
      tpu.enqueue_dma source(%dma_start3A_564 : memref<2000xf32, #tpu.memory_space<hbm>>) target(%arg18 : memref<2000xf32, #tpu.memory_space<vmem>>) target_semaphore(%run_scoped3A_563 : memref<!tpu.dma_semaphore, #tpu.memory_space<semaphore_mem>>)
      %dma_wait3A = tpu.memref_slice %arg9[%add3A_47] : memref<320000xf32, #tpu.memory_space<hbm>> -> memref<2000xf32, #tpu.memory_space<hbm>>
      %dma_wait3A_565 = tpu.memref_slice %arg9[%add3A_47] : memref<320000xf32, #tpu.memory_space<hbm>> -> memref<2000xf32, #tpu.memory_space<hbm>>
      tpu.wait_dma2 semaphore(%run_scoped3A_563 : memref<!tpu.dma_semaphore, #tpu.memory_space<semaphore_mem>>) src(%dma_wait3A_565 : memref<2000xf32, #tpu.memory_space<hbm>>) dst(%arg18 : memref<2000xf32, #tpu.memory_space<vmem>>)
      tpu.yield
    }) : () -> ()
    %scan3A_48 = arith.constant 0 : i32
    %scan3A_49 = arith.constant 0 : i32
    %scan3A_50 = arith.constant 125 : i32
    %scan3A_51 = arith.addi %scan3A_49, %scan3A_50 : i32
    %scan3A_52 = arith.constant 1 : i32
    %scan3A_53 = scf.for %scan3A_563 = %scan3A_49 to %scan3A_51 step %scan3A_52 iter_args(%scan3A_564 = %scan3A_48) -> (i32)  : i32 {
      %mul3A_565 = arith.constant 16 : i32
      %mul3A_566 = arith.muli %scan3A_563, %mul3A_565 : i32
      %get3A = arith.index_cast %mul3A_566 : i32 to index
      %get3A_567 = tpu.vector_load %arg12[%get3A] {strides = array<i32>} : memref<2000xi32, #tpu.memory_space<vmem>>, vector<16xi32>,
      %get3A_568 = arith.index_cast %mul3A_566 : i32 to index
      %get3A_569 = tpu.vector_load %arg13[%get3A_568] {strides = array<i32>} : memref<2000xi32, #tpu.memory_space<vmem>>, vector<16xi32>,
      %gather3A = tpu.vector_load_idx %arg11[%get3A_567] : memref<10240xf32, #tpu.memory_space<vmem>>[vector<16xi32>], vector<16xf32>,
      %get3A_570 = arith.index_cast %mul3A_566 : i32 to index
      %get3A_571 = tpu.vector_load %arg14[%get3A_570] {strides = array<i32>} : memref<2000xf32, #tpu.memory_space<vmem>>, vector<16xf32>,
      %mul3A_572 = arith.mulf %gather3A, %get3A_571 : vector<16xf32>
      %get3A_573 = arith.index_cast %mul3A_566 : i32 to index
      %get3A_574 = tpu.vector_load %arg15[%get3A_573] {strides = array<i32>} : memref<2000xf32, #tpu.memory_space<vmem>>, vector<16xf32>,
      %add3A_575 = arith.addf %mul3A_572, %get3A_574 : vector<16xf32>
      %get3A_576 = arith.index_cast %mul3A_566 : i32 to index
      %get3A_577 = tpu.vector_load %arg16[%get3A_576] {strides = array<i32>} : memref<2000xf32, #tpu.memory_space<vmem>>, vector<16xf32>,
      %mul3A_578 = arith.mulf %add3A_575, %get3A_577 : vector<16xf32>
      %get3A_579 = arith.index_cast %mul3A_566 : i32 to index
      %get3A_580 = tpu.vector_load %arg17[%get3A_579] {strides = array<i32>} : memref<2000xf32, #tpu.memory_space<vmem>>, vector<16xf32>,
      %mul3A_581 = arith.mulf %add3A_575, %get3A_580 : vector<16xf32>
      %get3A_582 = arith.index_cast %mul3A_566 : i32 to index
      %get3A_583 = tpu.vector_load %arg18[%get3A_582] {strides = array<i32>} : memref<2000xf32, #tpu.memory_space<vmem>>, vector<16xf32>,
      %mul3A_584 = arith.mulf %add3A_575, %get3A_583 : vector<16xf32>
      %neg3A = arith.constant 0.000000e+00 : f32
      %neg3A_585 = vector.broadcast %neg3A : f32 to vector<16xf32>
      %neg3A_586 = arith.subf %neg3A_585, %mul3A_578 : vector<16xf32>
      tpu.vector_store_idx %arg19[%get3A_567], %neg3A_586 {add = true} : memref<10240xf32, #tpu.memory_space<vmem>>[vector<16xi32>], vector<16xf32>,
      %neg3A_587 = arith.constant 0.000000e+00 : f32
      %neg3A_588 = vector.broadcast %neg3A_587 : f32 to vector<16xf32>
      %neg3A_589 = arith.subf %neg3A_588, %mul3A_581 : vector<16xf32>
      tpu.vector_store_idx %arg20[%get3A_567], %neg3A_589 {add = true} : memref<10240xf32, #tpu.memory_space<vmem>>[vector<16xi32>], vector<16xf32>,
      %neg3A_590 = arith.constant 0.000000e+00 : f32
      %neg3A_591 = vector.broadcast %neg3A_590 : f32 to vector<16xf32>
      %neg3A_592 = arith.subf %neg3A_591, %mul3A_584 : vector<16xf32>
      tpu.vector_store_idx %arg21[%get3A_567], %neg3A_592 {add = true} : memref<10240xf32, #tpu.memory_space<vmem>>[vector<16xi32>], vector<16xf32>,
      tpu.vector_store_idx %arg19[%get3A_569], %mul3A_578 {add = true} : memref<10240xf32, #tpu.memory_space<vmem>>[vector<16xi32>], vector<16xf32>,
      tpu.vector_store_idx %arg20[%get3A_569], %mul3A_581 {add = true} : memref<10240xf32, #tpu.memory_space<vmem>>[vector<16xi32>], vector<16xf32>,
      tpu.vector_store_idx %arg21[%get3A_569], %mul3A_584 {add = true} : memref<10240xf32, #tpu.memory_space<vmem>>[vector<16xi32>], vector<16xf32>,
      %scan3A_593 = arith.constant 0 : i32
      scf.yield %scan3A_593 : i32
    }
    %scan3A_54 = arith.constant 125 : i32
    "tpu.region"() ({
      %run_scoped3A_563 = tpu.sem_alloc : memref<!tpu.dma_semaphore, #tpu.memory_space<semaphore_mem>>
      %dma_start3A = arith.constant 0 : i32
      %dma_start3A_564 = tpu.memref_slice %arg24[%arg1, %dma_start3A] : memref<16x30720xf32, #tpu.memory_space<vmem_shared>> -> memref<1x10240xf32, #tpu.memory_space<vmem_shared>>
      %dma_start3A_565 = tpu.memref_squeeze %dma_start3A_564 : memref<1x10240xf32, #tpu.memory_space<vmem_shared>> -> memref<10240xf32, #tpu.memory_space<vmem_shared>>
      %dma_start3A_566 = arith.constant 0 : i32
      %dma_start3A_567 = tpu.memref_slice %arg24[%arg1, %dma_start3A_566] : memref<16x30720xf32, #tpu.memory_space<vmem_shared>> -> memref<1x10240xf32, #tpu.memory_space<vmem_shared>>
      %dma_start3A_568 = tpu.memref_squeeze %dma_start3A_567 : memref<1x10240xf32, #tpu.memory_space<vmem_shared>> -> memref<10240xf32, #tpu.memory_space<vmem_shared>>
      tpu.enqueue_dma source(%arg19 : memref<10240xf32, #tpu.memory_space<vmem>>) target(%dma_start3A_568 : memref<10240xf32, #tpu.memory_space<vmem_shared>>) target_semaphore(%run_scoped3A_563 : memref<!tpu.dma_semaphore, #tpu.memory_space<semaphore_mem>>)
      %dma_wait3A = arith.constant 0 : i32
      %dma_wait3A_569 = tpu.memref_slice %arg24[%arg1, %dma_wait3A] : memref<16x30720xf32, #tpu.memory_space<vmem_shared>> -> memref<1x10240xf32, #tpu.memory_space<vmem_shared>>
      %dma_wait3A_570 = tpu.memref_squeeze %dma_wait3A_569 : memref<1x10240xf32, #tpu.memory_space<vmem_shared>> -> memref<10240xf32, #tpu.memory_space<vmem_shared>>
      %dma_wait3A_571 = arith.constant 0 : i32
      %dma_wait3A_572 = tpu.memref_slice %arg24[%arg1, %dma_wait3A_571] : memref<16x30720xf32, #tpu.memory_space<vmem_shared>> -> memref<1x10240xf32, #tpu.memory_space<vmem_shared>>
      %dma_wait3A_573 = tpu.memref_squeeze %dma_wait3A_572 : memref<1x10240xf32, #tpu.memory_space<vmem_shared>> -> memref<10240xf32, #tpu.memory_space<vmem_shared>>
      tpu.wait_dma2 semaphore(%run_scoped3A_563 : memref<!tpu.dma_semaphore, #tpu.memory_space<semaphore_mem>>) src(%arg19 : memref<10240xf32, #tpu.memory_space<vmem>>) dst(%dma_wait3A_573 : memref<10240xf32, #tpu.memory_space<vmem_shared>>)
      tpu.yield
    }) : () -> ()
    "tpu.region"() ({
      %run_scoped3A_563 = tpu.sem_alloc : memref<!tpu.dma_semaphore, #tpu.memory_space<semaphore_mem>>
      %dma_start3A = arith.constant 10240 : i32
      %dma_start3A_564 = tpu.memref_slice %arg24[%arg1, %dma_start3A] : memref<16x30720xf32, #tpu.memory_space<vmem_shared>> -> memref<1x10240xf32, #tpu.memory_space<vmem_shared>>
      %dma_start3A_565 = tpu.memref_squeeze %dma_start3A_564 : memref<1x10240xf32, #tpu.memory_space<vmem_shared>> -> memref<10240xf32, #tpu.memory_space<vmem_shared>>
      %dma_start3A_566 = arith.constant 10240 : i32
      %dma_start3A_567 = tpu.memref_slice %arg24[%arg1, %dma_start3A_566] : memref<16x30720xf32, #tpu.memory_space<vmem_shared>> -> memref<1x10240xf32, #tpu.memory_space<vmem_shared>>
      %dma_start3A_568 = tpu.memref_squeeze %dma_start3A_567 : memref<1x10240xf32, #tpu.memory_space<vmem_shared>> -> memref<10240xf32, #tpu.memory_space<vmem_shared>>
      tpu.enqueue_dma source(%arg20 : memref<10240xf32, #tpu.memory_space<vmem>>) target(%dma_start3A_568 : memref<10240xf32, #tpu.memory_space<vmem_shared>>) target_semaphore(%run_scoped3A_563 : memref<!tpu.dma_semaphore, #tpu.memory_space<semaphore_mem>>)
      %dma_wait3A = arith.constant 10240 : i32
      %dma_wait3A_569 = tpu.memref_slice %arg24[%arg1, %dma_wait3A] : memref<16x30720xf32, #tpu.memory_space<vmem_shared>> -> memref<1x10240xf32, #tpu.memory_space<vmem_shared>>
      %dma_wait3A_570 = tpu.memref_squeeze %dma_wait3A_569 : memref<1x10240xf32, #tpu.memory_space<vmem_shared>> -> memref<10240xf32, #tpu.memory_space<vmem_shared>>
      %dma_wait3A_571 = arith.constant 10240 : i32
      %dma_wait3A_572 = tpu.memref_slice %arg24[%arg1, %dma_wait3A_571] : memref<16x30720xf32, #tpu.memory_space<vmem_shared>> -> memref<1x10240xf32, #tpu.memory_space<vmem_shared>>
      %dma_wait3A_573 = tpu.memref_squeeze %dma_wait3A_572 : memref<1x10240xf32, #tpu.memory_space<vmem_shared>> -> memref<10240xf32, #tpu.memory_space<vmem_shared>>
      tpu.wait_dma2 semaphore(%run_scoped3A_563 : memref<!tpu.dma_semaphore, #tpu.memory_space<semaphore_mem>>) src(%arg20 : memref<10240xf32, #tpu.memory_space<vmem>>) dst(%dma_wait3A_573 : memref<10240xf32, #tpu.memory_space<vmem_shared>>)
      tpu.yield
    }) : () -> ()
    "tpu.region"() ({
      %run_scoped3A_563 = tpu.sem_alloc : memref<!tpu.dma_semaphore, #tpu.memory_space<semaphore_mem>>
      %dma_start3A = arith.constant 20480 : i32
      %dma_start3A_564 = tpu.memref_slice %arg24[%arg1, %dma_start3A] : memref<16x30720xf32, #tpu.memory_space<vmem_shared>> -> memref<1x10240xf32, #tpu.memory_space<vmem_shared>>
      %dma_start3A_565 = tpu.memref_squeeze %dma_start3A_564 : memref<1x10240xf32, #tpu.memory_space<vmem_shared>> -> memref<10240xf32, #tpu.memory_space<vmem_shared>>
      %dma_start3A_566 = arith.constant 20480 : i32
      %dma_start3A_567 = tpu.memref_slice %arg24[%arg1, %dma_start3A_566] : memref<16x30720xf32, #tpu.memory_space<vmem_shared>> -> memref<1x10240xf32, #tpu.memory_space<vmem_shared>>
      %dma_start3A_568 = tpu.memref_squeeze %dma_start3A_567 : memref<1x10240xf32, #tpu.memory_space<vmem_shared>> -> memref<10240xf32, #tpu.memory_space<vmem_shared>>
      tpu.enqueue_dma source(%arg21 : memref<10240xf32, #tpu.memory_space<vmem>>) target(%dma_start3A_568 : memref<10240xf32, #tpu.memory_space<vmem_shared>>) target_semaphore(%run_scoped3A_563 : memref<!tpu.dma_semaphore, #tpu.memory_space<semaphore_mem>>)
      %dma_wait3A = arith.constant 20480 : i32
      %dma_wait3A_569 = tpu.memref_slice %arg24[%arg1, %dma_wait3A] : memref<16x30720xf32, #tpu.memory_space<vmem_shared>> -> memref<1x10240xf32, #tpu.memory_space<vmem_shared>>
      %dma_wait3A_570 = tpu.memref_squeeze %dma_wait3A_569 : memref<1x10240xf32, #tpu.memory_space<vmem_shared>> -> memref<10240xf32, #tpu.memory_space<vmem_shared>>
      %dma_wait3A_571 = arith.constant 20480 : i32
      %dma_wait3A_572 = tpu.memref_slice %arg24[%arg1, %dma_wait3A_571] : memref<16x30720xf32, #tpu.memory_space<vmem_shared>> -> memref<1x10240xf32, #tpu.memory_space<vmem_shared>>
      %dma_wait3A_573 = tpu.memref_squeeze %dma_wait3A_572 : memref<1x10240xf32, #tpu.memory_space<vmem_shared>> -> memref<10240xf32, #tpu.memory_space<vmem_shared>>
      tpu.wait_dma2 semaphore(%run_scoped3A_563 : memref<!tpu.dma_semaphore, #tpu.memory_space<semaphore_mem>>) src(%arg21 : memref<10240xf32, #tpu.memory_space<vmem>>) dst(%dma_wait3A_573 : memref<10240xf32, #tpu.memory_space<vmem_shared>>)
      tpu.yield
    }) : () -> ()
    %barrier3A = arith.constant 0 : index
    tpu.barrier barrier_id(%barrier3A)
    %mul3A_55 = arith.constant 640 : i32
    %mul3A_56 = arith.muli %arg1, %mul3A_55 : i32
    %scan3A_57 = arith.constant 0 : i32
    %scan3A_58 = arith.constant 0 : i32
    %scan3A_59 = arith.constant 40 : i32
    %scan3A_60 = arith.addi %scan3A_58, %scan3A_59 : i32
    %scan3A_61 = arith.constant 1 : i32
    %scan3A_62 = scf.for %scan3A_563 = %scan3A_58 to %scan3A_60 step %scan3A_61 iter_args(%scan3A_564 = %scan3A_57) -> (i32)  : i32 {
      %mul3A_565 = arith.constant 16 : i32
      %mul3A_566 = arith.muli %scan3A_563, %mul3A_565 : i32
      %swap3A = arith.index_cast %mul3A_566 : i32 to index
      %swap3A_567 = tpu.vector_load %arg23[%swap3A] {strides = array<i32>} : memref<640xf32, #tpu.memory_space<vmem>>, vector<16xf32>,
      tpu.vector_store %arg23[%swap3A], %broadcast_in_dim3A_3 {strides = array<i32>} : memref<640xf32, #tpu.memory_space<vmem>>, vector<16xf32>,
      %scan3A_568 = arith.constant 0 : i32
      scf.yield %scan3A_568 : i32
    }
    %scan3A_63 = arith.constant 40 : i32
    %add3A_64 = arith.constant 0 : i32
    %add3A_65 = arith.addi %add3A_64, %mul3A_56 : i32
    %run_scoped3A = arith.constant 0 : i32
    "tpu.region"() ({
      %run_scoped3A_563 = tpu.sem_alloc : memref<!tpu.dma_semaphore, #tpu.memory_space<semaphore_mem>>
      %dma_start3A = tpu.memref_slice %arg24[%run_scoped3A, %add3A_65] : memref<16x30720xf32, #tpu.memory_space<vmem_shared>> -> memref<1x640xf32, #tpu.memory_space<vmem_shared>>
      %dma_start3A_564 = tpu.memref_squeeze %dma_start3A : memref<1x640xf32, #tpu.memory_space<vmem_shared>> -> memref<640xf32, #tpu.memory_space<vmem_shared>>
      %dma_start3A_565 = tpu.memref_slice %arg24[%run_scoped3A, %add3A_65] : memref<16x30720xf32, #tpu.memory_space<vmem_shared>> -> memref<1x640xf32, #tpu.memory_space<vmem_shared>>
      %dma_start3A_566 = tpu.memref_squeeze %dma_start3A_565 : memref<1x640xf32, #tpu.memory_space<vmem_shared>> -> memref<640xf32, #tpu.memory_space<vmem_shared>>
      tpu.enqueue_dma source(%dma_start3A_566 : memref<640xf32, #tpu.memory_space<vmem_shared>>) target(%arg22 : memref<640xf32, #tpu.memory_space<vmem>>) target_semaphore(%run_scoped3A_563 : memref<!tpu.dma_semaphore, #tpu.memory_space<semaphore_mem>>)
      %dma_wait3A = tpu.memref_slice %arg24[%run_scoped3A, %add3A_65] : memref<16x30720xf32, #tpu.memory_space<vmem_shared>> -> memref<1x640xf32, #tpu.memory_space<vmem_shared>>
      %dma_wait3A_567 = tpu.memref_squeeze %dma_wait3A : memref<1x640xf32, #tpu.memory_space<vmem_shared>> -> memref<640xf32, #tpu.memory_space<vmem_shared>>
      %dma_wait3A_568 = tpu.memref_slice %arg24[%run_scoped3A, %add3A_65] : memref<16x30720xf32, #tpu.memory_space<vmem_shared>> -> memref<1x640xf32, #tpu.memory_space<vmem_shared>>
      %dma_wait3A_569 = tpu.memref_squeeze %dma_wait3A_568 : memref<1x640xf32, #tpu.memory_space<vmem_shared>> -> memref<640xf32, #tpu.memory_space<vmem_shared>>
      tpu.wait_dma2 semaphore(%run_scoped3A_563 : memref<!tpu.dma_semaphore, #tpu.memory_space<semaphore_mem>>) src(%dma_wait3A_569 : memref<640xf32, #tpu.memory_space<vmem_shared>>) dst(%arg22 : memref<640xf32, #tpu.memory_space<vmem>>)
      tpu.yield
    }) : () -> ()
    %scan3A_66 = arith.constant 0 : i32
    %scan3A_67 = arith.constant 0 : i32
    %scan3A_68 = arith.constant 40 : i32
    %scan3A_69 = arith.addi %scan3A_67, %scan3A_68 : i32
    %scan3A_70 = arith.constant 1 : i32
    %scan3A_71 = scf.for %scan3A_563 = %scan3A_67 to %scan3A_69 step %scan3A_70 iter_args(%scan3A_564 = %scan3A_66) -> (i32)  : i32 {
      %mul3A_565 = arith.constant 16 : i32
      %mul3A_566 = arith.muli %scan3A_563, %mul3A_565 : i32
      %get3A = arith.index_cast %mul3A_566 : i32 to index
      %get3A_567 = tpu.vector_load %arg23[%get3A] {strides = array<i32>} : memref<640xf32, #tpu.memory_space<vmem>>, vector<16xf32>,
      %get3A_568 = arith.index_cast %mul3A_566 : i32 to index
      %get3A_569 = tpu.vector_load %arg22[%get3A_568] {strides = array<i32>} : memref<640xf32, #tpu.memory_space<vmem>>, vector<16xf32>,
      %add3A_570 = arith.addf %get3A_567, %get3A_569 : vector<16xf32>
      %swap3A = arith.index_cast %mul3A_566 : i32 to index
      %swap3A_571 = tpu.vector_load %arg23[%swap3A] {strides = array<i32>} : memref<640xf32, #tpu.memory_space<vmem>>, vector<16xf32>,
      tpu.vector_store %arg23[%swap3A], %add3A_570 {strides = array<i32>} : memref<640xf32, #tpu.memory_space<vmem>>, vector<16xf32>,
      %scan3A_572 = arith.constant 0 : i32
      scf.yield %scan3A_572 : i32
    }
    %scan3A_72 = arith.constant 40 : i32
    %add3A_73 = arith.constant 0 : i32
    %add3A_74 = arith.addi %add3A_73, %mul3A_56 : i32
    %run_scoped3A_75 = arith.constant 1 : i32
    "tpu.region"() ({
      %run_scoped3A_563 = tpu.sem_alloc : memref<!tpu.dma_semaphore, #tpu.memory_space<semaphore_mem>>
      %dma_start3A = tpu.memref_slice %arg24[%run_scoped3A_75, %add3A_74] : memref<16x30720xf32, #tpu.memory_space<vmem_shared>> -> memref<1x640xf32, #tpu.memory_space<vmem_shared>>
      %dma_start3A_564 = tpu.memref_squeeze %dma_start3A : memref<1x640xf32, #tpu.memory_space<vmem_shared>> -> memref<640xf32, #tpu.memory_space<vmem_shared>>
      %dma_start3A_565 = tpu.memref_slice %arg24[%run_scoped3A_75, %add3A_74] : memref<16x30720xf32, #tpu.memory_space<vmem_shared>> -> memref<1x640xf32, #tpu.memory_space<vmem_shared>>
      %dma_start3A_566 = tpu.memref_squeeze %dma_start3A_565 : memref<1x640xf32, #tpu.memory_space<vmem_shared>> -> memref<640xf32, #tpu.memory_space<vmem_shared>>
      tpu.enqueue_dma source(%dma_start3A_566 : memref<640xf32, #tpu.memory_space<vmem_shared>>) target(%arg22 : memref<640xf32, #tpu.memory_space<vmem>>) target_semaphore(%run_scoped3A_563 : memref<!tpu.dma_semaphore, #tpu.memory_space<semaphore_mem>>)
      %dma_wait3A = tpu.memref_slice %arg24[%run_scoped3A_75, %add3A_74] : memref<16x30720xf32, #tpu.memory_space<vmem_shared>> -> memref<1x640xf32, #tpu.memory_space<vmem_shared>>
      %dma_wait3A_567 = tpu.memref_squeeze %dma_wait3A : memref<1x640xf32, #tpu.memory_space<vmem_shared>> -> memref<640xf32, #tpu.memory_space<vmem_shared>>
      %dma_wait3A_568 = tpu.memref_slice %arg24[%run_scoped3A_75, %add3A_74] : memref<16x30720xf32, #tpu.memory_space<vmem_shared>> -> memref<1x640xf32, #tpu.memory_space<vmem_shared>>
      %dma_wait3A_569 = tpu.memref_squeeze %dma_wait3A_568 : memref<1x640xf32, #tpu.memory_space<vmem_shared>> -> memref<640xf32, #tpu.memory_space<vmem_shared>>
      tpu.wait_dma2 semaphore(%run_scoped3A_563 : memref<!tpu.dma_semaphore, #tpu.memory_space<semaphore_mem>>) src(%dma_wait3A_569 : memref<640xf32, #tpu.memory_space<vmem_shared>>) dst(%arg22 : memref<640xf32, #tpu.memory_space<vmem>>)
      tpu.yield
    }) : () -> ()
    %scan3A_76 = arith.constant 0 : i32
    %scan3A_77 = arith.constant 0 : i32
    %scan3A_78 = arith.constant 40 : i32
    %scan3A_79 = arith.addi %scan3A_77, %scan3A_78 : i32
    %scan3A_80 = arith.constant 1 : i32
    %scan3A_81 = scf.for %scan3A_563 = %scan3A_77 to %scan3A_79 step %scan3A_80 iter_args(%scan3A_564 = %scan3A_76) -> (i32)  : i32 {
      %mul3A_565 = arith.constant 16 : i32
      %mul3A_566 = arith.muli %scan3A_563, %mul3A_565 : i32
      %get3A = arith.index_cast %mul3A_566 : i32 to index
      %get3A_567 = tpu.vector_load %arg23[%get3A] {strides = array<i32>} : memref<640xf32, #tpu.memory_space<vmem>>, vector<16xf32>,
      %get3A_568 = arith.index_cast %mul3A_566 : i32 to index
      %get3A_569 = tpu.vector_load %arg22[%get3A_568] {strides = array<i32>} : memref<640xf32, #tpu.memory_space<vmem>>, vector<16xf32>,
      %add3A_570 = arith.addf %get3A_567, %get3A_569 : vector<16xf32>
      %swap3A = arith.index_cast %mul3A_566 : i32 to index
      %swap3A_571 = tpu.vector_load %arg23[%swap3A] {strides = array<i32>} : memref<640xf32, #tpu.memory_space<vmem>>, vector<16xf32>,
      tpu.vector_store %arg23[%swap3A], %add3A_570 {strides = array<i32>} : memref<640xf32, #tpu.memory_space<vmem>>, vector<16xf32>,
      %scan3A_572 = arith.constant 0 : i32
      scf.yield %scan3A_572 : i32
    }
    %scan3A_82 = arith.constant 40 : i32
    %add3A_83 = arith.constant 0 : i32
    %add3A_84 = arith.addi %add3A_83, %mul3A_56 : i32
    %run_scoped3A_85 = arith.constant 2 : i32
    "tpu.region"() ({
      %run_scoped3A_563 = tpu.sem_alloc : memref<!tpu.dma_semaphore, #tpu.memory_space<semaphore_mem>>
      %dma_start3A = tpu.memref_slice %arg24[%run_scoped3A_85, %add3A_84] : memref<16x30720xf32, #tpu.memory_space<vmem_shared>> -> memref<1x640xf32, #tpu.memory_space<vmem_shared>>
      %dma_start3A_564 = tpu.memref_squeeze %dma_start3A : memref<1x640xf32, #tpu.memory_space<vmem_shared>> -> memref<640xf32, #tpu.memory_space<vmem_shared>>
      %dma_start3A_565 = tpu.memref_slice %arg24[%run_scoped3A_85, %add3A_84] : memref<16x30720xf32, #tpu.memory_space<vmem_shared>> -> memref<1x640xf32, #tpu.memory_space<vmem_shared>>
      %dma_start3A_566 = tpu.memref_squeeze %dma_start3A_565 : memref<1x640xf32, #tpu.memory_space<vmem_shared>> -> memref<640xf32, #tpu.memory_space<vmem_shared>>
      tpu.enqueue_dma source(%dma_start3A_566 : memref<640xf32, #tpu.memory_space<vmem_shared>>) target(%arg22 : memref<640xf32, #tpu.memory_space<vmem>>) target_semaphore(%run_scoped3A_563 : memref<!tpu.dma_semaphore, #tpu.memory_space<semaphore_mem>>)
      %dma_wait3A = tpu.memref_slice %arg24[%run_scoped3A_85, %add3A_84] : memref<16x30720xf32, #tpu.memory_space<vmem_shared>> -> memref<1x640xf32, #tpu.memory_space<vmem_shared>>
      %dma_wait3A_567 = tpu.memref_squeeze %dma_wait3A : memref<1x640xf32, #tpu.memory_space<vmem_shared>> -> memref<640xf32, #tpu.memory_space<vmem_shared>>
      %dma_wait3A_568 = tpu.memref_slice %arg24[%run_scoped3A_85, %add3A_84] : memref<16x30720xf32, #tpu.memory_space<vmem_shared>> -> memref<1x640xf32, #tpu.memory_space<vmem_shared>>
      %dma_wait3A_569 = tpu.memref_squeeze %dma_wait3A_568 : memref<1x640xf32, #tpu.memory_space<vmem_shared>> -> memref<640xf32, #tpu.memory_space<vmem_shared>>
      tpu.wait_dma2 semaphore(%run_scoped3A_563 : memref<!tpu.dma_semaphore, #tpu.memory_space<semaphore_mem>>) src(%dma_wait3A_569 : memref<640xf32, #tpu.memory_space<vmem_shared>>) dst(%arg22 : memref<640xf32, #tpu.memory_space<vmem>>)
      tpu.yield
    }) : () -> ()
    %scan3A_86 = arith.constant 0 : i32
    %scan3A_87 = arith.constant 0 : i32
    %scan3A_88 = arith.constant 40 : i32
    %scan3A_89 = arith.addi %scan3A_87, %scan3A_88 : i32
    %scan3A_90 = arith.constant 1 : i32
    %scan3A_91 = scf.for %scan3A_563 = %scan3A_87 to %scan3A_89 step %scan3A_90 iter_args(%scan3A_564 = %scan3A_86) -> (i32)  : i32 {
      %mul3A_565 = arith.constant 16 : i32
      %mul3A_566 = arith.muli %scan3A_563, %mul3A_565 : i32
      %get3A = arith.index_cast %mul3A_566 : i32 to index
      %get3A_567 = tpu.vector_load %arg23[%get3A] {strides = array<i32>} : memref<640xf32, #tpu.memory_space<vmem>>, vector<16xf32>,
      %get3A_568 = arith.index_cast %mul3A_566 : i32 to index
      %get3A_569 = tpu.vector_load %arg22[%get3A_568] {strides = array<i32>} : memref<640xf32, #tpu.memory_space<vmem>>, vector<16xf32>,
      %add3A_570 = arith.addf %get3A_567, %get3A_569 : vector<16xf32>
      %swap3A = arith.index_cast %mul3A_566 : i32 to index
      %swap3A_571 = tpu.vector_load %arg23[%swap3A] {strides = array<i32>} : memref<640xf32, #tpu.memory_space<vmem>>, vector<16xf32>,
      tpu.vector_store %arg23[%swap3A], %add3A_570 {strides = array<i32>} : memref<640xf32, #tpu.memory_space<vmem>>, vector<16xf32>,
      %scan3A_572 = arith.constant 0 : i32
      scf.yield %scan3A_572 : i32
    }
    %scan3A_92 = arith.constant 40 : i32
    %add3A_93 = arith.constant 0 : i32
    %add3A_94 = arith.addi %add3A_93, %mul3A_56 : i32
    %run_scoped3A_95 = arith.constant 3 : i32
    "tpu.region"() ({
      %run_scoped3A_563 = tpu.sem_alloc : memref<!tpu.dma_semaphore, #tpu.memory_space<semaphore_mem>>
      %dma_start3A = tpu.memref_slice %arg24[%run_scoped3A_95, %add3A_94] : memref<16x30720xf32, #tpu.memory_space<vmem_shared>> -> memref<1x640xf32, #tpu.memory_space<vmem_shared>>
      %dma_start3A_564 = tpu.memref_squeeze %dma_start3A : memref<1x640xf32, #tpu.memory_space<vmem_shared>> -> memref<640xf32, #tpu.memory_space<vmem_shared>>
      %dma_start3A_565 = tpu.memref_slice %arg24[%run_scoped3A_95, %add3A_94] : memref<16x30720xf32, #tpu.memory_space<vmem_shared>> -> memref<1x640xf32, #tpu.memory_space<vmem_shared>>
      %dma_start3A_566 = tpu.memref_squeeze %dma_start3A_565 : memref<1x640xf32, #tpu.memory_space<vmem_shared>> -> memref<640xf32, #tpu.memory_space<vmem_shared>>
      tpu.enqueue_dma source(%dma_start3A_566 : memref<640xf32, #tpu.memory_space<vmem_shared>>) target(%arg22 : memref<640xf32, #tpu.memory_space<vmem>>) target_semaphore(%run_scoped3A_563 : memref<!tpu.dma_semaphore, #tpu.memory_space<semaphore_mem>>)
      %dma_wait3A = tpu.memref_slice %arg24[%run_scoped3A_95, %add3A_94] : memref<16x30720xf32, #tpu.memory_space<vmem_shared>> -> memref<1x640xf32, #tpu.memory_space<vmem_shared>>
      %dma_wait3A_567 = tpu.memref_squeeze %dma_wait3A : memref<1x640xf32, #tpu.memory_space<vmem_shared>> -> memref<640xf32, #tpu.memory_space<vmem_shared>>
      %dma_wait3A_568 = tpu.memref_slice %arg24[%run_scoped3A_95, %add3A_94] : memref<16x30720xf32, #tpu.memory_space<vmem_shared>> -> memref<1x640xf32, #tpu.memory_space<vmem_shared>>
      %dma_wait3A_569 = tpu.memref_squeeze %dma_wait3A_568 : memref<1x640xf32, #tpu.memory_space<vmem_shared>> -> memref<640xf32, #tpu.memory_space<vmem_shared>>
      tpu.wait_dma2 semaphore(%run_scoped3A_563 : memref<!tpu.dma_semaphore, #tpu.memory_space<semaphore_mem>>) src(%dma_wait3A_569 : memref<640xf32, #tpu.memory_space<vmem_shared>>) dst(%arg22 : memref<640xf32, #tpu.memory_space<vmem>>)
      tpu.yield
    }) : () -> ()
    %scan3A_96 = arith.constant 0 : i32
    %scan3A_97 = arith.constant 0 : i32
    %scan3A_98 = arith.constant 40 : i32
    %scan3A_99 = arith.addi %scan3A_97, %scan3A_98 : i32
    %scan3A_100 = arith.constant 1 : i32
    %scan3A_101 = scf.for %scan3A_563 = %scan3A_97 to %scan3A_99 step %scan3A_100 iter_args(%scan3A_564 = %scan3A_96) -> (i32)  : i32 {
      %mul3A_565 = arith.constant 16 : i32
      %mul3A_566 = arith.muli %scan3A_563, %mul3A_565 : i32
      %get3A = arith.index_cast %mul3A_566 : i32 to index
      %get3A_567 = tpu.vector_load %arg23[%get3A] {strides = array<i32>} : memref<640xf32, #tpu.memory_space<vmem>>, vector<16xf32>,
      %get3A_568 = arith.index_cast %mul3A_566 : i32 to index
      %get3A_569 = tpu.vector_load %arg22[%get3A_568] {strides = array<i32>} : memref<640xf32, #tpu.memory_space<vmem>>, vector<16xf32>,
      %add3A_570 = arith.addf %get3A_567, %get3A_569 : vector<16xf32>
      %swap3A = arith.index_cast %mul3A_566 : i32 to index
      %swap3A_571 = tpu.vector_load %arg23[%swap3A] {strides = array<i32>} : memref<640xf32, #tpu.memory_space<vmem>>, vector<16xf32>,
      tpu.vector_store %arg23[%swap3A], %add3A_570 {strides = array<i32>} : memref<640xf32, #tpu.memory_space<vmem>>, vector<16xf32>,
      %scan3A_572 = arith.constant 0 : i32
      scf.yield %scan3A_572 : i32
    }
    %scan3A_102 = arith.constant 40 : i32
    %add3A_103 = arith.constant 0 : i32
    %add3A_104 = arith.addi %add3A_103, %mul3A_56 : i32
    %run_scoped3A_105 = arith.constant 4 : i32
    "tpu.region"() ({
      %run_scoped3A_563 = tpu.sem_alloc : memref<!tpu.dma_semaphore, #tpu.memory_space<semaphore_mem>>
      %dma_start3A = tpu.memref_slice %arg24[%run_scoped3A_105, %add3A_104] : memref<16x30720xf32, #tpu.memory_space<vmem_shared>> -> memref<1x640xf32, #tpu.memory_space<vmem_shared>>
      %dma_start3A_564 = tpu.memref_squeeze %dma_start3A : memref<1x640xf32, #tpu.memory_space<vmem_shared>> -> memref<640xf32, #tpu.memory_space<vmem_shared>>
      %dma_start3A_565 = tpu.memref_slice %arg24[%run_scoped3A_105, %add3A_104] : memref<16x30720xf32, #tpu.memory_space<vmem_shared>> -> memref<1x640xf32, #tpu.memory_space<vmem_shared>>
      %dma_start3A_566 = tpu.memref_squeeze %dma_start3A_565 : memref<1x640xf32, #tpu.memory_space<vmem_shared>> -> memref<640xf32, #tpu.memory_space<vmem_shared>>
      tpu.enqueue_dma source(%dma_start3A_566 : memref<640xf32, #tpu.memory_space<vmem_shared>>) target(%arg22 : memref<640xf32, #tpu.memory_space<vmem>>) target_semaphore(%run_scoped3A_563 : memref<!tpu.dma_semaphore, #tpu.memory_space<semaphore_mem>>)
      %dma_wait3A = tpu.memref_slice %arg24[%run_scoped3A_105, %add3A_104] : memref<16x30720xf32, #tpu.memory_space<vmem_shared>> -> memref<1x640xf32, #tpu.memory_space<vmem_shared>>
      %dma_wait3A_567 = tpu.memref_squeeze %dma_wait3A : memref<1x640xf32, #tpu.memory_space<vmem_shared>> -> memref<640xf32, #tpu.memory_space<vmem_shared>>
      %dma_wait3A_568 = tpu.memref_slice %arg24[%run_scoped3A_105, %add3A_104] : memref<16x30720xf32, #tpu.memory_space<vmem_shared>> -> memref<1x640xf32, #tpu.memory_space<vmem_shared>>
      %dma_wait3A_569 = tpu.memref_squeeze %dma_wait3A_568 : memref<1x640xf32, #tpu.memory_space<vmem_shared>> -> memref<640xf32, #tpu.memory_space<vmem_shared>>
      tpu.wait_dma2 semaphore(%run_scoped3A_563 : memref<!tpu.dma_semaphore, #tpu.memory_space<semaphore_mem>>) src(%dma_wait3A_569 : memref<640xf32, #tpu.memory_space<vmem_shared>>) dst(%arg22 : memref<640xf32, #tpu.memory_space<vmem>>)
      tpu.yield
    }) : () -> ()
    %scan3A_106 = arith.constant 0 : i32
    %scan3A_107 = arith.constant 0 : i32
    %scan3A_108 = arith.constant 40 : i32
    %scan3A_109 = arith.addi %scan3A_107, %scan3A_108 : i32
    %scan3A_110 = arith.constant 1 : i32
    %scan3A_111 = scf.for %scan3A_563 = %scan3A_107 to %scan3A_109 step %scan3A_110 iter_args(%scan3A_564 = %scan3A_106) -> (i32)  : i32 {
      %mul3A_565 = arith.constant 16 : i32
      %mul3A_566 = arith.muli %scan3A_563, %mul3A_565 : i32
      %get3A = arith.index_cast %mul3A_566 : i32 to index
      %get3A_567 = tpu.vector_load %arg23[%get3A] {strides = array<i32>} : memref<640xf32, #tpu.memory_space<vmem>>, vector<16xf32>,
      %get3A_568 = arith.index_cast %mul3A_566 : i32 to index
      %get3A_569 = tpu.vector_load %arg22[%get3A_568] {strides = array<i32>} : memref<640xf32, #tpu.memory_space<vmem>>, vector<16xf32>,
      %add3A_570 = arith.addf %get3A_567, %get3A_569 : vector<16xf32>
      %swap3A = arith.index_cast %mul3A_566 : i32 to index
      %swap3A_571 = tpu.vector_load %arg23[%swap3A] {strides = array<i32>} : memref<640xf32, #tpu.memory_space<vmem>>, vector<16xf32>,
      tpu.vector_store %arg23[%swap3A], %add3A_570 {strides = array<i32>} : memref<640xf32, #tpu.memory_space<vmem>>, vector<16xf32>,
      %scan3A_572 = arith.constant 0 : i32
      scf.yield %scan3A_572 : i32
    }
    %scan3A_112 = arith.constant 40 : i32
    %add3A_113 = arith.constant 0 : i32
    %add3A_114 = arith.addi %add3A_113, %mul3A_56 : i32
    %run_scoped3A_115 = arith.constant 5 : i32
    "tpu.region"() ({
      %run_scoped3A_563 = tpu.sem_alloc : memref<!tpu.dma_semaphore, #tpu.memory_space<semaphore_mem>>
      %dma_start3A = tpu.memref_slice %arg24[%run_scoped3A_115, %add3A_114] : memref<16x30720xf32, #tpu.memory_space<vmem_shared>> -> memref<1x640xf32, #tpu.memory_space<vmem_shared>>
      %dma_start3A_564 = tpu.memref_squeeze %dma_start3A : memref<1x640xf32, #tpu.memory_space<vmem_shared>> -> memref<640xf32, #tpu.memory_space<vmem_shared>>
      %dma_start3A_565 = tpu.memref_slice %arg24[%run_scoped3A_115, %add3A_114] : memref<16x30720xf32, #tpu.memory_space<vmem_shared>> -> memref<1x640xf32, #tpu.memory_space<vmem_shared>>
      %dma_start3A_566 = tpu.memref_squeeze %dma_start3A_565 : memref<1x640xf32, #tpu.memory_space<vmem_shared>> -> memref<640xf32, #tpu.memory_space<vmem_shared>>
      tpu.enqueue_dma source(%dma_start3A_566 : memref<640xf32, #tpu.memory_space<vmem_shared>>) target(%arg22 : memref<640xf32, #tpu.memory_space<vmem>>) target_semaphore(%run_scoped3A_563 : memref<!tpu.dma_semaphore, #tpu.memory_space<semaphore_mem>>)
      %dma_wait3A = tpu.memref_slice %arg24[%run_scoped3A_115, %add3A_114] : memref<16x30720xf32, #tpu.memory_space<vmem_shared>> -> memref<1x640xf32, #tpu.memory_space<vmem_shared>>
      %dma_wait3A_567 = tpu.memref_squeeze %dma_wait3A : memref<1x640xf32, #tpu.memory_space<vmem_shared>> -> memref<640xf32, #tpu.memory_space<vmem_shared>>
      %dma_wait3A_568 = tpu.memref_slice %arg24[%run_scoped3A_115, %add3A_114] : memref<16x30720xf32, #tpu.memory_space<vmem_shared>> -> memref<1x640xf32, #tpu.memory_space<vmem_shared>>
      %dma_wait3A_569 = tpu.memref_squeeze %dma_wait3A_568 : memref<1x640xf32, #tpu.memory_space<vmem_shared>> -> memref<640xf32, #tpu.memory_space<vmem_shared>>
      tpu.wait_dma2 semaphore(%run_scoped3A_563 : memref<!tpu.dma_semaphore, #tpu.memory_space<semaphore_mem>>) src(%dma_wait3A_569 : memref<640xf32, #tpu.memory_space<vmem_shared>>) dst(%arg22 : memref<640xf32, #tpu.memory_space<vmem>>)
      tpu.yield
    }) : () -> ()
    %scan3A_116 = arith.constant 0 : i32
    %scan3A_117 = arith.constant 0 : i32
    %scan3A_118 = arith.constant 40 : i32
    %scan3A_119 = arith.addi %scan3A_117, %scan3A_118 : i32
    %scan3A_120 = arith.constant 1 : i32
    %scan3A_121 = scf.for %scan3A_563 = %scan3A_117 to %scan3A_119 step %scan3A_120 iter_args(%scan3A_564 = %scan3A_116) -> (i32)  : i32 {
      %mul3A_565 = arith.constant 16 : i32
      %mul3A_566 = arith.muli %scan3A_563, %mul3A_565 : i32
      %get3A = arith.index_cast %mul3A_566 : i32 to index
      %get3A_567 = tpu.vector_load %arg23[%get3A] {strides = array<i32>} : memref<640xf32, #tpu.memory_space<vmem>>, vector<16xf32>,
      %get3A_568 = arith.index_cast %mul3A_566 : i32 to index
      %get3A_569 = tpu.vector_load %arg22[%get3A_568] {strides = array<i32>} : memref<640xf32, #tpu.memory_space<vmem>>, vector<16xf32>,
      %add3A_570 = arith.addf %get3A_567, %get3A_569 : vector<16xf32>
      %swap3A = arith.index_cast %mul3A_566 : i32 to index
      %swap3A_571 = tpu.vector_load %arg23[%swap3A] {strides = array<i32>} : memref<640xf32, #tpu.memory_space<vmem>>, vector<16xf32>,
      tpu.vector_store %arg23[%swap3A], %add3A_570 {strides = array<i32>} : memref<640xf32, #tpu.memory_space<vmem>>, vector<16xf32>,
      %scan3A_572 = arith.constant 0 : i32
      scf.yield %scan3A_572 : i32
    }
    %scan3A_122 = arith.constant 40 : i32
    %add3A_123 = arith.constant 0 : i32
    %add3A_124 = arith.addi %add3A_123, %mul3A_56 : i32
    %run_scoped3A_125 = arith.constant 6 : i32
    "tpu.region"() ({
      %run_scoped3A_563 = tpu.sem_alloc : memref<!tpu.dma_semaphore, #tpu.memory_space<semaphore_mem>>
      %dma_start3A = tpu.memref_slice %arg24[%run_scoped3A_125, %add3A_124] : memref<16x30720xf32, #tpu.memory_space<vmem_shared>> -> memref<1x640xf32, #tpu.memory_space<vmem_shared>>
      %dma_start3A_564 = tpu.memref_squeeze %dma_start3A : memref<1x640xf32, #tpu.memory_space<vmem_shared>> -> memref<640xf32, #tpu.memory_space<vmem_shared>>
      %dma_start3A_565 = tpu.memref_slice %arg24[%run_scoped3A_125, %add3A_124] : memref<16x30720xf32, #tpu.memory_space<vmem_shared>> -> memref<1x640xf32, #tpu.memory_space<vmem_shared>>
      %dma_start3A_566 = tpu.memref_squeeze %dma_start3A_565 : memref<1x640xf32, #tpu.memory_space<vmem_shared>> -> memref<640xf32, #tpu.memory_space<vmem_shared>>
      tpu.enqueue_dma source(%dma_start3A_566 : memref<640xf32, #tpu.memory_space<vmem_shared>>) target(%arg22 : memref<640xf32, #tpu.memory_space<vmem>>) target_semaphore(%run_scoped3A_563 : memref<!tpu.dma_semaphore, #tpu.memory_space<semaphore_mem>>)
      %dma_wait3A = tpu.memref_slice %arg24[%run_scoped3A_125, %add3A_124] : memref<16x30720xf32, #tpu.memory_space<vmem_shared>> -> memref<1x640xf32, #tpu.memory_space<vmem_shared>>
      %dma_wait3A_567 = tpu.memref_squeeze %dma_wait3A : memref<1x640xf32, #tpu.memory_space<vmem_shared>> -> memref<640xf32, #tpu.memory_space<vmem_shared>>
      %dma_wait3A_568 = tpu.memref_slice %arg24[%run_scoped3A_125, %add3A_124] : memref<16x30720xf32, #tpu.memory_space<vmem_shared>> -> memref<1x640xf32, #tpu.memory_space<vmem_shared>>
      %dma_wait3A_569 = tpu.memref_squeeze %dma_wait3A_568 : memref<1x640xf32, #tpu.memory_space<vmem_shared>> -> memref<640xf32, #tpu.memory_space<vmem_shared>>
      tpu.wait_dma2 semaphore(%run_scoped3A_563 : memref<!tpu.dma_semaphore, #tpu.memory_space<semaphore_mem>>) src(%dma_wait3A_569 : memref<640xf32, #tpu.memory_space<vmem_shared>>) dst(%arg22 : memref<640xf32, #tpu.memory_space<vmem>>)
      tpu.yield
    }) : () -> ()
    %scan3A_126 = arith.constant 0 : i32
    %scan3A_127 = arith.constant 0 : i32
    %scan3A_128 = arith.constant 40 : i32
    %scan3A_129 = arith.addi %scan3A_127, %scan3A_128 : i32
    %scan3A_130 = arith.constant 1 : i32
    %scan3A_131 = scf.for %scan3A_563 = %scan3A_127 to %scan3A_129 step %scan3A_130 iter_args(%scan3A_564 = %scan3A_126) -> (i32)  : i32 {
      %mul3A_565 = arith.constant 16 : i32
      %mul3A_566 = arith.muli %scan3A_563, %mul3A_565 : i32
      %get3A = arith.index_cast %mul3A_566 : i32 to index
      %get3A_567 = tpu.vector_load %arg23[%get3A] {strides = array<i32>} : memref<640xf32, #tpu.memory_space<vmem>>, vector<16xf32>,
      %get3A_568 = arith.index_cast %mul3A_566 : i32 to index
      %get3A_569 = tpu.vector_load %arg22[%get3A_568] {strides = array<i32>} : memref<640xf32, #tpu.memory_space<vmem>>, vector<16xf32>,
      %add3A_570 = arith.addf %get3A_567, %get3A_569 : vector<16xf32>
      %swap3A = arith.index_cast %mul3A_566 : i32 to index
      %swap3A_571 = tpu.vector_load %arg23[%swap3A] {strides = array<i32>} : memref<640xf32, #tpu.memory_space<vmem>>, vector<16xf32>,
      tpu.vector_store %arg23[%swap3A], %add3A_570 {strides = array<i32>} : memref<640xf32, #tpu.memory_space<vmem>>, vector<16xf32>,
      %scan3A_572 = arith.constant 0 : i32
      scf.yield %scan3A_572 : i32
    }
    %scan3A_132 = arith.constant 40 : i32
    %add3A_133 = arith.constant 0 : i32
    %add3A_134 = arith.addi %add3A_133, %mul3A_56 : i32
    %run_scoped3A_135 = arith.constant 7 : i32
    "tpu.region"() ({
      %run_scoped3A_563 = tpu.sem_alloc : memref<!tpu.dma_semaphore, #tpu.memory_space<semaphore_mem>>
      %dma_start3A = tpu.memref_slice %arg24[%run_scoped3A_135, %add3A_134] : memref<16x30720xf32, #tpu.memory_space<vmem_shared>> -> memref<1x640xf32, #tpu.memory_space<vmem_shared>>
      %dma_start3A_564 = tpu.memref_squeeze %dma_start3A : memref<1x640xf32, #tpu.memory_space<vmem_shared>> -> memref<640xf32, #tpu.memory_space<vmem_shared>>
      %dma_start3A_565 = tpu.memref_slice %arg24[%run_scoped3A_135, %add3A_134] : memref<16x30720xf32, #tpu.memory_space<vmem_shared>> -> memref<1x640xf32, #tpu.memory_space<vmem_shared>>
      %dma_start3A_566 = tpu.memref_squeeze %dma_start3A_565 : memref<1x640xf32, #tpu.memory_space<vmem_shared>> -> memref<640xf32, #tpu.memory_space<vmem_shared>>
      tpu.enqueue_dma source(%dma_start3A_566 : memref<640xf32, #tpu.memory_space<vmem_shared>>) target(%arg22 : memref<640xf32, #tpu.memory_space<vmem>>) target_semaphore(%run_scoped3A_563 : memref<!tpu.dma_semaphore, #tpu.memory_space<semaphore_mem>>)
      %dma_wait3A = tpu.memref_slice %arg24[%run_scoped3A_135, %add3A_134] : memref<16x30720xf32, #tpu.memory_space<vmem_shared>> -> memref<1x640xf32, #tpu.memory_space<vmem_shared>>
      %dma_wait3A_567 = tpu.memref_squeeze %dma_wait3A : memref<1x640xf32, #tpu.memory_space<vmem_shared>> -> memref<640xf32, #tpu.memory_space<vmem_shared>>
      %dma_wait3A_568 = tpu.memref_slice %arg24[%run_scoped3A_135, %add3A_134] : memref<16x30720xf32, #tpu.memory_space<vmem_shared>> -> memref<1x640xf32, #tpu.memory_space<vmem_shared>>
      %dma_wait3A_569 = tpu.memref_squeeze %dma_wait3A_568 : memref<1x640xf32, #tpu.memory_space<vmem_shared>> -> memref<640xf32, #tpu.memory_space<vmem_shared>>
      tpu.wait_dma2 semaphore(%run_scoped3A_563 : memref<!tpu.dma_semaphore, #tpu.memory_space<semaphore_mem>>) src(%dma_wait3A_569 : memref<640xf32, #tpu.memory_space<vmem_shared>>) dst(%arg22 : memref<640xf32, #tpu.memory_space<vmem>>)
      tpu.yield
    }) : () -> ()
    %scan3A_136 = arith.constant 0 : i32
    %scan3A_137 = arith.constant 0 : i32
    %scan3A_138 = arith.constant 40 : i32
    %scan3A_139 = arith.addi %scan3A_137, %scan3A_138 : i32
    %scan3A_140 = arith.constant 1 : i32
    %scan3A_141 = scf.for %scan3A_563 = %scan3A_137 to %scan3A_139 step %scan3A_140 iter_args(%scan3A_564 = %scan3A_136) -> (i32)  : i32 {
      %mul3A_565 = arith.constant 16 : i32
      %mul3A_566 = arith.muli %scan3A_563, %mul3A_565 : i32
      %get3A = arith.index_cast %mul3A_566 : i32 to index
      %get3A_567 = tpu.vector_load %arg23[%get3A] {strides = array<i32>} : memref<640xf32, #tpu.memory_space<vmem>>, vector<16xf32>,
      %get3A_568 = arith.index_cast %mul3A_566 : i32 to index
      %get3A_569 = tpu.vector_load %arg22[%get3A_568] {strides = array<i32>} : memref<640xf32, #tpu.memory_space<vmem>>, vector<16xf32>,
      %add3A_570 = arith.addf %get3A_567, %get3A_569 : vector<16xf32>
      %swap3A = arith.index_cast %mul3A_566 : i32 to index
      %swap3A_571 = tpu.vector_load %arg23[%swap3A] {strides = array<i32>} : memref<640xf32, #tpu.memory_space<vmem>>, vector<16xf32>,
      tpu.vector_store %arg23[%swap3A], %add3A_570 {strides = array<i32>} : memref<640xf32, #tpu.memory_space<vmem>>, vector<16xf32>,
      %scan3A_572 = arith.constant 0 : i32
      scf.yield %scan3A_572 : i32
    }
    %scan3A_142 = arith.constant 40 : i32
    %add3A_143 = arith.constant 0 : i32
    %add3A_144 = arith.addi %add3A_143, %mul3A_56 : i32
    %run_scoped3A_145 = arith.constant 8 : i32
    "tpu.region"() ({
      %run_scoped3A_563 = tpu.sem_alloc : memref<!tpu.dma_semaphore, #tpu.memory_space<semaphore_mem>>
      %dma_start3A = tpu.memref_slice %arg24[%run_scoped3A_145, %add3A_144] : memref<16x30720xf32, #tpu.memory_space<vmem_shared>> -> memref<1x640xf32, #tpu.memory_space<vmem_shared>>
      %dma_start3A_564 = tpu.memref_squeeze %dma_start3A : memref<1x640xf32, #tpu.memory_space<vmem_shared>> -> memref<640xf32, #tpu.memory_space<vmem_shared>>
      %dma_start3A_565 = tpu.memref_slice %arg24[%run_scoped3A_145, %add3A_144] : memref<16x30720xf32, #tpu.memory_space<vmem_shared>> -> memref<1x640xf32, #tpu.memory_space<vmem_shared>>
      %dma_start3A_566 = tpu.memref_squeeze %dma_start3A_565 : memref<1x640xf32, #tpu.memory_space<vmem_shared>> -> memref<640xf32, #tpu.memory_space<vmem_shared>>
      tpu.enqueue_dma source(%dma_start3A_566 : memref<640xf32, #tpu.memory_space<vmem_shared>>) target(%arg22 : memref<640xf32, #tpu.memory_space<vmem>>) target_semaphore(%run_scoped3A_563 : memref<!tpu.dma_semaphore, #tpu.memory_space<semaphore_mem>>)
      %dma_wait3A = tpu.memref_slice %arg24[%run_scoped3A_145, %add3A_144] : memref<16x30720xf32, #tpu.memory_space<vmem_shared>> -> memref<1x640xf32, #tpu.memory_space<vmem_shared>>
      %dma_wait3A_567 = tpu.memref_squeeze %dma_wait3A : memref<1x640xf32, #tpu.memory_space<vmem_shared>> -> memref<640xf32, #tpu.memory_space<vmem_shared>>
      %dma_wait3A_568 = tpu.memref_slice %arg24[%run_scoped3A_145, %add3A_144] : memref<16x30720xf32, #tpu.memory_space<vmem_shared>> -> memref<1x640xf32, #tpu.memory_space<vmem_shared>>
      %dma_wait3A_569 = tpu.memref_squeeze %dma_wait3A_568 : memref<1x640xf32, #tpu.memory_space<vmem_shared>> -> memref<640xf32, #tpu.memory_space<vmem_shared>>
      tpu.wait_dma2 semaphore(%run_scoped3A_563 : memref<!tpu.dma_semaphore, #tpu.memory_space<semaphore_mem>>) src(%dma_wait3A_569 : memref<640xf32, #tpu.memory_space<vmem_shared>>) dst(%arg22 : memref<640xf32, #tpu.memory_space<vmem>>)
      tpu.yield
    }) : () -> ()
    %scan3A_146 = arith.constant 0 : i32
    %scan3A_147 = arith.constant 0 : i32
    %scan3A_148 = arith.constant 40 : i32
    %scan3A_149 = arith.addi %scan3A_147, %scan3A_148 : i32
    %scan3A_150 = arith.constant 1 : i32
    %scan3A_151 = scf.for %scan3A_563 = %scan3A_147 to %scan3A_149 step %scan3A_150 iter_args(%scan3A_564 = %scan3A_146) -> (i32)  : i32 {
      %mul3A_565 = arith.constant 16 : i32
      %mul3A_566 = arith.muli %scan3A_563, %mul3A_565 : i32
      %get3A = arith.index_cast %mul3A_566 : i32 to index
      %get3A_567 = tpu.vector_load %arg23[%get3A] {strides = array<i32>} : memref<640xf32, #tpu.memory_space<vmem>>, vector<16xf32>,
      %get3A_568 = arith.index_cast %mul3A_566 : i32 to index
      %get3A_569 = tpu.vector_load %arg22[%get3A_568] {strides = array<i32>} : memref<640xf32, #tpu.memory_space<vmem>>, vector<16xf32>,
      %add3A_570 = arith.addf %get3A_567, %get3A_569 : vector<16xf32>
      %swap3A = arith.index_cast %mul3A_566 : i32 to index
      %swap3A_571 = tpu.vector_load %arg23[%swap3A] {strides = array<i32>} : memref<640xf32, #tpu.memory_space<vmem>>, vector<16xf32>,
      tpu.vector_store %arg23[%swap3A], %add3A_570 {strides = array<i32>} : memref<640xf32, #tpu.memory_space<vmem>>, vector<16xf32>,
      %scan3A_572 = arith.constant 0 : i32
      scf.yield %scan3A_572 : i32
    }
    %scan3A_152 = arith.constant 40 : i32
    %add3A_153 = arith.constant 0 : i32
    %add3A_154 = arith.addi %add3A_153, %mul3A_56 : i32
    %run_scoped3A_155 = arith.constant 9 : i32
    "tpu.region"() ({
      %run_scoped3A_563 = tpu.sem_alloc : memref<!tpu.dma_semaphore, #tpu.memory_space<semaphore_mem>>
      %dma_start3A = tpu.memref_slice %arg24[%run_scoped3A_155, %add3A_154] : memref<16x30720xf32, #tpu.memory_space<vmem_shared>> -> memref<1x640xf32, #tpu.memory_space<vmem_shared>>
      %dma_start3A_564 = tpu.memref_squeeze %dma_start3A : memref<1x640xf32, #tpu.memory_space<vmem_shared>> -> memref<640xf32, #tpu.memory_space<vmem_shared>>
      %dma_start3A_565 = tpu.memref_slice %arg24[%run_scoped3A_155, %add3A_154] : memref<16x30720xf32, #tpu.memory_space<vmem_shared>> -> memref<1x640xf32, #tpu.memory_space<vmem_shared>>
      %dma_start3A_566 = tpu.memref_squeeze %dma_start3A_565 : memref<1x640xf32, #tpu.memory_space<vmem_shared>> -> memref<640xf32, #tpu.memory_space<vmem_shared>>
      tpu.enqueue_dma source(%dma_start3A_566 : memref<640xf32, #tpu.memory_space<vmem_shared>>) target(%arg22 : memref<640xf32, #tpu.memory_space<vmem>>) target_semaphore(%run_scoped3A_563 : memref<!tpu.dma_semaphore, #tpu.memory_space<semaphore_mem>>)
      %dma_wait3A = tpu.memref_slice %arg24[%run_scoped3A_155, %add3A_154] : memref<16x30720xf32, #tpu.memory_space<vmem_shared>> -> memref<1x640xf32, #tpu.memory_space<vmem_shared>>
      %dma_wait3A_567 = tpu.memref_squeeze %dma_wait3A : memref<1x640xf32, #tpu.memory_space<vmem_shared>> -> memref<640xf32, #tpu.memory_space<vmem_shared>>
      %dma_wait3A_568 = tpu.memref_slice %arg24[%run_scoped3A_155, %add3A_154] : memref<16x30720xf32, #tpu.memory_space<vmem_shared>> -> memref<1x640xf32, #tpu.memory_space<vmem_shared>>
      %dma_wait3A_569 = tpu.memref_squeeze %dma_wait3A_568 : memref<1x640xf32, #tpu.memory_space<vmem_shared>> -> memref<640xf32, #tpu.memory_space<vmem_shared>>
      tpu.wait_dma2 semaphore(%run_scoped3A_563 : memref<!tpu.dma_semaphore, #tpu.memory_space<semaphore_mem>>) src(%dma_wait3A_569 : memref<640xf32, #tpu.memory_space<vmem_shared>>) dst(%arg22 : memref<640xf32, #tpu.memory_space<vmem>>)
      tpu.yield
    }) : () -> ()
    %scan3A_156 = arith.constant 0 : i32
    %scan3A_157 = arith.constant 0 : i32
    %scan3A_158 = arith.constant 40 : i32
    %scan3A_159 = arith.addi %scan3A_157, %scan3A_158 : i32
    %scan3A_160 = arith.constant 1 : i32
    %scan3A_161 = scf.for %scan3A_563 = %scan3A_157 to %scan3A_159 step %scan3A_160 iter_args(%scan3A_564 = %scan3A_156) -> (i32)  : i32 {
      %mul3A_565 = arith.constant 16 : i32
      %mul3A_566 = arith.muli %scan3A_563, %mul3A_565 : i32
      %get3A = arith.index_cast %mul3A_566 : i32 to index
      %get3A_567 = tpu.vector_load %arg23[%get3A] {strides = array<i32>} : memref<640xf32, #tpu.memory_space<vmem>>, vector<16xf32>,
      %get3A_568 = arith.index_cast %mul3A_566 : i32 to index
      %get3A_569 = tpu.vector_load %arg22[%get3A_568] {strides = array<i32>} : memref<640xf32, #tpu.memory_space<vmem>>, vector<16xf32>,
      %add3A_570 = arith.addf %get3A_567, %get3A_569 : vector<16xf32>
      %swap3A = arith.index_cast %mul3A_566 : i32 to index
      %swap3A_571 = tpu.vector_load %arg23[%swap3A] {strides = array<i32>} : memref<640xf32, #tpu.memory_space<vmem>>, vector<16xf32>,
      tpu.vector_store %arg23[%swap3A], %add3A_570 {strides = array<i32>} : memref<640xf32, #tpu.memory_space<vmem>>, vector<16xf32>,
      %scan3A_572 = arith.constant 0 : i32
      scf.yield %scan3A_572 : i32
    }
    %scan3A_162 = arith.constant 40 : i32
    %add3A_163 = arith.constant 0 : i32
    %add3A_164 = arith.addi %add3A_163, %mul3A_56 : i32
    %run_scoped3A_165 = arith.constant 10 : i32
    "tpu.region"() ({
      %run_scoped3A_563 = tpu.sem_alloc : memref<!tpu.dma_semaphore, #tpu.memory_space<semaphore_mem>>
      %dma_start3A = tpu.memref_slice %arg24[%run_scoped3A_165, %add3A_164] : memref<16x30720xf32, #tpu.memory_space<vmem_shared>> -> memref<1x640xf32, #tpu.memory_space<vmem_shared>>
      %dma_start3A_564 = tpu.memref_squeeze %dma_start3A : memref<1x640xf32, #tpu.memory_space<vmem_shared>> -> memref<640xf32, #tpu.memory_space<vmem_shared>>
      %dma_start3A_565 = tpu.memref_slice %arg24[%run_scoped3A_165, %add3A_164] : memref<16x30720xf32, #tpu.memory_space<vmem_shared>> -> memref<1x640xf32, #tpu.memory_space<vmem_shared>>
      %dma_start3A_566 = tpu.memref_squeeze %dma_start3A_565 : memref<1x640xf32, #tpu.memory_space<vmem_shared>> -> memref<640xf32, #tpu.memory_space<vmem_shared>>
      tpu.enqueue_dma source(%dma_start3A_566 : memref<640xf32, #tpu.memory_space<vmem_shared>>) target(%arg22 : memref<640xf32, #tpu.memory_space<vmem>>) target_semaphore(%run_scoped3A_563 : memref<!tpu.dma_semaphore, #tpu.memory_space<semaphore_mem>>)
      %dma_wait3A = tpu.memref_slice %arg24[%run_scoped3A_165, %add3A_164] : memref<16x30720xf32, #tpu.memory_space<vmem_shared>> -> memref<1x640xf32, #tpu.memory_space<vmem_shared>>
      %dma_wait3A_567 = tpu.memref_squeeze %dma_wait3A : memref<1x640xf32, #tpu.memory_space<vmem_shared>> -> memref<640xf32, #tpu.memory_space<vmem_shared>>
      %dma_wait3A_568 = tpu.memref_slice %arg24[%run_scoped3A_165, %add3A_164] : memref<16x30720xf32, #tpu.memory_space<vmem_shared>> -> memref<1x640xf32, #tpu.memory_space<vmem_shared>>
      %dma_wait3A_569 = tpu.memref_squeeze %dma_wait3A_568 : memref<1x640xf32, #tpu.memory_space<vmem_shared>> -> memref<640xf32, #tpu.memory_space<vmem_shared>>
      tpu.wait_dma2 semaphore(%run_scoped3A_563 : memref<!tpu.dma_semaphore, #tpu.memory_space<semaphore_mem>>) src(%dma_wait3A_569 : memref<640xf32, #tpu.memory_space<vmem_shared>>) dst(%arg22 : memref<640xf32, #tpu.memory_space<vmem>>)
      tpu.yield
    }) : () -> ()
    %scan3A_166 = arith.constant 0 : i32
    %scan3A_167 = arith.constant 0 : i32
    %scan3A_168 = arith.constant 40 : i32
    %scan3A_169 = arith.addi %scan3A_167, %scan3A_168 : i32
    %scan3A_170 = arith.constant 1 : i32
    %scan3A_171 = scf.for %scan3A_563 = %scan3A_167 to %scan3A_169 step %scan3A_170 iter_args(%scan3A_564 = %scan3A_166) -> (i32)  : i32 {
      %mul3A_565 = arith.constant 16 : i32
      %mul3A_566 = arith.muli %scan3A_563, %mul3A_565 : i32
      %get3A = arith.index_cast %mul3A_566 : i32 to index
      %get3A_567 = tpu.vector_load %arg23[%get3A] {strides = array<i32>} : memref<640xf32, #tpu.memory_space<vmem>>, vector<16xf32>,
      %get3A_568 = arith.index_cast %mul3A_566 : i32 to index
      %get3A_569 = tpu.vector_load %arg22[%get3A_568] {strides = array<i32>} : memref<640xf32, #tpu.memory_space<vmem>>, vector<16xf32>,
      %add3A_570 = arith.addf %get3A_567, %get3A_569 : vector<16xf32>
      %swap3A = arith.index_cast %mul3A_566 : i32 to index
      %swap3A_571 = tpu.vector_load %arg23[%swap3A] {strides = array<i32>} : memref<640xf32, #tpu.memory_space<vmem>>, vector<16xf32>,
      tpu.vector_store %arg23[%swap3A], %add3A_570 {strides = array<i32>} : memref<640xf32, #tpu.memory_space<vmem>>, vector<16xf32>,
      %scan3A_572 = arith.constant 0 : i32
      scf.yield %scan3A_572 : i32
    }
    %scan3A_172 = arith.constant 40 : i32
    %add3A_173 = arith.constant 0 : i32
    %add3A_174 = arith.addi %add3A_173, %mul3A_56 : i32
    %run_scoped3A_175 = arith.constant 11 : i32
    "tpu.region"() ({
      %run_scoped3A_563 = tpu.sem_alloc : memref<!tpu.dma_semaphore, #tpu.memory_space<semaphore_mem>>
      %dma_start3A = tpu.memref_slice %arg24[%run_scoped3A_175, %add3A_174] : memref<16x30720xf32, #tpu.memory_space<vmem_shared>> -> memref<1x640xf32, #tpu.memory_space<vmem_shared>>
      %dma_start3A_564 = tpu.memref_squeeze %dma_start3A : memref<1x640xf32, #tpu.memory_space<vmem_shared>> -> memref<640xf32, #tpu.memory_space<vmem_shared>>
      %dma_start3A_565 = tpu.memref_slice %arg24[%run_scoped3A_175, %add3A_174] : memref<16x30720xf32, #tpu.memory_space<vmem_shared>> -> memref<1x640xf32, #tpu.memory_space<vmem_shared>>
      %dma_start3A_566 = tpu.memref_squeeze %dma_start3A_565 : memref<1x640xf32, #tpu.memory_space<vmem_shared>> -> memref<640xf32, #tpu.memory_space<vmem_shared>>
      tpu.enqueue_dma source(%dma_start3A_566 : memref<640xf32, #tpu.memory_space<vmem_shared>>) target(%arg22 : memref<640xf32, #tpu.memory_space<vmem>>) target_semaphore(%run_scoped3A_563 : memref<!tpu.dma_semaphore, #tpu.memory_space<semaphore_mem>>)
      %dma_wait3A = tpu.memref_slice %arg24[%run_scoped3A_175, %add3A_174] : memref<16x30720xf32, #tpu.memory_space<vmem_shared>> -> memref<1x640xf32, #tpu.memory_space<vmem_shared>>
      %dma_wait3A_567 = tpu.memref_squeeze %dma_wait3A : memref<1x640xf32, #tpu.memory_space<vmem_shared>> -> memref<640xf32, #tpu.memory_space<vmem_shared>>
      %dma_wait3A_568 = tpu.memref_slice %arg24[%run_scoped3A_175, %add3A_174] : memref<16x30720xf32, #tpu.memory_space<vmem_shared>> -> memref<1x640xf32, #tpu.memory_space<vmem_shared>>
      %dma_wait3A_569 = tpu.memref_squeeze %dma_wait3A_568 : memref<1x640xf32, #tpu.memory_space<vmem_shared>> -> memref<640xf32, #tpu.memory_space<vmem_shared>>
      tpu.wait_dma2 semaphore(%run_scoped3A_563 : memref<!tpu.dma_semaphore, #tpu.memory_space<semaphore_mem>>) src(%dma_wait3A_569 : memref<640xf32, #tpu.memory_space<vmem_shared>>) dst(%arg22 : memref<640xf32, #tpu.memory_space<vmem>>)
      tpu.yield
    }) : () -> ()
    %scan3A_176 = arith.constant 0 : i32
    %scan3A_177 = arith.constant 0 : i32
    %scan3A_178 = arith.constant 40 : i32
    %scan3A_179 = arith.addi %scan3A_177, %scan3A_178 : i32
    %scan3A_180 = arith.constant 1 : i32
    %scan3A_181 = scf.for %scan3A_563 = %scan3A_177 to %scan3A_179 step %scan3A_180 iter_args(%scan3A_564 = %scan3A_176) -> (i32)  : i32 {
      %mul3A_565 = arith.constant 16 : i32
      %mul3A_566 = arith.muli %scan3A_563, %mul3A_565 : i32
      %get3A = arith.index_cast %mul3A_566 : i32 to index
      %get3A_567 = tpu.vector_load %arg23[%get3A] {strides = array<i32>} : memref<640xf32, #tpu.memory_space<vmem>>, vector<16xf32>,
      %get3A_568 = arith.index_cast %mul3A_566 : i32 to index
      %get3A_569 = tpu.vector_load %arg22[%get3A_568] {strides = array<i32>} : memref<640xf32, #tpu.memory_space<vmem>>, vector<16xf32>,
      %add3A_570 = arith.addf %get3A_567, %get3A_569 : vector<16xf32>
      %swap3A = arith.index_cast %mul3A_566 : i32 to index
      %swap3A_571 = tpu.vector_load %arg23[%swap3A] {strides = array<i32>} : memref<640xf32, #tpu.memory_space<vmem>>, vector<16xf32>,
      tpu.vector_store %arg23[%swap3A], %add3A_570 {strides = array<i32>} : memref<640xf32, #tpu.memory_space<vmem>>, vector<16xf32>,
      %scan3A_572 = arith.constant 0 : i32
      scf.yield %scan3A_572 : i32
    }
    %scan3A_182 = arith.constant 40 : i32
    %add3A_183 = arith.constant 0 : i32
    %add3A_184 = arith.addi %add3A_183, %mul3A_56 : i32
    %run_scoped3A_185 = arith.constant 12 : i32
    "tpu.region"() ({
      %run_scoped3A_563 = tpu.sem_alloc : memref<!tpu.dma_semaphore, #tpu.memory_space<semaphore_mem>>
      %dma_start3A = tpu.memref_slice %arg24[%run_scoped3A_185, %add3A_184] : memref<16x30720xf32, #tpu.memory_space<vmem_shared>> -> memref<1x640xf32, #tpu.memory_space<vmem_shared>>
      %dma_start3A_564 = tpu.memref_squeeze %dma_start3A : memref<1x640xf32, #tpu.memory_space<vmem_shared>> -> memref<640xf32, #tpu.memory_space<vmem_shared>>
      %dma_start3A_565 = tpu.memref_slice %arg24[%run_scoped3A_185, %add3A_184] : memref<16x30720xf32, #tpu.memory_space<vmem_shared>> -> memref<1x640xf32, #tpu.memory_space<vmem_shared>>
      %dma_start3A_566 = tpu.memref_squeeze %dma_start3A_565 : memref<1x640xf32, #tpu.memory_space<vmem_shared>> -> memref<640xf32, #tpu.memory_space<vmem_shared>>
      tpu.enqueue_dma source(%dma_start3A_566 : memref<640xf32, #tpu.memory_space<vmem_shared>>) target(%arg22 : memref<640xf32, #tpu.memory_space<vmem>>) target_semaphore(%run_scoped3A_563 : memref<!tpu.dma_semaphore, #tpu.memory_space<semaphore_mem>>)
      %dma_wait3A = tpu.memref_slice %arg24[%run_scoped3A_185, %add3A_184] : memref<16x30720xf32, #tpu.memory_space<vmem_shared>> -> memref<1x640xf32, #tpu.memory_space<vmem_shared>>
      %dma_wait3A_567 = tpu.memref_squeeze %dma_wait3A : memref<1x640xf32, #tpu.memory_space<vmem_shared>> -> memref<640xf32, #tpu.memory_space<vmem_shared>>
      %dma_wait3A_568 = tpu.memref_slice %arg24[%run_scoped3A_185, %add3A_184] : memref<16x30720xf32, #tpu.memory_space<vmem_shared>> -> memref<1x640xf32, #tpu.memory_space<vmem_shared>>
      %dma_wait3A_569 = tpu.memref_squeeze %dma_wait3A_568 : memref<1x640xf32, #tpu.memory_space<vmem_shared>> -> memref<640xf32, #tpu.memory_space<vmem_shared>>
      tpu.wait_dma2 semaphore(%run_scoped3A_563 : memref<!tpu.dma_semaphore, #tpu.memory_space<semaphore_mem>>) src(%dma_wait3A_569 : memref<640xf32, #tpu.memory_space<vmem_shared>>) dst(%arg22 : memref<640xf32, #tpu.memory_space<vmem>>)
      tpu.yield
    }) : () -> ()
    %scan3A_186 = arith.constant 0 : i32
    %scan3A_187 = arith.constant 0 : i32
    %scan3A_188 = arith.constant 40 : i32
    %scan3A_189 = arith.addi %scan3A_187, %scan3A_188 : i32
    %scan3A_190 = arith.constant 1 : i32
    %scan3A_191 = scf.for %scan3A_563 = %scan3A_187 to %scan3A_189 step %scan3A_190 iter_args(%scan3A_564 = %scan3A_186) -> (i32)  : i32 {
      %mul3A_565 = arith.constant 16 : i32
      %mul3A_566 = arith.muli %scan3A_563, %mul3A_565 : i32
      %get3A = arith.index_cast %mul3A_566 : i32 to index
      %get3A_567 = tpu.vector_load %arg23[%get3A] {strides = array<i32>} : memref<640xf32, #tpu.memory_space<vmem>>, vector<16xf32>,
      %get3A_568 = arith.index_cast %mul3A_566 : i32 to index
      %get3A_569 = tpu.vector_load %arg22[%get3A_568] {strides = array<i32>} : memref<640xf32, #tpu.memory_space<vmem>>, vector<16xf32>,
      %add3A_570 = arith.addf %get3A_567, %get3A_569 : vector<16xf32>
      %swap3A = arith.index_cast %mul3A_566 : i32 to index
      %swap3A_571 = tpu.vector_load %arg23[%swap3A] {strides = array<i32>} : memref<640xf32, #tpu.memory_space<vmem>>, vector<16xf32>,
      tpu.vector_store %arg23[%swap3A], %add3A_570 {strides = array<i32>} : memref<640xf32, #tpu.memory_space<vmem>>, vector<16xf32>,
      %scan3A_572 = arith.constant 0 : i32
      scf.yield %scan3A_572 : i32
    }
    %scan3A_192 = arith.constant 40 : i32
    %add3A_193 = arith.constant 0 : i32
    %add3A_194 = arith.addi %add3A_193, %mul3A_56 : i32
    %run_scoped3A_195 = arith.constant 13 : i32
    "tpu.region"() ({
      %run_scoped3A_563 = tpu.sem_alloc : memref<!tpu.dma_semaphore, #tpu.memory_space<semaphore_mem>>
      %dma_start3A = tpu.memref_slice %arg24[%run_scoped3A_195, %add3A_194] : memref<16x30720xf32, #tpu.memory_space<vmem_shared>> -> memref<1x640xf32, #tpu.memory_space<vmem_shared>>
      %dma_start3A_564 = tpu.memref_squeeze %dma_start3A : memref<1x640xf32, #tpu.memory_space<vmem_shared>> -> memref<640xf32, #tpu.memory_space<vmem_shared>>
      %dma_start3A_565 = tpu.memref_slice %arg24[%run_scoped3A_195, %add3A_194] : memref<16x30720xf32, #tpu.memory_space<vmem_shared>> -> memref<1x640xf32, #tpu.memory_space<vmem_shared>>
      %dma_start3A_566 = tpu.memref_squeeze %dma_start3A_565 : memref<1x640xf32, #tpu.memory_space<vmem_shared>> -> memref<640xf32, #tpu.memory_space<vmem_shared>>
      tpu.enqueue_dma source(%dma_start3A_566 : memref<640xf32, #tpu.memory_space<vmem_shared>>) target(%arg22 : memref<640xf32, #tpu.memory_space<vmem>>) target_semaphore(%run_scoped3A_563 : memref<!tpu.dma_semaphore, #tpu.memory_space<semaphore_mem>>)
      %dma_wait3A = tpu.memref_slice %arg24[%run_scoped3A_195, %add3A_194] : memref<16x30720xf32, #tpu.memory_space<vmem_shared>> -> memref<1x640xf32, #tpu.memory_space<vmem_shared>>
      %dma_wait3A_567 = tpu.memref_squeeze %dma_wait3A : memref<1x640xf32, #tpu.memory_space<vmem_shared>> -> memref<640xf32, #tpu.memory_space<vmem_shared>>
      %dma_wait3A_568 = tpu.memref_slice %arg24[%run_scoped3A_195, %add3A_194] : memref<16x30720xf32, #tpu.memory_space<vmem_shared>> -> memref<1x640xf32, #tpu.memory_space<vmem_shared>>
      %dma_wait3A_569 = tpu.memref_squeeze %dma_wait3A_568 : memref<1x640xf32, #tpu.memory_space<vmem_shared>> -> memref<640xf32, #tpu.memory_space<vmem_shared>>
      tpu.wait_dma2 semaphore(%run_scoped3A_563 : memref<!tpu.dma_semaphore, #tpu.memory_space<semaphore_mem>>) src(%dma_wait3A_569 : memref<640xf32, #tpu.memory_space<vmem_shared>>) dst(%arg22 : memref<640xf32, #tpu.memory_space<vmem>>)
      tpu.yield
    }) : () -> ()
    %scan3A_196 = arith.constant 0 : i32
    %scan3A_197 = arith.constant 0 : i32
    %scan3A_198 = arith.constant 40 : i32
    %scan3A_199 = arith.addi %scan3A_197, %scan3A_198 : i32
    %scan3A_200 = arith.constant 1 : i32
    %scan3A_201 = scf.for %scan3A_563 = %scan3A_197 to %scan3A_199 step %scan3A_200 iter_args(%scan3A_564 = %scan3A_196) -> (i32)  : i32 {
      %mul3A_565 = arith.constant 16 : i32
      %mul3A_566 = arith.muli %scan3A_563, %mul3A_565 : i32
      %get3A = arith.index_cast %mul3A_566 : i32 to index
      %get3A_567 = tpu.vector_load %arg23[%get3A] {strides = array<i32>} : memref<640xf32, #tpu.memory_space<vmem>>, vector<16xf32>,
      %get3A_568 = arith.index_cast %mul3A_566 : i32 to index
      %get3A_569 = tpu.vector_load %arg22[%get3A_568] {strides = array<i32>} : memref<640xf32, #tpu.memory_space<vmem>>, vector<16xf32>,
      %add3A_570 = arith.addf %get3A_567, %get3A_569 : vector<16xf32>
      %swap3A = arith.index_cast %mul3A_566 : i32 to index
      %swap3A_571 = tpu.vector_load %arg23[%swap3A] {strides = array<i32>} : memref<640xf32, #tpu.memory_space<vmem>>, vector<16xf32>,
      tpu.vector_store %arg23[%swap3A], %add3A_570 {strides = array<i32>} : memref<640xf32, #tpu.memory_space<vmem>>, vector<16xf32>,
      %scan3A_572 = arith.constant 0 : i32
      scf.yield %scan3A_572 : i32
    }
    %scan3A_202 = arith.constant 40 : i32
    %add3A_203 = arith.constant 0 : i32
    %add3A_204 = arith.addi %add3A_203, %mul3A_56 : i32
    %run_scoped3A_205 = arith.constant 14 : i32
    "tpu.region"() ({
      %run_scoped3A_563 = tpu.sem_alloc : memref<!tpu.dma_semaphore, #tpu.memory_space<semaphore_mem>>
      %dma_start3A = tpu.memref_slice %arg24[%run_scoped3A_205, %add3A_204] : memref<16x30720xf32, #tpu.memory_space<vmem_shared>> -> memref<1x640xf32, #tpu.memory_space<vmem_shared>>
      %dma_start3A_564 = tpu.memref_squeeze %dma_start3A : memref<1x640xf32, #tpu.memory_space<vmem_shared>> -> memref<640xf32, #tpu.memory_space<vmem_shared>>
      %dma_start3A_565 = tpu.memref_slice %arg24[%run_scoped3A_205, %add3A_204] : memref<16x30720xf32, #tpu.memory_space<vmem_shared>> -> memref<1x640xf32, #tpu.memory_space<vmem_shared>>
      %dma_start3A_566 = tpu.memref_squeeze %dma_start3A_565 : memref<1x640xf32, #tpu.memory_space<vmem_shared>> -> memref<640xf32, #tpu.memory_space<vmem_shared>>
      tpu.enqueue_dma source(%dma_start3A_566 : memref<640xf32, #tpu.memory_space<vmem_shared>>) target(%arg22 : memref<640xf32, #tpu.memory_space<vmem>>) target_semaphore(%run_scoped3A_563 : memref<!tpu.dma_semaphore, #tpu.memory_space<semaphore_mem>>)
      %dma_wait3A = tpu.memref_slice %arg24[%run_scoped3A_205, %add3A_204] : memref<16x30720xf32, #tpu.memory_space<vmem_shared>> -> memref<1x640xf32, #tpu.memory_space<vmem_shared>>
      %dma_wait3A_567 = tpu.memref_squeeze %dma_wait3A : memref<1x640xf32, #tpu.memory_space<vmem_shared>> -> memref<640xf32, #tpu.memory_space<vmem_shared>>
      %dma_wait3A_568 = tpu.memref_slice %arg24[%run_scoped3A_205, %add3A_204] : memref<16x30720xf32, #tpu.memory_space<vmem_shared>> -> memref<1x640xf32, #tpu.memory_space<vmem_shared>>
      %dma_wait3A_569 = tpu.memref_squeeze %dma_wait3A_568 : memref<1x640xf32, #tpu.memory_space<vmem_shared>> -> memref<640xf32, #tpu.memory_space<vmem_shared>>
      tpu.wait_dma2 semaphore(%run_scoped3A_563 : memref<!tpu.dma_semaphore, #tpu.memory_space<semaphore_mem>>) src(%dma_wait3A_569 : memref<640xf32, #tpu.memory_space<vmem_shared>>) dst(%arg22 : memref<640xf32, #tpu.memory_space<vmem>>)
      tpu.yield
    }) : () -> ()
    %scan3A_206 = arith.constant 0 : i32
    %scan3A_207 = arith.constant 0 : i32
    %scan3A_208 = arith.constant 40 : i32
    %scan3A_209 = arith.addi %scan3A_207, %scan3A_208 : i32
    %scan3A_210 = arith.constant 1 : i32
    %scan3A_211 = scf.for %scan3A_563 = %scan3A_207 to %scan3A_209 step %scan3A_210 iter_args(%scan3A_564 = %scan3A_206) -> (i32)  : i32 {
      %mul3A_565 = arith.constant 16 : i32
      %mul3A_566 = arith.muli %scan3A_563, %mul3A_565 : i32
      %get3A = arith.index_cast %mul3A_566 : i32 to index
      %get3A_567 = tpu.vector_load %arg23[%get3A] {strides = array<i32>} : memref<640xf32, #tpu.memory_space<vmem>>, vector<16xf32>,
      %get3A_568 = arith.index_cast %mul3A_566 : i32 to index
      %get3A_569 = tpu.vector_load %arg22[%get3A_568] {strides = array<i32>} : memref<640xf32, #tpu.memory_space<vmem>>, vector<16xf32>,
      %add3A_570 = arith.addf %get3A_567, %get3A_569 : vector<16xf32>
      %swap3A = arith.index_cast %mul3A_566 : i32 to index
      %swap3A_571 = tpu.vector_load %arg23[%swap3A] {strides = array<i32>} : memref<640xf32, #tpu.memory_space<vmem>>, vector<16xf32>,
      tpu.vector_store %arg23[%swap3A], %add3A_570 {strides = array<i32>} : memref<640xf32, #tpu.memory_space<vmem>>, vector<16xf32>,
      %scan3A_572 = arith.constant 0 : i32
      scf.yield %scan3A_572 : i32
    }
    %scan3A_212 = arith.constant 40 : i32
    %add3A_213 = arith.constant 0 : i32
    %add3A_214 = arith.addi %add3A_213, %mul3A_56 : i32
    %run_scoped3A_215 = arith.constant 15 : i32
    "tpu.region"() ({
      %run_scoped3A_563 = tpu.sem_alloc : memref<!tpu.dma_semaphore, #tpu.memory_space<semaphore_mem>>
      %dma_start3A = tpu.memref_slice %arg24[%run_scoped3A_215, %add3A_214] : memref<16x30720xf32, #tpu.memory_space<vmem_shared>> -> memref<1x640xf32, #tpu.memory_space<vmem_shared>>
      %dma_start3A_564 = tpu.memref_squeeze %dma_start3A : memref<1x640xf32, #tpu.memory_space<vmem_shared>> -> memref<640xf32, #tpu.memory_space<vmem_shared>>
      %dma_start3A_565 = tpu.memref_slice %arg24[%run_scoped3A_215, %add3A_214] : memref<16x30720xf32, #tpu.memory_space<vmem_shared>> -> memref<1x640xf32, #tpu.memory_space<vmem_shared>>
      %dma_start3A_566 = tpu.memref_squeeze %dma_start3A_565 : memref<1x640xf32, #tpu.memory_space<vmem_shared>> -> memref<640xf32, #tpu.memory_space<vmem_shared>>
      tpu.enqueue_dma source(%dma_start3A_566 : memref<640xf32, #tpu.memory_space<vmem_shared>>) target(%arg22 : memref<640xf32, #tpu.memory_space<vmem>>) target_semaphore(%run_scoped3A_563 : memref<!tpu.dma_semaphore, #tpu.memory_space<semaphore_mem>>)
      %dma_wait3A = tpu.memref_slice %arg24[%run_scoped3A_215, %add3A_214] : memref<16x30720xf32, #tpu.memory_space<vmem_shared>> -> memref<1x640xf32, #tpu.memory_space<vmem_shared>>
      %dma_wait3A_567 = tpu.memref_squeeze %dma_wait3A : memref<1x640xf32, #tpu.memory_space<vmem_shared>> -> memref<640xf32, #tpu.memory_space<vmem_shared>>
      %dma_wait3A_568 = tpu.memref_slice %arg24[%run_scoped3A_215, %add3A_214] : memref<16x30720xf32, #tpu.memory_space<vmem_shared>> -> memref<1x640xf32, #tpu.memory_space<vmem_shared>>
      %dma_wait3A_569 = tpu.memref_squeeze %dma_wait3A_568 : memref<1x640xf32, #tpu.memory_space<vmem_shared>> -> memref<640xf32, #tpu.memory_space<vmem_shared>>
      tpu.wait_dma2 semaphore(%run_scoped3A_563 : memref<!tpu.dma_semaphore, #tpu.memory_space<semaphore_mem>>) src(%dma_wait3A_569 : memref<640xf32, #tpu.memory_space<vmem_shared>>) dst(%arg22 : memref<640xf32, #tpu.memory_space<vmem>>)
      tpu.yield
    }) : () -> ()
    %scan3A_216 = arith.constant 0 : i32
    %scan3A_217 = arith.constant 0 : i32
    %scan3A_218 = arith.constant 40 : i32
    %scan3A_219 = arith.addi %scan3A_217, %scan3A_218 : i32
    %scan3A_220 = arith.constant 1 : i32
    %scan3A_221 = scf.for %scan3A_563 = %scan3A_217 to %scan3A_219 step %scan3A_220 iter_args(%scan3A_564 = %scan3A_216) -> (i32)  : i32 {
      %mul3A_565 = arith.constant 16 : i32
      %mul3A_566 = arith.muli %scan3A_563, %mul3A_565 : i32
      %get3A = arith.index_cast %mul3A_566 : i32 to index
      %get3A_567 = tpu.vector_load %arg23[%get3A] {strides = array<i32>} : memref<640xf32, #tpu.memory_space<vmem>>, vector<16xf32>,
      %get3A_568 = arith.index_cast %mul3A_566 : i32 to index
      %get3A_569 = tpu.vector_load %arg22[%get3A_568] {strides = array<i32>} : memref<640xf32, #tpu.memory_space<vmem>>, vector<16xf32>,
      %add3A_570 = arith.addf %get3A_567, %get3A_569 : vector<16xf32>
      %swap3A = arith.index_cast %mul3A_566 : i32 to index
      %swap3A_571 = tpu.vector_load %arg23[%swap3A] {strides = array<i32>} : memref<640xf32, #tpu.memory_space<vmem>>, vector<16xf32>,
      tpu.vector_store %arg23[%swap3A], %add3A_570 {strides = array<i32>} : memref<640xf32, #tpu.memory_space<vmem>>, vector<16xf32>,
      %scan3A_572 = arith.constant 0 : i32
      scf.yield %scan3A_572 : i32
    }
    %scan3A_222 = arith.constant 40 : i32
    %add3A_223 = arith.constant 0 : i32
    %add3A_224 = arith.addi %add3A_223, %mul3A_56 : i32
    "tpu.region"() ({
      %run_scoped3A_563 = tpu.sem_alloc : memref<!tpu.dma_semaphore, #tpu.memory_space<semaphore_mem>>
      %dma_start3A = tpu.memref_slice %arg10[%arg0, %add3A_224] : memref<2x30720xf32, #tpu.memory_space<hbm>> -> memref<1x640xf32, #tpu.memory_space<hbm>>
      %dma_start3A_564 = tpu.memref_squeeze %dma_start3A : memref<1x640xf32, #tpu.memory_space<hbm>> -> memref<640xf32, #tpu.memory_space<hbm>>
      %dma_start3A_565 = tpu.memref_slice %arg10[%arg0, %add3A_224] : memref<2x30720xf32, #tpu.memory_space<hbm>> -> memref<1x640xf32, #tpu.memory_space<hbm>>
      %dma_start3A_566 = tpu.memref_squeeze %dma_start3A_565 : memref<1x640xf32, #tpu.memory_space<hbm>> -> memref<640xf32, #tpu.memory_space<hbm>>
      tpu.enqueue_dma source(%arg23 : memref<640xf32, #tpu.memory_space<vmem>>) target(%dma_start3A_566 : memref<640xf32, #tpu.memory_space<hbm>>) target_semaphore(%run_scoped3A_563 : memref<!tpu.dma_semaphore, #tpu.memory_space<semaphore_mem>>)
      %dma_wait3A = tpu.memref_slice %arg10[%arg0, %add3A_224] : memref<2x30720xf32, #tpu.memory_space<hbm>> -> memref<1x640xf32, #tpu.memory_space<hbm>>
      %dma_wait3A_567 = tpu.memref_squeeze %dma_wait3A : memref<1x640xf32, #tpu.memory_space<hbm>> -> memref<640xf32, #tpu.memory_space<hbm>>
      %dma_wait3A_568 = tpu.memref_slice %arg10[%arg0, %add3A_224] : memref<2x30720xf32, #tpu.memory_space<hbm>> -> memref<1x640xf32, #tpu.memory_space<hbm>>
      %dma_wait3A_569 = tpu.memref_squeeze %dma_wait3A_568 : memref<1x640xf32, #tpu.memory_space<hbm>> -> memref<640xf32, #tpu.memory_space<hbm>>
      tpu.wait_dma2 semaphore(%run_scoped3A_563 : memref<!tpu.dma_semaphore, #tpu.memory_space<semaphore_mem>>) src(%arg23 : memref<640xf32, #tpu.memory_space<vmem>>) dst(%dma_wait3A_569 : memref<640xf32, #tpu.memory_space<hbm>>)
      tpu.yield
    }) : () -> ()
    %scan3A_225 = arith.constant 0 : i32
    %scan3A_226 = arith.constant 0 : i32
    %scan3A_227 = arith.constant 40 : i32
    %scan3A_228 = arith.addi %scan3A_226, %scan3A_227 : i32
    %scan3A_229 = arith.constant 1 : i32
    %scan3A_230 = scf.for %scan3A_563 = %scan3A_226 to %scan3A_228 step %scan3A_229 iter_args(%scan3A_564 = %scan3A_225) -> (i32)  : i32 {
      %mul3A_565 = arith.constant 16 : i32
      %mul3A_566 = arith.muli %scan3A_563, %mul3A_565 : i32
      %swap3A = arith.index_cast %mul3A_566 : i32 to index
      %swap3A_567 = tpu.vector_load %arg23[%swap3A] {strides = array<i32>} : memref<640xf32, #tpu.memory_space<vmem>>, vector<16xf32>,
      tpu.vector_store %arg23[%swap3A], %broadcast_in_dim3A_3 {strides = array<i32>} : memref<640xf32, #tpu.memory_space<vmem>>, vector<16xf32>,
      %scan3A_568 = arith.constant 0 : i32
      scf.yield %scan3A_568 : i32
    }
    %scan3A_231 = arith.constant 40 : i32
    %add3A_232 = arith.constant 10240 : i32
    %add3A_233 = arith.addi %add3A_232, %mul3A_56 : i32
    %run_scoped3A_234 = arith.constant 0 : i32
    "tpu.region"() ({
      %run_scoped3A_563 = tpu.sem_alloc : memref<!tpu.dma_semaphore, #tpu.memory_space<semaphore_mem>>
      %dma_start3A = tpu.memref_slice %arg24[%run_scoped3A_234, %add3A_233] : memref<16x30720xf32, #tpu.memory_space<vmem_shared>> -> memref<1x640xf32, #tpu.memory_space<vmem_shared>>
      %dma_start3A_564 = tpu.memref_squeeze %dma_start3A : memref<1x640xf32, #tpu.memory_space<vmem_shared>> -> memref<640xf32, #tpu.memory_space<vmem_shared>>
      %dma_start3A_565 = tpu.memref_slice %arg24[%run_scoped3A_234, %add3A_233] : memref<16x30720xf32, #tpu.memory_space<vmem_shared>> -> memref<1x640xf32, #tpu.memory_space<vmem_shared>>
      %dma_start3A_566 = tpu.memref_squeeze %dma_start3A_565 : memref<1x640xf32, #tpu.memory_space<vmem_shared>> -> memref<640xf32, #tpu.memory_space<vmem_shared>>
      tpu.enqueue_dma source(%dma_start3A_566 : memref<640xf32, #tpu.memory_space<vmem_shared>>) target(%arg22 : memref<640xf32, #tpu.memory_space<vmem>>) target_semaphore(%run_scoped3A_563 : memref<!tpu.dma_semaphore, #tpu.memory_space<semaphore_mem>>)
      %dma_wait3A = tpu.memref_slice %arg24[%run_scoped3A_234, %add3A_233] : memref<16x30720xf32, #tpu.memory_space<vmem_shared>> -> memref<1x640xf32, #tpu.memory_space<vmem_shared>>
      %dma_wait3A_567 = tpu.memref_squeeze %dma_wait3A : memref<1x640xf32, #tpu.memory_space<vmem_shared>> -> memref<640xf32, #tpu.memory_space<vmem_shared>>
      %dma_wait3A_568 = tpu.memref_slice %arg24[%run_scoped3A_234, %add3A_233] : memref<16x30720xf32, #tpu.memory_space<vmem_shared>> -> memref<1x640xf32, #tpu.memory_space<vmem_shared>>
      %dma_wait3A_569 = tpu.memref_squeeze %dma_wait3A_568 : memref<1x640xf32, #tpu.memory_space<vmem_shared>> -> memref<640xf32, #tpu.memory_space<vmem_shared>>
      tpu.wait_dma2 semaphore(%run_scoped3A_563 : memref<!tpu.dma_semaphore, #tpu.memory_space<semaphore_mem>>) src(%dma_wait3A_569 : memref<640xf32, #tpu.memory_space<vmem_shared>>) dst(%arg22 : memref<640xf32, #tpu.memory_space<vmem>>)
      tpu.yield
    }) : () -> ()
    %scan3A_235 = arith.constant 0 : i32
    %scan3A_236 = arith.constant 0 : i32
    %scan3A_237 = arith.constant 40 : i32
    %scan3A_238 = arith.addi %scan3A_236, %scan3A_237 : i32
    %scan3A_239 = arith.constant 1 : i32
    %scan3A_240 = scf.for %scan3A_563 = %scan3A_236 to %scan3A_238 step %scan3A_239 iter_args(%scan3A_564 = %scan3A_235) -> (i32)  : i32 {
      %mul3A_565 = arith.constant 16 : i32
      %mul3A_566 = arith.muli %scan3A_563, %mul3A_565 : i32
      %get3A = arith.index_cast %mul3A_566 : i32 to index
      %get3A_567 = tpu.vector_load %arg23[%get3A] {strides = array<i32>} : memref<640xf32, #tpu.memory_space<vmem>>, vector<16xf32>,
      %get3A_568 = arith.index_cast %mul3A_566 : i32 to index
      %get3A_569 = tpu.vector_load %arg22[%get3A_568] {strides = array<i32>} : memref<640xf32, #tpu.memory_space<vmem>>, vector<16xf32>,
      %add3A_570 = arith.addf %get3A_567, %get3A_569 : vector<16xf32>
      %swap3A = arith.index_cast %mul3A_566 : i32 to index
      %swap3A_571 = tpu.vector_load %arg23[%swap3A] {strides = array<i32>} : memref<640xf32, #tpu.memory_space<vmem>>, vector<16xf32>,
      tpu.vector_store %arg23[%swap3A], %add3A_570 {strides = array<i32>} : memref<640xf32, #tpu.memory_space<vmem>>, vector<16xf32>,
      %scan3A_572 = arith.constant 0 : i32
      scf.yield %scan3A_572 : i32
    }
    %scan3A_241 = arith.constant 40 : i32
    %add3A_242 = arith.constant 10240 : i32
    %add3A_243 = arith.addi %add3A_242, %mul3A_56 : i32
    %run_scoped3A_244 = arith.constant 1 : i32
    "tpu.region"() ({
      %run_scoped3A_563 = tpu.sem_alloc : memref<!tpu.dma_semaphore, #tpu.memory_space<semaphore_mem>>
      %dma_start3A = tpu.memref_slice %arg24[%run_scoped3A_244, %add3A_243] : memref<16x30720xf32, #tpu.memory_space<vmem_shared>> -> memref<1x640xf32, #tpu.memory_space<vmem_shared>>
      %dma_start3A_564 = tpu.memref_squeeze %dma_start3A : memref<1x640xf32, #tpu.memory_space<vmem_shared>> -> memref<640xf32, #tpu.memory_space<vmem_shared>>
      %dma_start3A_565 = tpu.memref_slice %arg24[%run_scoped3A_244, %add3A_243] : memref<16x30720xf32, #tpu.memory_space<vmem_shared>> -> memref<1x640xf32, #tpu.memory_space<vmem_shared>>
      %dma_start3A_566 = tpu.memref_squeeze %dma_start3A_565 : memref<1x640xf32, #tpu.memory_space<vmem_shared>> -> memref<640xf32, #tpu.memory_space<vmem_shared>>
      tpu.enqueue_dma source(%dma_start3A_566 : memref<640xf32, #tpu.memory_space<vmem_shared>>) target(%arg22 : memref<640xf32, #tpu.memory_space<vmem>>) target_semaphore(%run_scoped3A_563 : memref<!tpu.dma_semaphore, #tpu.memory_space<semaphore_mem>>)
      %dma_wait3A = tpu.memref_slice %arg24[%run_scoped3A_244, %add3A_243] : memref<16x30720xf32, #tpu.memory_space<vmem_shared>> -> memref<1x640xf32, #tpu.memory_space<vmem_shared>>
      %dma_wait3A_567 = tpu.memref_squeeze %dma_wait3A : memref<1x640xf32, #tpu.memory_space<vmem_shared>> -> memref<640xf32, #tpu.memory_space<vmem_shared>>
      %dma_wait3A_568 = tpu.memref_slice %arg24[%run_scoped3A_244, %add3A_243] : memref<16x30720xf32, #tpu.memory_space<vmem_shared>> -> memref<1x640xf32, #tpu.memory_space<vmem_shared>>
      %dma_wait3A_569 = tpu.memref_squeeze %dma_wait3A_568 : memref<1x640xf32, #tpu.memory_space<vmem_shared>> -> memref<640xf32, #tpu.memory_space<vmem_shared>>
      tpu.wait_dma2 semaphore(%run_scoped3A_563 : memref<!tpu.dma_semaphore, #tpu.memory_space<semaphore_mem>>) src(%dma_wait3A_569 : memref<640xf32, #tpu.memory_space<vmem_shared>>) dst(%arg22 : memref<640xf32, #tpu.memory_space<vmem>>)
      tpu.yield
    }) : () -> ()
    %scan3A_245 = arith.constant 0 : i32
    %scan3A_246 = arith.constant 0 : i32
    %scan3A_247 = arith.constant 40 : i32
    %scan3A_248 = arith.addi %scan3A_246, %scan3A_247 : i32
    %scan3A_249 = arith.constant 1 : i32
    %scan3A_250 = scf.for %scan3A_563 = %scan3A_246 to %scan3A_248 step %scan3A_249 iter_args(%scan3A_564 = %scan3A_245) -> (i32)  : i32 {
      %mul3A_565 = arith.constant 16 : i32
      %mul3A_566 = arith.muli %scan3A_563, %mul3A_565 : i32
      %get3A = arith.index_cast %mul3A_566 : i32 to index
      %get3A_567 = tpu.vector_load %arg23[%get3A] {strides = array<i32>} : memref<640xf32, #tpu.memory_space<vmem>>, vector<16xf32>,
      %get3A_568 = arith.index_cast %mul3A_566 : i32 to index
      %get3A_569 = tpu.vector_load %arg22[%get3A_568] {strides = array<i32>} : memref<640xf32, #tpu.memory_space<vmem>>, vector<16xf32>,
      %add3A_570 = arith.addf %get3A_567, %get3A_569 : vector<16xf32>
      %swap3A = arith.index_cast %mul3A_566 : i32 to index
      %swap3A_571 = tpu.vector_load %arg23[%swap3A] {strides = array<i32>} : memref<640xf32, #tpu.memory_space<vmem>>, vector<16xf32>,
      tpu.vector_store %arg23[%swap3A], %add3A_570 {strides = array<i32>} : memref<640xf32, #tpu.memory_space<vmem>>, vector<16xf32>,
      %scan3A_572 = arith.constant 0 : i32
      scf.yield %scan3A_572 : i32
    }
    %scan3A_251 = arith.constant 40 : i32
    %add3A_252 = arith.constant 10240 : i32
    %add3A_253 = arith.addi %add3A_252, %mul3A_56 : i32
    %run_scoped3A_254 = arith.constant 2 : i32
    "tpu.region"() ({
      %run_scoped3A_563 = tpu.sem_alloc : memref<!tpu.dma_semaphore, #tpu.memory_space<semaphore_mem>>
      %dma_start3A = tpu.memref_slice %arg24[%run_scoped3A_254, %add3A_253] : memref<16x30720xf32, #tpu.memory_space<vmem_shared>> -> memref<1x640xf32, #tpu.memory_space<vmem_shared>>
      %dma_start3A_564 = tpu.memref_squeeze %dma_start3A : memref<1x640xf32, #tpu.memory_space<vmem_shared>> -> memref<640xf32, #tpu.memory_space<vmem_shared>>
      %dma_start3A_565 = tpu.memref_slice %arg24[%run_scoped3A_254, %add3A_253] : memref<16x30720xf32, #tpu.memory_space<vmem_shared>> -> memref<1x640xf32, #tpu.memory_space<vmem_shared>>
      %dma_start3A_566 = tpu.memref_squeeze %dma_start3A_565 : memref<1x640xf32, #tpu.memory_space<vmem_shared>> -> memref<640xf32, #tpu.memory_space<vmem_shared>>
      tpu.enqueue_dma source(%dma_start3A_566 : memref<640xf32, #tpu.memory_space<vmem_shared>>) target(%arg22 : memref<640xf32, #tpu.memory_space<vmem>>) target_semaphore(%run_scoped3A_563 : memref<!tpu.dma_semaphore, #tpu.memory_space<semaphore_mem>>)
      %dma_wait3A = tpu.memref_slice %arg24[%run_scoped3A_254, %add3A_253] : memref<16x30720xf32, #tpu.memory_space<vmem_shared>> -> memref<1x640xf32, #tpu.memory_space<vmem_shared>>
      %dma_wait3A_567 = tpu.memref_squeeze %dma_wait3A : memref<1x640xf32, #tpu.memory_space<vmem_shared>> -> memref<640xf32, #tpu.memory_space<vmem_shared>>
      %dma_wait3A_568 = tpu.memref_slice %arg24[%run_scoped3A_254, %add3A_253] : memref<16x30720xf32, #tpu.memory_space<vmem_shared>> -> memref<1x640xf32, #tpu.memory_space<vmem_shared>>
      %dma_wait3A_569 = tpu.memref_squeeze %dma_wait3A_568 : memref<1x640xf32, #tpu.memory_space<vmem_shared>> -> memref<640xf32, #tpu.memory_space<vmem_shared>>
      tpu.wait_dma2 semaphore(%run_scoped3A_563 : memref<!tpu.dma_semaphore, #tpu.memory_space<semaphore_mem>>) src(%dma_wait3A_569 : memref<640xf32, #tpu.memory_space<vmem_shared>>) dst(%arg22 : memref<640xf32, #tpu.memory_space<vmem>>)
      tpu.yield
    }) : () -> ()
    %scan3A_255 = arith.constant 0 : i32
    %scan3A_256 = arith.constant 0 : i32
    %scan3A_257 = arith.constant 40 : i32
    %scan3A_258 = arith.addi %scan3A_256, %scan3A_257 : i32
    %scan3A_259 = arith.constant 1 : i32
    %scan3A_260 = scf.for %scan3A_563 = %scan3A_256 to %scan3A_258 step %scan3A_259 iter_args(%scan3A_564 = %scan3A_255) -> (i32)  : i32 {
      %mul3A_565 = arith.constant 16 : i32
      %mul3A_566 = arith.muli %scan3A_563, %mul3A_565 : i32
      %get3A = arith.index_cast %mul3A_566 : i32 to index
      %get3A_567 = tpu.vector_load %arg23[%get3A] {strides = array<i32>} : memref<640xf32, #tpu.memory_space<vmem>>, vector<16xf32>,
      %get3A_568 = arith.index_cast %mul3A_566 : i32 to index
      %get3A_569 = tpu.vector_load %arg22[%get3A_568] {strides = array<i32>} : memref<640xf32, #tpu.memory_space<vmem>>, vector<16xf32>,
      %add3A_570 = arith.addf %get3A_567, %get3A_569 : vector<16xf32>
      %swap3A = arith.index_cast %mul3A_566 : i32 to index
      %swap3A_571 = tpu.vector_load %arg23[%swap3A] {strides = array<i32>} : memref<640xf32, #tpu.memory_space<vmem>>, vector<16xf32>,
      tpu.vector_store %arg23[%swap3A], %add3A_570 {strides = array<i32>} : memref<640xf32, #tpu.memory_space<vmem>>, vector<16xf32>,
      %scan3A_572 = arith.constant 0 : i32
      scf.yield %scan3A_572 : i32
    }
    %scan3A_261 = arith.constant 40 : i32
    %add3A_262 = arith.constant 10240 : i32
    %add3A_263 = arith.addi %add3A_262, %mul3A_56 : i32
    %run_scoped3A_264 = arith.constant 3 : i32
    "tpu.region"() ({
      %run_scoped3A_563 = tpu.sem_alloc : memref<!tpu.dma_semaphore, #tpu.memory_space<semaphore_mem>>
      %dma_start3A = tpu.memref_slice %arg24[%run_scoped3A_264, %add3A_263] : memref<16x30720xf32, #tpu.memory_space<vmem_shared>> -> memref<1x640xf32, #tpu.memory_space<vmem_shared>>
      %dma_start3A_564 = tpu.memref_squeeze %dma_start3A : memref<1x640xf32, #tpu.memory_space<vmem_shared>> -> memref<640xf32, #tpu.memory_space<vmem_shared>>
      %dma_start3A_565 = tpu.memref_slice %arg24[%run_scoped3A_264, %add3A_263] : memref<16x30720xf32, #tpu.memory_space<vmem_shared>> -> memref<1x640xf32, #tpu.memory_space<vmem_shared>>
      %dma_start3A_566 = tpu.memref_squeeze %dma_start3A_565 : memref<1x640xf32, #tpu.memory_space<vmem_shared>> -> memref<640xf32, #tpu.memory_space<vmem_shared>>
      tpu.enqueue_dma source(%dma_start3A_566 : memref<640xf32, #tpu.memory_space<vmem_shared>>) target(%arg22 : memref<640xf32, #tpu.memory_space<vmem>>) target_semaphore(%run_scoped3A_563 : memref<!tpu.dma_semaphore, #tpu.memory_space<semaphore_mem>>)
      %dma_wait3A = tpu.memref_slice %arg24[%run_scoped3A_264, %add3A_263] : memref<16x30720xf32, #tpu.memory_space<vmem_shared>> -> memref<1x640xf32, #tpu.memory_space<vmem_shared>>
      %dma_wait3A_567 = tpu.memref_squeeze %dma_wait3A : memref<1x640xf32, #tpu.memory_space<vmem_shared>> -> memref<640xf32, #tpu.memory_space<vmem_shared>>
      %dma_wait3A_568 = tpu.memref_slice %arg24[%run_scoped3A_264, %add3A_263] : memref<16x30720xf32, #tpu.memory_space<vmem_shared>> -> memref<1x640xf32, #tpu.memory_space<vmem_shared>>
      %dma_wait3A_569 = tpu.memref_squeeze %dma_wait3A_568 : memref<1x640xf32, #tpu.memory_space<vmem_shared>> -> memref<640xf32, #tpu.memory_space<vmem_shared>>
      tpu.wait_dma2 semaphore(%run_scoped3A_563 : memref<!tpu.dma_semaphore, #tpu.memory_space<semaphore_mem>>) src(%dma_wait3A_569 : memref<640xf32, #tpu.memory_space<vmem_shared>>) dst(%arg22 : memref<640xf32, #tpu.memory_space<vmem>>)
      tpu.yield
    }) : () -> ()
    %scan3A_265 = arith.constant 0 : i32
    %scan3A_266 = arith.constant 0 : i32
    %scan3A_267 = arith.constant 40 : i32
    %scan3A_268 = arith.addi %scan3A_266, %scan3A_267 : i32
    %scan3A_269 = arith.constant 1 : i32
    %scan3A_270 = scf.for %scan3A_563 = %scan3A_266 to %scan3A_268 step %scan3A_269 iter_args(%scan3A_564 = %scan3A_265) -> (i32)  : i32 {
      %mul3A_565 = arith.constant 16 : i32
      %mul3A_566 = arith.muli %scan3A_563, %mul3A_565 : i32
      %get3A = arith.index_cast %mul3A_566 : i32 to index
      %get3A_567 = tpu.vector_load %arg23[%get3A] {strides = array<i32>} : memref<640xf32, #tpu.memory_space<vmem>>, vector<16xf32>,
      %get3A_568 = arith.index_cast %mul3A_566 : i32 to index
      %get3A_569 = tpu.vector_load %arg22[%get3A_568] {strides = array<i32>} : memref<640xf32, #tpu.memory_space<vmem>>, vector<16xf32>,
      %add3A_570 = arith.addf %get3A_567, %get3A_569 : vector<16xf32>
      %swap3A = arith.index_cast %mul3A_566 : i32 to index
      %swap3A_571 = tpu.vector_load %arg23[%swap3A] {strides = array<i32>} : memref<640xf32, #tpu.memory_space<vmem>>, vector<16xf32>,
      tpu.vector_store %arg23[%swap3A], %add3A_570 {strides = array<i32>} : memref<640xf32, #tpu.memory_space<vmem>>, vector<16xf32>,
      %scan3A_572 = arith.constant 0 : i32
      scf.yield %scan3A_572 : i32
    }
    %scan3A_271 = arith.constant 40 : i32
    %add3A_272 = arith.constant 10240 : i32
    %add3A_273 = arith.addi %add3A_272, %mul3A_56 : i32
    %run_scoped3A_274 = arith.constant 4 : i32
    "tpu.region"() ({
      %run_scoped3A_563 = tpu.sem_alloc : memref<!tpu.dma_semaphore, #tpu.memory_space<semaphore_mem>>
      %dma_start3A = tpu.memref_slice %arg24[%run_scoped3A_274, %add3A_273] : memref<16x30720xf32, #tpu.memory_space<vmem_shared>> -> memref<1x640xf32, #tpu.memory_space<vmem_shared>>
      %dma_start3A_564 = tpu.memref_squeeze %dma_start3A : memref<1x640xf32, #tpu.memory_space<vmem_shared>> -> memref<640xf32, #tpu.memory_space<vmem_shared>>
      %dma_start3A_565 = tpu.memref_slice %arg24[%run_scoped3A_274, %add3A_273] : memref<16x30720xf32, #tpu.memory_space<vmem_shared>> -> memref<1x640xf32, #tpu.memory_space<vmem_shared>>
      %dma_start3A_566 = tpu.memref_squeeze %dma_start3A_565 : memref<1x640xf32, #tpu.memory_space<vmem_shared>> -> memref<640xf32, #tpu.memory_space<vmem_shared>>
      tpu.enqueue_dma source(%dma_start3A_566 : memref<640xf32, #tpu.memory_space<vmem_shared>>) target(%arg22 : memref<640xf32, #tpu.memory_space<vmem>>) target_semaphore(%run_scoped3A_563 : memref<!tpu.dma_semaphore, #tpu.memory_space<semaphore_mem>>)
      %dma_wait3A = tpu.memref_slice %arg24[%run_scoped3A_274, %add3A_273] : memref<16x30720xf32, #tpu.memory_space<vmem_shared>> -> memref<1x640xf32, #tpu.memory_space<vmem_shared>>
      %dma_wait3A_567 = tpu.memref_squeeze %dma_wait3A : memref<1x640xf32, #tpu.memory_space<vmem_shared>> -> memref<640xf32, #tpu.memory_space<vmem_shared>>
      %dma_wait3A_568 = tpu.memref_slice %arg24[%run_scoped3A_274, %add3A_273] : memref<16x30720xf32, #tpu.memory_space<vmem_shared>> -> memref<1x640xf32, #tpu.memory_space<vmem_shared>>
      %dma_wait3A_569 = tpu.memref_squeeze %dma_wait3A_568 : memref<1x640xf32, #tpu.memory_space<vmem_shared>> -> memref<640xf32, #tpu.memory_space<vmem_shared>>
      tpu.wait_dma2 semaphore(%run_scoped3A_563 : memref<!tpu.dma_semaphore, #tpu.memory_space<semaphore_mem>>) src(%dma_wait3A_569 : memref<640xf32, #tpu.memory_space<vmem_shared>>) dst(%arg22 : memref<640xf32, #tpu.memory_space<vmem>>)
      tpu.yield
    }) : () -> ()
    %scan3A_275 = arith.constant 0 : i32
    %scan3A_276 = arith.constant 0 : i32
    %scan3A_277 = arith.constant 40 : i32
    %scan3A_278 = arith.addi %scan3A_276, %scan3A_277 : i32
    %scan3A_279 = arith.constant 1 : i32
    %scan3A_280 = scf.for %scan3A_563 = %scan3A_276 to %scan3A_278 step %scan3A_279 iter_args(%scan3A_564 = %scan3A_275) -> (i32)  : i32 {
      %mul3A_565 = arith.constant 16 : i32
      %mul3A_566 = arith.muli %scan3A_563, %mul3A_565 : i32
      %get3A = arith.index_cast %mul3A_566 : i32 to index
      %get3A_567 = tpu.vector_load %arg23[%get3A] {strides = array<i32>} : memref<640xf32, #tpu.memory_space<vmem>>, vector<16xf32>,
      %get3A_568 = arith.index_cast %mul3A_566 : i32 to index
      %get3A_569 = tpu.vector_load %arg22[%get3A_568] {strides = array<i32>} : memref<640xf32, #tpu.memory_space<vmem>>, vector<16xf32>,
      %add3A_570 = arith.addf %get3A_567, %get3A_569 : vector<16xf32>
      %swap3A = arith.index_cast %mul3A_566 : i32 to index
      %swap3A_571 = tpu.vector_load %arg23[%swap3A] {strides = array<i32>} : memref<640xf32, #tpu.memory_space<vmem>>, vector<16xf32>,
      tpu.vector_store %arg23[%swap3A], %add3A_570 {strides = array<i32>} : memref<640xf32, #tpu.memory_space<vmem>>, vector<16xf32>,
      %scan3A_572 = arith.constant 0 : i32
      scf.yield %scan3A_572 : i32
    }
    %scan3A_281 = arith.constant 40 : i32
    %add3A_282 = arith.constant 10240 : i32
    %add3A_283 = arith.addi %add3A_282, %mul3A_56 : i32
    %run_scoped3A_284 = arith.constant 5 : i32
    "tpu.region"() ({
      %run_scoped3A_563 = tpu.sem_alloc : memref<!tpu.dma_semaphore, #tpu.memory_space<semaphore_mem>>
      %dma_start3A = tpu.memref_slice %arg24[%run_scoped3A_284, %add3A_283] : memref<16x30720xf32, #tpu.memory_space<vmem_shared>> -> memref<1x640xf32, #tpu.memory_space<vmem_shared>>
      %dma_start3A_564 = tpu.memref_squeeze %dma_start3A : memref<1x640xf32, #tpu.memory_space<vmem_shared>> -> memref<640xf32, #tpu.memory_space<vmem_shared>>
      %dma_start3A_565 = tpu.memref_slice %arg24[%run_scoped3A_284, %add3A_283] : memref<16x30720xf32, #tpu.memory_space<vmem_shared>> -> memref<1x640xf32, #tpu.memory_space<vmem_shared>>
      %dma_start3A_566 = tpu.memref_squeeze %dma_start3A_565 : memref<1x640xf32, #tpu.memory_space<vmem_shared>> -> memref<640xf32, #tpu.memory_space<vmem_shared>>
      tpu.enqueue_dma source(%dma_start3A_566 : memref<640xf32, #tpu.memory_space<vmem_shared>>) target(%arg22 : memref<640xf32, #tpu.memory_space<vmem>>) target_semaphore(%run_scoped3A_563 : memref<!tpu.dma_semaphore, #tpu.memory_space<semaphore_mem>>)
      %dma_wait3A = tpu.memref_slice %arg24[%run_scoped3A_284, %add3A_283] : memref<16x30720xf32, #tpu.memory_space<vmem_shared>> -> memref<1x640xf32, #tpu.memory_space<vmem_shared>>
      %dma_wait3A_567 = tpu.memref_squeeze %dma_wait3A : memref<1x640xf32, #tpu.memory_space<vmem_shared>> -> memref<640xf32, #tpu.memory_space<vmem_shared>>
      %dma_wait3A_568 = tpu.memref_slice %arg24[%run_scoped3A_284, %add3A_283] : memref<16x30720xf32, #tpu.memory_space<vmem_shared>> -> memref<1x640xf32, #tpu.memory_space<vmem_shared>>
      %dma_wait3A_569 = tpu.memref_squeeze %dma_wait3A_568 : memref<1x640xf32, #tpu.memory_space<vmem_shared>> -> memref<640xf32, #tpu.memory_space<vmem_shared>>
      tpu.wait_dma2 semaphore(%run_scoped3A_563 : memref<!tpu.dma_semaphore, #tpu.memory_space<semaphore_mem>>) src(%dma_wait3A_569 : memref<640xf32, #tpu.memory_space<vmem_shared>>) dst(%arg22 : memref<640xf32, #tpu.memory_space<vmem>>)
      tpu.yield
    }) : () -> ()
    %scan3A_285 = arith.constant 0 : i32
    %scan3A_286 = arith.constant 0 : i32
    %scan3A_287 = arith.constant 40 : i32
    %scan3A_288 = arith.addi %scan3A_286, %scan3A_287 : i32
    %scan3A_289 = arith.constant 1 : i32
    %scan3A_290 = scf.for %scan3A_563 = %scan3A_286 to %scan3A_288 step %scan3A_289 iter_args(%scan3A_564 = %scan3A_285) -> (i32)  : i32 {
      %mul3A_565 = arith.constant 16 : i32
      %mul3A_566 = arith.muli %scan3A_563, %mul3A_565 : i32
      %get3A = arith.index_cast %mul3A_566 : i32 to index
      %get3A_567 = tpu.vector_load %arg23[%get3A] {strides = array<i32>} : memref<640xf32, #tpu.memory_space<vmem>>, vector<16xf32>,
      %get3A_568 = arith.index_cast %mul3A_566 : i32 to index
      %get3A_569 = tpu.vector_load %arg22[%get3A_568] {strides = array<i32>} : memref<640xf32, #tpu.memory_space<vmem>>, vector<16xf32>,
      %add3A_570 = arith.addf %get3A_567, %get3A_569 : vector<16xf32>
      %swap3A = arith.index_cast %mul3A_566 : i32 to index
      %swap3A_571 = tpu.vector_load %arg23[%swap3A] {strides = array<i32>} : memref<640xf32, #tpu.memory_space<vmem>>, vector<16xf32>,
      tpu.vector_store %arg23[%swap3A], %add3A_570 {strides = array<i32>} : memref<640xf32, #tpu.memory_space<vmem>>, vector<16xf32>,
      %scan3A_572 = arith.constant 0 : i32
      scf.yield %scan3A_572 : i32
    }
    %scan3A_291 = arith.constant 40 : i32
    %add3A_292 = arith.constant 10240 : i32
    %add3A_293 = arith.addi %add3A_292, %mul3A_56 : i32
    %run_scoped3A_294 = arith.constant 6 : i32
    "tpu.region"() ({
      %run_scoped3A_563 = tpu.sem_alloc : memref<!tpu.dma_semaphore, #tpu.memory_space<semaphore_mem>>
      %dma_start3A = tpu.memref_slice %arg24[%run_scoped3A_294, %add3A_293] : memref<16x30720xf32, #tpu.memory_space<vmem_shared>> -> memref<1x640xf32, #tpu.memory_space<vmem_shared>>
      %dma_start3A_564 = tpu.memref_squeeze %dma_start3A : memref<1x640xf32, #tpu.memory_space<vmem_shared>> -> memref<640xf32, #tpu.memory_space<vmem_shared>>
      %dma_start3A_565 = tpu.memref_slice %arg24[%run_scoped3A_294, %add3A_293] : memref<16x30720xf32, #tpu.memory_space<vmem_shared>> -> memref<1x640xf32, #tpu.memory_space<vmem_shared>>
      %dma_start3A_566 = tpu.memref_squeeze %dma_start3A_565 : memref<1x640xf32, #tpu.memory_space<vmem_shared>> -> memref<640xf32, #tpu.memory_space<vmem_shared>>
      tpu.enqueue_dma source(%dma_start3A_566 : memref<640xf32, #tpu.memory_space<vmem_shared>>) target(%arg22 : memref<640xf32, #tpu.memory_space<vmem>>) target_semaphore(%run_scoped3A_563 : memref<!tpu.dma_semaphore, #tpu.memory_space<semaphore_mem>>)
      %dma_wait3A = tpu.memref_slice %arg24[%run_scoped3A_294, %add3A_293] : memref<16x30720xf32, #tpu.memory_space<vmem_shared>> -> memref<1x640xf32, #tpu.memory_space<vmem_shared>>
      %dma_wait3A_567 = tpu.memref_squeeze %dma_wait3A : memref<1x640xf32, #tpu.memory_space<vmem_shared>> -> memref<640xf32, #tpu.memory_space<vmem_shared>>
      %dma_wait3A_568 = tpu.memref_slice %arg24[%run_scoped3A_294, %add3A_293] : memref<16x30720xf32, #tpu.memory_space<vmem_shared>> -> memref<1x640xf32, #tpu.memory_space<vmem_shared>>
      %dma_wait3A_569 = tpu.memref_squeeze %dma_wait3A_568 : memref<1x640xf32, #tpu.memory_space<vmem_shared>> -> memref<640xf32, #tpu.memory_space<vmem_shared>>
      tpu.wait_dma2 semaphore(%run_scoped3A_563 : memref<!tpu.dma_semaphore, #tpu.memory_space<semaphore_mem>>) src(%dma_wait3A_569 : memref<640xf32, #tpu.memory_space<vmem_shared>>) dst(%arg22 : memref<640xf32, #tpu.memory_space<vmem>>)
      tpu.yield
    }) : () -> ()
    %scan3A_295 = arith.constant 0 : i32
    %scan3A_296 = arith.constant 0 : i32
    %scan3A_297 = arith.constant 40 : i32
    %scan3A_298 = arith.addi %scan3A_296, %scan3A_297 : i32
    %scan3A_299 = arith.constant 1 : i32
    %scan3A_300 = scf.for %scan3A_563 = %scan3A_296 to %scan3A_298 step %scan3A_299 iter_args(%scan3A_564 = %scan3A_295) -> (i32)  : i32 {
      %mul3A_565 = arith.constant 16 : i32
      %mul3A_566 = arith.muli %scan3A_563, %mul3A_565 : i32
      %get3A = arith.index_cast %mul3A_566 : i32 to index
      %get3A_567 = tpu.vector_load %arg23[%get3A] {strides = array<i32>} : memref<640xf32, #tpu.memory_space<vmem>>, vector<16xf32>,
      %get3A_568 = arith.index_cast %mul3A_566 : i32 to index
      %get3A_569 = tpu.vector_load %arg22[%get3A_568] {strides = array<i32>} : memref<640xf32, #tpu.memory_space<vmem>>, vector<16xf32>,
      %add3A_570 = arith.addf %get3A_567, %get3A_569 : vector<16xf32>
      %swap3A = arith.index_cast %mul3A_566 : i32 to index
      %swap3A_571 = tpu.vector_load %arg23[%swap3A] {strides = array<i32>} : memref<640xf32, #tpu.memory_space<vmem>>, vector<16xf32>,
      tpu.vector_store %arg23[%swap3A], %add3A_570 {strides = array<i32>} : memref<640xf32, #tpu.memory_space<vmem>>, vector<16xf32>,
      %scan3A_572 = arith.constant 0 : i32
      scf.yield %scan3A_572 : i32
    }
    %scan3A_301 = arith.constant 40 : i32
    %add3A_302 = arith.constant 10240 : i32
    %add3A_303 = arith.addi %add3A_302, %mul3A_56 : i32
    %run_scoped3A_304 = arith.constant 7 : i32
    "tpu.region"() ({
      %run_scoped3A_563 = tpu.sem_alloc : memref<!tpu.dma_semaphore, #tpu.memory_space<semaphore_mem>>
      %dma_start3A = tpu.memref_slice %arg24[%run_scoped3A_304, %add3A_303] : memref<16x30720xf32, #tpu.memory_space<vmem_shared>> -> memref<1x640xf32, #tpu.memory_space<vmem_shared>>
      %dma_start3A_564 = tpu.memref_squeeze %dma_start3A : memref<1x640xf32, #tpu.memory_space<vmem_shared>> -> memref<640xf32, #tpu.memory_space<vmem_shared>>
      %dma_start3A_565 = tpu.memref_slice %arg24[%run_scoped3A_304, %add3A_303] : memref<16x30720xf32, #tpu.memory_space<vmem_shared>> -> memref<1x640xf32, #tpu.memory_space<vmem_shared>>
      %dma_start3A_566 = tpu.memref_squeeze %dma_start3A_565 : memref<1x640xf32, #tpu.memory_space<vmem_shared>> -> memref<640xf32, #tpu.memory_space<vmem_shared>>
      tpu.enqueue_dma source(%dma_start3A_566 : memref<640xf32, #tpu.memory_space<vmem_shared>>) target(%arg22 : memref<640xf32, #tpu.memory_space<vmem>>) target_semaphore(%run_scoped3A_563 : memref<!tpu.dma_semaphore, #tpu.memory_space<semaphore_mem>>)
      %dma_wait3A = tpu.memref_slice %arg24[%run_scoped3A_304, %add3A_303] : memref<16x30720xf32, #tpu.memory_space<vmem_shared>> -> memref<1x640xf32, #tpu.memory_space<vmem_shared>>
      %dma_wait3A_567 = tpu.memref_squeeze %dma_wait3A : memref<1x640xf32, #tpu.memory_space<vmem_shared>> -> memref<640xf32, #tpu.memory_space<vmem_shared>>
      %dma_wait3A_568 = tpu.memref_slice %arg24[%run_scoped3A_304, %add3A_303] : memref<16x30720xf32, #tpu.memory_space<vmem_shared>> -> memref<1x640xf32, #tpu.memory_space<vmem_shared>>
      %dma_wait3A_569 = tpu.memref_squeeze %dma_wait3A_568 : memref<1x640xf32, #tpu.memory_space<vmem_shared>> -> memref<640xf32, #tpu.memory_space<vmem_shared>>
      tpu.wait_dma2 semaphore(%run_scoped3A_563 : memref<!tpu.dma_semaphore, #tpu.memory_space<semaphore_mem>>) src(%dma_wait3A_569 : memref<640xf32, #tpu.memory_space<vmem_shared>>) dst(%arg22 : memref<640xf32, #tpu.memory_space<vmem>>)
      tpu.yield
    }) : () -> ()
    %scan3A_305 = arith.constant 0 : i32
    %scan3A_306 = arith.constant 0 : i32
    %scan3A_307 = arith.constant 40 : i32
    %scan3A_308 = arith.addi %scan3A_306, %scan3A_307 : i32
    %scan3A_309 = arith.constant 1 : i32
    %scan3A_310 = scf.for %scan3A_563 = %scan3A_306 to %scan3A_308 step %scan3A_309 iter_args(%scan3A_564 = %scan3A_305) -> (i32)  : i32 {
      %mul3A_565 = arith.constant 16 : i32
      %mul3A_566 = arith.muli %scan3A_563, %mul3A_565 : i32
      %get3A = arith.index_cast %mul3A_566 : i32 to index
      %get3A_567 = tpu.vector_load %arg23[%get3A] {strides = array<i32>} : memref<640xf32, #tpu.memory_space<vmem>>, vector<16xf32>,
      %get3A_568 = arith.index_cast %mul3A_566 : i32 to index
      %get3A_569 = tpu.vector_load %arg22[%get3A_568] {strides = array<i32>} : memref<640xf32, #tpu.memory_space<vmem>>, vector<16xf32>,
      %add3A_570 = arith.addf %get3A_567, %get3A_569 : vector<16xf32>
      %swap3A = arith.index_cast %mul3A_566 : i32 to index
      %swap3A_571 = tpu.vector_load %arg23[%swap3A] {strides = array<i32>} : memref<640xf32, #tpu.memory_space<vmem>>, vector<16xf32>,
      tpu.vector_store %arg23[%swap3A], %add3A_570 {strides = array<i32>} : memref<640xf32, #tpu.memory_space<vmem>>, vector<16xf32>,
      %scan3A_572 = arith.constant 0 : i32
      scf.yield %scan3A_572 : i32
    }
    %scan3A_311 = arith.constant 40 : i32
    %add3A_312 = arith.constant 10240 : i32
    %add3A_313 = arith.addi %add3A_312, %mul3A_56 : i32
    %run_scoped3A_314 = arith.constant 8 : i32
    "tpu.region"() ({
      %run_scoped3A_563 = tpu.sem_alloc : memref<!tpu.dma_semaphore, #tpu.memory_space<semaphore_mem>>
      %dma_start3A = tpu.memref_slice %arg24[%run_scoped3A_314, %add3A_313] : memref<16x30720xf32, #tpu.memory_space<vmem_shared>> -> memref<1x640xf32, #tpu.memory_space<vmem_shared>>
      %dma_start3A_564 = tpu.memref_squeeze %dma_start3A : memref<1x640xf32, #tpu.memory_space<vmem_shared>> -> memref<640xf32, #tpu.memory_space<vmem_shared>>
      %dma_start3A_565 = tpu.memref_slice %arg24[%run_scoped3A_314, %add3A_313] : memref<16x30720xf32, #tpu.memory_space<vmem_shared>> -> memref<1x640xf32, #tpu.memory_space<vmem_shared>>
      %dma_start3A_566 = tpu.memref_squeeze %dma_start3A_565 : memref<1x640xf32, #tpu.memory_space<vmem_shared>> -> memref<640xf32, #tpu.memory_space<vmem_shared>>
      tpu.enqueue_dma source(%dma_start3A_566 : memref<640xf32, #tpu.memory_space<vmem_shared>>) target(%arg22 : memref<640xf32, #tpu.memory_space<vmem>>) target_semaphore(%run_scoped3A_563 : memref<!tpu.dma_semaphore, #tpu.memory_space<semaphore_mem>>)
      %dma_wait3A = tpu.memref_slice %arg24[%run_scoped3A_314, %add3A_313] : memref<16x30720xf32, #tpu.memory_space<vmem_shared>> -> memref<1x640xf32, #tpu.memory_space<vmem_shared>>
      %dma_wait3A_567 = tpu.memref_squeeze %dma_wait3A : memref<1x640xf32, #tpu.memory_space<vmem_shared>> -> memref<640xf32, #tpu.memory_space<vmem_shared>>
      %dma_wait3A_568 = tpu.memref_slice %arg24[%run_scoped3A_314, %add3A_313] : memref<16x30720xf32, #tpu.memory_space<vmem_shared>> -> memref<1x640xf32, #tpu.memory_space<vmem_shared>>
      %dma_wait3A_569 = tpu.memref_squeeze %dma_wait3A_568 : memref<1x640xf32, #tpu.memory_space<vmem_shared>> -> memref<640xf32, #tpu.memory_space<vmem_shared>>
      tpu.wait_dma2 semaphore(%run_scoped3A_563 : memref<!tpu.dma_semaphore, #tpu.memory_space<semaphore_mem>>) src(%dma_wait3A_569 : memref<640xf32, #tpu.memory_space<vmem_shared>>) dst(%arg22 : memref<640xf32, #tpu.memory_space<vmem>>)
      tpu.yield
    }) : () -> ()
    %scan3A_315 = arith.constant 0 : i32
    %scan3A_316 = arith.constant 0 : i32
    %scan3A_317 = arith.constant 40 : i32
    %scan3A_318 = arith.addi %scan3A_316, %scan3A_317 : i32
    %scan3A_319 = arith.constant 1 : i32
    %scan3A_320 = scf.for %scan3A_563 = %scan3A_316 to %scan3A_318 step %scan3A_319 iter_args(%scan3A_564 = %scan3A_315) -> (i32)  : i32 {
      %mul3A_565 = arith.constant 16 : i32
      %mul3A_566 = arith.muli %scan3A_563, %mul3A_565 : i32
      %get3A = arith.index_cast %mul3A_566 : i32 to index
      %get3A_567 = tpu.vector_load %arg23[%get3A] {strides = array<i32>} : memref<640xf32, #tpu.memory_space<vmem>>, vector<16xf32>,
      %get3A_568 = arith.index_cast %mul3A_566 : i32 to index
      %get3A_569 = tpu.vector_load %arg22[%get3A_568] {strides = array<i32>} : memref<640xf32, #tpu.memory_space<vmem>>, vector<16xf32>,
      %add3A_570 = arith.addf %get3A_567, %get3A_569 : vector<16xf32>
      %swap3A = arith.index_cast %mul3A_566 : i32 to index
      %swap3A_571 = tpu.vector_load %arg23[%swap3A] {strides = array<i32>} : memref<640xf32, #tpu.memory_space<vmem>>, vector<16xf32>,
      tpu.vector_store %arg23[%swap3A], %add3A_570 {strides = array<i32>} : memref<640xf32, #tpu.memory_space<vmem>>, vector<16xf32>,
      %scan3A_572 = arith.constant 0 : i32
      scf.yield %scan3A_572 : i32
    }
    %scan3A_321 = arith.constant 40 : i32
    %add3A_322 = arith.constant 10240 : i32
    %add3A_323 = arith.addi %add3A_322, %mul3A_56 : i32
    %run_scoped3A_324 = arith.constant 9 : i32
    "tpu.region"() ({
      %run_scoped3A_563 = tpu.sem_alloc : memref<!tpu.dma_semaphore, #tpu.memory_space<semaphore_mem>>
      %dma_start3A = tpu.memref_slice %arg24[%run_scoped3A_324, %add3A_323] : memref<16x30720xf32, #tpu.memory_space<vmem_shared>> -> memref<1x640xf32, #tpu.memory_space<vmem_shared>>
      %dma_start3A_564 = tpu.memref_squeeze %dma_start3A : memref<1x640xf32, #tpu.memory_space<vmem_shared>> -> memref<640xf32, #tpu.memory_space<vmem_shared>>
      %dma_start3A_565 = tpu.memref_slice %arg24[%run_scoped3A_324, %add3A_323] : memref<16x30720xf32, #tpu.memory_space<vmem_shared>> -> memref<1x640xf32, #tpu.memory_space<vmem_shared>>
      %dma_start3A_566 = tpu.memref_squeeze %dma_start3A_565 : memref<1x640xf32, #tpu.memory_space<vmem_shared>> -> memref<640xf32, #tpu.memory_space<vmem_shared>>
      tpu.enqueue_dma source(%dma_start3A_566 : memref<640xf32, #tpu.memory_space<vmem_shared>>) target(%arg22 : memref<640xf32, #tpu.memory_space<vmem>>) target_semaphore(%run_scoped3A_563 : memref<!tpu.dma_semaphore, #tpu.memory_space<semaphore_mem>>)
      %dma_wait3A = tpu.memref_slice %arg24[%run_scoped3A_324, %add3A_323] : memref<16x30720xf32, #tpu.memory_space<vmem_shared>> -> memref<1x640xf32, #tpu.memory_space<vmem_shared>>
      %dma_wait3A_567 = tpu.memref_squeeze %dma_wait3A : memref<1x640xf32, #tpu.memory_space<vmem_shared>> -> memref<640xf32, #tpu.memory_space<vmem_shared>>
      %dma_wait3A_568 = tpu.memref_slice %arg24[%run_scoped3A_324, %add3A_323] : memref<16x30720xf32, #tpu.memory_space<vmem_shared>> -> memref<1x640xf32, #tpu.memory_space<vmem_shared>>
      %dma_wait3A_569 = tpu.memref_squeeze %dma_wait3A_568 : memref<1x640xf32, #tpu.memory_space<vmem_shared>> -> memref<640xf32, #tpu.memory_space<vmem_shared>>
      tpu.wait_dma2 semaphore(%run_scoped3A_563 : memref<!tpu.dma_semaphore, #tpu.memory_space<semaphore_mem>>) src(%dma_wait3A_569 : memref<640xf32, #tpu.memory_space<vmem_shared>>) dst(%arg22 : memref<640xf32, #tpu.memory_space<vmem>>)
      tpu.yield
    }) : () -> ()
    %scan3A_325 = arith.constant 0 : i32
    %scan3A_326 = arith.constant 0 : i32
    %scan3A_327 = arith.constant 40 : i32
    %scan3A_328 = arith.addi %scan3A_326, %scan3A_327 : i32
    %scan3A_329 = arith.constant 1 : i32
    %scan3A_330 = scf.for %scan3A_563 = %scan3A_326 to %scan3A_328 step %scan3A_329 iter_args(%scan3A_564 = %scan3A_325) -> (i32)  : i32 {
      %mul3A_565 = arith.constant 16 : i32
      %mul3A_566 = arith.muli %scan3A_563, %mul3A_565 : i32
      %get3A = arith.index_cast %mul3A_566 : i32 to index
      %get3A_567 = tpu.vector_load %arg23[%get3A] {strides = array<i32>} : memref<640xf32, #tpu.memory_space<vmem>>, vector<16xf32>,
      %get3A_568 = arith.index_cast %mul3A_566 : i32 to index
      %get3A_569 = tpu.vector_load %arg22[%get3A_568] {strides = array<i32>} : memref<640xf32, #tpu.memory_space<vmem>>, vector<16xf32>,
      %add3A_570 = arith.addf %get3A_567, %get3A_569 : vector<16xf32>
      %swap3A = arith.index_cast %mul3A_566 : i32 to index
      %swap3A_571 = tpu.vector_load %arg23[%swap3A] {strides = array<i32>} : memref<640xf32, #tpu.memory_space<vmem>>, vector<16xf32>,
      tpu.vector_store %arg23[%swap3A], %add3A_570 {strides = array<i32>} : memref<640xf32, #tpu.memory_space<vmem>>, vector<16xf32>,
      %scan3A_572 = arith.constant 0 : i32
      scf.yield %scan3A_572 : i32
    }
    %scan3A_331 = arith.constant 40 : i32
    %add3A_332 = arith.constant 10240 : i32
    %add3A_333 = arith.addi %add3A_332, %mul3A_56 : i32
    %run_scoped3A_334 = arith.constant 10 : i32
    "tpu.region"() ({
      %run_scoped3A_563 = tpu.sem_alloc : memref<!tpu.dma_semaphore, #tpu.memory_space<semaphore_mem>>
      %dma_start3A = tpu.memref_slice %arg24[%run_scoped3A_334, %add3A_333] : memref<16x30720xf32, #tpu.memory_space<vmem_shared>> -> memref<1x640xf32, #tpu.memory_space<vmem_shared>>
      %dma_start3A_564 = tpu.memref_squeeze %dma_start3A : memref<1x640xf32, #tpu.memory_space<vmem_shared>> -> memref<640xf32, #tpu.memory_space<vmem_shared>>
      %dma_start3A_565 = tpu.memref_slice %arg24[%run_scoped3A_334, %add3A_333] : memref<16x30720xf32, #tpu.memory_space<vmem_shared>> -> memref<1x640xf32, #tpu.memory_space<vmem_shared>>
      %dma_start3A_566 = tpu.memref_squeeze %dma_start3A_565 : memref<1x640xf32, #tpu.memory_space<vmem_shared>> -> memref<640xf32, #tpu.memory_space<vmem_shared>>
      tpu.enqueue_dma source(%dma_start3A_566 : memref<640xf32, #tpu.memory_space<vmem_shared>>) target(%arg22 : memref<640xf32, #tpu.memory_space<vmem>>) target_semaphore(%run_scoped3A_563 : memref<!tpu.dma_semaphore, #tpu.memory_space<semaphore_mem>>)
      %dma_wait3A = tpu.memref_slice %arg24[%run_scoped3A_334, %add3A_333] : memref<16x30720xf32, #tpu.memory_space<vmem_shared>> -> memref<1x640xf32, #tpu.memory_space<vmem_shared>>
      %dma_wait3A_567 = tpu.memref_squeeze %dma_wait3A : memref<1x640xf32, #tpu.memory_space<vmem_shared>> -> memref<640xf32, #tpu.memory_space<vmem_shared>>
      %dma_wait3A_568 = tpu.memref_slice %arg24[%run_scoped3A_334, %add3A_333] : memref<16x30720xf32, #tpu.memory_space<vmem_shared>> -> memref<1x640xf32, #tpu.memory_space<vmem_shared>>
      %dma_wait3A_569 = tpu.memref_squeeze %dma_wait3A_568 : memref<1x640xf32, #tpu.memory_space<vmem_shared>> -> memref<640xf32, #tpu.memory_space<vmem_shared>>
      tpu.wait_dma2 semaphore(%run_scoped3A_563 : memref<!tpu.dma_semaphore, #tpu.memory_space<semaphore_mem>>) src(%dma_wait3A_569 : memref<640xf32, #tpu.memory_space<vmem_shared>>) dst(%arg22 : memref<640xf32, #tpu.memory_space<vmem>>)
      tpu.yield
    }) : () -> ()
    %scan3A_335 = arith.constant 0 : i32
    %scan3A_336 = arith.constant 0 : i32
    %scan3A_337 = arith.constant 40 : i32
    %scan3A_338 = arith.addi %scan3A_336, %scan3A_337 : i32
    %scan3A_339 = arith.constant 1 : i32
    %scan3A_340 = scf.for %scan3A_563 = %scan3A_336 to %scan3A_338 step %scan3A_339 iter_args(%scan3A_564 = %scan3A_335) -> (i32)  : i32 {
      %mul3A_565 = arith.constant 16 : i32
      %mul3A_566 = arith.muli %scan3A_563, %mul3A_565 : i32
      %get3A = arith.index_cast %mul3A_566 : i32 to index
      %get3A_567 = tpu.vector_load %arg23[%get3A] {strides = array<i32>} : memref<640xf32, #tpu.memory_space<vmem>>, vector<16xf32>,
      %get3A_568 = arith.index_cast %mul3A_566 : i32 to index
      %get3A_569 = tpu.vector_load %arg22[%get3A_568] {strides = array<i32>} : memref<640xf32, #tpu.memory_space<vmem>>, vector<16xf32>,
      %add3A_570 = arith.addf %get3A_567, %get3A_569 : vector<16xf32>
      %swap3A = arith.index_cast %mul3A_566 : i32 to index
      %swap3A_571 = tpu.vector_load %arg23[%swap3A] {strides = array<i32>} : memref<640xf32, #tpu.memory_space<vmem>>, vector<16xf32>,
      tpu.vector_store %arg23[%swap3A], %add3A_570 {strides = array<i32>} : memref<640xf32, #tpu.memory_space<vmem>>, vector<16xf32>,
      %scan3A_572 = arith.constant 0 : i32
      scf.yield %scan3A_572 : i32
    }
    %scan3A_341 = arith.constant 40 : i32
    %add3A_342 = arith.constant 10240 : i32
    %add3A_343 = arith.addi %add3A_342, %mul3A_56 : i32
    %run_scoped3A_344 = arith.constant 11 : i32
    "tpu.region"() ({
      %run_scoped3A_563 = tpu.sem_alloc : memref<!tpu.dma_semaphore, #tpu.memory_space<semaphore_mem>>
      %dma_start3A = tpu.memref_slice %arg24[%run_scoped3A_344, %add3A_343] : memref<16x30720xf32, #tpu.memory_space<vmem_shared>> -> memref<1x640xf32, #tpu.memory_space<vmem_shared>>
      %dma_start3A_564 = tpu.memref_squeeze %dma_start3A : memref<1x640xf32, #tpu.memory_space<vmem_shared>> -> memref<640xf32, #tpu.memory_space<vmem_shared>>
      %dma_start3A_565 = tpu.memref_slice %arg24[%run_scoped3A_344, %add3A_343] : memref<16x30720xf32, #tpu.memory_space<vmem_shared>> -> memref<1x640xf32, #tpu.memory_space<vmem_shared>>
      %dma_start3A_566 = tpu.memref_squeeze %dma_start3A_565 : memref<1x640xf32, #tpu.memory_space<vmem_shared>> -> memref<640xf32, #tpu.memory_space<vmem_shared>>
      tpu.enqueue_dma source(%dma_start3A_566 : memref<640xf32, #tpu.memory_space<vmem_shared>>) target(%arg22 : memref<640xf32, #tpu.memory_space<vmem>>) target_semaphore(%run_scoped3A_563 : memref<!tpu.dma_semaphore, #tpu.memory_space<semaphore_mem>>)
      %dma_wait3A = tpu.memref_slice %arg24[%run_scoped3A_344, %add3A_343] : memref<16x30720xf32, #tpu.memory_space<vmem_shared>> -> memref<1x640xf32, #tpu.memory_space<vmem_shared>>
      %dma_wait3A_567 = tpu.memref_squeeze %dma_wait3A : memref<1x640xf32, #tpu.memory_space<vmem_shared>> -> memref<640xf32, #tpu.memory_space<vmem_shared>>
      %dma_wait3A_568 = tpu.memref_slice %arg24[%run_scoped3A_344, %add3A_343] : memref<16x30720xf32, #tpu.memory_space<vmem_shared>> -> memref<1x640xf32, #tpu.memory_space<vmem_shared>>
      %dma_wait3A_569 = tpu.memref_squeeze %dma_wait3A_568 : memref<1x640xf32, #tpu.memory_space<vmem_shared>> -> memref<640xf32, #tpu.memory_space<vmem_shared>>
      tpu.wait_dma2 semaphore(%run_scoped3A_563 : memref<!tpu.dma_semaphore, #tpu.memory_space<semaphore_mem>>) src(%dma_wait3A_569 : memref<640xf32, #tpu.memory_space<vmem_shared>>) dst(%arg22 : memref<640xf32, #tpu.memory_space<vmem>>)
      tpu.yield
    }) : () -> ()
    %scan3A_345 = arith.constant 0 : i32
    %scan3A_346 = arith.constant 0 : i32
    %scan3A_347 = arith.constant 40 : i32
    %scan3A_348 = arith.addi %scan3A_346, %scan3A_347 : i32
    %scan3A_349 = arith.constant 1 : i32
    %scan3A_350 = scf.for %scan3A_563 = %scan3A_346 to %scan3A_348 step %scan3A_349 iter_args(%scan3A_564 = %scan3A_345) -> (i32)  : i32 {
      %mul3A_565 = arith.constant 16 : i32
      %mul3A_566 = arith.muli %scan3A_563, %mul3A_565 : i32
      %get3A = arith.index_cast %mul3A_566 : i32 to index
      %get3A_567 = tpu.vector_load %arg23[%get3A] {strides = array<i32>} : memref<640xf32, #tpu.memory_space<vmem>>, vector<16xf32>,
      %get3A_568 = arith.index_cast %mul3A_566 : i32 to index
      %get3A_569 = tpu.vector_load %arg22[%get3A_568] {strides = array<i32>} : memref<640xf32, #tpu.memory_space<vmem>>, vector<16xf32>,
      %add3A_570 = arith.addf %get3A_567, %get3A_569 : vector<16xf32>
      %swap3A = arith.index_cast %mul3A_566 : i32 to index
      %swap3A_571 = tpu.vector_load %arg23[%swap3A] {strides = array<i32>} : memref<640xf32, #tpu.memory_space<vmem>>, vector<16xf32>,
      tpu.vector_store %arg23[%swap3A], %add3A_570 {strides = array<i32>} : memref<640xf32, #tpu.memory_space<vmem>>, vector<16xf32>,
      %scan3A_572 = arith.constant 0 : i32
      scf.yield %scan3A_572 : i32
    }
    %scan3A_351 = arith.constant 40 : i32
    %add3A_352 = arith.constant 10240 : i32
    %add3A_353 = arith.addi %add3A_352, %mul3A_56 : i32
    %run_scoped3A_354 = arith.constant 12 : i32
    "tpu.region"() ({
      %run_scoped3A_563 = tpu.sem_alloc : memref<!tpu.dma_semaphore, #tpu.memory_space<semaphore_mem>>
      %dma_start3A = tpu.memref_slice %arg24[%run_scoped3A_354, %add3A_353] : memref<16x30720xf32, #tpu.memory_space<vmem_shared>> -> memref<1x640xf32, #tpu.memory_space<vmem_shared>>
      %dma_start3A_564 = tpu.memref_squeeze %dma_start3A : memref<1x640xf32, #tpu.memory_space<vmem_shared>> -> memref<640xf32, #tpu.memory_space<vmem_shared>>
      %dma_start3A_565 = tpu.memref_slice %arg24[%run_scoped3A_354, %add3A_353] : memref<16x30720xf32, #tpu.memory_space<vmem_shared>> -> memref<1x640xf32, #tpu.memory_space<vmem_shared>>
      %dma_start3A_566 = tpu.memref_squeeze %dma_start3A_565 : memref<1x640xf32, #tpu.memory_space<vmem_shared>> -> memref<640xf32, #tpu.memory_space<vmem_shared>>
      tpu.enqueue_dma source(%dma_start3A_566 : memref<640xf32, #tpu.memory_space<vmem_shared>>) target(%arg22 : memref<640xf32, #tpu.memory_space<vmem>>) target_semaphore(%run_scoped3A_563 : memref<!tpu.dma_semaphore, #tpu.memory_space<semaphore_mem>>)
      %dma_wait3A = tpu.memref_slice %arg24[%run_scoped3A_354, %add3A_353] : memref<16x30720xf32, #tpu.memory_space<vmem_shared>> -> memref<1x640xf32, #tpu.memory_space<vmem_shared>>
      %dma_wait3A_567 = tpu.memref_squeeze %dma_wait3A : memref<1x640xf32, #tpu.memory_space<vmem_shared>> -> memref<640xf32, #tpu.memory_space<vmem_shared>>
      %dma_wait3A_568 = tpu.memref_slice %arg24[%run_scoped3A_354, %add3A_353] : memref<16x30720xf32, #tpu.memory_space<vmem_shared>> -> memref<1x640xf32, #tpu.memory_space<vmem_shared>>
      %dma_wait3A_569 = tpu.memref_squeeze %dma_wait3A_568 : memref<1x640xf32, #tpu.memory_space<vmem_shared>> -> memref<640xf32, #tpu.memory_space<vmem_shared>>
      tpu.wait_dma2 semaphore(%run_scoped3A_563 : memref<!tpu.dma_semaphore, #tpu.memory_space<semaphore_mem>>) src(%dma_wait3A_569 : memref<640xf32, #tpu.memory_space<vmem_shared>>) dst(%arg22 : memref<640xf32, #tpu.memory_space<vmem>>)
      tpu.yield
    }) : () -> ()
    %scan3A_355 = arith.constant 0 : i32
    %scan3A_356 = arith.constant 0 : i32
    %scan3A_357 = arith.constant 40 : i32
    %scan3A_358 = arith.addi %scan3A_356, %scan3A_357 : i32
    %scan3A_359 = arith.constant 1 : i32
    %scan3A_360 = scf.for %scan3A_563 = %scan3A_356 to %scan3A_358 step %scan3A_359 iter_args(%scan3A_564 = %scan3A_355) -> (i32)  : i32 {
      %mul3A_565 = arith.constant 16 : i32
      %mul3A_566 = arith.muli %scan3A_563, %mul3A_565 : i32
      %get3A = arith.index_cast %mul3A_566 : i32 to index
      %get3A_567 = tpu.vector_load %arg23[%get3A] {strides = array<i32>} : memref<640xf32, #tpu.memory_space<vmem>>, vector<16xf32>,
      %get3A_568 = arith.index_cast %mul3A_566 : i32 to index
      %get3A_569 = tpu.vector_load %arg22[%get3A_568] {strides = array<i32>} : memref<640xf32, #tpu.memory_space<vmem>>, vector<16xf32>,
      %add3A_570 = arith.addf %get3A_567, %get3A_569 : vector<16xf32>
      %swap3A = arith.index_cast %mul3A_566 : i32 to index
      %swap3A_571 = tpu.vector_load %arg23[%swap3A] {strides = array<i32>} : memref<640xf32, #tpu.memory_space<vmem>>, vector<16xf32>,
      tpu.vector_store %arg23[%swap3A], %add3A_570 {strides = array<i32>} : memref<640xf32, #tpu.memory_space<vmem>>, vector<16xf32>,
      %scan3A_572 = arith.constant 0 : i32
      scf.yield %scan3A_572 : i32
    }
    %scan3A_361 = arith.constant 40 : i32
    %add3A_362 = arith.constant 10240 : i32
    %add3A_363 = arith.addi %add3A_362, %mul3A_56 : i32
    %run_scoped3A_364 = arith.constant 13 : i32
    "tpu.region"() ({
      %run_scoped3A_563 = tpu.sem_alloc : memref<!tpu.dma_semaphore, #tpu.memory_space<semaphore_mem>>
      %dma_start3A = tpu.memref_slice %arg24[%run_scoped3A_364, %add3A_363] : memref<16x30720xf32, #tpu.memory_space<vmem_shared>> -> memref<1x640xf32, #tpu.memory_space<vmem_shared>>
      %dma_start3A_564 = tpu.memref_squeeze %dma_start3A : memref<1x640xf32, #tpu.memory_space<vmem_shared>> -> memref<640xf32, #tpu.memory_space<vmem_shared>>
      %dma_start3A_565 = tpu.memref_slice %arg24[%run_scoped3A_364, %add3A_363] : memref<16x30720xf32, #tpu.memory_space<vmem_shared>> -> memref<1x640xf32, #tpu.memory_space<vmem_shared>>
      %dma_start3A_566 = tpu.memref_squeeze %dma_start3A_565 : memref<1x640xf32, #tpu.memory_space<vmem_shared>> -> memref<640xf32, #tpu.memory_space<vmem_shared>>
      tpu.enqueue_dma source(%dma_start3A_566 : memref<640xf32, #tpu.memory_space<vmem_shared>>) target(%arg22 : memref<640xf32, #tpu.memory_space<vmem>>) target_semaphore(%run_scoped3A_563 : memref<!tpu.dma_semaphore, #tpu.memory_space<semaphore_mem>>)
      %dma_wait3A = tpu.memref_slice %arg24[%run_scoped3A_364, %add3A_363] : memref<16x30720xf32, #tpu.memory_space<vmem_shared>> -> memref<1x640xf32, #tpu.memory_space<vmem_shared>>
      %dma_wait3A_567 = tpu.memref_squeeze %dma_wait3A : memref<1x640xf32, #tpu.memory_space<vmem_shared>> -> memref<640xf32, #tpu.memory_space<vmem_shared>>
      %dma_wait3A_568 = tpu.memref_slice %arg24[%run_scoped3A_364, %add3A_363] : memref<16x30720xf32, #tpu.memory_space<vmem_shared>> -> memref<1x640xf32, #tpu.memory_space<vmem_shared>>
      %dma_wait3A_569 = tpu.memref_squeeze %dma_wait3A_568 : memref<1x640xf32, #tpu.memory_space<vmem_shared>> -> memref<640xf32, #tpu.memory_space<vmem_shared>>
      tpu.wait_dma2 semaphore(%run_scoped3A_563 : memref<!tpu.dma_semaphore, #tpu.memory_space<semaphore_mem>>) src(%dma_wait3A_569 : memref<640xf32, #tpu.memory_space<vmem_shared>>) dst(%arg22 : memref<640xf32, #tpu.memory_space<vmem>>)
      tpu.yield
    }) : () -> ()
    %scan3A_365 = arith.constant 0 : i32
    %scan3A_366 = arith.constant 0 : i32
    %scan3A_367 = arith.constant 40 : i32
    %scan3A_368 = arith.addi %scan3A_366, %scan3A_367 : i32
    %scan3A_369 = arith.constant 1 : i32
    %scan3A_370 = scf.for %scan3A_563 = %scan3A_366 to %scan3A_368 step %scan3A_369 iter_args(%scan3A_564 = %scan3A_365) -> (i32)  : i32 {
      %mul3A_565 = arith.constant 16 : i32
      %mul3A_566 = arith.muli %scan3A_563, %mul3A_565 : i32
      %get3A = arith.index_cast %mul3A_566 : i32 to index
      %get3A_567 = tpu.vector_load %arg23[%get3A] {strides = array<i32>} : memref<640xf32, #tpu.memory_space<vmem>>, vector<16xf32>,
      %get3A_568 = arith.index_cast %mul3A_566 : i32 to index
      %get3A_569 = tpu.vector_load %arg22[%get3A_568] {strides = array<i32>} : memref<640xf32, #tpu.memory_space<vmem>>, vector<16xf32>,
      %add3A_570 = arith.addf %get3A_567, %get3A_569 : vector<16xf32>
      %swap3A = arith.index_cast %mul3A_566 : i32 to index
      %swap3A_571 = tpu.vector_load %arg23[%swap3A] {strides = array<i32>} : memref<640xf32, #tpu.memory_space<vmem>>, vector<16xf32>,
      tpu.vector_store %arg23[%swap3A], %add3A_570 {strides = array<i32>} : memref<640xf32, #tpu.memory_space<vmem>>, vector<16xf32>,
      %scan3A_572 = arith.constant 0 : i32
      scf.yield %scan3A_572 : i32
    }
    %scan3A_371 = arith.constant 40 : i32
    %add3A_372 = arith.constant 10240 : i32
    %add3A_373 = arith.addi %add3A_372, %mul3A_56 : i32
    %run_scoped3A_374 = arith.constant 14 : i32
    "tpu.region"() ({
      %run_scoped3A_563 = tpu.sem_alloc : memref<!tpu.dma_semaphore, #tpu.memory_space<semaphore_mem>>
      %dma_start3A = tpu.memref_slice %arg24[%run_scoped3A_374, %add3A_373] : memref<16x30720xf32, #tpu.memory_space<vmem_shared>> -> memref<1x640xf32, #tpu.memory_space<vmem_shared>>
      %dma_start3A_564 = tpu.memref_squeeze %dma_start3A : memref<1x640xf32, #tpu.memory_space<vmem_shared>> -> memref<640xf32, #tpu.memory_space<vmem_shared>>
      %dma_start3A_565 = tpu.memref_slice %arg24[%run_scoped3A_374, %add3A_373] : memref<16x30720xf32, #tpu.memory_space<vmem_shared>> -> memref<1x640xf32, #tpu.memory_space<vmem_shared>>
      %dma_start3A_566 = tpu.memref_squeeze %dma_start3A_565 : memref<1x640xf32, #tpu.memory_space<vmem_shared>> -> memref<640xf32, #tpu.memory_space<vmem_shared>>
      tpu.enqueue_dma source(%dma_start3A_566 : memref<640xf32, #tpu.memory_space<vmem_shared>>) target(%arg22 : memref<640xf32, #tpu.memory_space<vmem>>) target_semaphore(%run_scoped3A_563 : memref<!tpu.dma_semaphore, #tpu.memory_space<semaphore_mem>>)
      %dma_wait3A = tpu.memref_slice %arg24[%run_scoped3A_374, %add3A_373] : memref<16x30720xf32, #tpu.memory_space<vmem_shared>> -> memref<1x640xf32, #tpu.memory_space<vmem_shared>>
      %dma_wait3A_567 = tpu.memref_squeeze %dma_wait3A : memref<1x640xf32, #tpu.memory_space<vmem_shared>> -> memref<640xf32, #tpu.memory_space<vmem_shared>>
      %dma_wait3A_568 = tpu.memref_slice %arg24[%run_scoped3A_374, %add3A_373] : memref<16x30720xf32, #tpu.memory_space<vmem_shared>> -> memref<1x640xf32, #tpu.memory_space<vmem_shared>>
      %dma_wait3A_569 = tpu.memref_squeeze %dma_wait3A_568 : memref<1x640xf32, #tpu.memory_space<vmem_shared>> -> memref<640xf32, #tpu.memory_space<vmem_shared>>
      tpu.wait_dma2 semaphore(%run_scoped3A_563 : memref<!tpu.dma_semaphore, #tpu.memory_space<semaphore_mem>>) src(%dma_wait3A_569 : memref<640xf32, #tpu.memory_space<vmem_shared>>) dst(%arg22 : memref<640xf32, #tpu.memory_space<vmem>>)
      tpu.yield
    }) : () -> ()
    %scan3A_375 = arith.constant 0 : i32
    %scan3A_376 = arith.constant 0 : i32
    %scan3A_377 = arith.constant 40 : i32
    %scan3A_378 = arith.addi %scan3A_376, %scan3A_377 : i32
    %scan3A_379 = arith.constant 1 : i32
    %scan3A_380 = scf.for %scan3A_563 = %scan3A_376 to %scan3A_378 step %scan3A_379 iter_args(%scan3A_564 = %scan3A_375) -> (i32)  : i32 {
      %mul3A_565 = arith.constant 16 : i32
      %mul3A_566 = arith.muli %scan3A_563, %mul3A_565 : i32
      %get3A = arith.index_cast %mul3A_566 : i32 to index
      %get3A_567 = tpu.vector_load %arg23[%get3A] {strides = array<i32>} : memref<640xf32, #tpu.memory_space<vmem>>, vector<16xf32>,
      %get3A_568 = arith.index_cast %mul3A_566 : i32 to index
      %get3A_569 = tpu.vector_load %arg22[%get3A_568] {strides = array<i32>} : memref<640xf32, #tpu.memory_space<vmem>>, vector<16xf32>,
      %add3A_570 = arith.addf %get3A_567, %get3A_569 : vector<16xf32>
      %swap3A = arith.index_cast %mul3A_566 : i32 to index
      %swap3A_571 = tpu.vector_load %arg23[%swap3A] {strides = array<i32>} : memref<640xf32, #tpu.memory_space<vmem>>, vector<16xf32>,
      tpu.vector_store %arg23[%swap3A], %add3A_570 {strides = array<i32>} : memref<640xf32, #tpu.memory_space<vmem>>, vector<16xf32>,
      %scan3A_572 = arith.constant 0 : i32
      scf.yield %scan3A_572 : i32
    }
    %scan3A_381 = arith.constant 40 : i32
    %add3A_382 = arith.constant 10240 : i32
    %add3A_383 = arith.addi %add3A_382, %mul3A_56 : i32
    %run_scoped3A_384 = arith.constant 15 : i32
    "tpu.region"() ({
      %run_scoped3A_563 = tpu.sem_alloc : memref<!tpu.dma_semaphore, #tpu.memory_space<semaphore_mem>>
      %dma_start3A = tpu.memref_slice %arg24[%run_scoped3A_384, %add3A_383] : memref<16x30720xf32, #tpu.memory_space<vmem_shared>> -> memref<1x640xf32, #tpu.memory_space<vmem_shared>>
      %dma_start3A_564 = tpu.memref_squeeze %dma_start3A : memref<1x640xf32, #tpu.memory_space<vmem_shared>> -> memref<640xf32, #tpu.memory_space<vmem_shared>>
      %dma_start3A_565 = tpu.memref_slice %arg24[%run_scoped3A_384, %add3A_383] : memref<16x30720xf32, #tpu.memory_space<vmem_shared>> -> memref<1x640xf32, #tpu.memory_space<vmem_shared>>
      %dma_start3A_566 = tpu.memref_squeeze %dma_start3A_565 : memref<1x640xf32, #tpu.memory_space<vmem_shared>> -> memref<640xf32, #tpu.memory_space<vmem_shared>>
      tpu.enqueue_dma source(%dma_start3A_566 : memref<640xf32, #tpu.memory_space<vmem_shared>>) target(%arg22 : memref<640xf32, #tpu.memory_space<vmem>>) target_semaphore(%run_scoped3A_563 : memref<!tpu.dma_semaphore, #tpu.memory_space<semaphore_mem>>)
      %dma_wait3A = tpu.memref_slice %arg24[%run_scoped3A_384, %add3A_383] : memref<16x30720xf32, #tpu.memory_space<vmem_shared>> -> memref<1x640xf32, #tpu.memory_space<vmem_shared>>
      %dma_wait3A_567 = tpu.memref_squeeze %dma_wait3A : memref<1x640xf32, #tpu.memory_space<vmem_shared>> -> memref<640xf32, #tpu.memory_space<vmem_shared>>
      %dma_wait3A_568 = tpu.memref_slice %arg24[%run_scoped3A_384, %add3A_383] : memref<16x30720xf32, #tpu.memory_space<vmem_shared>> -> memref<1x640xf32, #tpu.memory_space<vmem_shared>>
      %dma_wait3A_569 = tpu.memref_squeeze %dma_wait3A_568 : memref<1x640xf32, #tpu.memory_space<vmem_shared>> -> memref<640xf32, #tpu.memory_space<vmem_shared>>
      tpu.wait_dma2 semaphore(%run_scoped3A_563 : memref<!tpu.dma_semaphore, #tpu.memory_space<semaphore_mem>>) src(%dma_wait3A_569 : memref<640xf32, #tpu.memory_space<vmem_shared>>) dst(%arg22 : memref<640xf32, #tpu.memory_space<vmem>>)
      tpu.yield
    }) : () -> ()
    %scan3A_385 = arith.constant 0 : i32
    %scan3A_386 = arith.constant 0 : i32
    %scan3A_387 = arith.constant 40 : i32
    %scan3A_388 = arith.addi %scan3A_386, %scan3A_387 : i32
    %scan3A_389 = arith.constant 1 : i32
    %scan3A_390 = scf.for %scan3A_563 = %scan3A_386 to %scan3A_388 step %scan3A_389 iter_args(%scan3A_564 = %scan3A_385) -> (i32)  : i32 {
      %mul3A_565 = arith.constant 16 : i32
      %mul3A_566 = arith.muli %scan3A_563, %mul3A_565 : i32
      %get3A = arith.index_cast %mul3A_566 : i32 to index
      %get3A_567 = tpu.vector_load %arg23[%get3A] {strides = array<i32>} : memref<640xf32, #tpu.memory_space<vmem>>, vector<16xf32>,
      %get3A_568 = arith.index_cast %mul3A_566 : i32 to index
      %get3A_569 = tpu.vector_load %arg22[%get3A_568] {strides = array<i32>} : memref<640xf32, #tpu.memory_space<vmem>>, vector<16xf32>,
      %add3A_570 = arith.addf %get3A_567, %get3A_569 : vector<16xf32>
      %swap3A = arith.index_cast %mul3A_566 : i32 to index
      %swap3A_571 = tpu.vector_load %arg23[%swap3A] {strides = array<i32>} : memref<640xf32, #tpu.memory_space<vmem>>, vector<16xf32>,
      tpu.vector_store %arg23[%swap3A], %add3A_570 {strides = array<i32>} : memref<640xf32, #tpu.memory_space<vmem>>, vector<16xf32>,
      %scan3A_572 = arith.constant 0 : i32
      scf.yield %scan3A_572 : i32
    }
    %scan3A_391 = arith.constant 40 : i32
    %add3A_392 = arith.constant 10240 : i32
    %add3A_393 = arith.addi %add3A_392, %mul3A_56 : i32
    "tpu.region"() ({
      %run_scoped3A_563 = tpu.sem_alloc : memref<!tpu.dma_semaphore, #tpu.memory_space<semaphore_mem>>
      %dma_start3A = tpu.memref_slice %arg10[%arg0, %add3A_393] : memref<2x30720xf32, #tpu.memory_space<hbm>> -> memref<1x640xf32, #tpu.memory_space<hbm>>
      %dma_start3A_564 = tpu.memref_squeeze %dma_start3A : memref<1x640xf32, #tpu.memory_space<hbm>> -> memref<640xf32, #tpu.memory_space<hbm>>
      %dma_start3A_565 = tpu.memref_slice %arg10[%arg0, %add3A_393] : memref<2x30720xf32, #tpu.memory_space<hbm>> -> memref<1x640xf32, #tpu.memory_space<hbm>>
      %dma_start3A_566 = tpu.memref_squeeze %dma_start3A_565 : memref<1x640xf32, #tpu.memory_space<hbm>> -> memref<640xf32, #tpu.memory_space<hbm>>
      tpu.enqueue_dma source(%arg23 : memref<640xf32, #tpu.memory_space<vmem>>) target(%dma_start3A_566 : memref<640xf32, #tpu.memory_space<hbm>>) target_semaphore(%run_scoped3A_563 : memref<!tpu.dma_semaphore, #tpu.memory_space<semaphore_mem>>)
      %dma_wait3A = tpu.memref_slice %arg10[%arg0, %add3A_393] : memref<2x30720xf32, #tpu.memory_space<hbm>> -> memref<1x640xf32, #tpu.memory_space<hbm>>
      %dma_wait3A_567 = tpu.memref_squeeze %dma_wait3A : memref<1x640xf32, #tpu.memory_space<hbm>> -> memref<640xf32, #tpu.memory_space<hbm>>
      %dma_wait3A_568 = tpu.memref_slice %arg10[%arg0, %add3A_393] : memref<2x30720xf32, #tpu.memory_space<hbm>> -> memref<1x640xf32, #tpu.memory_space<hbm>>
      %dma_wait3A_569 = tpu.memref_squeeze %dma_wait3A_568 : memref<1x640xf32, #tpu.memory_space<hbm>> -> memref<640xf32, #tpu.memory_space<hbm>>
      tpu.wait_dma2 semaphore(%run_scoped3A_563 : memref<!tpu.dma_semaphore, #tpu.memory_space<semaphore_mem>>) src(%arg23 : memref<640xf32, #tpu.memory_space<vmem>>) dst(%dma_wait3A_569 : memref<640xf32, #tpu.memory_space<hbm>>)
      tpu.yield
    }) : () -> ()
    %scan3A_394 = arith.constant 0 : i32
    %scan3A_395 = arith.constant 0 : i32
    %scan3A_396 = arith.constant 40 : i32
    %scan3A_397 = arith.addi %scan3A_395, %scan3A_396 : i32
    %scan3A_398 = arith.constant 1 : i32
    %scan3A_399 = scf.for %scan3A_563 = %scan3A_395 to %scan3A_397 step %scan3A_398 iter_args(%scan3A_564 = %scan3A_394) -> (i32)  : i32 {
      %mul3A_565 = arith.constant 16 : i32
      %mul3A_566 = arith.muli %scan3A_563, %mul3A_565 : i32
      %swap3A = arith.index_cast %mul3A_566 : i32 to index
      %swap3A_567 = tpu.vector_load %arg23[%swap3A] {strides = array<i32>} : memref<640xf32, #tpu.memory_space<vmem>>, vector<16xf32>,
      tpu.vector_store %arg23[%swap3A], %broadcast_in_dim3A_3 {strides = array<i32>} : memref<640xf32, #tpu.memory_space<vmem>>, vector<16xf32>,
      %scan3A_568 = arith.constant 0 : i32
      scf.yield %scan3A_568 : i32
    }
    %scan3A_400 = arith.constant 40 : i32
    %add3A_401 = arith.constant 20480 : i32
    %add3A_402 = arith.addi %add3A_401, %mul3A_56 : i32
    %run_scoped3A_403 = arith.constant 0 : i32
    "tpu.region"() ({
      %run_scoped3A_563 = tpu.sem_alloc : memref<!tpu.dma_semaphore, #tpu.memory_space<semaphore_mem>>
      %dma_start3A = tpu.memref_slice %arg24[%run_scoped3A_403, %add3A_402] : memref<16x30720xf32, #tpu.memory_space<vmem_shared>> -> memref<1x640xf32, #tpu.memory_space<vmem_shared>>
      %dma_start3A_564 = tpu.memref_squeeze %dma_start3A : memref<1x640xf32, #tpu.memory_space<vmem_shared>> -> memref<640xf32, #tpu.memory_space<vmem_shared>>
      %dma_start3A_565 = tpu.memref_slice %arg24[%run_scoped3A_403, %add3A_402] : memref<16x30720xf32, #tpu.memory_space<vmem_shared>> -> memref<1x640xf32, #tpu.memory_space<vmem_shared>>
      %dma_start3A_566 = tpu.memref_squeeze %dma_start3A_565 : memref<1x640xf32, #tpu.memory_space<vmem_shared>> -> memref<640xf32, #tpu.memory_space<vmem_shared>>
      tpu.enqueue_dma source(%dma_start3A_566 : memref<640xf32, #tpu.memory_space<vmem_shared>>) target(%arg22 : memref<640xf32, #tpu.memory_space<vmem>>) target_semaphore(%run_scoped3A_563 : memref<!tpu.dma_semaphore, #tpu.memory_space<semaphore_mem>>)
      %dma_wait3A = tpu.memref_slice %arg24[%run_scoped3A_403, %add3A_402] : memref<16x30720xf32, #tpu.memory_space<vmem_shared>> -> memref<1x640xf32, #tpu.memory_space<vmem_shared>>
      %dma_wait3A_567 = tpu.memref_squeeze %dma_wait3A : memref<1x640xf32, #tpu.memory_space<vmem_shared>> -> memref<640xf32, #tpu.memory_space<vmem_shared>>
      %dma_wait3A_568 = tpu.memref_slice %arg24[%run_scoped3A_403, %add3A_402] : memref<16x30720xf32, #tpu.memory_space<vmem_shared>> -> memref<1x640xf32, #tpu.memory_space<vmem_shared>>
      %dma_wait3A_569 = tpu.memref_squeeze %dma_wait3A_568 : memref<1x640xf32, #tpu.memory_space<vmem_shared>> -> memref<640xf32, #tpu.memory_space<vmem_shared>>
      tpu.wait_dma2 semaphore(%run_scoped3A_563 : memref<!tpu.dma_semaphore, #tpu.memory_space<semaphore_mem>>) src(%dma_wait3A_569 : memref<640xf32, #tpu.memory_space<vmem_shared>>) dst(%arg22 : memref<640xf32, #tpu.memory_space<vmem>>)
      tpu.yield
    }) : () -> ()
    %scan3A_404 = arith.constant 0 : i32
    %scan3A_405 = arith.constant 0 : i32
    %scan3A_406 = arith.constant 40 : i32
    %scan3A_407 = arith.addi %scan3A_405, %scan3A_406 : i32
    %scan3A_408 = arith.constant 1 : i32
    %scan3A_409 = scf.for %scan3A_563 = %scan3A_405 to %scan3A_407 step %scan3A_408 iter_args(%scan3A_564 = %scan3A_404) -> (i32)  : i32 {
      %mul3A_565 = arith.constant 16 : i32
      %mul3A_566 = arith.muli %scan3A_563, %mul3A_565 : i32
      %get3A = arith.index_cast %mul3A_566 : i32 to index
      %get3A_567 = tpu.vector_load %arg23[%get3A] {strides = array<i32>} : memref<640xf32, #tpu.memory_space<vmem>>, vector<16xf32>,
      %get3A_568 = arith.index_cast %mul3A_566 : i32 to index
      %get3A_569 = tpu.vector_load %arg22[%get3A_568] {strides = array<i32>} : memref<640xf32, #tpu.memory_space<vmem>>, vector<16xf32>,
      %add3A_570 = arith.addf %get3A_567, %get3A_569 : vector<16xf32>
      %swap3A = arith.index_cast %mul3A_566 : i32 to index
      %swap3A_571 = tpu.vector_load %arg23[%swap3A] {strides = array<i32>} : memref<640xf32, #tpu.memory_space<vmem>>, vector<16xf32>,
      tpu.vector_store %arg23[%swap3A], %add3A_570 {strides = array<i32>} : memref<640xf32, #tpu.memory_space<vmem>>, vector<16xf32>,
      %scan3A_572 = arith.constant 0 : i32
      scf.yield %scan3A_572 : i32
    }
    %scan3A_410 = arith.constant 40 : i32
    %add3A_411 = arith.constant 20480 : i32
    %add3A_412 = arith.addi %add3A_411, %mul3A_56 : i32
    %run_scoped3A_413 = arith.constant 1 : i32
    "tpu.region"() ({
      %run_scoped3A_563 = tpu.sem_alloc : memref<!tpu.dma_semaphore, #tpu.memory_space<semaphore_mem>>
      %dma_start3A = tpu.memref_slice %arg24[%run_scoped3A_413, %add3A_412] : memref<16x30720xf32, #tpu.memory_space<vmem_shared>> -> memref<1x640xf32, #tpu.memory_space<vmem_shared>>
      %dma_start3A_564 = tpu.memref_squeeze %dma_start3A : memref<1x640xf32, #tpu.memory_space<vmem_shared>> -> memref<640xf32, #tpu.memory_space<vmem_shared>>
      %dma_start3A_565 = tpu.memref_slice %arg24[%run_scoped3A_413, %add3A_412] : memref<16x30720xf32, #tpu.memory_space<vmem_shared>> -> memref<1x640xf32, #tpu.memory_space<vmem_shared>>
      %dma_start3A_566 = tpu.memref_squeeze %dma_start3A_565 : memref<1x640xf32, #tpu.memory_space<vmem_shared>> -> memref<640xf32, #tpu.memory_space<vmem_shared>>
      tpu.enqueue_dma source(%dma_start3A_566 : memref<640xf32, #tpu.memory_space<vmem_shared>>) target(%arg22 : memref<640xf32, #tpu.memory_space<vmem>>) target_semaphore(%run_scoped3A_563 : memref<!tpu.dma_semaphore, #tpu.memory_space<semaphore_mem>>)
      %dma_wait3A = tpu.memref_slice %arg24[%run_scoped3A_413, %add3A_412] : memref<16x30720xf32, #tpu.memory_space<vmem_shared>> -> memref<1x640xf32, #tpu.memory_space<vmem_shared>>
      %dma_wait3A_567 = tpu.memref_squeeze %dma_wait3A : memref<1x640xf32, #tpu.memory_space<vmem_shared>> -> memref<640xf32, #tpu.memory_space<vmem_shared>>
      %dma_wait3A_568 = tpu.memref_slice %arg24[%run_scoped3A_413, %add3A_412] : memref<16x30720xf32, #tpu.memory_space<vmem_shared>> -> memref<1x640xf32, #tpu.memory_space<vmem_shared>>
      %dma_wait3A_569 = tpu.memref_squeeze %dma_wait3A_568 : memref<1x640xf32, #tpu.memory_space<vmem_shared>> -> memref<640xf32, #tpu.memory_space<vmem_shared>>
      tpu.wait_dma2 semaphore(%run_scoped3A_563 : memref<!tpu.dma_semaphore, #tpu.memory_space<semaphore_mem>>) src(%dma_wait3A_569 : memref<640xf32, #tpu.memory_space<vmem_shared>>) dst(%arg22 : memref<640xf32, #tpu.memory_space<vmem>>)
      tpu.yield
    }) : () -> ()
    %scan3A_414 = arith.constant 0 : i32
    %scan3A_415 = arith.constant 0 : i32
    %scan3A_416 = arith.constant 40 : i32
    %scan3A_417 = arith.addi %scan3A_415, %scan3A_416 : i32
    %scan3A_418 = arith.constant 1 : i32
    %scan3A_419 = scf.for %scan3A_563 = %scan3A_415 to %scan3A_417 step %scan3A_418 iter_args(%scan3A_564 = %scan3A_414) -> (i32)  : i32 {
      %mul3A_565 = arith.constant 16 : i32
      %mul3A_566 = arith.muli %scan3A_563, %mul3A_565 : i32
      %get3A = arith.index_cast %mul3A_566 : i32 to index
      %get3A_567 = tpu.vector_load %arg23[%get3A] {strides = array<i32>} : memref<640xf32, #tpu.memory_space<vmem>>, vector<16xf32>,
      %get3A_568 = arith.index_cast %mul3A_566 : i32 to index
      %get3A_569 = tpu.vector_load %arg22[%get3A_568] {strides = array<i32>} : memref<640xf32, #tpu.memory_space<vmem>>, vector<16xf32>,
      %add3A_570 = arith.addf %get3A_567, %get3A_569 : vector<16xf32>
      %swap3A = arith.index_cast %mul3A_566 : i32 to index
      %swap3A_571 = tpu.vector_load %arg23[%swap3A] {strides = array<i32>} : memref<640xf32, #tpu.memory_space<vmem>>, vector<16xf32>,
      tpu.vector_store %arg23[%swap3A], %add3A_570 {strides = array<i32>} : memref<640xf32, #tpu.memory_space<vmem>>, vector<16xf32>,
      %scan3A_572 = arith.constant 0 : i32
      scf.yield %scan3A_572 : i32
    }
    %scan3A_420 = arith.constant 40 : i32
    %add3A_421 = arith.constant 20480 : i32
    %add3A_422 = arith.addi %add3A_421, %mul3A_56 : i32
    %run_scoped3A_423 = arith.constant 2 : i32
    "tpu.region"() ({
      %run_scoped3A_563 = tpu.sem_alloc : memref<!tpu.dma_semaphore, #tpu.memory_space<semaphore_mem>>
      %dma_start3A = tpu.memref_slice %arg24[%run_scoped3A_423, %add3A_422] : memref<16x30720xf32, #tpu.memory_space<vmem_shared>> -> memref<1x640xf32, #tpu.memory_space<vmem_shared>>
      %dma_start3A_564 = tpu.memref_squeeze %dma_start3A : memref<1x640xf32, #tpu.memory_space<vmem_shared>> -> memref<640xf32, #tpu.memory_space<vmem_shared>>
      %dma_start3A_565 = tpu.memref_slice %arg24[%run_scoped3A_423, %add3A_422] : memref<16x30720xf32, #tpu.memory_space<vmem_shared>> -> memref<1x640xf32, #tpu.memory_space<vmem_shared>>
      %dma_start3A_566 = tpu.memref_squeeze %dma_start3A_565 : memref<1x640xf32, #tpu.memory_space<vmem_shared>> -> memref<640xf32, #tpu.memory_space<vmem_shared>>
      tpu.enqueue_dma source(%dma_start3A_566 : memref<640xf32, #tpu.memory_space<vmem_shared>>) target(%arg22 : memref<640xf32, #tpu.memory_space<vmem>>) target_semaphore(%run_scoped3A_563 : memref<!tpu.dma_semaphore, #tpu.memory_space<semaphore_mem>>)
      %dma_wait3A = tpu.memref_slice %arg24[%run_scoped3A_423, %add3A_422] : memref<16x30720xf32, #tpu.memory_space<vmem_shared>> -> memref<1x640xf32, #tpu.memory_space<vmem_shared>>
      %dma_wait3A_567 = tpu.memref_squeeze %dma_wait3A : memref<1x640xf32, #tpu.memory_space<vmem_shared>> -> memref<640xf32, #tpu.memory_space<vmem_shared>>
      %dma_wait3A_568 = tpu.memref_slice %arg24[%run_scoped3A_423, %add3A_422] : memref<16x30720xf32, #tpu.memory_space<vmem_shared>> -> memref<1x640xf32, #tpu.memory_space<vmem_shared>>
      %dma_wait3A_569 = tpu.memref_squeeze %dma_wait3A_568 : memref<1x640xf32, #tpu.memory_space<vmem_shared>> -> memref<640xf32, #tpu.memory_space<vmem_shared>>
      tpu.wait_dma2 semaphore(%run_scoped3A_563 : memref<!tpu.dma_semaphore, #tpu.memory_space<semaphore_mem>>) src(%dma_wait3A_569 : memref<640xf32, #tpu.memory_space<vmem_shared>>) dst(%arg22 : memref<640xf32, #tpu.memory_space<vmem>>)
      tpu.yield
    }) : () -> ()
    %scan3A_424 = arith.constant 0 : i32
    %scan3A_425 = arith.constant 0 : i32
    %scan3A_426 = arith.constant 40 : i32
    %scan3A_427 = arith.addi %scan3A_425, %scan3A_426 : i32
    %scan3A_428 = arith.constant 1 : i32
    %scan3A_429 = scf.for %scan3A_563 = %scan3A_425 to %scan3A_427 step %scan3A_428 iter_args(%scan3A_564 = %scan3A_424) -> (i32)  : i32 {
      %mul3A_565 = arith.constant 16 : i32
      %mul3A_566 = arith.muli %scan3A_563, %mul3A_565 : i32
      %get3A = arith.index_cast %mul3A_566 : i32 to index
      %get3A_567 = tpu.vector_load %arg23[%get3A] {strides = array<i32>} : memref<640xf32, #tpu.memory_space<vmem>>, vector<16xf32>,
      %get3A_568 = arith.index_cast %mul3A_566 : i32 to index
      %get3A_569 = tpu.vector_load %arg22[%get3A_568] {strides = array<i32>} : memref<640xf32, #tpu.memory_space<vmem>>, vector<16xf32>,
      %add3A_570 = arith.addf %get3A_567, %get3A_569 : vector<16xf32>
      %swap3A = arith.index_cast %mul3A_566 : i32 to index
      %swap3A_571 = tpu.vector_load %arg23[%swap3A] {strides = array<i32>} : memref<640xf32, #tpu.memory_space<vmem>>, vector<16xf32>,
      tpu.vector_store %arg23[%swap3A], %add3A_570 {strides = array<i32>} : memref<640xf32, #tpu.memory_space<vmem>>, vector<16xf32>,
      %scan3A_572 = arith.constant 0 : i32
      scf.yield %scan3A_572 : i32
    }
    %scan3A_430 = arith.constant 40 : i32
    %add3A_431 = arith.constant 20480 : i32
    %add3A_432 = arith.addi %add3A_431, %mul3A_56 : i32
    %run_scoped3A_433 = arith.constant 3 : i32
    "tpu.region"() ({
      %run_scoped3A_563 = tpu.sem_alloc : memref<!tpu.dma_semaphore, #tpu.memory_space<semaphore_mem>>
      %dma_start3A = tpu.memref_slice %arg24[%run_scoped3A_433, %add3A_432] : memref<16x30720xf32, #tpu.memory_space<vmem_shared>> -> memref<1x640xf32, #tpu.memory_space<vmem_shared>>
      %dma_start3A_564 = tpu.memref_squeeze %dma_start3A : memref<1x640xf32, #tpu.memory_space<vmem_shared>> -> memref<640xf32, #tpu.memory_space<vmem_shared>>
      %dma_start3A_565 = tpu.memref_slice %arg24[%run_scoped3A_433, %add3A_432] : memref<16x30720xf32, #tpu.memory_space<vmem_shared>> -> memref<1x640xf32, #tpu.memory_space<vmem_shared>>
      %dma_start3A_566 = tpu.memref_squeeze %dma_start3A_565 : memref<1x640xf32, #tpu.memory_space<vmem_shared>> -> memref<640xf32, #tpu.memory_space<vmem_shared>>
      tpu.enqueue_dma source(%dma_start3A_566 : memref<640xf32, #tpu.memory_space<vmem_shared>>) target(%arg22 : memref<640xf32, #tpu.memory_space<vmem>>) target_semaphore(%run_scoped3A_563 : memref<!tpu.dma_semaphore, #tpu.memory_space<semaphore_mem>>)
      %dma_wait3A = tpu.memref_slice %arg24[%run_scoped3A_433, %add3A_432] : memref<16x30720xf32, #tpu.memory_space<vmem_shared>> -> memref<1x640xf32, #tpu.memory_space<vmem_shared>>
      %dma_wait3A_567 = tpu.memref_squeeze %dma_wait3A : memref<1x640xf32, #tpu.memory_space<vmem_shared>> -> memref<640xf32, #tpu.memory_space<vmem_shared>>
      %dma_wait3A_568 = tpu.memref_slice %arg24[%run_scoped3A_433, %add3A_432] : memref<16x30720xf32, #tpu.memory_space<vmem_shared>> -> memref<1x640xf32, #tpu.memory_space<vmem_shared>>
      %dma_wait3A_569 = tpu.memref_squeeze %dma_wait3A_568 : memref<1x640xf32, #tpu.memory_space<vmem_shared>> -> memref<640xf32, #tpu.memory_space<vmem_shared>>
      tpu.wait_dma2 semaphore(%run_scoped3A_563 : memref<!tpu.dma_semaphore, #tpu.memory_space<semaphore_mem>>) src(%dma_wait3A_569 : memref<640xf32, #tpu.memory_space<vmem_shared>>) dst(%arg22 : memref<640xf32, #tpu.memory_space<vmem>>)
      tpu.yield
    }) : () -> ()
    %scan3A_434 = arith.constant 0 : i32
    %scan3A_435 = arith.constant 0 : i32
    %scan3A_436 = arith.constant 40 : i32
    %scan3A_437 = arith.addi %scan3A_435, %scan3A_436 : i32
    %scan3A_438 = arith.constant 1 : i32
    %scan3A_439 = scf.for %scan3A_563 = %scan3A_435 to %scan3A_437 step %scan3A_438 iter_args(%scan3A_564 = %scan3A_434) -> (i32)  : i32 {
      %mul3A_565 = arith.constant 16 : i32
      %mul3A_566 = arith.muli %scan3A_563, %mul3A_565 : i32
      %get3A = arith.index_cast %mul3A_566 : i32 to index
      %get3A_567 = tpu.vector_load %arg23[%get3A] {strides = array<i32>} : memref<640xf32, #tpu.memory_space<vmem>>, vector<16xf32>,
      %get3A_568 = arith.index_cast %mul3A_566 : i32 to index
      %get3A_569 = tpu.vector_load %arg22[%get3A_568] {strides = array<i32>} : memref<640xf32, #tpu.memory_space<vmem>>, vector<16xf32>,
      %add3A_570 = arith.addf %get3A_567, %get3A_569 : vector<16xf32>
      %swap3A = arith.index_cast %mul3A_566 : i32 to index
      %swap3A_571 = tpu.vector_load %arg23[%swap3A] {strides = array<i32>} : memref<640xf32, #tpu.memory_space<vmem>>, vector<16xf32>,
      tpu.vector_store %arg23[%swap3A], %add3A_570 {strides = array<i32>} : memref<640xf32, #tpu.memory_space<vmem>>, vector<16xf32>,
      %scan3A_572 = arith.constant 0 : i32
      scf.yield %scan3A_572 : i32
    }
    %scan3A_440 = arith.constant 40 : i32
    %add3A_441 = arith.constant 20480 : i32
    %add3A_442 = arith.addi %add3A_441, %mul3A_56 : i32
    %run_scoped3A_443 = arith.constant 4 : i32
    "tpu.region"() ({
      %run_scoped3A_563 = tpu.sem_alloc : memref<!tpu.dma_semaphore, #tpu.memory_space<semaphore_mem>>
      %dma_start3A = tpu.memref_slice %arg24[%run_scoped3A_443, %add3A_442] : memref<16x30720xf32, #tpu.memory_space<vmem_shared>> -> memref<1x640xf32, #tpu.memory_space<vmem_shared>>
      %dma_start3A_564 = tpu.memref_squeeze %dma_start3A : memref<1x640xf32, #tpu.memory_space<vmem_shared>> -> memref<640xf32, #tpu.memory_space<vmem_shared>>
      %dma_start3A_565 = tpu.memref_slice %arg24[%run_scoped3A_443, %add3A_442] : memref<16x30720xf32, #tpu.memory_space<vmem_shared>> -> memref<1x640xf32, #tpu.memory_space<vmem_shared>>
      %dma_start3A_566 = tpu.memref_squeeze %dma_start3A_565 : memref<1x640xf32, #tpu.memory_space<vmem_shared>> -> memref<640xf32, #tpu.memory_space<vmem_shared>>
      tpu.enqueue_dma source(%dma_start3A_566 : memref<640xf32, #tpu.memory_space<vmem_shared>>) target(%arg22 : memref<640xf32, #tpu.memory_space<vmem>>) target_semaphore(%run_scoped3A_563 : memref<!tpu.dma_semaphore, #tpu.memory_space<semaphore_mem>>)
      %dma_wait3A = tpu.memref_slice %arg24[%run_scoped3A_443, %add3A_442] : memref<16x30720xf32, #tpu.memory_space<vmem_shared>> -> memref<1x640xf32, #tpu.memory_space<vmem_shared>>
      %dma_wait3A_567 = tpu.memref_squeeze %dma_wait3A : memref<1x640xf32, #tpu.memory_space<vmem_shared>> -> memref<640xf32, #tpu.memory_space<vmem_shared>>
      %dma_wait3A_568 = tpu.memref_slice %arg24[%run_scoped3A_443, %add3A_442] : memref<16x30720xf32, #tpu.memory_space<vmem_shared>> -> memref<1x640xf32, #tpu.memory_space<vmem_shared>>
      %dma_wait3A_569 = tpu.memref_squeeze %dma_wait3A_568 : memref<1x640xf32, #tpu.memory_space<vmem_shared>> -> memref<640xf32, #tpu.memory_space<vmem_shared>>
      tpu.wait_dma2 semaphore(%run_scoped3A_563 : memref<!tpu.dma_semaphore, #tpu.memory_space<semaphore_mem>>) src(%dma_wait3A_569 : memref<640xf32, #tpu.memory_space<vmem_shared>>) dst(%arg22 : memref<640xf32, #tpu.memory_space<vmem>>)
      tpu.yield
    }) : () -> ()
    %scan3A_444 = arith.constant 0 : i32
    %scan3A_445 = arith.constant 0 : i32
    %scan3A_446 = arith.constant 40 : i32
    %scan3A_447 = arith.addi %scan3A_445, %scan3A_446 : i32
    %scan3A_448 = arith.constant 1 : i32
    %scan3A_449 = scf.for %scan3A_563 = %scan3A_445 to %scan3A_447 step %scan3A_448 iter_args(%scan3A_564 = %scan3A_444) -> (i32)  : i32 {
      %mul3A_565 = arith.constant 16 : i32
      %mul3A_566 = arith.muli %scan3A_563, %mul3A_565 : i32
      %get3A = arith.index_cast %mul3A_566 : i32 to index
      %get3A_567 = tpu.vector_load %arg23[%get3A] {strides = array<i32>} : memref<640xf32, #tpu.memory_space<vmem>>, vector<16xf32>,
      %get3A_568 = arith.index_cast %mul3A_566 : i32 to index
      %get3A_569 = tpu.vector_load %arg22[%get3A_568] {strides = array<i32>} : memref<640xf32, #tpu.memory_space<vmem>>, vector<16xf32>,
      %add3A_570 = arith.addf %get3A_567, %get3A_569 : vector<16xf32>
      %swap3A = arith.index_cast %mul3A_566 : i32 to index
      %swap3A_571 = tpu.vector_load %arg23[%swap3A] {strides = array<i32>} : memref<640xf32, #tpu.memory_space<vmem>>, vector<16xf32>,
      tpu.vector_store %arg23[%swap3A], %add3A_570 {strides = array<i32>} : memref<640xf32, #tpu.memory_space<vmem>>, vector<16xf32>,
      %scan3A_572 = arith.constant 0 : i32
      scf.yield %scan3A_572 : i32
    }
    %scan3A_450 = arith.constant 40 : i32
    %add3A_451 = arith.constant 20480 : i32
    %add3A_452 = arith.addi %add3A_451, %mul3A_56 : i32
    %run_scoped3A_453 = arith.constant 5 : i32
    "tpu.region"() ({
      %run_scoped3A_563 = tpu.sem_alloc : memref<!tpu.dma_semaphore, #tpu.memory_space<semaphore_mem>>
      %dma_start3A = tpu.memref_slice %arg24[%run_scoped3A_453, %add3A_452] : memref<16x30720xf32, #tpu.memory_space<vmem_shared>> -> memref<1x640xf32, #tpu.memory_space<vmem_shared>>
      %dma_start3A_564 = tpu.memref_squeeze %dma_start3A : memref<1x640xf32, #tpu.memory_space<vmem_shared>> -> memref<640xf32, #tpu.memory_space<vmem_shared>>
      %dma_start3A_565 = tpu.memref_slice %arg24[%run_scoped3A_453, %add3A_452] : memref<16x30720xf32, #tpu.memory_space<vmem_shared>> -> memref<1x640xf32, #tpu.memory_space<vmem_shared>>
      %dma_start3A_566 = tpu.memref_squeeze %dma_start3A_565 : memref<1x640xf32, #tpu.memory_space<vmem_shared>> -> memref<640xf32, #tpu.memory_space<vmem_shared>>
      tpu.enqueue_dma source(%dma_start3A_566 : memref<640xf32, #tpu.memory_space<vmem_shared>>) target(%arg22 : memref<640xf32, #tpu.memory_space<vmem>>) target_semaphore(%run_scoped3A_563 : memref<!tpu.dma_semaphore, #tpu.memory_space<semaphore_mem>>)
      %dma_wait3A = tpu.memref_slice %arg24[%run_scoped3A_453, %add3A_452] : memref<16x30720xf32, #tpu.memory_space<vmem_shared>> -> memref<1x640xf32, #tpu.memory_space<vmem_shared>>
      %dma_wait3A_567 = tpu.memref_squeeze %dma_wait3A : memref<1x640xf32, #tpu.memory_space<vmem_shared>> -> memref<640xf32, #tpu.memory_space<vmem_shared>>
      %dma_wait3A_568 = tpu.memref_slice %arg24[%run_scoped3A_453, %add3A_452] : memref<16x30720xf32, #tpu.memory_space<vmem_shared>> -> memref<1x640xf32, #tpu.memory_space<vmem_shared>>
      %dma_wait3A_569 = tpu.memref_squeeze %dma_wait3A_568 : memref<1x640xf32, #tpu.memory_space<vmem_shared>> -> memref<640xf32, #tpu.memory_space<vmem_shared>>
      tpu.wait_dma2 semaphore(%run_scoped3A_563 : memref<!tpu.dma_semaphore, #tpu.memory_space<semaphore_mem>>) src(%dma_wait3A_569 : memref<640xf32, #tpu.memory_space<vmem_shared>>) dst(%arg22 : memref<640xf32, #tpu.memory_space<vmem>>)
      tpu.yield
    }) : () -> ()
    %scan3A_454 = arith.constant 0 : i32
    %scan3A_455 = arith.constant 0 : i32
    %scan3A_456 = arith.constant 40 : i32
    %scan3A_457 = arith.addi %scan3A_455, %scan3A_456 : i32
    %scan3A_458 = arith.constant 1 : i32
    %scan3A_459 = scf.for %scan3A_563 = %scan3A_455 to %scan3A_457 step %scan3A_458 iter_args(%scan3A_564 = %scan3A_454) -> (i32)  : i32 {
      %mul3A_565 = arith.constant 16 : i32
      %mul3A_566 = arith.muli %scan3A_563, %mul3A_565 : i32
      %get3A = arith.index_cast %mul3A_566 : i32 to index
      %get3A_567 = tpu.vector_load %arg23[%get3A] {strides = array<i32>} : memref<640xf32, #tpu.memory_space<vmem>>, vector<16xf32>,
      %get3A_568 = arith.index_cast %mul3A_566 : i32 to index
      %get3A_569 = tpu.vector_load %arg22[%get3A_568] {strides = array<i32>} : memref<640xf32, #tpu.memory_space<vmem>>, vector<16xf32>,
      %add3A_570 = arith.addf %get3A_567, %get3A_569 : vector<16xf32>
      %swap3A = arith.index_cast %mul3A_566 : i32 to index
      %swap3A_571 = tpu.vector_load %arg23[%swap3A] {strides = array<i32>} : memref<640xf32, #tpu.memory_space<vmem>>, vector<16xf32>,
      tpu.vector_store %arg23[%swap3A], %add3A_570 {strides = array<i32>} : memref<640xf32, #tpu.memory_space<vmem>>, vector<16xf32>,
      %scan3A_572 = arith.constant 0 : i32
      scf.yield %scan3A_572 : i32
    }
    %scan3A_460 = arith.constant 40 : i32
    %add3A_461 = arith.constant 20480 : i32
    %add3A_462 = arith.addi %add3A_461, %mul3A_56 : i32
    %run_scoped3A_463 = arith.constant 6 : i32
    "tpu.region"() ({
      %run_scoped3A_563 = tpu.sem_alloc : memref<!tpu.dma_semaphore, #tpu.memory_space<semaphore_mem>>
      %dma_start3A = tpu.memref_slice %arg24[%run_scoped3A_463, %add3A_462] : memref<16x30720xf32, #tpu.memory_space<vmem_shared>> -> memref<1x640xf32, #tpu.memory_space<vmem_shared>>
      %dma_start3A_564 = tpu.memref_squeeze %dma_start3A : memref<1x640xf32, #tpu.memory_space<vmem_shared>> -> memref<640xf32, #tpu.memory_space<vmem_shared>>
      %dma_start3A_565 = tpu.memref_slice %arg24[%run_scoped3A_463, %add3A_462] : memref<16x30720xf32, #tpu.memory_space<vmem_shared>> -> memref<1x640xf32, #tpu.memory_space<vmem_shared>>
      %dma_start3A_566 = tpu.memref_squeeze %dma_start3A_565 : memref<1x640xf32, #tpu.memory_space<vmem_shared>> -> memref<640xf32, #tpu.memory_space<vmem_shared>>
      tpu.enqueue_dma source(%dma_start3A_566 : memref<640xf32, #tpu.memory_space<vmem_shared>>) target(%arg22 : memref<640xf32, #tpu.memory_space<vmem>>) target_semaphore(%run_scoped3A_563 : memref<!tpu.dma_semaphore, #tpu.memory_space<semaphore_mem>>)
      %dma_wait3A = tpu.memref_slice %arg24[%run_scoped3A_463, %add3A_462] : memref<16x30720xf32, #tpu.memory_space<vmem_shared>> -> memref<1x640xf32, #tpu.memory_space<vmem_shared>>
      %dma_wait3A_567 = tpu.memref_squeeze %dma_wait3A : memref<1x640xf32, #tpu.memory_space<vmem_shared>> -> memref<640xf32, #tpu.memory_space<vmem_shared>>
      %dma_wait3A_568 = tpu.memref_slice %arg24[%run_scoped3A_463, %add3A_462] : memref<16x30720xf32, #tpu.memory_space<vmem_shared>> -> memref<1x640xf32, #tpu.memory_space<vmem_shared>>
      %dma_wait3A_569 = tpu.memref_squeeze %dma_wait3A_568 : memref<1x640xf32, #tpu.memory_space<vmem_shared>> -> memref<640xf32, #tpu.memory_space<vmem_shared>>
      tpu.wait_dma2 semaphore(%run_scoped3A_563 : memref<!tpu.dma_semaphore, #tpu.memory_space<semaphore_mem>>) src(%dma_wait3A_569 : memref<640xf32, #tpu.memory_space<vmem_shared>>) dst(%arg22 : memref<640xf32, #tpu.memory_space<vmem>>)
      tpu.yield
    }) : () -> ()
    %scan3A_464 = arith.constant 0 : i32
    %scan3A_465 = arith.constant 0 : i32
    %scan3A_466 = arith.constant 40 : i32
    %scan3A_467 = arith.addi %scan3A_465, %scan3A_466 : i32
    %scan3A_468 = arith.constant 1 : i32
    %scan3A_469 = scf.for %scan3A_563 = %scan3A_465 to %scan3A_467 step %scan3A_468 iter_args(%scan3A_564 = %scan3A_464) -> (i32)  : i32 {
      %mul3A_565 = arith.constant 16 : i32
      %mul3A_566 = arith.muli %scan3A_563, %mul3A_565 : i32
      %get3A = arith.index_cast %mul3A_566 : i32 to index
      %get3A_567 = tpu.vector_load %arg23[%get3A] {strides = array<i32>} : memref<640xf32, #tpu.memory_space<vmem>>, vector<16xf32>,
      %get3A_568 = arith.index_cast %mul3A_566 : i32 to index
      %get3A_569 = tpu.vector_load %arg22[%get3A_568] {strides = array<i32>} : memref<640xf32, #tpu.memory_space<vmem>>, vector<16xf32>,
      %add3A_570 = arith.addf %get3A_567, %get3A_569 : vector<16xf32>
      %swap3A = arith.index_cast %mul3A_566 : i32 to index
      %swap3A_571 = tpu.vector_load %arg23[%swap3A] {strides = array<i32>} : memref<640xf32, #tpu.memory_space<vmem>>, vector<16xf32>,
      tpu.vector_store %arg23[%swap3A], %add3A_570 {strides = array<i32>} : memref<640xf32, #tpu.memory_space<vmem>>, vector<16xf32>,
      %scan3A_572 = arith.constant 0 : i32
      scf.yield %scan3A_572 : i32
    }
    %scan3A_470 = arith.constant 40 : i32
    %add3A_471 = arith.constant 20480 : i32
    %add3A_472 = arith.addi %add3A_471, %mul3A_56 : i32
    %run_scoped3A_473 = arith.constant 7 : i32
    "tpu.region"() ({
      %run_scoped3A_563 = tpu.sem_alloc : memref<!tpu.dma_semaphore, #tpu.memory_space<semaphore_mem>>
      %dma_start3A = tpu.memref_slice %arg24[%run_scoped3A_473, %add3A_472] : memref<16x30720xf32, #tpu.memory_space<vmem_shared>> -> memref<1x640xf32, #tpu.memory_space<vmem_shared>>
      %dma_start3A_564 = tpu.memref_squeeze %dma_start3A : memref<1x640xf32, #tpu.memory_space<vmem_shared>> -> memref<640xf32, #tpu.memory_space<vmem_shared>>
      %dma_start3A_565 = tpu.memref_slice %arg24[%run_scoped3A_473, %add3A_472] : memref<16x30720xf32, #tpu.memory_space<vmem_shared>> -> memref<1x640xf32, #tpu.memory_space<vmem_shared>>
      %dma_start3A_566 = tpu.memref_squeeze %dma_start3A_565 : memref<1x640xf32, #tpu.memory_space<vmem_shared>> -> memref<640xf32, #tpu.memory_space<vmem_shared>>
      tpu.enqueue_dma source(%dma_start3A_566 : memref<640xf32, #tpu.memory_space<vmem_shared>>) target(%arg22 : memref<640xf32, #tpu.memory_space<vmem>>) target_semaphore(%run_scoped3A_563 : memref<!tpu.dma_semaphore, #tpu.memory_space<semaphore_mem>>)
      %dma_wait3A = tpu.memref_slice %arg24[%run_scoped3A_473, %add3A_472] : memref<16x30720xf32, #tpu.memory_space<vmem_shared>> -> memref<1x640xf32, #tpu.memory_space<vmem_shared>>
      %dma_wait3A_567 = tpu.memref_squeeze %dma_wait3A : memref<1x640xf32, #tpu.memory_space<vmem_shared>> -> memref<640xf32, #tpu.memory_space<vmem_shared>>
      %dma_wait3A_568 = tpu.memref_slice %arg24[%run_scoped3A_473, %add3A_472] : memref<16x30720xf32, #tpu.memory_space<vmem_shared>> -> memref<1x640xf32, #tpu.memory_space<vmem_shared>>
      %dma_wait3A_569 = tpu.memref_squeeze %dma_wait3A_568 : memref<1x640xf32, #tpu.memory_space<vmem_shared>> -> memref<640xf32, #tpu.memory_space<vmem_shared>>
      tpu.wait_dma2 semaphore(%run_scoped3A_563 : memref<!tpu.dma_semaphore, #tpu.memory_space<semaphore_mem>>) src(%dma_wait3A_569 : memref<640xf32, #tpu.memory_space<vmem_shared>>) dst(%arg22 : memref<640xf32, #tpu.memory_space<vmem>>)
      tpu.yield
    }) : () -> ()
    %scan3A_474 = arith.constant 0 : i32
    %scan3A_475 = arith.constant 0 : i32
    %scan3A_476 = arith.constant 40 : i32
    %scan3A_477 = arith.addi %scan3A_475, %scan3A_476 : i32
    %scan3A_478 = arith.constant 1 : i32
    %scan3A_479 = scf.for %scan3A_563 = %scan3A_475 to %scan3A_477 step %scan3A_478 iter_args(%scan3A_564 = %scan3A_474) -> (i32)  : i32 {
      %mul3A_565 = arith.constant 16 : i32
      %mul3A_566 = arith.muli %scan3A_563, %mul3A_565 : i32
      %get3A = arith.index_cast %mul3A_566 : i32 to index
      %get3A_567 = tpu.vector_load %arg23[%get3A] {strides = array<i32>} : memref<640xf32, #tpu.memory_space<vmem>>, vector<16xf32>,
      %get3A_568 = arith.index_cast %mul3A_566 : i32 to index
      %get3A_569 = tpu.vector_load %arg22[%get3A_568] {strides = array<i32>} : memref<640xf32, #tpu.memory_space<vmem>>, vector<16xf32>,
      %add3A_570 = arith.addf %get3A_567, %get3A_569 : vector<16xf32>
      %swap3A = arith.index_cast %mul3A_566 : i32 to index
      %swap3A_571 = tpu.vector_load %arg23[%swap3A] {strides = array<i32>} : memref<640xf32, #tpu.memory_space<vmem>>, vector<16xf32>,
      tpu.vector_store %arg23[%swap3A], %add3A_570 {strides = array<i32>} : memref<640xf32, #tpu.memory_space<vmem>>, vector<16xf32>,
      %scan3A_572 = arith.constant 0 : i32
      scf.yield %scan3A_572 : i32
    }
    %scan3A_480 = arith.constant 40 : i32
    %add3A_481 = arith.constant 20480 : i32
    %add3A_482 = arith.addi %add3A_481, %mul3A_56 : i32
    %run_scoped3A_483 = arith.constant 8 : i32
    "tpu.region"() ({
      %run_scoped3A_563 = tpu.sem_alloc : memref<!tpu.dma_semaphore, #tpu.memory_space<semaphore_mem>>
      %dma_start3A = tpu.memref_slice %arg24[%run_scoped3A_483, %add3A_482] : memref<16x30720xf32, #tpu.memory_space<vmem_shared>> -> memref<1x640xf32, #tpu.memory_space<vmem_shared>>
      %dma_start3A_564 = tpu.memref_squeeze %dma_start3A : memref<1x640xf32, #tpu.memory_space<vmem_shared>> -> memref<640xf32, #tpu.memory_space<vmem_shared>>
      %dma_start3A_565 = tpu.memref_slice %arg24[%run_scoped3A_483, %add3A_482] : memref<16x30720xf32, #tpu.memory_space<vmem_shared>> -> memref<1x640xf32, #tpu.memory_space<vmem_shared>>
      %dma_start3A_566 = tpu.memref_squeeze %dma_start3A_565 : memref<1x640xf32, #tpu.memory_space<vmem_shared>> -> memref<640xf32, #tpu.memory_space<vmem_shared>>
      tpu.enqueue_dma source(%dma_start3A_566 : memref<640xf32, #tpu.memory_space<vmem_shared>>) target(%arg22 : memref<640xf32, #tpu.memory_space<vmem>>) target_semaphore(%run_scoped3A_563 : memref<!tpu.dma_semaphore, #tpu.memory_space<semaphore_mem>>)
      %dma_wait3A = tpu.memref_slice %arg24[%run_scoped3A_483, %add3A_482] : memref<16x30720xf32, #tpu.memory_space<vmem_shared>> -> memref<1x640xf32, #tpu.memory_space<vmem_shared>>
      %dma_wait3A_567 = tpu.memref_squeeze %dma_wait3A : memref<1x640xf32, #tpu.memory_space<vmem_shared>> -> memref<640xf32, #tpu.memory_space<vmem_shared>>
      %dma_wait3A_568 = tpu.memref_slice %arg24[%run_scoped3A_483, %add3A_482] : memref<16x30720xf32, #tpu.memory_space<vmem_shared>> -> memref<1x640xf32, #tpu.memory_space<vmem_shared>>
      %dma_wait3A_569 = tpu.memref_squeeze %dma_wait3A_568 : memref<1x640xf32, #tpu.memory_space<vmem_shared>> -> memref<640xf32, #tpu.memory_space<vmem_shared>>
      tpu.wait_dma2 semaphore(%run_scoped3A_563 : memref<!tpu.dma_semaphore, #tpu.memory_space<semaphore_mem>>) src(%dma_wait3A_569 : memref<640xf32, #tpu.memory_space<vmem_shared>>) dst(%arg22 : memref<640xf32, #tpu.memory_space<vmem>>)
      tpu.yield
    }) : () -> ()
    %scan3A_484 = arith.constant 0 : i32
    %scan3A_485 = arith.constant 0 : i32
    %scan3A_486 = arith.constant 40 : i32
    %scan3A_487 = arith.addi %scan3A_485, %scan3A_486 : i32
    %scan3A_488 = arith.constant 1 : i32
    %scan3A_489 = scf.for %scan3A_563 = %scan3A_485 to %scan3A_487 step %scan3A_488 iter_args(%scan3A_564 = %scan3A_484) -> (i32)  : i32 {
      %mul3A_565 = arith.constant 16 : i32
      %mul3A_566 = arith.muli %scan3A_563, %mul3A_565 : i32
      %get3A = arith.index_cast %mul3A_566 : i32 to index
      %get3A_567 = tpu.vector_load %arg23[%get3A] {strides = array<i32>} : memref<640xf32, #tpu.memory_space<vmem>>, vector<16xf32>,
      %get3A_568 = arith.index_cast %mul3A_566 : i32 to index
      %get3A_569 = tpu.vector_load %arg22[%get3A_568] {strides = array<i32>} : memref<640xf32, #tpu.memory_space<vmem>>, vector<16xf32>,
      %add3A_570 = arith.addf %get3A_567, %get3A_569 : vector<16xf32>
      %swap3A = arith.index_cast %mul3A_566 : i32 to index
      %swap3A_571 = tpu.vector_load %arg23[%swap3A] {strides = array<i32>} : memref<640xf32, #tpu.memory_space<vmem>>, vector<16xf32>,
      tpu.vector_store %arg23[%swap3A], %add3A_570 {strides = array<i32>} : memref<640xf32, #tpu.memory_space<vmem>>, vector<16xf32>,
      %scan3A_572 = arith.constant 0 : i32
      scf.yield %scan3A_572 : i32
    }
    %scan3A_490 = arith.constant 40 : i32
    %add3A_491 = arith.constant 20480 : i32
    %add3A_492 = arith.addi %add3A_491, %mul3A_56 : i32
    %run_scoped3A_493 = arith.constant 9 : i32
    "tpu.region"() ({
      %run_scoped3A_563 = tpu.sem_alloc : memref<!tpu.dma_semaphore, #tpu.memory_space<semaphore_mem>>
      %dma_start3A = tpu.memref_slice %arg24[%run_scoped3A_493, %add3A_492] : memref<16x30720xf32, #tpu.memory_space<vmem_shared>> -> memref<1x640xf32, #tpu.memory_space<vmem_shared>>
      %dma_start3A_564 = tpu.memref_squeeze %dma_start3A : memref<1x640xf32, #tpu.memory_space<vmem_shared>> -> memref<640xf32, #tpu.memory_space<vmem_shared>>
      %dma_start3A_565 = tpu.memref_slice %arg24[%run_scoped3A_493, %add3A_492] : memref<16x30720xf32, #tpu.memory_space<vmem_shared>> -> memref<1x640xf32, #tpu.memory_space<vmem_shared>>
      %dma_start3A_566 = tpu.memref_squeeze %dma_start3A_565 : memref<1x640xf32, #tpu.memory_space<vmem_shared>> -> memref<640xf32, #tpu.memory_space<vmem_shared>>
      tpu.enqueue_dma source(%dma_start3A_566 : memref<640xf32, #tpu.memory_space<vmem_shared>>) target(%arg22 : memref<640xf32, #tpu.memory_space<vmem>>) target_semaphore(%run_scoped3A_563 : memref<!tpu.dma_semaphore, #tpu.memory_space<semaphore_mem>>)
      %dma_wait3A = tpu.memref_slice %arg24[%run_scoped3A_493, %add3A_492] : memref<16x30720xf32, #tpu.memory_space<vmem_shared>> -> memref<1x640xf32, #tpu.memory_space<vmem_shared>>
      %dma_wait3A_567 = tpu.memref_squeeze %dma_wait3A : memref<1x640xf32, #tpu.memory_space<vmem_shared>> -> memref<640xf32, #tpu.memory_space<vmem_shared>>
      %dma_wait3A_568 = tpu.memref_slice %arg24[%run_scoped3A_493, %add3A_492] : memref<16x30720xf32, #tpu.memory_space<vmem_shared>> -> memref<1x640xf32, #tpu.memory_space<vmem_shared>>
      %dma_wait3A_569 = tpu.memref_squeeze %dma_wait3A_568 : memref<1x640xf32, #tpu.memory_space<vmem_shared>> -> memref<640xf32, #tpu.memory_space<vmem_shared>>
      tpu.wait_dma2 semaphore(%run_scoped3A_563 : memref<!tpu.dma_semaphore, #tpu.memory_space<semaphore_mem>>) src(%dma_wait3A_569 : memref<640xf32, #tpu.memory_space<vmem_shared>>) dst(%arg22 : memref<640xf32, #tpu.memory_space<vmem>>)
      tpu.yield
    }) : () -> ()
    %scan3A_494 = arith.constant 0 : i32
    %scan3A_495 = arith.constant 0 : i32
    %scan3A_496 = arith.constant 40 : i32
    %scan3A_497 = arith.addi %scan3A_495, %scan3A_496 : i32
    %scan3A_498 = arith.constant 1 : i32
    %scan3A_499 = scf.for %scan3A_563 = %scan3A_495 to %scan3A_497 step %scan3A_498 iter_args(%scan3A_564 = %scan3A_494) -> (i32)  : i32 {
      %mul3A_565 = arith.constant 16 : i32
      %mul3A_566 = arith.muli %scan3A_563, %mul3A_565 : i32
      %get3A = arith.index_cast %mul3A_566 : i32 to index
      %get3A_567 = tpu.vector_load %arg23[%get3A] {strides = array<i32>} : memref<640xf32, #tpu.memory_space<vmem>>, vector<16xf32>,
      %get3A_568 = arith.index_cast %mul3A_566 : i32 to index
      %get3A_569 = tpu.vector_load %arg22[%get3A_568] {strides = array<i32>} : memref<640xf32, #tpu.memory_space<vmem>>, vector<16xf32>,
      %add3A_570 = arith.addf %get3A_567, %get3A_569 : vector<16xf32>
      %swap3A = arith.index_cast %mul3A_566 : i32 to index
      %swap3A_571 = tpu.vector_load %arg23[%swap3A] {strides = array<i32>} : memref<640xf32, #tpu.memory_space<vmem>>, vector<16xf32>,
      tpu.vector_store %arg23[%swap3A], %add3A_570 {strides = array<i32>} : memref<640xf32, #tpu.memory_space<vmem>>, vector<16xf32>,
      %scan3A_572 = arith.constant 0 : i32
      scf.yield %scan3A_572 : i32
    }
    %scan3A_500 = arith.constant 40 : i32
    %add3A_501 = arith.constant 20480 : i32
    %add3A_502 = arith.addi %add3A_501, %mul3A_56 : i32
    %run_scoped3A_503 = arith.constant 10 : i32
    "tpu.region"() ({
      %run_scoped3A_563 = tpu.sem_alloc : memref<!tpu.dma_semaphore, #tpu.memory_space<semaphore_mem>>
      %dma_start3A = tpu.memref_slice %arg24[%run_scoped3A_503, %add3A_502] : memref<16x30720xf32, #tpu.memory_space<vmem_shared>> -> memref<1x640xf32, #tpu.memory_space<vmem_shared>>
      %dma_start3A_564 = tpu.memref_squeeze %dma_start3A : memref<1x640xf32, #tpu.memory_space<vmem_shared>> -> memref<640xf32, #tpu.memory_space<vmem_shared>>
      %dma_start3A_565 = tpu.memref_slice %arg24[%run_scoped3A_503, %add3A_502] : memref<16x30720xf32, #tpu.memory_space<vmem_shared>> -> memref<1x640xf32, #tpu.memory_space<vmem_shared>>
      %dma_start3A_566 = tpu.memref_squeeze %dma_start3A_565 : memref<1x640xf32, #tpu.memory_space<vmem_shared>> -> memref<640xf32, #tpu.memory_space<vmem_shared>>
      tpu.enqueue_dma source(%dma_start3A_566 : memref<640xf32, #tpu.memory_space<vmem_shared>>) target(%arg22 : memref<640xf32, #tpu.memory_space<vmem>>) target_semaphore(%run_scoped3A_563 : memref<!tpu.dma_semaphore, #tpu.memory_space<semaphore_mem>>)
      %dma_wait3A = tpu.memref_slice %arg24[%run_scoped3A_503, %add3A_502] : memref<16x30720xf32, #tpu.memory_space<vmem_shared>> -> memref<1x640xf32, #tpu.memory_space<vmem_shared>>
      %dma_wait3A_567 = tpu.memref_squeeze %dma_wait3A : memref<1x640xf32, #tpu.memory_space<vmem_shared>> -> memref<640xf32, #tpu.memory_space<vmem_shared>>
      %dma_wait3A_568 = tpu.memref_slice %arg24[%run_scoped3A_503, %add3A_502] : memref<16x30720xf32, #tpu.memory_space<vmem_shared>> -> memref<1x640xf32, #tpu.memory_space<vmem_shared>>
      %dma_wait3A_569 = tpu.memref_squeeze %dma_wait3A_568 : memref<1x640xf32, #tpu.memory_space<vmem_shared>> -> memref<640xf32, #tpu.memory_space<vmem_shared>>
      tpu.wait_dma2 semaphore(%run_scoped3A_563 : memref<!tpu.dma_semaphore, #tpu.memory_space<semaphore_mem>>) src(%dma_wait3A_569 : memref<640xf32, #tpu.memory_space<vmem_shared>>) dst(%arg22 : memref<640xf32, #tpu.memory_space<vmem>>)
      tpu.yield
    }) : () -> ()
    %scan3A_504 = arith.constant 0 : i32
    %scan3A_505 = arith.constant 0 : i32
    %scan3A_506 = arith.constant 40 : i32
    %scan3A_507 = arith.addi %scan3A_505, %scan3A_506 : i32
    %scan3A_508 = arith.constant 1 : i32
    %scan3A_509 = scf.for %scan3A_563 = %scan3A_505 to %scan3A_507 step %scan3A_508 iter_args(%scan3A_564 = %scan3A_504) -> (i32)  : i32 {
      %mul3A_565 = arith.constant 16 : i32
      %mul3A_566 = arith.muli %scan3A_563, %mul3A_565 : i32
      %get3A = arith.index_cast %mul3A_566 : i32 to index
      %get3A_567 = tpu.vector_load %arg23[%get3A] {strides = array<i32>} : memref<640xf32, #tpu.memory_space<vmem>>, vector<16xf32>,
      %get3A_568 = arith.index_cast %mul3A_566 : i32 to index
      %get3A_569 = tpu.vector_load %arg22[%get3A_568] {strides = array<i32>} : memref<640xf32, #tpu.memory_space<vmem>>, vector<16xf32>,
      %add3A_570 = arith.addf %get3A_567, %get3A_569 : vector<16xf32>
      %swap3A = arith.index_cast %mul3A_566 : i32 to index
      %swap3A_571 = tpu.vector_load %arg23[%swap3A] {strides = array<i32>} : memref<640xf32, #tpu.memory_space<vmem>>, vector<16xf32>,
      tpu.vector_store %arg23[%swap3A], %add3A_570 {strides = array<i32>} : memref<640xf32, #tpu.memory_space<vmem>>, vector<16xf32>,
      %scan3A_572 = arith.constant 0 : i32
      scf.yield %scan3A_572 : i32
    }
    %scan3A_510 = arith.constant 40 : i32
    %add3A_511 = arith.constant 20480 : i32
    %add3A_512 = arith.addi %add3A_511, %mul3A_56 : i32
    %run_scoped3A_513 = arith.constant 11 : i32
    "tpu.region"() ({
      %run_scoped3A_563 = tpu.sem_alloc : memref<!tpu.dma_semaphore, #tpu.memory_space<semaphore_mem>>
      %dma_start3A = tpu.memref_slice %arg24[%run_scoped3A_513, %add3A_512] : memref<16x30720xf32, #tpu.memory_space<vmem_shared>> -> memref<1x640xf32, #tpu.memory_space<vmem_shared>>
      %dma_start3A_564 = tpu.memref_squeeze %dma_start3A : memref<1x640xf32, #tpu.memory_space<vmem_shared>> -> memref<640xf32, #tpu.memory_space<vmem_shared>>
      %dma_start3A_565 = tpu.memref_slice %arg24[%run_scoped3A_513, %add3A_512] : memref<16x30720xf32, #tpu.memory_space<vmem_shared>> -> memref<1x640xf32, #tpu.memory_space<vmem_shared>>
      %dma_start3A_566 = tpu.memref_squeeze %dma_start3A_565 : memref<1x640xf32, #tpu.memory_space<vmem_shared>> -> memref<640xf32, #tpu.memory_space<vmem_shared>>
      tpu.enqueue_dma source(%dma_start3A_566 : memref<640xf32, #tpu.memory_space<vmem_shared>>) target(%arg22 : memref<640xf32, #tpu.memory_space<vmem>>) target_semaphore(%run_scoped3A_563 : memref<!tpu.dma_semaphore, #tpu.memory_space<semaphore_mem>>)
      %dma_wait3A = tpu.memref_slice %arg24[%run_scoped3A_513, %add3A_512] : memref<16x30720xf32, #tpu.memory_space<vmem_shared>> -> memref<1x640xf32, #tpu.memory_space<vmem_shared>>
      %dma_wait3A_567 = tpu.memref_squeeze %dma_wait3A : memref<1x640xf32, #tpu.memory_space<vmem_shared>> -> memref<640xf32, #tpu.memory_space<vmem_shared>>
      %dma_wait3A_568 = tpu.memref_slice %arg24[%run_scoped3A_513, %add3A_512] : memref<16x30720xf32, #tpu.memory_space<vmem_shared>> -> memref<1x640xf32, #tpu.memory_space<vmem_shared>>
      %dma_wait3A_569 = tpu.memref_squeeze %dma_wait3A_568 : memref<1x640xf32, #tpu.memory_space<vmem_shared>> -> memref<640xf32, #tpu.memory_space<vmem_shared>>
      tpu.wait_dma2 semaphore(%run_scoped3A_563 : memref<!tpu.dma_semaphore, #tpu.memory_space<semaphore_mem>>) src(%dma_wait3A_569 : memref<640xf32, #tpu.memory_space<vmem_shared>>) dst(%arg22 : memref<640xf32, #tpu.memory_space<vmem>>)
      tpu.yield
    }) : () -> ()
    %scan3A_514 = arith.constant 0 : i32
    %scan3A_515 = arith.constant 0 : i32
    %scan3A_516 = arith.constant 40 : i32
    %scan3A_517 = arith.addi %scan3A_515, %scan3A_516 : i32
    %scan3A_518 = arith.constant 1 : i32
    %scan3A_519 = scf.for %scan3A_563 = %scan3A_515 to %scan3A_517 step %scan3A_518 iter_args(%scan3A_564 = %scan3A_514) -> (i32)  : i32 {
      %mul3A_565 = arith.constant 16 : i32
      %mul3A_566 = arith.muli %scan3A_563, %mul3A_565 : i32
      %get3A = arith.index_cast %mul3A_566 : i32 to index
      %get3A_567 = tpu.vector_load %arg23[%get3A] {strides = array<i32>} : memref<640xf32, #tpu.memory_space<vmem>>, vector<16xf32>,
      %get3A_568 = arith.index_cast %mul3A_566 : i32 to index
      %get3A_569 = tpu.vector_load %arg22[%get3A_568] {strides = array<i32>} : memref<640xf32, #tpu.memory_space<vmem>>, vector<16xf32>,
      %add3A_570 = arith.addf %get3A_567, %get3A_569 : vector<16xf32>
      %swap3A = arith.index_cast %mul3A_566 : i32 to index
      %swap3A_571 = tpu.vector_load %arg23[%swap3A] {strides = array<i32>} : memref<640xf32, #tpu.memory_space<vmem>>, vector<16xf32>,
      tpu.vector_store %arg23[%swap3A], %add3A_570 {strides = array<i32>} : memref<640xf32, #tpu.memory_space<vmem>>, vector<16xf32>,
      %scan3A_572 = arith.constant 0 : i32
      scf.yield %scan3A_572 : i32
    }
    %scan3A_520 = arith.constant 40 : i32
    %add3A_521 = arith.constant 20480 : i32
    %add3A_522 = arith.addi %add3A_521, %mul3A_56 : i32
    %run_scoped3A_523 = arith.constant 12 : i32
    "tpu.region"() ({
      %run_scoped3A_563 = tpu.sem_alloc : memref<!tpu.dma_semaphore, #tpu.memory_space<semaphore_mem>>
      %dma_start3A = tpu.memref_slice %arg24[%run_scoped3A_523, %add3A_522] : memref<16x30720xf32, #tpu.memory_space<vmem_shared>> -> memref<1x640xf32, #tpu.memory_space<vmem_shared>>
      %dma_start3A_564 = tpu.memref_squeeze %dma_start3A : memref<1x640xf32, #tpu.memory_space<vmem_shared>> -> memref<640xf32, #tpu.memory_space<vmem_shared>>
      %dma_start3A_565 = tpu.memref_slice %arg24[%run_scoped3A_523, %add3A_522] : memref<16x30720xf32, #tpu.memory_space<vmem_shared>> -> memref<1x640xf32, #tpu.memory_space<vmem_shared>>
      %dma_start3A_566 = tpu.memref_squeeze %dma_start3A_565 : memref<1x640xf32, #tpu.memory_space<vmem_shared>> -> memref<640xf32, #tpu.memory_space<vmem_shared>>
      tpu.enqueue_dma source(%dma_start3A_566 : memref<640xf32, #tpu.memory_space<vmem_shared>>) target(%arg22 : memref<640xf32, #tpu.memory_space<vmem>>) target_semaphore(%run_scoped3A_563 : memref<!tpu.dma_semaphore, #tpu.memory_space<semaphore_mem>>)
      %dma_wait3A = tpu.memref_slice %arg24[%run_scoped3A_523, %add3A_522] : memref<16x30720xf32, #tpu.memory_space<vmem_shared>> -> memref<1x640xf32, #tpu.memory_space<vmem_shared>>
      %dma_wait3A_567 = tpu.memref_squeeze %dma_wait3A : memref<1x640xf32, #tpu.memory_space<vmem_shared>> -> memref<640xf32, #tpu.memory_space<vmem_shared>>
      %dma_wait3A_568 = tpu.memref_slice %arg24[%run_scoped3A_523, %add3A_522] : memref<16x30720xf32, #tpu.memory_space<vmem_shared>> -> memref<1x640xf32, #tpu.memory_space<vmem_shared>>
      %dma_wait3A_569 = tpu.memref_squeeze %dma_wait3A_568 : memref<1x640xf32, #tpu.memory_space<vmem_shared>> -> memref<640xf32, #tpu.memory_space<vmem_shared>>
      tpu.wait_dma2 semaphore(%run_scoped3A_563 : memref<!tpu.dma_semaphore, #tpu.memory_space<semaphore_mem>>) src(%dma_wait3A_569 : memref<640xf32, #tpu.memory_space<vmem_shared>>) dst(%arg22 : memref<640xf32, #tpu.memory_space<vmem>>)
      tpu.yield
    }) : () -> ()
    %scan3A_524 = arith.constant 0 : i32
    %scan3A_525 = arith.constant 0 : i32
    %scan3A_526 = arith.constant 40 : i32
    %scan3A_527 = arith.addi %scan3A_525, %scan3A_526 : i32
    %scan3A_528 = arith.constant 1 : i32
    %scan3A_529 = scf.for %scan3A_563 = %scan3A_525 to %scan3A_527 step %scan3A_528 iter_args(%scan3A_564 = %scan3A_524) -> (i32)  : i32 {
      %mul3A_565 = arith.constant 16 : i32
      %mul3A_566 = arith.muli %scan3A_563, %mul3A_565 : i32
      %get3A = arith.index_cast %mul3A_566 : i32 to index
      %get3A_567 = tpu.vector_load %arg23[%get3A] {strides = array<i32>} : memref<640xf32, #tpu.memory_space<vmem>>, vector<16xf32>,
      %get3A_568 = arith.index_cast %mul3A_566 : i32 to index
      %get3A_569 = tpu.vector_load %arg22[%get3A_568] {strides = array<i32>} : memref<640xf32, #tpu.memory_space<vmem>>, vector<16xf32>,
      %add3A_570 = arith.addf %get3A_567, %get3A_569 : vector<16xf32>
      %swap3A = arith.index_cast %mul3A_566 : i32 to index
      %swap3A_571 = tpu.vector_load %arg23[%swap3A] {strides = array<i32>} : memref<640xf32, #tpu.memory_space<vmem>>, vector<16xf32>,
      tpu.vector_store %arg23[%swap3A], %add3A_570 {strides = array<i32>} : memref<640xf32, #tpu.memory_space<vmem>>, vector<16xf32>,
      %scan3A_572 = arith.constant 0 : i32
      scf.yield %scan3A_572 : i32
    }
    %scan3A_530 = arith.constant 40 : i32
    %add3A_531 = arith.constant 20480 : i32
    %add3A_532 = arith.addi %add3A_531, %mul3A_56 : i32
    %run_scoped3A_533 = arith.constant 13 : i32
    "tpu.region"() ({
      %run_scoped3A_563 = tpu.sem_alloc : memref<!tpu.dma_semaphore, #tpu.memory_space<semaphore_mem>>
      %dma_start3A = tpu.memref_slice %arg24[%run_scoped3A_533, %add3A_532] : memref<16x30720xf32, #tpu.memory_space<vmem_shared>> -> memref<1x640xf32, #tpu.memory_space<vmem_shared>>
      %dma_start3A_564 = tpu.memref_squeeze %dma_start3A : memref<1x640xf32, #tpu.memory_space<vmem_shared>> -> memref<640xf32, #tpu.memory_space<vmem_shared>>
      %dma_start3A_565 = tpu.memref_slice %arg24[%run_scoped3A_533, %add3A_532] : memref<16x30720xf32, #tpu.memory_space<vmem_shared>> -> memref<1x640xf32, #tpu.memory_space<vmem_shared>>
      %dma_start3A_566 = tpu.memref_squeeze %dma_start3A_565 : memref<1x640xf32, #tpu.memory_space<vmem_shared>> -> memref<640xf32, #tpu.memory_space<vmem_shared>>
      tpu.enqueue_dma source(%dma_start3A_566 : memref<640xf32, #tpu.memory_space<vmem_shared>>) target(%arg22 : memref<640xf32, #tpu.memory_space<vmem>>) target_semaphore(%run_scoped3A_563 : memref<!tpu.dma_semaphore, #tpu.memory_space<semaphore_mem>>)
      %dma_wait3A = tpu.memref_slice %arg24[%run_scoped3A_533, %add3A_532] : memref<16x30720xf32, #tpu.memory_space<vmem_shared>> -> memref<1x640xf32, #tpu.memory_space<vmem_shared>>
      %dma_wait3A_567 = tpu.memref_squeeze %dma_wait3A : memref<1x640xf32, #tpu.memory_space<vmem_shared>> -> memref<640xf32, #tpu.memory_space<vmem_shared>>
      %dma_wait3A_568 = tpu.memref_slice %arg24[%run_scoped3A_533, %add3A_532] : memref<16x30720xf32, #tpu.memory_space<vmem_shared>> -> memref<1x640xf32, #tpu.memory_space<vmem_shared>>
      %dma_wait3A_569 = tpu.memref_squeeze %dma_wait3A_568 : memref<1x640xf32, #tpu.memory_space<vmem_shared>> -> memref<640xf32, #tpu.memory_space<vmem_shared>>
      tpu.wait_dma2 semaphore(%run_scoped3A_563 : memref<!tpu.dma_semaphore, #tpu.memory_space<semaphore_mem>>) src(%dma_wait3A_569 : memref<640xf32, #tpu.memory_space<vmem_shared>>) dst(%arg22 : memref<640xf32, #tpu.memory_space<vmem>>)
      tpu.yield
    }) : () -> ()
    %scan3A_534 = arith.constant 0 : i32
    %scan3A_535 = arith.constant 0 : i32
    %scan3A_536 = arith.constant 40 : i32
    %scan3A_537 = arith.addi %scan3A_535, %scan3A_536 : i32
    %scan3A_538 = arith.constant 1 : i32
    %scan3A_539 = scf.for %scan3A_563 = %scan3A_535 to %scan3A_537 step %scan3A_538 iter_args(%scan3A_564 = %scan3A_534) -> (i32)  : i32 {
      %mul3A_565 = arith.constant 16 : i32
      %mul3A_566 = arith.muli %scan3A_563, %mul3A_565 : i32
      %get3A = arith.index_cast %mul3A_566 : i32 to index
      %get3A_567 = tpu.vector_load %arg23[%get3A] {strides = array<i32>} : memref<640xf32, #tpu.memory_space<vmem>>, vector<16xf32>,
      %get3A_568 = arith.index_cast %mul3A_566 : i32 to index
      %get3A_569 = tpu.vector_load %arg22[%get3A_568] {strides = array<i32>} : memref<640xf32, #tpu.memory_space<vmem>>, vector<16xf32>,
      %add3A_570 = arith.addf %get3A_567, %get3A_569 : vector<16xf32>
      %swap3A = arith.index_cast %mul3A_566 : i32 to index
      %swap3A_571 = tpu.vector_load %arg23[%swap3A] {strides = array<i32>} : memref<640xf32, #tpu.memory_space<vmem>>, vector<16xf32>,
      tpu.vector_store %arg23[%swap3A], %add3A_570 {strides = array<i32>} : memref<640xf32, #tpu.memory_space<vmem>>, vector<16xf32>,
      %scan3A_572 = arith.constant 0 : i32
      scf.yield %scan3A_572 : i32
    }
    %scan3A_540 = arith.constant 40 : i32
    %add3A_541 = arith.constant 20480 : i32
    %add3A_542 = arith.addi %add3A_541, %mul3A_56 : i32
    %run_scoped3A_543 = arith.constant 14 : i32
    "tpu.region"() ({
      %run_scoped3A_563 = tpu.sem_alloc : memref<!tpu.dma_semaphore, #tpu.memory_space<semaphore_mem>>
      %dma_start3A = tpu.memref_slice %arg24[%run_scoped3A_543, %add3A_542] : memref<16x30720xf32, #tpu.memory_space<vmem_shared>> -> memref<1x640xf32, #tpu.memory_space<vmem_shared>>
      %dma_start3A_564 = tpu.memref_squeeze %dma_start3A : memref<1x640xf32, #tpu.memory_space<vmem_shared>> -> memref<640xf32, #tpu.memory_space<vmem_shared>>
      %dma_start3A_565 = tpu.memref_slice %arg24[%run_scoped3A_543, %add3A_542] : memref<16x30720xf32, #tpu.memory_space<vmem_shared>> -> memref<1x640xf32, #tpu.memory_space<vmem_shared>>
      %dma_start3A_566 = tpu.memref_squeeze %dma_start3A_565 : memref<1x640xf32, #tpu.memory_space<vmem_shared>> -> memref<640xf32, #tpu.memory_space<vmem_shared>>
      tpu.enqueue_dma source(%dma_start3A_566 : memref<640xf32, #tpu.memory_space<vmem_shared>>) target(%arg22 : memref<640xf32, #tpu.memory_space<vmem>>) target_semaphore(%run_scoped3A_563 : memref<!tpu.dma_semaphore, #tpu.memory_space<semaphore_mem>>)
      %dma_wait3A = tpu.memref_slice %arg24[%run_scoped3A_543, %add3A_542] : memref<16x30720xf32, #tpu.memory_space<vmem_shared>> -> memref<1x640xf32, #tpu.memory_space<vmem_shared>>
      %dma_wait3A_567 = tpu.memref_squeeze %dma_wait3A : memref<1x640xf32, #tpu.memory_space<vmem_shared>> -> memref<640xf32, #tpu.memory_space<vmem_shared>>
      %dma_wait3A_568 = tpu.memref_slice %arg24[%run_scoped3A_543, %add3A_542] : memref<16x30720xf32, #tpu.memory_space<vmem_shared>> -> memref<1x640xf32, #tpu.memory_space<vmem_shared>>
      %dma_wait3A_569 = tpu.memref_squeeze %dma_wait3A_568 : memref<1x640xf32, #tpu.memory_space<vmem_shared>> -> memref<640xf32, #tpu.memory_space<vmem_shared>>
      tpu.wait_dma2 semaphore(%run_scoped3A_563 : memref<!tpu.dma_semaphore, #tpu.memory_space<semaphore_mem>>) src(%dma_wait3A_569 : memref<640xf32, #tpu.memory_space<vmem_shared>>) dst(%arg22 : memref<640xf32, #tpu.memory_space<vmem>>)
      tpu.yield
    }) : () -> ()
    %scan3A_544 = arith.constant 0 : i32
    %scan3A_545 = arith.constant 0 : i32
    %scan3A_546 = arith.constant 40 : i32
    %scan3A_547 = arith.addi %scan3A_545, %scan3A_546 : i32
    %scan3A_548 = arith.constant 1 : i32
    %scan3A_549 = scf.for %scan3A_563 = %scan3A_545 to %scan3A_547 step %scan3A_548 iter_args(%scan3A_564 = %scan3A_544) -> (i32)  : i32 {
      %mul3A_565 = arith.constant 16 : i32
      %mul3A_566 = arith.muli %scan3A_563, %mul3A_565 : i32
      %get3A = arith.index_cast %mul3A_566 : i32 to index
      %get3A_567 = tpu.vector_load %arg23[%get3A] {strides = array<i32>} : memref<640xf32, #tpu.memory_space<vmem>>, vector<16xf32>,
      %get3A_568 = arith.index_cast %mul3A_566 : i32 to index
      %get3A_569 = tpu.vector_load %arg22[%get3A_568] {strides = array<i32>} : memref<640xf32, #tpu.memory_space<vmem>>, vector<16xf32>,
      %add3A_570 = arith.addf %get3A_567, %get3A_569 : vector<16xf32>
      %swap3A = arith.index_cast %mul3A_566 : i32 to index
      %swap3A_571 = tpu.vector_load %arg23[%swap3A] {strides = array<i32>} : memref<640xf32, #tpu.memory_space<vmem>>, vector<16xf32>,
      tpu.vector_store %arg23[%swap3A], %add3A_570 {strides = array<i32>} : memref<640xf32, #tpu.memory_space<vmem>>, vector<16xf32>,
      %scan3A_572 = arith.constant 0 : i32
      scf.yield %scan3A_572 : i32
    }
    %scan3A_550 = arith.constant 40 : i32
    %add3A_551 = arith.constant 20480 : i32
    %add3A_552 = arith.addi %add3A_551, %mul3A_56 : i32
    %run_scoped3A_553 = arith.constant 15 : i32
    "tpu.region"() ({
      %run_scoped3A_563 = tpu.sem_alloc : memref<!tpu.dma_semaphore, #tpu.memory_space<semaphore_mem>>
      %dma_start3A = tpu.memref_slice %arg24[%run_scoped3A_553, %add3A_552] : memref<16x30720xf32, #tpu.memory_space<vmem_shared>> -> memref<1x640xf32, #tpu.memory_space<vmem_shared>>
      %dma_start3A_564 = tpu.memref_squeeze %dma_start3A : memref<1x640xf32, #tpu.memory_space<vmem_shared>> -> memref<640xf32, #tpu.memory_space<vmem_shared>>
      %dma_start3A_565 = tpu.memref_slice %arg24[%run_scoped3A_553, %add3A_552] : memref<16x30720xf32, #tpu.memory_space<vmem_shared>> -> memref<1x640xf32, #tpu.memory_space<vmem_shared>>
      %dma_start3A_566 = tpu.memref_squeeze %dma_start3A_565 : memref<1x640xf32, #tpu.memory_space<vmem_shared>> -> memref<640xf32, #tpu.memory_space<vmem_shared>>
      tpu.enqueue_dma source(%dma_start3A_566 : memref<640xf32, #tpu.memory_space<vmem_shared>>) target(%arg22 : memref<640xf32, #tpu.memory_space<vmem>>) target_semaphore(%run_scoped3A_563 : memref<!tpu.dma_semaphore, #tpu.memory_space<semaphore_mem>>)
      %dma_wait3A = tpu.memref_slice %arg24[%run_scoped3A_553, %add3A_552] : memref<16x30720xf32, #tpu.memory_space<vmem_shared>> -> memref<1x640xf32, #tpu.memory_space<vmem_shared>>
      %dma_wait3A_567 = tpu.memref_squeeze %dma_wait3A : memref<1x640xf32, #tpu.memory_space<vmem_shared>> -> memref<640xf32, #tpu.memory_space<vmem_shared>>
      %dma_wait3A_568 = tpu.memref_slice %arg24[%run_scoped3A_553, %add3A_552] : memref<16x30720xf32, #tpu.memory_space<vmem_shared>> -> memref<1x640xf32, #tpu.memory_space<vmem_shared>>
      %dma_wait3A_569 = tpu.memref_squeeze %dma_wait3A_568 : memref<1x640xf32, #tpu.memory_space<vmem_shared>> -> memref<640xf32, #tpu.memory_space<vmem_shared>>
      tpu.wait_dma2 semaphore(%run_scoped3A_563 : memref<!tpu.dma_semaphore, #tpu.memory_space<semaphore_mem>>) src(%dma_wait3A_569 : memref<640xf32, #tpu.memory_space<vmem_shared>>) dst(%arg22 : memref<640xf32, #tpu.memory_space<vmem>>)
      tpu.yield
    }) : () -> ()
    %scan3A_554 = arith.constant 0 : i32
    %scan3A_555 = arith.constant 0 : i32
    %scan3A_556 = arith.constant 40 : i32
    %scan3A_557 = arith.addi %scan3A_555, %scan3A_556 : i32
    %scan3A_558 = arith.constant 1 : i32
    %scan3A_559 = scf.for %scan3A_563 = %scan3A_555 to %scan3A_557 step %scan3A_558 iter_args(%scan3A_564 = %scan3A_554) -> (i32)  : i32 {
      %mul3A_565 = arith.constant 16 : i32
      %mul3A_566 = arith.muli %scan3A_563, %mul3A_565 : i32
      %get3A = arith.index_cast %mul3A_566 : i32 to index
      %get3A_567 = tpu.vector_load %arg23[%get3A] {strides = array<i32>} : memref<640xf32, #tpu.memory_space<vmem>>, vector<16xf32>,
      %get3A_568 = arith.index_cast %mul3A_566 : i32 to index
      %get3A_569 = tpu.vector_load %arg22[%get3A_568] {strides = array<i32>} : memref<640xf32, #tpu.memory_space<vmem>>, vector<16xf32>,
      %add3A_570 = arith.addf %get3A_567, %get3A_569 : vector<16xf32>
      %swap3A = arith.index_cast %mul3A_566 : i32 to index
      %swap3A_571 = tpu.vector_load %arg23[%swap3A] {strides = array<i32>} : memref<640xf32, #tpu.memory_space<vmem>>, vector<16xf32>,
      tpu.vector_store %arg23[%swap3A], %add3A_570 {strides = array<i32>} : memref<640xf32, #tpu.memory_space<vmem>>, vector<16xf32>,
      %scan3A_572 = arith.constant 0 : i32
      scf.yield %scan3A_572 : i32
    }
    %scan3A_560 = arith.constant 40 : i32
    %add3A_561 = arith.constant 20480 : i32
    %add3A_562 = arith.addi %add3A_561, %mul3A_56 : i32
    "tpu.region"() ({
      %run_scoped3A_563 = tpu.sem_alloc : memref<!tpu.dma_semaphore, #tpu.memory_space<semaphore_mem>>
      %dma_start3A = tpu.memref_slice %arg10[%arg0, %add3A_562] : memref<2x30720xf32, #tpu.memory_space<hbm>> -> memref<1x640xf32, #tpu.memory_space<hbm>>
      %dma_start3A_564 = tpu.memref_squeeze %dma_start3A : memref<1x640xf32, #tpu.memory_space<hbm>> -> memref<640xf32, #tpu.memory_space<hbm>>
      %dma_start3A_565 = tpu.memref_slice %arg10[%arg0, %add3A_562] : memref<2x30720xf32, #tpu.memory_space<hbm>> -> memref<1x640xf32, #tpu.memory_space<hbm>>
      %dma_start3A_566 = tpu.memref_squeeze %dma_start3A_565 : memref<1x640xf32, #tpu.memory_space<hbm>> -> memref<640xf32, #tpu.memory_space<hbm>>
      tpu.enqueue_dma source(%arg23 : memref<640xf32, #tpu.memory_space<vmem>>) target(%dma_start3A_566 : memref<640xf32, #tpu.memory_space<hbm>>) target_semaphore(%run_scoped3A_563 : memref<!tpu.dma_semaphore, #tpu.memory_space<semaphore_mem>>)
      %dma_wait3A = tpu.memref_slice %arg10[%arg0, %add3A_562] : memref<2x30720xf32, #tpu.memory_space<hbm>> -> memref<1x640xf32, #tpu.memory_space<hbm>>
      %dma_wait3A_567 = tpu.memref_squeeze %dma_wait3A : memref<1x640xf32, #tpu.memory_space<hbm>> -> memref<640xf32, #tpu.memory_space<hbm>>
      %dma_wait3A_568 = tpu.memref_slice %arg10[%arg0, %add3A_562] : memref<2x30720xf32, #tpu.memory_space<hbm>> -> memref<1x640xf32, #tpu.memory_space<hbm>>
      %dma_wait3A_569 = tpu.memref_squeeze %dma_wait3A_568 : memref<1x640xf32, #tpu.memory_space<hbm>> -> memref<640xf32, #tpu.memory_space<hbm>>
      tpu.wait_dma2 semaphore(%run_scoped3A_563 : memref<!tpu.dma_semaphore, #tpu.memory_space<semaphore_mem>>) src(%arg23 : memref<640xf32, #tpu.memory_space<vmem>>) dst(%dma_wait3A_569 : memref<640xf32, #tpu.memory_space<hbm>>)
      tpu.yield
    }) : () -> ()
    return
  }
}

module attributes {stable_mosaic.version = 14 : i64} {
  func.func @_edge_body(%arg0: i32, %arg1: memref<3x512xf32, #tpu.memory_space<vmem>>, %arg2: memref<128x1xf32, #tpu.memory_space<vmem>>, %arg3: memref<128x1xf32, #tpu.memory_space<vmem>>, %arg4: memref<512xf32, #tpu.memory_space<vmem>>, %arg5: memref<512xf32, #tpu.memory_space<vmem>>, %arg6: memref<512xf32, #tpu.memory_space<vmem>>, %arg7: memref<1x1xf32, #tpu.memory_space<vmem>>) attributes {dimension_semantics = [#tpu.dimension_semantics<arbitrary>], iteration_bounds = array<i64: 625>, scalar_prefetch = 0 : i64, scratch_operands = 0 : i64, tpu.core_type = #tpu.core_type<tc>, window_params = [{transform_indices = @transform_0, window_bounds = array<i64: 3, 512>}, {pipeline_mode = #tpu.pipeline_mode<synchronous>, transform_indices = @transform_1, window_bounds = array<i64: 128, 1>}, {pipeline_mode = #tpu.pipeline_mode<synchronous>, transform_indices = @transform_2, window_bounds = array<i64: 128, 1>}, {transform_indices = @transform_3, window_bounds = array<i64: 512>}, {transform_indices = @transform_4, window_bounds = array<i64: 512>}, {transform_indices = @transform_5, window_bounds = array<i64: 512>}, {pipeline_mode = #tpu.pipeline_mode<synchronous>, transform_indices = @transform_6, window_bounds = array<i64: 1, 1>}]} {
    %get3A = arith.constant 0 : index
    %get3A_0 = arith.constant 0 : index
    %get3A_1 = vector.load %arg1[%get3A, %get3A_0] : memref<3x512xf32, #tpu.memory_space<vmem>>, vector<1x512xf32>
    %get3A_2 = arith.constant 1 : index
    %get3A_3 = arith.constant 0 : index
    %get3A_4 = vector.load %arg1[%get3A_2, %get3A_3] : memref<3x512xf32, #tpu.memory_space<vmem>>, vector<1x512xf32>
    %get3A_5 = arith.constant 2 : index
    %get3A_6 = arith.constant 0 : index
    %get3A_7 = vector.load %arg1[%get3A_5, %get3A_6] : memref<3x512xf32, #tpu.memory_space<vmem>>, vector<1x512xf32>
    %mul3A = arith.mulf %get3A_1, %get3A_1 : vector<1x512xf32>
    %mul3A_8 = arith.mulf %get3A_4, %get3A_4 : vector<1x512xf32>
    %add3A = arith.addf %mul3A, %mul3A_8 : vector<1x512xf32>
    %mul3A_9 = arith.mulf %get3A_7, %get3A_7 : vector<1x512xf32>
    %add3A_10 = arith.addf %add3A, %mul3A_9 : vector<1x512xf32>
    %rsqrt3A = math.rsqrt %add3A_10 : vector<1x512xf32>
    %mul3A_11 = arith.mulf %add3A_10, %rsqrt3A : vector<1x512xf32>
    %iota3A = tpu.iota {dimensions = array<i32: 0>} : vector<128x1xi32>
    %convert_element_type3A = arith.sitofp %iota3A : vector<128x1xi32> to vector<128x1xf32>
    %mul3A_12 = arith.constant 0.0472440943 : f32
    %mul3A_13 = vector.broadcast %mul3A_12 : f32 to vector<128x1xf32>
    %mul3A_14 = arith.mulf %convert_element_type3A, %mul3A_13 : vector<128x1xf32>
    %get3A_15 = arith.constant 0 : index
    %get3A_16 = arith.constant 0 : index
    %get3A_17 = vector.load %arg2[%get3A_15, %get3A_16] : memref<128x1xf32, #tpu.memory_space<vmem>>, vector<128x1xf32>
    %max3A = arith.constant 0.000000e+00 : f32
    %max3A_18 = vector.broadcast %max3A : f32 to vector<128x1xf32>
    %max3A_19 = arith.maximumf %get3A_17, %max3A_18 : vector<128x1xf32>
    %abs3A = math.absf %get3A_17 : vector<128x1xf32>
    %neg3A = arith.constant 0.000000e+00 : f32
    %neg3A_20 = vector.broadcast %neg3A : f32 to vector<128x1xf32>
    %neg3A_21 = arith.subf %neg3A_20, %abs3A : vector<128x1xf32>
    %exp3A = math.exp %neg3A_21 : vector<128x1xf32>
    %add3A_22 = arith.constant 1.000000e+00 : f32
    %add3A_23 = vector.broadcast %add3A_22 : f32 to vector<128x1xf32>
    %add3A_24 = arith.addf %add3A_23, %exp3A : vector<128x1xf32>
    %log3A = math.log %add3A_24 : vector<128x1xf32>
    %add3A_25 = arith.addf %max3A_19, %log3A : vector<128x1xf32>
    %get3A_26 = arith.constant 0 : index
    %get3A_27 = arith.constant 0 : index
    %get3A_28 = vector.load %arg3[%get3A_26, %get3A_27] : memref<128x1xf32, #tpu.memory_space<vmem>>, vector<128x1xf32>
    %sub3A = vector.broadcast %mul3A_11 : vector<1x512xf32> to vector<128x512xf32>
    %sub3A_29 = vector.broadcast %mul3A_14 : vector<128x1xf32> to vector<128x512xf32>
    %sub3A_30 = arith.subf %sub3A, %sub3A_29 : vector<128x512xf32>
    %integer_pow3A = arith.mulf %sub3A_30, %sub3A_30 : vector<128x512xf32>
    %mul3A_31 = arith.constant -21.166666 : f32
    %mul3A_32 = vector.broadcast %mul3A_31 : f32 to vector<128x512xf32>
    %mul3A_33 = arith.mulf %mul3A_32, %integer_pow3A : vector<128x512xf32>
    %exp3A_34 = math.exp %mul3A_33 : vector<128x512xf32>
    %mul3A_35 = arith.constant 0.52359879 : f32
    %mul3A_36 = vector.broadcast %mul3A_35 : f32 to vector<1x512xf32>
    %mul3A_37 = arith.mulf %mul3A_36, %mul3A_11 : vector<1x512xf32>
    %cos3A = math.cos %mul3A_37 : vector<1x512xf32>
    %add3A_38 = arith.constant 1.000000e+00 : f32
    %add3A_39 = vector.broadcast %add3A_38 : f32 to vector<1x512xf32>
    %add3A_40 = arith.addf %add3A_39, %cos3A : vector<1x512xf32>
    %mul3A_41 = arith.constant 5.000000e-01 : f32
    %mul3A_42 = vector.broadcast %mul3A_41 : f32 to vector<1x512xf32>
    %mul3A_43 = arith.mulf %mul3A_42, %add3A_40 : vector<1x512xf32>
    %sin3A = math.sin %mul3A_37 : vector<1x512xf32>
    %mul3A_44 = arith.constant -0.261799395 : f32
    %mul3A_45 = vector.broadcast %mul3A_44 : f32 to vector<1x512xf32>
    %mul3A_46 = arith.mulf %mul3A_45, %sin3A : vector<1x512xf32>
    %mul3A_47 = vector.broadcast %add3A_25 : vector<128x1xf32> to vector<128x512xf32>
    %mul3A_48 = arith.mulf %exp3A_34, %mul3A_47 : vector<128x512xf32>
    %reduce_sum3A = arith.constant dense<0.000000e+00> : vector<512xf32>
    %reduce_sum3A_49 = vector.multi_reduction <add>, %mul3A_48, %reduce_sum3A [0] : vector<128x512xf32> to vector<512xf32>
    %broadcast_in_dim3A = vector.shape_cast %reduce_sum3A_49 : vector<512xf32> to vector<1x512xf32>
    %mul3A_50 = vector.broadcast %get3A_28 : vector<128x1xf32> to vector<128x512xf32>
    %mul3A_51 = arith.mulf %exp3A_34, %mul3A_50 : vector<128x512xf32>
    %reduce_sum3A_52 = arith.constant dense<0.000000e+00> : vector<512xf32>
    %reduce_sum3A_53 = vector.multi_reduction <add>, %mul3A_51, %reduce_sum3A_52 [0] : vector<128x512xf32> to vector<512xf32>
    %broadcast_in_dim3A_54 = vector.shape_cast %reduce_sum3A_53 : vector<512xf32> to vector<1x512xf32>
    %mul3A_55 = arith.mulf %add3A_25, %mul3A_14 : vector<128x1xf32>
    %mul3A_56 = vector.broadcast %mul3A_55 : vector<128x1xf32> to vector<128x512xf32>
    %mul3A_57 = arith.mulf %exp3A_34, %mul3A_56 : vector<128x512xf32>
    %reduce_sum3A_58 = arith.constant dense<0.000000e+00> : vector<512xf32>
    %reduce_sum3A_59 = vector.multi_reduction <add>, %mul3A_57, %reduce_sum3A_58 [0] : vector<128x512xf32> to vector<512xf32>
    %broadcast_in_dim3A_60 = vector.shape_cast %reduce_sum3A_59 : vector<512xf32> to vector<1x512xf32>
    %mul3A_61 = arith.mulf %get3A_28, %mul3A_14 : vector<128x1xf32>
    %mul3A_62 = vector.broadcast %mul3A_61 : vector<128x1xf32> to vector<128x512xf32>
    %mul3A_63 = arith.mulf %exp3A_34, %mul3A_62 : vector<128x512xf32>
    %reduce_sum3A_64 = arith.constant dense<0.000000e+00> : vector<512xf32>
    %reduce_sum3A_65 = vector.multi_reduction <add>, %mul3A_63, %reduce_sum3A_64 [0] : vector<128x512xf32> to vector<512xf32>
    %broadcast_in_dim3A_66 = vector.shape_cast %reduce_sum3A_65 : vector<512xf32> to vector<1x512xf32>
    %mul3A_67 = arith.constant 5.000000e-01 : f32
    %mul3A_68 = vector.broadcast %mul3A_67 : f32 to vector<1x512xf32>
    %mul3A_69 = arith.mulf %mul3A_68, %mul3A_43 : vector<1x512xf32>
    %mul3A_70 = arith.mulf %mul3A_69, %broadcast_in_dim3A : vector<1x512xf32>
    %mul3A_71 = arith.mulf %mul3A_69, %broadcast_in_dim3A_54 : vector<1x512xf32>
    %mul3A_72 = arith.constant 5.000000e-01 : f32
    %mul3A_73 = vector.broadcast %mul3A_72 : f32 to vector<1x512xf32>
    %mul3A_74 = arith.mulf %mul3A_73, %mul3A_46 : vector<1x512xf32>
    %mul3A_75 = arith.constant 21.166666 : f32
    %mul3A_76 = vector.broadcast %mul3A_75 : f32 to vector<1x512xf32>
    %mul3A_77 = arith.mulf %mul3A_76, %mul3A_11 : vector<1x512xf32>
    %mul3A_78 = arith.mulf %mul3A_77, %mul3A_43 : vector<1x512xf32>
    %sub3A_79 = arith.subf %mul3A_74, %mul3A_78 : vector<1x512xf32>
    %mul3A_80 = arith.mulf %sub3A_79, %broadcast_in_dim3A : vector<1x512xf32>
    %mul3A_81 = arith.constant 21.166666 : f32
    %mul3A_82 = vector.broadcast %mul3A_81 : f32 to vector<1x512xf32>
    %mul3A_83 = arith.mulf %mul3A_82, %mul3A_43 : vector<1x512xf32>
    %mul3A_84 = arith.mulf %mul3A_83, %broadcast_in_dim3A_60 : vector<1x512xf32>
    %add3A_85 = arith.addf %mul3A_80, %mul3A_84 : vector<1x512xf32>
    %mul3A_86 = arith.mulf %sub3A_79, %broadcast_in_dim3A_54 : vector<1x512xf32>
    %mul3A_87 = arith.constant 21.166666 : f32
    %mul3A_88 = vector.broadcast %mul3A_87 : f32 to vector<1x512xf32>
    %mul3A_89 = arith.mulf %mul3A_88, %mul3A_43 : vector<1x512xf32>
    %mul3A_90 = arith.mulf %mul3A_89, %broadcast_in_dim3A_66 : vector<1x512xf32>
    %add3A_91 = arith.addf %mul3A_86, %mul3A_90 : vector<1x512xf32>
    %squeeze3A = vector.shape_cast %mul3A_70 : vector<1x512xf32> to vector<512xf32>
    %swap3A = arith.constant 0 : index
    %swap3A_92 = vector.load %arg4[%swap3A] : memref<512xf32, #tpu.memory_space<vmem>>, vector<512xf32>
    tpu.vector_store %arg4[%swap3A], %squeeze3A {strides = array<i32>} : memref<512xf32, #tpu.memory_space<vmem>>, vector<512xf32>,
    %mul3A_93 = arith.mulf %add3A_85, %rsqrt3A : vector<1x512xf32>
    %squeeze3A_94 = vector.shape_cast %mul3A_93 : vector<1x512xf32> to vector<512xf32>
    %swap3A_95 = arith.constant 0 : index
    %swap3A_96 = vector.load %arg5[%swap3A_95] : memref<512xf32, #tpu.memory_space<vmem>>, vector<512xf32>
    tpu.vector_store %arg5[%swap3A_95], %squeeze3A_94 {strides = array<i32>} : memref<512xf32, #tpu.memory_space<vmem>>, vector<512xf32>,
    %mul3A_97 = arith.mulf %rsqrt3A, %rsqrt3A : vector<1x512xf32>
    %mul3A_98 = arith.mulf %add3A_91, %mul3A_97 : vector<1x512xf32>
    %mul3A_99 = arith.mulf %mul3A_71, %rsqrt3A : vector<1x512xf32>
    %mul3A_100 = arith.mulf %mul3A_99, %mul3A_97 : vector<1x512xf32>
    %sub3A_101 = arith.subf %mul3A_98, %mul3A_100 : vector<1x512xf32>
    %squeeze3A_102 = vector.shape_cast %sub3A_101 : vector<1x512xf32> to vector<512xf32>
    %swap3A_103 = arith.constant 0 : index
    %swap3A_104 = vector.load %arg6[%swap3A_103] : memref<512xf32, #tpu.memory_space<vmem>>, vector<512xf32>
    tpu.vector_store %arg6[%swap3A_103], %squeeze3A_102 {strides = array<i32>} : memref<512xf32, #tpu.memory_space<vmem>>, vector<512xf32>,
    %eq3A = arith.constant 0 : i32
    %eq3A_105 = arith.cmpi eq, %arg0, %eq3A : i32
    %convert_element_type3A_106 = arith.extui %eq3A_105 : i1 to i32
    %cond3A = arith.constant 0 : i32
    %cond3A_107 = arith.cmpi ne, %convert_element_type3A_106, %cond3A : i32
    scf.if %cond3A_107 {
      %broadcast_in_dim3A_121 = arith.constant 0.000000e+00 : f32
      %broadcast_in_dim3A_122 = vector.broadcast %broadcast_in_dim3A_121 : f32 to vector<1x1xf32>
      %swap3A_123 = arith.constant 0 : index
      %swap3A_124 = arith.constant 0 : index
      %swap3A_125 = vector.load %arg7[%swap3A_123, %swap3A_124] : memref<1x1xf32, #tpu.memory_space<vmem>>, vector<1x1xf32>
      tpu.vector_store %arg7[%swap3A_123, %swap3A_124], %broadcast_in_dim3A_122 {strides = array<i32>} : memref<1x1xf32, #tpu.memory_space<vmem>>, vector<1x1xf32>,
    } else {
    }
    %get3A_108 = arith.constant 0 : index
    %get3A_109 = arith.constant 0 : index
    %get3A_110 = vector.load %arg7[%get3A_108, %get3A_109] : memref<1x1xf32, #tpu.memory_space<vmem>>, vector<1x1xf32>
    %mul3A_111 = arith.mulf %mul3A_71, %rsqrt3A : vector<1x512xf32>
    %reduce_sum3A_112 = vector.shape_cast %mul3A_111 : vector<1x512xf32> to vector<1x1x512xf32>
    %reduce_sum3A_113 = arith.constant dense<0.000000e+00> : vector<1xf32>
    %reduce_sum3A_114 = vector.multi_reduction <add>, %reduce_sum3A_112, %reduce_sum3A_113 [1, 2] : vector<1x1x512xf32> to vector<1xf32>
    %reduce_sum3A_115 = vector.shape_cast %reduce_sum3A_114 : vector<1xf32> to vector<1x1x1xf32>
    %reduce_sum3A_116 = vector.extract %reduce_sum3A_115[0, 0, 0] : f32 from vector<1x1x1xf32>
    %reshape3A = vector.broadcast %reduce_sum3A_116 : f32 to vector<1x1xf32>
    %add3A_117 = arith.addf %get3A_110, %reshape3A : vector<1x1xf32>
    %swap3A_118 = arith.constant 0 : index
    %swap3A_119 = arith.constant 0 : index
    %swap3A_120 = vector.load %arg7[%swap3A_118, %swap3A_119] : memref<1x1xf32, #tpu.memory_space<vmem>>, vector<1x1xf32>
    tpu.vector_store %arg7[%swap3A_118, %swap3A_119], %add3A_117 {strides = array<i32>} : memref<1x1xf32, #tpu.memory_space<vmem>>, vector<1x1xf32>,
    return
  }
  func.func @transform_0(%arg0: i32) -> (i32, i32) {
    %c0_i32 = arith.constant 0 : i32
    %c0_i32_0 = arith.constant 0 : i32
    return %c0_i32, %arg0 : i32, i32
  }
  func.func @transform_1(%arg0: i32) -> (i32, i32) {
    %c0_i32 = arith.constant 0 : i32
    %c0_i32_0 = arith.constant 0 : i32
    %c0_i32_1 = arith.constant 0 : i32
    return %c0_i32, %c0_i32_0 : i32, i32
  }
  func.func @transform_2(%arg0: i32) -> (i32, i32) {
    %c0_i32 = arith.constant 0 : i32
    %c0_i32_0 = arith.constant 0 : i32
    %c0_i32_1 = arith.constant 0 : i32
    return %c0_i32, %c0_i32_0 : i32, i32
  }
  func.func @transform_3(%arg0: i32) -> i32 {
    %c0_i32 = arith.constant 0 : i32
    return %arg0 : i32
  }
  func.func @transform_4(%arg0: i32) -> i32 {
    %c0_i32 = arith.constant 0 : i32
    return %arg0 : i32
  }
  func.func @transform_5(%arg0: i32) -> i32 {
    %c0_i32 = arith.constant 0 : i32
    return %arg0 : i32
  }
  func.func @transform_6(%arg0: i32) -> (i32, i32) {
    %c0_i32 = arith.constant 0 : i32
    %c0_i32_0 = arith.constant 0 : i32
    %c0_i32_1 = arith.constant 0 : i32
    return %c0_i32, %c0_i32_0 : i32, i32
  }
}

module attributes {stable_mosaic.version = 14 : i64} {
  func.func @_node_body(%arg0: memref<2x80x128xf32, #tpu.memory_space<vmem>>, %arg1: memref<1x8xf32, #tpu.memory_space<vmem>>, %arg2: memref<80x128xf32, #tpu.memory_space<vmem>>, %arg3: memref<1x1xf32, #tpu.memory_space<vmem>>) attributes {dimension_semantics = [], scalar_prefetch = 0 : i64, scratch_operands = 0 : i64, tpu.core_type = #tpu.core_type<tc>} {
    %get3A = arith.constant 0 : index
    %get3A_0 = arith.constant 0 : index
    %get3A_1 = arith.constant 0 : index
    %get3A_2 = vector.load %arg0[%get3A, %get3A_0, %get3A_1] : memref<2x80x128xf32, #tpu.memory_space<vmem>>, vector<1x80x128xf32>
    %get3A_3 = vector.shape_cast %get3A_2 : vector<1x80x128xf32> to vector<80x128xf32>
    %get3A_4 = arith.constant 1 : index
    %get3A_5 = arith.constant 0 : index
    %get3A_6 = arith.constant 0 : index
    %get3A_7 = vector.load %arg0[%get3A_4, %get3A_5, %get3A_6] : memref<2x80x128xf32, #tpu.memory_space<vmem>>, vector<1x80x128xf32>
    %get3A_8 = vector.shape_cast %get3A_7 : vector<1x80x128xf32> to vector<80x128xf32>
    %add3A = arith.addf %get3A_3, %get3A_8 : vector<80x128xf32>
    %get3A_9 = arith.constant 0 : index
    %get3A_10 = arith.constant 0 : index
    %get3A_11 = vector.load %arg1[%get3A_9, %get3A_10] : memref<1x8xf32, #tpu.memory_space<vmem>>, vector<1x1xf32>
    %get3A_12 = vector.extract %get3A_11[0, 0] : f32 from vector<1x1xf32>
    %get3A_13 = arith.constant 0 : index
    %get3A_14 = arith.constant 1 : index
    %get3A_15 = vector.load %arg1[%get3A_13, %get3A_14] : memref<1x8xf32, #tpu.memory_space<vmem>>, vector<1x1xf32>
    %get3A_16 = vector.extract %get3A_15[0, 0] : f32 from vector<1x1xf32>
    %get3A_17 = arith.constant 0 : index
    %get3A_18 = arith.constant 2 : index
    %get3A_19 = vector.load %arg1[%get3A_17, %get3A_18] : memref<1x8xf32, #tpu.memory_space<vmem>>, vector<1x1xf32>
    %get3A_20 = vector.extract %get3A_19[0, 0] : f32 from vector<1x1xf32>
    %get3A_21 = arith.constant 0 : index
    %get3A_22 = arith.constant 3 : index
    %get3A_23 = vector.load %arg1[%get3A_21, %get3A_22] : memref<1x8xf32, #tpu.memory_space<vmem>>, vector<1x1xf32>
    %get3A_24 = vector.extract %get3A_23[0, 0] : f32 from vector<1x1xf32>
    %get3A_25 = arith.constant 0 : index
    %get3A_26 = arith.constant 4 : index
    %get3A_27 = vector.load %arg1[%get3A_25, %get3A_26] : memref<1x8xf32, #tpu.memory_space<vmem>>, vector<1x1xf32>
    %get3A_28 = vector.extract %get3A_27[0, 0] : f32 from vector<1x1xf32>
    %sqrt3A = math.sqrt %add3A : vector<80x128xf32>
    %mul3A = arith.mulf %add3A, %add3A : vector<80x128xf32>
    %mul3A_29 = arith.constant 2.000000e+00 : f32
    %mul3A_30 = arith.mulf %mul3A_29, %get3A_12 : f32
    %mul3A_31 = vector.broadcast %mul3A_30 : f32 to vector<80x128xf32>
    %mul3A_32 = arith.mulf %mul3A_31, %sqrt3A : vector<80x128xf32>
    %mul3A_33 = arith.constant 1.000000e+00 : f32
    %mul3A_34 = arith.mulf %mul3A_33, %get3A_16 : f32
    %mul3A_35 = vector.broadcast %mul3A_34 : f32 to vector<80x128xf32>
    %mul3A_36 = arith.mulf %mul3A_35, %add3A : vector<80x128xf32>
    %add3A_37 = arith.addf %mul3A_32, %mul3A_36 : vector<80x128xf32>
    %mul3A_38 = arith.constant 5.000000e-01 : f32
    %mul3A_39 = arith.mulf %mul3A_38, %get3A_20 : f32
    %mul3A_40 = vector.broadcast %mul3A_39 : f32 to vector<80x128xf32>
    %mul3A_41 = arith.mulf %mul3A_40, %mul3A : vector<80x128xf32>
    %add3A_42 = arith.addf %add3A_37, %mul3A_41 : vector<80x128xf32>
    %mul3A_43 = arith.constant 0.166666672 : f32
    %mul3A_44 = arith.mulf %mul3A_43, %get3A_24 : f32
    %mul3A_45 = vector.broadcast %mul3A_44 : f32 to vector<80x128xf32>
    %mul3A_46 = arith.mulf %mul3A_45, %mul3A : vector<80x128xf32>
    %mul3A_47 = arith.mulf %mul3A_46, %add3A : vector<80x128xf32>
    %add3A_48 = arith.addf %add3A_42, %mul3A_47 : vector<80x128xf32>
    %mul3A_49 = arith.constant 0.0416666679 : f32
    %mul3A_50 = arith.mulf %mul3A_49, %get3A_28 : f32
    %mul3A_51 = vector.broadcast %mul3A_50 : f32 to vector<80x128xf32>
    %mul3A_52 = arith.mulf %mul3A_51, %mul3A : vector<80x128xf32>
    %mul3A_53 = arith.mulf %mul3A_52, %mul3A : vector<80x128xf32>
    %add3A_54 = arith.addf %add3A_48, %mul3A_53 : vector<80x128xf32>
    %reduce_sum3A = vector.shape_cast %add3A_54 : vector<80x128xf32> to vector<1x80x128xf32>
    %reduce_sum3A_55 = arith.constant dense<0.000000e+00> : vector<1xf32>
    %reduce_sum3A_56 = vector.multi_reduction <add>, %reduce_sum3A, %reduce_sum3A_55 [1, 2] : vector<1x80x128xf32> to vector<1xf32>
    %reduce_sum3A_57 = vector.shape_cast %reduce_sum3A_56 : vector<1xf32> to vector<1x1x1xf32>
    %reduce_sum3A_58 = vector.extract %reduce_sum3A_57[0, 0, 0] : f32 from vector<1x1x1xf32>
    %reshape3A = vector.broadcast %reduce_sum3A_58 : f32 to vector<1x1xf32>
    %swap3A = arith.constant 0 : index
    %swap3A_59 = arith.constant 0 : index
    %swap3A_60 = vector.load %arg3[%swap3A, %swap3A_59] : memref<1x1xf32, #tpu.memory_space<vmem>>, vector<1x1xf32>
    tpu.vector_store %arg3[%swap3A, %swap3A_59], %reshape3A {strides = array<i32>} : memref<1x1xf32, #tpu.memory_space<vmem>>, vector<1x1xf32>,
    %rsqrt3A = math.rsqrt %add3A : vector<80x128xf32>
    %mul3A_61 = vector.broadcast %get3A_12 : f32 to vector<80x128xf32>
    %mul3A_62 = arith.mulf %mul3A_61, %rsqrt3A : vector<80x128xf32>
    %mul3A_63 = arith.constant 1.000000e+00 : f32
    %mul3A_64 = arith.mulf %mul3A_63, %get3A_16 : f32
    %add3A_65 = vector.broadcast %mul3A_64 : f32 to vector<80x128xf32>
    %add3A_66 = arith.addf %mul3A_62, %add3A_65 : vector<80x128xf32>
    %mul3A_67 = arith.constant 1.000000e+00 : f32
    %mul3A_68 = arith.mulf %mul3A_67, %get3A_20 : f32
    %mul3A_69 = vector.broadcast %mul3A_68 : f32 to vector<80x128xf32>
    %mul3A_70 = arith.mulf %mul3A_69, %add3A : vector<80x128xf32>
    %add3A_71 = arith.addf %add3A_66, %mul3A_70 : vector<80x128xf32>
    %mul3A_72 = arith.constant 5.000000e-01 : f32
    %mul3A_73 = arith.mulf %mul3A_72, %get3A_24 : f32
    %mul3A_74 = vector.broadcast %mul3A_73 : f32 to vector<80x128xf32>
    %mul3A_75 = arith.mulf %mul3A_74, %mul3A : vector<80x128xf32>
    %add3A_76 = arith.addf %add3A_71, %mul3A_75 : vector<80x128xf32>
    %mul3A_77 = arith.constant 0.166666672 : f32
    %mul3A_78 = arith.mulf %mul3A_77, %get3A_28 : f32
    %mul3A_79 = vector.broadcast %mul3A_78 : f32 to vector<80x128xf32>
    %mul3A_80 = arith.mulf %mul3A_79, %mul3A : vector<80x128xf32>
    %mul3A_81 = arith.mulf %mul3A_80, %add3A : vector<80x128xf32>
    %add3A_82 = arith.addf %add3A_76, %mul3A_81 : vector<80x128xf32>
    %swap3A_83 = arith.constant 0 : index
    %swap3A_84 = arith.constant 0 : index
    %swap3A_85 = vector.load %arg2[%swap3A_83, %swap3A_84] : memref<80x128xf32, #tpu.memory_space<vmem>>, vector<80x128xf32>
    tpu.vector_store %arg2[%swap3A_83, %swap3A_84], %add3A_82 {strides = array<i32>} : memref<80x128xf32, #tpu.memory_space<vmem>>, vector<80x128xf32>,
    return
  }
}

</mosaic_0001>

<sc_bundles>
// kernel: kernel.6.cloned.1.call-start
scs
__scs_entry_jumppad:
0x0: {  	(pc) =	sbr.rel $0x88, $3  }
0x1: {  	(tag) =	ssettag $0x0;
	lr =	simm.s32 $0x1  }
0x2: {  	[smem:$0x3F9C] =	sst lr;
	_ =	strace $0xD0000000  }
0x3: {  	_ = 	snop  }
0x4: {  	_ = 	snop  }
0x5: {  	_ = 	snop  }
0x6: {  	_ = 	snop  }
0x7: {  	_ = 	snop  }
__scs_overlays_trampoline_lowered:
0x8: {  	[smem:$0x3FAB] =	sst s0  }
0x9: {  	[smem:$0x3FAC] =	sst s1  }
0xa: {  	[smem:$0x3FAD] =	sst s2  }
0xb: {  	[smem:$0x3FAE] =	sst s3  }
0xc: {  	[smem:$0x3FAF] =	sst s4  }
0xd: {  	[smem:$0x3FB0] =	sst s5  }
0xe: {  	[smem:$0x3FB1] =	sst s6  }
0xf: {  	[smem:$0x3FB2] =	sst s7  }
0x10: {  	[smem:$0x3FB3] =	sst s8  }
0x11: {  	[smem:$0x3FB4] =	sst s9;
	s0 =	simm.s32 @!p0 $0x0  }
0x12: {  	s1 =	sld [smem:$0x3F9A];
	s0 =	simm.s32 @p0 $0x1  }
0x13: {  	[smem:$0x3FB5] =	sst s0;
	s0 =	simm.s32 @!p1 $0x0  }
0x14: {  	s2 =	sld [smem:$0x3F99];
	s0 =	simm.s32 @p1 $0x1  }
0x15: {  	[smem:$0x3FB6] =	sst s0;
	s0 =	simm.s32 @!p2 $0x0  }
0x16: {  	s3 =	sld [smem:$0x3FDB];
	s0 =	simm.s32 @p2 $0x1  }
0x17: {  	s4 =	simm.s32 $0x1BF5;
	[smem:$0x3FB8] =	sst s0  }
0x18: {  	s0 =	sld [smem:$0x3F9B];
	_ =	swait.ge [sflag:s4], $0x0  }
0x19: {  	s7 =	sld [smem:$0x3F9C]  }
0x1a: {  	s8 =	sadd.s32 $0xFFFFE003, lr  }
0x1b: {  	s9 =	sadd.s32 $0xFFFFFEF7, lr;
	s5 =	simm.s32 $0xFFFFFFFF;
	p2 =	slt.u32 s8, $0xFFFFF086  }
0x1c: {  	p1 =	slt.u32 s9, $0xF7A;
	s5 =	simm.s32 @!p2 $0x0  }
0x1d: {  	s5 =	simm.s32 @p1 $0x1;
	p0 =	seq.s32 s7, s2  }
0x1e: {  	s7 =	smul.u32 @!p0 $0xF7A, s2;
	p2 =	seq.s32 @!p0 s5, $0x0  }
0x1f: {  	s9 =	smul.u32 $0xF7A, s1;
	s8 =	simm.s32 @!p0 $0x1BF5;
	p2 =	por !p2, p0  }
0x20: {  	[sflag:s8] =	ssyncset.s32 @!p0 $0xFFFFF086;
	s6 =	sadd.s32 @!p0 s3, s7;
	s7 =	simm.s32 @!p0 $0x108  }
0x21: {  	s3 =	sadd.s32 s3, s9;
	s6 =	sadd.s32 @!p0 $0x88, s6;
	s7 =	simm.s32 @p2 $0x1082  }
0x22: {  	[simem:s7], [sflag:s8] =	dma.local @!p0 [hbm:s6], $0xF7A  }
0x23: {  	s9 =	sor.u32 $0xD0000000, s2;
	s6 =	simm.s32 $0x108;
	_ =	swait.ge @!p0 [sflag:s8], $0x0  }
0x24: {  	s3 =	sadd.s32 $0x88, s3;
	s6 =	simm.s32 @!p1 $0x1082;
	[sflag:s4] =	ssyncset.s32 $0xFFFFF086  }
0x25: {  	[simem:s6], [sflag:s4] =	dma.local [hbm:s3], $0xF7A  }
0x26: {  	[smem:$0x3F9C] =	sst s1;
	(tag) =	ssettag s2;
	_ =	strace s9  }
0x27: {  	s1 =	sld [smem:$0x3FAC]  }
0x28: {  	s2 =	sld [smem:$0x3FAD]  }
0x29: {  	s4 =	sld [smem:$0x3FAF]  }
0x2a: {  	p0 =	seq.s32 s5, $0x0;
	s5 =	sld [smem:$0x3FB0]  }
0x2b: {  	s6 =	sld [smem:$0x3FB1]  }
0x2c: {  	s7 =	sld [smem:$0x3FB2]  }
0x2d: {  	s3 =	simm.s32 $0x108;
	s8 =	sld [smem:$0x3FB3]  }
0x2e: {  	s3 =	simm.s32 @!p0 $0x1082;
	s9 =	sld [smem:$0x3FB4]  }
0x2f: {  	lr =	sadd.s32 s0, s3;
	s0 =	sld [smem:$0x3FAB]  }
0x30: {  	s3 =	sld [smem:$0x3FAE]  }
0x31: {  	[smem:$0x3FB7] =	sst s10  }
0x32: {  	s10 =	sld [smem:$0x3FB5];
	_ =	sdelay $0x3  }
0x33: {  	p0 =	seq.s32 s10, $0x1;
	s10 =	sld [smem:$0x3FB7];
	_ =	sdelay $0x3  }
0x34: {  	[smem:$0x3FB7] =	sst s10  }
0x35: {  	s10 =	sld [smem:$0x3FB6];
	_ =	sdelay $0x3  }
0x36: {  	p1 =	seq.s32 s10, $0x1;
	s10 =	sld [smem:$0x3FB7];
	_ =	sdelay $0x3  }
0x37: {  	[smem:$0x3FB7] =	sst s10  }
0x38: {  	s10 =	sld [smem:$0x3FB8]  }
0x39: {  	_ = 	snop;
	(pc) =	sbr.ind lr, $3  }
0x3a: {  	_ = 	snop  }
0x3b: {  	_ = 	snop  }
0x3c: {  	p2 =	seq.s32 s10, $0x1;
	s10 =	sld [smem:$0x3FB7]  }
0x3d: {  	_ =	shalt  }
0x3e: {  	_ =	shalt  }
0x3f: {  	_ =	shalt  }
0x40: {  	_ =	shalt  }
0x41: {  	_ =	shalt  }
0x42: {  	_ =	shalt  }
0x43: {  	_ =	shalt  }
0x44: {  	_ =	shalt  }
0x45: {  	_ =	shalt  }
0x46: {  	_ =	shalt  }
0x47: {  	_ =	shalt  }
0x48: {  	_ =	shalt  }
0x49: {  	_ =	shalt  }
0x4a: {  	_ =	shalt  }
0x4b: {  	_ =	shalt  }
0x4c: {  	_ =	shalt  }
0x4d: {  	_ =	shalt  }
0x4e: {  	_ =	shalt  }
0x4f: {  	_ =	shalt  }
0x50: {  	_ =	shalt  }
0x51: {  	_ =	shalt  }
0x52: {  	_ =	shalt  }
0x53: {  	_ =	shalt  }
0x54: {  	_ =	shalt  }
0x55: {  	_ =	shalt  }
0x56: {  	_ =	shalt  }
0x57: {  	_ =	shalt  }
0x58: {  	_ =	shalt  }
0x59: {  	_ =	shalt  }
0x5a: {  	_ =	shalt  }
0x5b: {  	_ =	shalt  }
0x5c: {  	_ =	shalt  }
0x5d: {  	_ =	shalt  }
0x5e: {  	_ =	shalt  }
0x5f: {  	_ =	shalt  }
0x60: {  	_ =	shalt  }
0x61: {  	_ =	shalt  }
0x62: {  	_ =	shalt  }
0x63: {  	_ =	shalt  }
0x64: {  	_ =	shalt  }
0x65: {  	_ =	shalt  }
0x66: {  	_ =	shalt  }
0x67: {  	_ =	shalt  }
0x68: {  	_ =	shalt  }
0x69: {  	_ =	shalt  }
0x6a: {  	_ =	shalt  }
0x6b: {  	_ =	shalt  }
0x6c: {  	_ =	shalt  }
0x6d: {  	_ =	shalt  }
0x6e: {  	_ =	shalt  }
0x6f: {  	_ =	shalt  }
0x70: {  	_ =	shalt  }
0x71: {  	_ =	shalt  }
0x72: {  	_ =	shalt  }
0x73: {  	_ =	shalt  }
0x74: {  	_ =	shalt  }
0x75: {  	_ =	shalt  }
0x76: {  	_ =	shalt  }
0x77: {  	_ =	shalt  }
0x78: {  	_ =	shalt  }
0x79: {  	_ =	shalt  }
0x7a: {  	_ =	shalt  }
0x7b: {  	_ =	shalt  }
0x7c: {  	_ =	shalt  }
0x7d: {  	_ =	shalt  }
0x7e: {  	_ =	shalt  }
0x7f: {  	_ =	shalt  }
0x80: {  	_ =	shalt  }
0x81: {  	_ =	shalt  }
0x82: {  	_ =	shalt  }
0x83: {  	_ =	shalt  }
0x84: {  	_ =	shalt  }
0x85: {  	_ =	shalt  }
0x86: {  	_ =	shalt  }
0x87: {  	_ =	shalt  }
.Lfunc_end0:
.L_simem_size_0:
called_computation_lowered:
.L_overlay_start_0:
0x88: {  	s2 =	sld [smem:$0x3FD9]  }
0x89: {  	s3 =	sld [smem:$0x3FFE];
	_ =	sdelay $0x1  }
0x8a: {  	s1 =	srdreg.scid  }
0x8b: {  	s0 =	sand.u32 $0x1, s1  }
0x8c: {  	s14 =	sshll.u32 s0, $0xA;
	s2 =	sadd.s32 s3, s2  }
0x8d: {  	s2 =	sadd.s32 s2, s14  }
0x8e: {  	[smem:$0x3FC3] =	sst s2  }
0x8f: {  	_ = 	snop  }
0x90: {  	s2 =	sld [smem:$0x3FD0];
	_ =	sdelay $0x2  }
0x91: {  	s15 =	simm.s32 $0xA;
	s4 =	simm.s32 $0x10  }
0x92: {  	[smem:s4], [sflag:s15] =	dma.local [hbm:s2], $0x1  }
0x93: {  	_ =	swait.eq [sflag:s15], $0x1  }
0x94: {  	[sflag:s15] =	ssyncset.done $0x0  }
0x95: {  	[sflag:s15] =	ssyncadd.s32 $0xFFFFFFFF  }
0x96: {  	s16 =	sld [smem:$0x11];
	(tm) =	ssettm $0x1  }
0x97: {  	s17 =	sld [smem:$0x3FFB];
	_ =	sdelay $0x3  }
0x98: {  	_ =	strace s17  }
0x99: {  	s3 =	sld [smem:$0x3FFC];
	_ =	sdelay $0x3  }
0x9a: {  	_ =	strace s3  }
0x9b: {  	s3 =	sld [smem:$0x3FFD];
	_ =	sdelay $0x3  }
0x9c: {  	_ =	strace s3  }
0x9d: {  	_ =	strace $0x8FFFFFFF  }
0x9e: {  	s18 =	sld [smem:$0x3FDB];
	_ =	sdelay $0x1  }
0x9f: {  	s19 =	simm.s32 $_scs_section_size  }
0xa0: {  	s5 =	simm.s32 $_size__tile_overlayer_lowered;
	s6 =	simm.s32 $_tile_overlayer_lowered  }
0xa1: {  	s22 =	simm.s32 $0x1BFF;
	s21 =	sshll.u32 s6, $0x1;
	s3 =	sadd.s32 s19, s18  }
0xa2: {  	s7 =	simm.s32 $0x0;
	s20 =	sshll.u32 s5, $0x1;
	s5 =	sadd.s32 s21, s3  }
0xa3: {  	[timem:s7], [sflag:s22] =	dma.local [hbm:s5], s20  }
0xa4: {  	_ =	swait.ge [sflag:s22], s20  }
0xa5: {  	s4 =	ssub.s32 $0x0, s20;
	[sflag:s22] =	ssyncset.done $0x0  }
0xa6: {  	[sflag:s22] =	ssyncadd.s32 s4;
	_ =	sdelay $0x1  }
0xa7: {  	s23 =	simm.s32 $0x1B8B  }
0xa8: {  	_ =	swait.ge [sflag:s23], $0x1  }
0xa9: {  	[sflag:s23] =	ssyncset.done $0x0  }
0xaa: {  	s25 =	simm.s32 $0x1B8E;
	s24 =	sld [smem:$0x3FFE];
	[sflag:s23] =	ssyncadd.s32 $0xFFFFFFFF  }
0xab: {  	s26 =	simm.s32 $execute0_lowered;
	[smem:$0x3FD2] =	sst s25  }
0xac: {  	s5 =	sshll.u32 s26, $0x1;
	_ =	strace $0x80000046;
	[dreg:$0x1] =	wrdreg $0xFFFFFFFF  }
0xad: {  	s28 =	simm.s32 $_size_execute0_lowered;
	s3 =	sadd.s32 s3, s5;
	[dreg:$0x0] =	wrdreg $0x0  }
0xae: {  	s5 =	sshll.u32 s28, $0x1;
	[dreg:$0x2] =	wrdreg s3  }
0xaf: {  	[dreg:$0x3] =	wrdreg s5  }
0xb0: {  	[dreg:$0x4] =	wrdreg $0xC0  }
0xb1: {  	_ =	task [dreg:s7], $0x5FFFF  }
0xb2: {  	[dreg:$0x1] =	wrdreg $0xFFFFFFFF  }
0xb3: {  	[dreg:$0x0] =	wrdreg $0x60  }
0xb4: {  	[dreg:$0x2] =	wrdreg s24  }
0xb5: {  	[dreg:$0x3] =	wrdreg s16  }
0xb6: {  	[dreg:$0x4] =	wrdreg $0x7C000  }
0xb7: {  	[dreg:$0x5] =	wrdreg $0x9  }
0xb8: {  	_ =	task.clear_ibuf [dreg:s7], $0x6FFFF;
	_ =	strace $0x90000046  }
0xb9: {  	s29 =	simm.s32 $0x9;
	_ =	strace $0x80000048  }
0xba: {  	_ =	swait.ge [sflag:s29], $0x1  }
0xbb: {  	[sflag:s29] =	ssyncadd.s32 $0xFFFFFFFF  }
0xbc: {  	_ =	strace $0x90000048  }
0xbd: {  	_ =	sfence  }
0xbe: {  	s30 =	sld [smem:$0x0];
	_ =	sdelay $0x2  }
0xbf: {  	s31 =	sshll.u32 s1, $0xD;
	s1 =	sshrl.u32 s1, $0x2  }
0xc0: {  	s3 =	sand.u32 $0x4000, s31;
	s1 =	sadd.s32 s1, s30  }
0xc1: {  	s0 =	sor.u32 s3, s0;
	s1 =	sshll.u32 s1, $0x11  }
0xc2: {  	s0 =	sor.u32 s1, s0  }
0xc3: {  	s0 =	sadd.s32 $0x8F2B, s0  }
0xc4: {  	[sflag:s0] =	ssyncadd.remote.s32 $0x1  }
0xc5: {  	_ =	sfence.sel $0xFFFF  }
0xc6: {  	[dreg:$0x0] =	wrdreg $0xFFFFFFFF;
	(pc) =	sbr.abs _section_cstart, $3  }
0xc7: {  	[dreg:$0x1] =	wrdreg $0xFFFFFFFF  }
0xc8: {  	_ =	task.clear_ibuf [dreg:s7], $0x2FFFF;
	_ =	strace $0x9FFFFFFF  }
0xc9: {  	(tm) =	ssettm $0x7FFFFFFF  }
tec
execute0_lowered:
.L_overlay_start_1:
0x0: {  	(tag) =	ssettag $0x1  }
0x1: {  	s0 =	rddreg [dreg:$0x0]  }
0x2: {  	s1 =	rddreg [dreg:$0x1]  }
0x3: {  	s6 =	rddreg [dreg:$0x2];
	s3 =	srdreg.scid  }
0x4: {  	s15 =	stileid.u32;
	s2 =	simm.s32 $0x0;
	s28 =	simm.s32 $0x80  }
0x5: {  	s29 =	simm.s32 $0x400;
	s30 =	simm.s32 $0x7700;
	s17 =	sand.u32 $0x1, s3  }
0x6: {  	s24 =	sshll.u32 s15, $0x1;
	[smem:$0x7FF] =	sst s2;
	s25 =	smul.u32 $0x5000, s15  }
0x7: {  	s5 =	sshrl.u32 s15, $0x3;
	s26 =	sshll.u32 s15, $0x7;
	s31 =	smul.u32 $0x500, s15  }
0x8: {  	s3 =	sor.u32 s17, s24;
	s4 =	ssub.s32 $0x2, s17;
	_ =	strace $0x80000047  }
0x9: {  	s5 =	smul.u32 $0x50000, s5;
	s19 =	sshll.u32 s17, $0x7;
	s24 =	simm.s32 $0x1  }
0xa: {  	s3 =	smul.u32 $0x4E2, s3;
	s7 =	sshrl.u32 s4, $0x1;
	s8 =	sshrl.u32 s25, $0x2  }
0xb: {  	s23 =	ssub.s32 s4, s7;
	s5 =	sshrl.u32 s5, $0x2;
	s7 =	sand.u32 $0x380, s26  }
0xc: {  	s26 =	simm.s32 $0x4F00;
	s0 =	sadd.s32 s3, s0;
	s5 =	sadd.s32 s5, s6  }
0xd: {  	s6 =	sadd.s32 s8, s6;
	s23 =	smax.u32 s23, $0x1;
	s3 =	sadd.s32 $0x9E00, s0  }
0xe: {  	s4 =	sadd.s32 $0x13C00, s0;
	s5 =	sadd.s32 s7, s5;
	s7 =	sadd.s32 $0x80, s6  }
0xf: {  	s8 =	sadd.s32 $0x100, s6;
	s9 =	sadd.s32 $0x180, s6;
	s10 =	sadd.s32 $0x200, s6  }
0x10: {  	s11 =	sadd.s32 $0x280, s6;
	s12 =	sadd.s32 $0x300, s6;
	s13 =	sadd.s32 $0x380, s6  }
0x11: {  	s14 =	sadd.s32 $0x14000, s6;
	s15 =	sadd.s32 $0x14080, s6;
	s16 =	sadd.s32 $0x14100, s6  }
0x12: {  	s17 =	sadd.s32 $0x14180, s6;
	s18 =	sadd.s32 $0x14200, s6;
	s0 =	sor.u32 s19, s31  }
0x13: {  	s19 =	sadd.s32 $0x14280, s6;
	s20 =	sadd.s32 $0x14300, s6;
	s0 =	sshrl.u32 s0, $0x3  }
0x14: {  	v0 =	vimm.f32 $0.0e+00;
	s21 =	sadd.s32 $0x14380, s6;
	s22 =	sadd.s32 s1, s0;
	s1 =	simm.s32 $0x0  }
.LBB2_1:
0x15: {  	[tilespmem:s2], [sflag:$0x1] =	stream.linear.gather [hbm4b:s3+s2], $0x2710, $0x38;
	[tilespmem:$0xA400] =	vst v63  }
0x16: {  	_ =	swait.ge [sflag:s24], $0x2710  }
0x17: {  	[sflag:s24] =	ssyncset.done $0x0  }
0x18: {  	s0 =	simm.s32 $0x2780;
	[sflag:s24] =	ssyncadd.s32 $0xFFFFD8F0  }
0x19: {  	[tilespmem:s0], [sflag:$0x1] =	stream.linear.gather [hbm4b:s4+s2], $0x2710, $0x38;
	[tilespmem:$0xA400] =	vst v63  }
0x1a: {  	_ =	swait.ge [sflag:s24], $0x2710  }
0x1b: {  	[sflag:s24] =	ssyncset.done $0x0  }
0x1c: {  	s25 =	simm.s32 $0x0;
	[sflag:s24] =	ssyncadd.s32 $0xFFFFD8F0  }
.LBB2_2:
0x1d: {  	p0 =	sne.s32 s25, $0x9FC0  }
.Ltmp0:
0x1e: {  	_ = 	snop;
	(pc) =	sbr.rel @p0 .LBB2_2-.Ltmp0, $3  }
0x1f: {  	_ =	sdelay $0x1  }
0x20: {  	s31 =	sshra.s32 s25, $0x2  }
0x21: {  	s25 =	sadd.s32 $0x40, s25;
	[tilespmem:s31+$0x4F00] =	vst v0  }
0x22: {  	s31 =	simm.s32 $0x0;
	s25 =	simm.s32 $0x40  }
.LBB2_4:
0x23: {  	p0 =	sne.s32 s25, $0x9C00;
	v1 =	vld [tilespmem:s31+$0x0];
	_ =	sdelay $0x2  }
0x24: {  	v2 =	vld [tilespmem:s31+$0x2780]  }
.Ltmp1:
0x25: {  	(pc) =	sbr.rel @p0 .LBB2_4-.Ltmp1, $2  }
0x26: {  	_ =	sdelay $0x2  }
0x27: {  	s31 =	sshra.s32 s25, $0x2;
	s25 =	sadd.s32 $0x40, s25;
	[tilespmem:v1+s26+$0x0] =	vst.idx.add.f32.msk $0xffff, v2  }
0x28: {  	v1 =	vld [tilespmem:s31+$0x0];
	_ =	sdelay $0x2  }
0x29: {  	v2 =	vld [tilespmem:s31+$0x2780];
	_ =	sdelay $0x4  }
0x2a: {  	[tilespmem:v1+s26+$0x0] =	vst.idx.add.f32.msk $0xffff, v2  }
0x2b: {  	[spmem:s5] =	stream.strided.scatter [tilespmem:s26], [sflag:$0x1], $0x2800, s29, s28, $0x38;
	[tilespmem:$0xA400] =	vst v63  }
0x2c: {  	_ =	swait.ge [sflag:s24], $0x2800  }
0x2d: {  	[sflag:s24] =	ssyncset.done $0x0  }
0x2e: {  	[sflag:s24] =	ssyncadd.s32 $0xFFFFD800  }
0x2f: {  	[bflag:$0x0] =	sbarrier.arrive $0xFFFF  }
0x30: {  	[tilespmem:$0x7980] =	vst v0  }
0x31: {  	[tilespmem:$0x7990] =	vst v0  }
0x32: {  	[tilespmem:$0x79A0] =	vst v0  }
0x33: {  	[tilespmem:$0x79B0] =	vst v0  }
0x34: {  	[tilespmem:$0x79C0] =	vst v0  }
0x35: {  	[tilespmem:$0x79D0] =	vst v0  }
0x36: {  	[tilespmem:$0x79E0] =	vst v0  }
0x37: {  	[tilespmem:$0x79F0] =	vst v0  }
0x38: {  	[tilespmem:$0x7A00] =	vst v0  }
0x39: {  	[tilespmem:$0x7A10] =	vst v0  }
0x3a: {  	[tilespmem:$0x7A20] =	vst v0  }
0x3b: {  	[tilespmem:$0x7A30] =	vst v0  }
0x3c: {  	[tilespmem:$0x7A40] =	vst v0  }
0x3d: {  	[tilespmem:$0x7A50] =	vst v0  }
0x3e: {  	[tilespmem:$0x7A60] =	vst v0  }
0x3f: {  	[tilespmem:$0x7A70] =	vst v0  }
0x40: {  	[tilespmem:$0x7A80] =	vst v0  }
0x41: {  	[tilespmem:$0x7A90] =	vst v0  }
0x42: {  	[tilespmem:$0x7AA0] =	vst v0  }
0x43: {  	[tilespmem:$0x7AB0] =	vst v0  }
0x44: {  	[tilespmem:$0x7AC0] =	vst v0  }
0x45: {  	[tilespmem:$0x7AD0] =	vst v0  }
0x46: {  	[tilespmem:$0x7AE0] =	vst v0  }
0x47: {  	[tilespmem:$0x7AF0] =	vst v0  }
0x48: {  	[tilespmem:$0x7B00] =	vst v0  }
0x49: {  	[tilespmem:$0x7B10] =	vst v0  }
0x4a: {  	[tilespmem:$0x7B20] =	vst v0  }
0x4b: {  	[tilespmem:$0x7B30] =	vst v0  }
0x4c: {  	[tilespmem:$0x7B40] =	vst v0  }
0x4d: {  	[tilespmem:$0x7B50] =	vst v0  }
0x4e: {  	[tilespmem:$0x7B60] =	vst v0  }
0x4f: {  	[tilespmem:$0x7B70] =	vst v0  }
0x50: {  	[tilespmem:$0x7B80] =	vst v0  }
0x51: {  	[tilespmem:$0x7B90] =	vst v0  }
0x52: {  	[tilespmem:$0x7BA0] =	vst v0  }
0x53: {  	[tilespmem:$0x7BB0] =	vst v0  }
0x54: {  	[tilespmem:$0x7BC0] =	vst v0  }
0x55: {  	[tilespmem:$0x7BD0] =	vst v0  }
0x56: {  	[tilespmem:$0x7BE0] =	vst v0  }
0x57: {  	[tilespmem:$0x7BF0] =	vst v0  }
0x58: {  	[tilespmem:s30], [sflag:$0x1] =	stream.strided.gather [spmem:s6], $0x280, s29, s28, $0x38;
	[tilespmem:$0xA400] =	vst v63  }
0x59: {  	_ =	swait.ge [sflag:s24], $0x280  }
0x5a: {  	[sflag:s24] =	ssyncset.done $0x0  }
0x5b: {  	s25 =	simm.s32 $0x0;
	[sflag:s24] =	ssyncadd.s32 $0xFFFFFD80  }
0x5c: {  	s31 =	simm.s32 $0x40;
	v1 =	vld [tilespmem:s25+$0x7700]  }
.LBB2_6:
0x5d: {  	p0 =	sne.s32 s31, $0x9C0;
	v2 =	vld [tilespmem:s25+$0x7980];
	_ =	sdelay $0x2  }
.Ltmp2:
0x5e: {  	(pc) =	sbr.rel @p0 .LBB2_6-.Ltmp2, $4  }
0x5f: {  	_ = 	snop  }
0x60: {  	v2 =	vadd.f32 v1, v2  }
0x61: {  	s0 =	sshra.s32 s31, $0x2  }
0x62: {  	s31 =	sadd.s32 $0x40, s31;
	v1 =	vld [tilespmem:s0+$0x7700];
	[tilespmem:s25+$0x7980] =	vst v2;
	s25 =	smov.u32 s0  }
0x63: {  	v2 =	vld [tilespmem:s25+$0x7980];
	_ =	sdelay $0x4  }
0x64: {  	v1 =	vadd.f32 v1, v2;
	_ =	sdelay $0x1  }
0x65: {  	[tilespmem:s25+$0x7980] =	vst v1  }
0x66: {  	[tilespmem:s30], [sflag:$0x1] =	stream.strided.gather [spmem:s7], $0x280, s29, s28, $0x38;
	[tilespmem:$0xA400] =	vst v63  }
0x67: {  	_ =	swait.ge [sflag:s24], $0x280  }
0x68: {  	[sflag:s24] =	ssyncset.done $0x0  }
0x69: {  	s25 =	simm.s32 $0x0;
	[sflag:s24] =	ssyncadd.s32 $0xFFFFFD80  }
0x6a: {  	s31 =	simm.s32 $0x40;
	v1 =	vld [tilespmem:s25+$0x7700]  }
.LBB2_8:
0x6b: {  	p0 =	sne.s32 s31, $0x9C0;
	v2 =	vld [tilespmem:s25+$0x7980];
	_ =	sdelay $0x2  }
.Ltmp3:
0x6c: {  	(pc) =	sbr.rel @p0 .LBB2_8-.Ltmp3, $4  }
0x6d: {  	_ = 	snop  }
0x6e: {  	v2 =	vadd.f32 v1, v2  }
0x6f: {  	s0 =	sshra.s32 s31, $0x2  }
0x70: {  	s31 =	sadd.s32 $0x40, s31;
	v1 =	vld [tilespmem:s0+$0x7700];
	[tilespmem:s25+$0x7980] =	vst v2;
	s25 =	smov.u32 s0  }
0x71: {  	v2 =	vld [tilespmem:s25+$0x7980];
	_ =	sdelay $0x4  }
0x72: {  	v1 =	vadd.f32 v1, v2;
	_ =	sdelay $0x1  }
0x73: {  	[tilespmem:s25+$0x7980] =	vst v1  }
0x74: {  	[tilespmem:s30], [sflag:$0x1] =	stream.strided.gather [spmem:s8], $0x280, s29, s28, $0x38;
	[tilespmem:$0xA400] =	vst v63  }
0x75: {  	_ =	swait.ge [sflag:s24], $0x280  }
0x76: {  	[sflag:s24] =	ssyncset.done $0x0  }
0x77: {  	s25 =	simm.s32 $0x0;
	[sflag:s24] =	ssyncadd.s32 $0xFFFFFD80  }
0x78: {  	s31 =	simm.s32 $0x40;
	v1 =	vld [tilespmem:s25+$0x7700]  }
.LBB2_10:
0x79: {  	p0 =	sne.s32 s31, $0x9C0;
	v2 =	vld [tilespmem:s25+$0x7980];
	_ =	sdelay $0x2  }
.Ltmp4:
0x7a: {  	(pc) =	sbr.rel @p0 .LBB2_10-.Ltmp4, $4  }
0x7b: {  	_ = 	snop  }
0x7c: {  	v2 =	vadd.f32 v1, v2  }
0x7d: {  	s0 =	sshra.s32 s31, $0x2  }
0x7e: {  	s31 =	sadd.s32 $0x40, s31;
	v1 =	vld [tilespmem:s0+$0x7700];
	[tilespmem:s25+$0x7980] =	vst v2;
	s25 =	smov.u32 s0  }
0x7f: {  	v2 =	vld [tilespmem:s25+$0x7980];
	_ =	sdelay $0x4  }
0x80: {  	v1 =	vadd.f32 v1, v2;
	_ =	sdelay $0x1  }
0x81: {  	[tilespmem:s25+$0x7980] =	vst v1  }
0x82: {  	[tilespmem:s30], [sflag:$0x1] =	stream.strided.gather [spmem:s9], $0x280, s29, s28, $0x38;
	[tilespmem:$0xA400] =	vst v63  }
0x83: {  	_ =	swait.ge [sflag:s24], $0x280  }
0x84: {  	[sflag:s24] =	ssyncset.done $0x0  }
0x85: {  	s25 =	simm.s32 $0x0;
	[sflag:s24] =	ssyncadd.s32 $0xFFFFFD80  }
0x86: {  	s31 =	simm.s32 $0x40;
	v1 =	vld [tilespmem:s25+$0x7700]  }
.LBB2_12:
0x87: {  	p0 =	sne.s32 s31, $0x9C0;
	v2 =	vld [tilespmem:s25+$0x7980];
	_ =	sdelay $0x2  }
.Ltmp5:
0x88: {  	(pc) =	sbr.rel @p0 .LBB2_12-.Ltmp5, $4  }
0x89: {  	_ = 	snop  }
0x8a: {  	v2 =	vadd.f32 v1, v2  }
0x8b: {  	s0 =	sshra.s32 s31, $0x2  }
0x8c: {  	s31 =	sadd.s32 $0x40, s31;
	v1 =	vld [tilespmem:s0+$0x7700];
	[tilespmem:s25+$0x7980] =	vst v2;
	s25 =	smov.u32 s0  }
0x8d: {  	v2 =	vld [tilespmem:s25+$0x7980];
	_ =	sdelay $0x4  }
0x8e: {  	v1 =	vadd.f32 v1, v2;
	_ =	sdelay $0x1  }
0x8f: {  	[tilespmem:s25+$0x7980] =	vst v1  }
0x90: {  	[tilespmem:s30], [sflag:$0x1] =	stream.strided.gather [spmem:s10], $0x280, s29, s28, $0x38;
	[tilespmem:$0xA400] =	vst v63  }
0x91: {  	_ =	swait.ge [sflag:s24], $0x280  }
0x92: {  	[sflag:s24] =	ssyncset.done $0x0  }
0x93: {  	s25 =	simm.s32 $0x0;
	[sflag:s24] =	ssyncadd.s32 $0xFFFFFD80  }
0x94: {  	s31 =	simm.s32 $0x40;
	v1 =	vld [tilespmem:s25+$0x7700]  }
.LBB2_14:
0x95: {  	p0 =	sne.s32 s31, $0x9C0;
	v2 =	vld [tilespmem:s25+$0x7980];
	_ =	sdelay $0x2  }
.Ltmp6:
0x96: {  	(pc) =	sbr.rel @p0 .LBB2_14-.Ltmp6, $4  }
0x97: {  	_ = 	snop  }
0x98: {  	v2 =	vadd.f32 v1, v2  }
0x99: {  	s0 =	sshra.s32 s31, $0x2  }
0x9a: {  	s31 =	sadd.s32 $0x40, s31;
	v1 =	vld [tilespmem:s0+$0x7700];
	[tilespmem:s25+$0x7980] =	vst v2;
	s25 =	smov.u32 s0  }
0x9b: {  	v2 =	vld [tilespmem:s25+$0x7980];
	_ =	sdelay $0x4  }
0x9c: {  	v1 =	vadd.f32 v1, v2;
	_ =	sdelay $0x1  }
0x9d: {  	[tilespmem:s25+$0x7980] =	vst v1  }
0x9e: {  	[tilespmem:s30], [sflag:$0x1] =	stream.strided.gather [spmem:s11], $0x280, s29, s28, $0x38;
	[tilespmem:$0xA400] =	vst v63  }
0x9f: {  	_ =	swait.ge [sflag:s24], $0x280  }
0xa0: {  	[sflag:s24] =	ssyncset.done $0x0  }
0xa1: {  	s25 =	simm.s32 $0x0;
	[sflag:s24] =	ssyncadd.s32 $0xFFFFFD80  }
0xa2: {  	s31 =	simm.s32 $0x40;
	v1 =	vld [tilespmem:s25+$0x7700]  }
.LBB2_16:
0xa3: {  	p0 =	sne.s32 s31, $0x9C0;
	v2 =	vld [tilespmem:s25+$0x7980];
	_ =	sdelay $0x2  }
.Ltmp7:
0xa4: {  	(pc) =	sbr.rel @p0 .LBB2_16-.Ltmp7, $4  }
0xa5: {  	_ = 	snop  }
0xa6: {  	v2 =	vadd.f32 v1, v2  }
0xa7: {  	s0 =	sshra.s32 s31, $0x2  }
0xa8: {  	s31 =	sadd.s32 $0x40, s31;
	v1 =	vld [tilespmem:s0+$0x7700];
	[tilespmem:s25+$0x7980] =	vst v2;
	s25 =	smov.u32 s0  }
0xa9: {  	v2 =	vld [tilespmem:s25+$0x7980];
	_ =	sdelay $0x4  }
0xaa: {  	v1 =	vadd.f32 v1, v2;
	_ =	sdelay $0x1  }
0xab: {  	[tilespmem:s25+$0x7980] =	vst v1  }
0xac: {  	[tilespmem:s30], [sflag:$0x1] =	stream.strided.gather [spmem:s12], $0x280, s29, s28, $0x38;
	[tilespmem:$0xA400] =	vst v63  }
0xad: {  	_ =	swait.ge [sflag:s24], $0x280  }
0xae: {  	[sflag:s24] =	ssyncset.done $0x0  }
0xaf: {  	s25 =	simm.s32 $0x0;
	[sflag:s24] =	ssyncadd.s32 $0xFFFFFD80  }
0xb0: {  	s31 =	simm.s32 $0x40;
	v1 =	vld [tilespmem:s25+$0x7700]  }
.LBB2_18:
0xb1: {  	p0 =	sne.s32 s31, $0x9C0;
	v2 =	vld [tilespmem:s25+$0x7980];
	_ =	sdelay $0x2  }
.Ltmp8:
0xb2: {  	(pc) =	sbr.rel @p0 .LBB2_18-.Ltmp8, $4  }
0xb3: {  	_ = 	snop  }
0xb4: {  	v2 =	vadd.f32 v1, v2  }
0xb5: {  	s0 =	sshra.s32 s31, $0x2  }
0xb6: {  	s31 =	sadd.s32 $0x40, s31;
	v1 =	vld [tilespmem:s0+$0x7700];
	[tilespmem:s25+$0x7980] =	vst v2;
	s25 =	smov.u32 s0  }
0xb7: {  	v2 =	vld [tilespmem:s25+$0x7980];
	_ =	sdelay $0x4  }
0xb8: {  	v1 =	vadd.f32 v1, v2;
	_ =	sdelay $0x1  }
0xb9: {  	[tilespmem:s25+$0x7980] =	vst v1  }
0xba: {  	[tilespmem:s30], [sflag:$0x1] =	stream.strided.gather [spmem:s13], $0x280, s29, s28, $0x38;
	[tilespmem:$0xA400] =	vst v63  }
0xbb: {  	_ =	swait.ge [sflag:s24], $0x280  }
0xbc: {  	[sflag:s24] =	ssyncset.done $0x0  }
0xbd: {  	s25 =	simm.s32 $0x0;
	[sflag:s24] =	ssyncadd.s32 $0xFFFFFD80  }
0xbe: {  	s31 =	simm.s32 $0x40;
	v1 =	vld [tilespmem:s25+$0x7700]  }
.LBB2_20:
0xbf: {  	p0 =	sne.s32 s31, $0x9C0;
	v2 =	vld [tilespmem:s25+$0x7980];
	_ =	sdelay $0x2  }
.Ltmp9:
0xc0: {  	(pc) =	sbr.rel @p0 .LBB2_20-.Ltmp9, $4  }
0xc1: {  	_ = 	snop  }
0xc2: {  	v2 =	vadd.f32 v1, v2  }
0xc3: {  	s0 =	sshra.s32 s31, $0x2  }
0xc4: {  	s31 =	sadd.s32 $0x40, s31;
	v1 =	vld [tilespmem:s0+$0x7700];
	[tilespmem:s25+$0x7980] =	vst v2;
	s25 =	smov.u32 s0  }
0xc5: {  	v2 =	vld [tilespmem:s25+$0x7980];
	_ =	sdelay $0x4  }
0xc6: {  	v1 =	vadd.f32 v1, v2;
	_ =	sdelay $0x1  }
0xc7: {  	[tilespmem:s25+$0x7980] =	vst v1  }
0xc8: {  	[tilespmem:s30], [sflag:$0x1] =	stream.strided.gather [spmem:s14], $0x280, s29, s28, $0x38;
	[tilespmem:$0xA400] =	vst v63  }
0xc9: {  	_ =	swait.ge [sflag:s24], $0x280  }
0xca: {  	[sflag:s24] =	ssyncset.done $0x0  }
0xcb: {  	s25 =	simm.s32 $0x0;
	[sflag:s24] =	ssyncadd.s32 $0xFFFFFD80  }
0xcc: {  	s31 =	simm.s32 $0x40;
	v1 =	vld [tilespmem:s25+$0x7700]  }
.LBB2_22:
0xcd: {  	p0 =	sne.s32 s31, $0x9C0;
	v2 =	vld [tilespmem:s25+$0x7980];
	_ =	sdelay $0x2  }
.Ltmp10:
0xce: {  	(pc) =	sbr.rel @p0 .LBB2_22-.Ltmp10, $4  }
0xcf: {  	_ = 	snop  }
0xd0: {  	v2 =	vadd.f32 v1, v2  }
0xd1: {  	s0 =	sshra.s32 s31, $0x2  }
0xd2: {  	s31 =	sadd.s32 $0x40, s31;
	v1 =	vld [tilespmem:s0+$0x7700];
	[tilespmem:s25+$0x7980] =	vst v2;
	s25 =	smov.u32 s0  }
0xd3: {  	v2 =	vld [tilespmem:s25+$0x7980];
	_ =	sdelay $0x4  }
0xd4: {  	v1 =	vadd.f32 v1, v2;
	_ =	sdelay $0x1  }
0xd5: {  	[tilespmem:s25+$0x7980] =	vst v1  }
0xd6: {  	[tilespmem:s30], [sflag:$0x1] =	stream.strided.gather [spmem:s15], $0x280, s29, s28, $0x38;
	[tilespmem:$0xA400] =	vst v63  }
0xd7: {  	_ =	swait.ge [sflag:s24], $0x280  }
0xd8: {  	[sflag:s24] =	ssyncset.done $0x0  }
0xd9: {  	s25 =	simm.s32 $0x0;
	[sflag:s24] =	ssyncadd.s32 $0xFFFFFD80  }
0xda: {  	s31 =	simm.s32 $0x40;
	v1 =	vld [tilespmem:s25+$0x7700]  }
.LBB2_24:
0xdb: {  	p0 =	sne.s32 s31, $0x9C0;
	v2 =	vld [tilespmem:s25+$0x7980];
	_ =	sdelay $0x2  }
.Ltmp11:
0xdc: {  	(pc) =	sbr.rel @p0 .LBB2_24-.Ltmp11, $4  }
0xdd: {  	_ = 	snop  }
0xde: {  	v2 =	vadd.f32 v1, v2  }
0xdf: {  	s0 =	sshra.s32 s31, $0x2  }
0xe0: {  	s31 =	sadd.s32 $0x40, s31;
	v1 =	vld [tilespmem:s0+$0x7700];
	[tilespmem:s25+$0x7980] =	vst v2;
	s25 =	smov.u32 s0  }
0xe1: {  	v2 =	vld [tilespmem:s25+$0x7980];
	_ =	sdelay $0x4  }
0xe2: {  	v1 =	vadd.f32 v1, v2;
	_ =	sdelay $0x1  }
0xe3: {  	[tilespmem:s25+$0x7980] =	vst v1  }
0xe4: {  	[tilespmem:s30], [sflag:$0x1] =	stream.strided.gather [spmem:s16], $0x280, s29, s28, $0x38;
	[tilespmem:$0xA400] =	vst v63  }
0xe5: {  	_ =	swait.ge [sflag:s24], $0x280  }
0xe6: {  	[sflag:s24] =	ssyncset.done $0x0  }
0xe7: {  	s25 =	simm.s32 $0x0;
	[sflag:s24] =	ssyncadd.s32 $0xFFFFFD80  }
0xe8: {  	s31 =	simm.s32 $0x40;
	v1 =	vld [tilespmem:s25+$0x7700]  }
.LBB2_26:
0xe9: {  	p0 =	sne.s32 s31, $0x9C0;
	v2 =	vld [tilespmem:s25+$0x7980];
	_ =	sdelay $0x2  }
.Ltmp12:
0xea: {  	(pc) =	sbr.rel @p0 .LBB2_26-.Ltmp12, $4  }
0xeb: {  	_ = 	snop  }
0xec: {  	v2 =	vadd.f32 v1, v2  }
0xed: {  	s0 =	sshra.s32 s31, $0x2  }
0xee: {  	s31 =	sadd.s32 $0x40, s31;
	v1 =	vld [tilespmem:s0+$0x7700];
	[tilespmem:s25+$0x7980] =	vst v2;
	s25 =	smov.u32 s0  }
0xef: {  	v2 =	vld [tilespmem:s25+$0x7980];
	_ =	sdelay $0x4  }
0xf0: {  	v1 =	vadd.f32 v1, v2;
	_ =	sdelay $0x1  }
0xf1: {  	[tilespmem:s25+$0x7980] =	vst v1  }
0xf2: {  	[tilespmem:s30], [sflag:$0x1] =	stream.strided.gather [spmem:s17], $0x280, s29, s28, $0x38;
	[tilespmem:$0xA400] =	vst v63  }
0xf3: {  	_ =	swait.ge [sflag:s24], $0x280  }
0xf4: {  	[sflag:s24] =	ssyncset.done $0x0  }
0xf5: {  	s25 =	simm.s32 $0x0;
	[sflag:s24] =	ssyncadd.s32 $0xFFFFFD80  }
0xf6: {  	s31 =	simm.s32 $0x40;
	v1 =	vld [tilespmem:s25+$0x7700]  }
.LBB2_28:
0xf7: {  	p0 =	sne.s32 s31, $0x9C0;
	v2 =	vld [tilespmem:s25+$0x7980];
	_ =	sdelay $0x2  }
.Ltmp13:
0xf8: {  	(pc) =	sbr.rel @p0 .LBB2_28-.Ltmp13, $4  }
0xf9: {  	_ = 	snop  }
0xfa: {  	v2 =	vadd.f32 v1, v2  }
0xfb: {  	s0 =	sshra.s32 s31, $0x2  }
0xfc: {  	s31 =	sadd.s32 $0x40, s31;
	v1 =	vld [tilespmem:s0+$0x7700];
	[tilespmem:s25+$0x7980] =	vst v2;
	s25 =	smov.u32 s0  }
0xfd: {  	v2 =	vld [tilespmem:s25+$0x7980];
	_ =	sdelay $0x4  }
0xfe: {  	v1 =	vadd.f32 v1, v2;
	_ =	sdelay $0x1  }
0xff: {  	[tilespmem:s25+$0x7980] =	vst v1  }
0x100: {  	[tilespmem:s30], [sflag:$0x1] =	stream.strided.gather [spmem:s18], $0x280, s29, s28, $0x38;
	[tilespmem:$0xA400] =	vst v63  }
0x101: {  	_ =	swait.ge [sflag:s24], $0x280  }
0x102: {  	[sflag:s24] =	ssyncset.done $0x0  }
0x103: {  	s25 =	simm.s32 $0x0;
	[sflag:s24] =	ssyncadd.s32 $0xFFFFFD80  }
0x104: {  	s31 =	simm.s32 $0x40;
	v1 =	vld [tilespmem:s25+$0x7700]  }
.LBB2_30:
0x105: {  	p0 =	sne.s32 s31, $0x9C0;
	v2 =	vld [tilespmem:s25+$0x7980];
	_ =	sdelay $0x2  }
.Ltmp14:
0x106: {  	(pc) =	sbr.rel @p0 .LBB2_30-.Ltmp14, $4  }
0x107: {  	_ = 	snop  }
0x108: {  	v2 =	vadd.f32 v1, v2  }
0x109: {  	s0 =	sshra.s32 s31, $0x2  }
0x10a: {  	s31 =	sadd.s32 $0x40, s31;
	v1 =	vld [tilespmem:s0+$0x7700];
	[tilespmem:s25+$0x7980] =	vst v2;
	s25 =	smov.u32 s0  }
0x10b: {  	v2 =	vld [tilespmem:s25+$0x7980];
	_ =	sdelay $0x4  }
0x10c: {  	v1 =	vadd.f32 v1, v2;
	_ =	sdelay $0x1  }
0x10d: {  	[tilespmem:s25+$0x7980] =	vst v1  }
0x10e: {  	[tilespmem:s30], [sflag:$0x1] =	stream.strided.gather [spmem:s19], $0x280, s29, s28, $0x38;
	[tilespmem:$0xA400] =	vst v63  }
0x10f: {  	_ =	swait.ge [sflag:s24], $0x280  }
0x110: {  	[sflag:s24] =	ssyncset.done $0x0  }
0x111: {  	s25 =	simm.s32 $0x0;
	[sflag:s24] =	ssyncadd.s32 $0xFFFFFD80  }
0x112: {  	s31 =	simm.s32 $0x40;
	v1 =	vld [tilespmem:s25+$0x7700]  }
.LBB2_32:
0x113: {  	p0 =	sne.s32 s31, $0x9C0;
	v2 =	vld [tilespmem:s25+$0x7980];
	_ =	sdelay $0x2  }
.Ltmp15:
0x114: {  	(pc) =	sbr.rel @p0 .LBB2_32-.Ltmp15, $4  }
0x115: {  	_ = 	snop  }
0x116: {  	v2 =	vadd.f32 v1, v2  }
0x117: {  	s0 =	sshra.s32 s31, $0x2  }
0x118: {  	s31 =	sadd.s32 $0x40, s31;
	v1 =	vld [tilespmem:s0+$0x7700];
	[tilespmem:s25+$0x7980] =	vst v2;
	s25 =	smov.u32 s0  }
0x119: {  	v2 =	vld [tilespmem:s25+$0x7980];
	_ =	sdelay $0x4  }
0x11a: {  	v1 =	vadd.f32 v1, v2;
	_ =	sdelay $0x1  }
0x11b: {  	[tilespmem:s25+$0x7980] =	vst v1  }
0x11c: {  	[tilespmem:s30], [sflag:$0x1] =	stream.strided.gather [spmem:s20], $0x280, s29, s28, $0x38;
	[tilespmem:$0xA400] =	vst v63  }
0x11d: {  	_ =	swait.ge [sflag:s24], $0x280  }
0x11e: {  	[sflag:s24] =	ssyncset.done $0x0  }
0x11f: {  	s25 =	simm.s32 $0x0;
	[sflag:s24] =	ssyncadd.s32 $0xFFFFFD80  }
0x120: {  	s31 =	simm.s32 $0x40;
	v1 =	vld [tilespmem:s25+$0x7700]  }
.LBB2_34:
0x121: {  	p0 =	sne.s32 s31, $0x9C0;
	v2 =	vld [tilespmem:s25+$0x7980];
	_ =	sdelay $0x2  }
.Ltmp16:
0x122: {  	(pc) =	sbr.rel @p0 .LBB2_34-.Ltmp16, $4  }
0x123: {  	_ = 	snop  }
0x124: {  	v2 =	vadd.f32 v1, v2  }
0x125: {  	s0 =	sshra.s32 s31, $0x2  }
0x126: {  	s31 =	sadd.s32 $0x40, s31;
	v1 =	vld [tilespmem:s0+$0x7700];
	[tilespmem:s25+$0x7980] =	vst v2;
	s25 =	smov.u32 s0  }
0x127: {  	v2 =	vld [tilespmem:s25+$0x7980];
	_ =	sdelay $0x4  }
0x128: {  	v1 =	vadd.f32 v1, v2;
	_ =	sdelay $0x1  }
0x129: {  	[tilespmem:s25+$0x7980] =	vst v1  }
0x12a: {  	[tilespmem:s30], [sflag:$0x1] =	stream.strided.gather [spmem:s21], $0x280, s29, s28, $0x38;
	[tilespmem:$0xA400] =	vst v63  }
0x12b: {  	_ =	swait.ge [sflag:s24], $0x280  }
0x12c: {  	[sflag:s24] =	ssyncset.done $0x0  }
0x12d: {  	s25 =	simm.s32 $0x0;
	[sflag:s24] =	ssyncadd.s32 $0xFFFFFD80  }
0x12e: {  	s31 =	simm.s32 $0x40;
	v1 =	vld [tilespmem:s25+$0x7700]  }
.LBB2_36:
0x12f: {  	p0 =	sne.s32 s31, $0x9C0;
	v2 =	vld [tilespmem:s25+$0x7980];
	_ =	sdelay $0x2  }
.Ltmp17:
0x130: {  	(pc) =	sbr.rel @p0 .LBB2_36-.Ltmp17, $4  }
0x131: {  	_ = 	snop  }
0x132: {  	v2 =	vadd.f32 v1, v2  }
0x133: {  	s0 =	sshra.s32 s31, $0x2  }
0x134: {  	s31 =	sadd.s32 $0x40, s31;
	v1 =	vld [tilespmem:s0+$0x7700];
	[tilespmem:s25+$0x7980] =	vst v2;
	s25 =	smov.u32 s0  }
0x135: {  	v2 =	vld [tilespmem:s25+$0x7980];
	_ =	sdelay $0x4  }
0x136: {  	s1 =	sadd.s32 $0x1, s1;
	v1 =	vadd.f32 v1, v2  }
0x137: {  	p0 =	sne.s32 s1, s23  }
.Ltmp18:
0x138: {  	s0 =	simm.s32 $0x100;
	s31 =	simm.s32 $0x7980;
	[tilespmem:s25+$0x7980] =	vst v1;
	(pc) =	sbr.rel @p0 .LBB2_1-.Ltmp18, $4  }
0x139: {  	[hbm4b:s22+s28] =	stream.strided.scatter [tilespmem:s31], [sflag:$0x1], $0x280, s0, s28, $0x38;
	[tilespmem:$0xA400] =	vst v63  }
0x13a: {  	_ =	swait.ge [sflag:s24], $0x280  }
0x13b: {  	[sflag:s24] =	ssyncset.done $0x0  }
0x13c: {  	[sflag:s24] =	ssyncadd.s32 $0xFFFFFD80  }
0x13d: {  	_ =	sfence.sel $0x180000  }
0x13e: {  	[bflag:$0x0] =	sbarrier.arrive $0xFFFF  }
0x13f: {  	_ =	strace $0x90000047  }
0x140: {  	s0 =	stileid.u32;
	[bflag:$0x2] =	sbarrier.arrive $0xFFFF  }
0x141: {  	p0 =	sne.s32 s0, $0x0;
	s0 =	rddreg [dreg:$0x3]  }
0x142: {  	s0 =	sadd.s32 @!p0 $0x100000, s0  }
0x143: {  	[sflag:s0] =	ssyncadd.tile.s32 @!p0 $0x1;
	_ =	shalt  }
.Lfunc_end2:
_tile_overlayer_lowered:
.L_overlay_start_2:
0x144: {  	(tag) =	ssettag $0x2  }
0x145: {  	s0 =	rddreg [dreg:$0x0];
	s2 =	stileid.u32  }
0x146: {  	s1 =	rddreg [dreg:$0x1];
	p0 =	sne.s32 s2, $0x0  }
0x147: {  	s3 =	rddreg [dreg:$0x2];
	[bflag:$0x3] =	sbarrier.arrive $0xFFFF;
	s2 =	simm.s32 @!p0 $0x1C01  }
0x148: {  	[timem:s3], [sflag:s2] =	dma.local @!p0 [hbm:s0], s1  }
0x149: {  	s0 =	simm.s32 @!p0 $0x1  }
0x14a: {  	_ =	swait.ge @!p0 [sflag:s0], s1  }
0x14b: {  	s1 =	ssub.s32 @!p0 $0x0, s1;
	[sflag:s0] =	ssyncset.done @!p0 $0x0  }
0x14c: {  	[sflag:s0] =	ssyncadd.s32 @!p0 s1  }
0x14d: {  	[bflag:$0x3] =	sbarrier.arrive $0xFFFF  }
0x14e: {  	_ =	shalt  }

// kernel: kernel.9.cloned.1.call-start
scs
__scs_entry_jumppad:
0x0: {  	(pc) =	sbr.rel $0x88, $3  }
0x1: {  	(tag) =	ssettag $0x0;
	lr =	simm.s32 $0x1  }
0x2: {  	[smem:$0x3F9C] =	sst lr;
	_ =	strace $0xD0000000  }
0x3: {  	_ = 	snop  }
0x4: {  	_ = 	snop  }
0x5: {  	_ = 	snop  }
0x6: {  	_ = 	snop  }
0x7: {  	_ = 	snop  }
__scs_overlays_trampoline_lowered:
0x8: {  	[smem:$0x3FAB] =	sst s0  }
0x9: {  	[smem:$0x3FAC] =	sst s1  }
0xa: {  	[smem:$0x3FAD] =	sst s2  }
0xb: {  	[smem:$0x3FAE] =	sst s3  }
0xc: {  	[smem:$0x3FAF] =	sst s4  }
0xd: {  	[smem:$0x3FB0] =	sst s5  }
0xe: {  	[smem:$0x3FB1] =	sst s6  }
0xf: {  	[smem:$0x3FB2] =	sst s7  }
0x10: {  	[smem:$0x3FB3] =	sst s8  }
0x11: {  	[smem:$0x3FB4] =	sst s9;
	s0 =	simm.s32 @!p0 $0x0  }
0x12: {  	s1 =	sld [smem:$0x3F9A];
	s0 =	simm.s32 @p0 $0x1  }
0x13: {  	[smem:$0x3FB5] =	sst s0;
	s0 =	simm.s32 @!p1 $0x0  }
0x14: {  	s2 =	sld [smem:$0x3F99];
	s0 =	simm.s32 @p1 $0x1  }
0x15: {  	[smem:$0x3FB6] =	sst s0;
	s0 =	simm.s32 @!p2 $0x0  }
0x16: {  	s3 =	sld [smem:$0x3FDB];
	s0 =	simm.s32 @p2 $0x1  }
0x17: {  	s4 =	simm.s32 $0x1BF5;
	[smem:$0x3FB8] =	sst s0  }
0x18: {  	s0 =	sld [smem:$0x3F9B];
	_ =	swait.ge [sflag:s4], $0x0  }
0x19: {  	s7 =	sld [smem:$0x3F9C]  }
0x1a: {  	s8 =	sadd.s32 $0xFFFFE003, lr  }
0x1b: {  	s9 =	sadd.s32 $0xFFFFFEF7, lr;
	s5 =	simm.s32 $0xFFFFFFFF;
	p2 =	slt.u32 s8, $0xFFFFF086  }
0x1c: {  	p1 =	slt.u32 s9, $0xF7A;
	s5 =	simm.s32 @!p2 $0x0  }
0x1d: {  	s5 =	simm.s32 @p1 $0x1;
	p0 =	seq.s32 s7, s2  }
0x1e: {  	s7 =	smul.u32 @!p0 $0xF7A, s2;
	p2 =	seq.s32 @!p0 s5, $0x0  }
0x1f: {  	s9 =	smul.u32 $0xF7A, s1;
	s8 =	simm.s32 @!p0 $0x1BF5;
	p2 =	por !p2, p0  }
0x20: {  	[sflag:s8] =	ssyncset.s32 @!p0 $0xFFFFF086;
	s6 =	sadd.s32 @!p0 s3, s7;
	s7 =	simm.s32 @!p0 $0x108  }
0x21: {  	s3 =	sadd.s32 s3, s9;
	s6 =	sadd.s32 @!p0 $0x88, s6;
	s7 =	simm.s32 @p2 $0x1082  }
0x22: {  	[simem:s7], [sflag:s8] =	dma.local @!p0 [hbm:s6], $0xF7A  }
0x23: {  	s9 =	sor.u32 $0xD0000000, s2;
	s6 =	simm.s32 $0x108;
	_ =	swait.ge @!p0 [sflag:s8], $0x0  }
0x24: {  	s3 =	sadd.s32 $0x88, s3;
	s6 =	simm.s32 @!p1 $0x1082;
	[sflag:s4] =	ssyncset.s32 $0xFFFFF086  }
0x25: {  	[simem:s6], [sflag:s4] =	dma.local [hbm:s3], $0xF7A  }
0x26: {  	[smem:$0x3F9C] =	sst s1;
	(tag) =	ssettag s2;
	_ =	strace s9  }
0x27: {  	s1 =	sld [smem:$0x3FAC]  }
0x28: {  	s2 =	sld [smem:$0x3FAD]  }
0x29: {  	s4 =	sld [smem:$0x3FAF]  }
0x2a: {  	p0 =	seq.s32 s5, $0x0;
	s5 =	sld [smem:$0x3FB0]  }
0x2b: {  	s6 =	sld [smem:$0x3FB1]  }
0x2c: {  	s7 =	sld [smem:$0x3FB2]  }
0x2d: {  	s3 =	simm.s32 $0x108;
	s8 =	sld [smem:$0x3FB3]  }
0x2e: {  	s3 =	simm.s32 @!p0 $0x1082;
	s9 =	sld [smem:$0x3FB4]  }
0x2f: {  	lr =	sadd.s32 s0, s3;
	s0 =	sld [smem:$0x3FAB]  }
0x30: {  	s3 =	sld [smem:$0x3FAE]  }
0x31: {  	[smem:$0x3FB7] =	sst s10  }
0x32: {  	s10 =	sld [smem:$0x3FB5];
	_ =	sdelay $0x3  }
0x33: {  	p0 =	seq.s32 s10, $0x1;
	s10 =	sld [smem:$0x3FB7];
	_ =	sdelay $0x3  }
0x34: {  	[smem:$0x3FB7] =	sst s10  }
0x35: {  	s10 =	sld [smem:$0x3FB6];
	_ =	sdelay $0x3  }
0x36: {  	p1 =	seq.s32 s10, $0x1;
	s10 =	sld [smem:$0x3FB7];
	_ =	sdelay $0x3  }
0x37: {  	[smem:$0x3FB7] =	sst s10  }
0x38: {  	s10 =	sld [smem:$0x3FB8]  }
0x39: {  	_ = 	snop;
	(pc) =	sbr.ind lr, $3  }
0x3a: {  	_ = 	snop  }
0x3b: {  	_ = 	snop  }
0x3c: {  	p2 =	seq.s32 s10, $0x1;
	s10 =	sld [smem:$0x3FB7]  }
0x3d: {  	_ =	shalt  }
0x3e: {  	_ =	shalt  }
0x3f: {  	_ =	shalt  }
0x40: {  	_ =	shalt  }
0x41: {  	_ =	shalt  }
0x42: {  	_ =	shalt  }
0x43: {  	_ =	shalt  }
0x44: {  	_ =	shalt  }
0x45: {  	_ =	shalt  }
0x46: {  	_ =	shalt  }
0x47: {  	_ =	shalt  }
0x48: {  	_ =	shalt  }
0x49: {  	_ =	shalt  }
0x4a: {  	_ =	shalt  }
0x4b: {  	_ =	shalt  }
0x4c: {  	_ =	shalt  }
0x4d: {  	_ =	shalt  }
0x4e: {  	_ =	shalt  }
0x4f: {  	_ =	shalt  }
0x50: {  	_ =	shalt  }
0x51: {  	_ =	shalt  }
0x52: {  	_ =	shalt  }
0x53: {  	_ =	shalt  }
0x54: {  	_ =	shalt  }
0x55: {  	_ =	shalt  }
0x56: {  	_ =	shalt  }
0x57: {  	_ =	shalt  }
0x58: {  	_ =	shalt  }
0x59: {  	_ =	shalt  }
0x5a: {  	_ =	shalt  }
0x5b: {  	_ =	shalt  }
0x5c: {  	_ =	shalt  }
0x5d: {  	_ =	shalt  }
0x5e: {  	_ =	shalt  }
0x5f: {  	_ =	shalt  }
0x60: {  	_ =	shalt  }
0x61: {  	_ =	shalt  }
0x62: {  	_ =	shalt  }
0x63: {  	_ =	shalt  }
0x64: {  	_ =	shalt  }
0x65: {  	_ =	shalt  }
0x66: {  	_ =	shalt  }
0x67: {  	_ =	shalt  }
0x68: {  	_ =	shalt  }
0x69: {  	_ =	shalt  }
0x6a: {  	_ =	shalt  }
0x6b: {  	_ =	shalt  }
0x6c: {  	_ =	shalt  }
0x6d: {  	_ =	shalt  }
0x6e: {  	_ =	shalt  }
0x6f: {  	_ =	shalt  }
0x70: {  	_ =	shalt  }
0x71: {  	_ =	shalt  }
0x72: {  	_ =	shalt  }
0x73: {  	_ =	shalt  }
0x74: {  	_ =	shalt  }
0x75: {  	_ =	shalt  }
0x76: {  	_ =	shalt  }
0x77: {  	_ =	shalt  }
0x78: {  	_ =	shalt  }
0x79: {  	_ =	shalt  }
0x7a: {  	_ =	shalt  }
0x7b: {  	_ =	shalt  }
0x7c: {  	_ =	shalt  }
0x7d: {  	_ =	shalt  }
0x7e: {  	_ =	shalt  }
0x7f: {  	_ =	shalt  }
0x80: {  	_ =	shalt  }
0x81: {  	_ =	shalt  }
0x82: {  	_ =	shalt  }
0x83: {  	_ =	shalt  }
0x84: {  	_ =	shalt  }
0x85: {  	_ =	shalt  }
0x86: {  	_ =	shalt  }
0x87: {  	_ =	shalt  }
.Lfunc_end0:
.L_simem_size_0:
called_computation.1_lowered:
.L_overlay_start_0:
0x88: {  	s2 =	sld [smem:$0x3FD9]  }
0x89: {  	s3 =	sld [smem:$0x3FFE];
	_ =	sdelay $0x1  }
0x8a: {  	s1 =	srdreg.scid  }
0x8b: {  	s0 =	sand.u32 $0x1, s1  }
0x8c: {  	s14 =	sshll.u32 s0, $0xA;
	s2 =	sadd.s32 s3, s2  }
0x8d: {  	s2 =	sadd.s32 s2, s14  }
0x8e: {  	[smem:$0x3FC3] =	sst s2  }
0x8f: {  	_ = 	snop  }
0x90: {  	s2 =	sld [smem:$0x3FD0];
	_ =	sdelay $0x2  }
0x91: {  	s15 =	simm.s32 $0xA;
	s4 =	simm.s32 $0x10  }
0x92: {  	[smem:s4], [sflag:s15] =	dma.local [hbm:s2], $0x1  }
0x93: {  	_ =	swait.eq [sflag:s15], $0x1  }
0x94: {  	[sflag:s15] =	ssyncset.done $0x0  }
0x95: {  	[sflag:s15] =	ssyncadd.s32 $0xFFFFFFFF  }
0x96: {  	s16 =	sld [smem:$0x11];
	(tm) =	ssettm $0x1  }
0x97: {  	s17 =	sld [smem:$0x3FFB];
	_ =	sdelay $0x3  }
0x98: {  	_ =	strace s17  }
0x99: {  	s3 =	sld [smem:$0x3FFC];
	_ =	sdelay $0x3  }
0x9a: {  	_ =	strace s3  }
0x9b: {  	s3 =	sld [smem:$0x3FFD];
	_ =	sdelay $0x3  }
0x9c: {  	_ =	strace s3  }
0x9d: {  	_ =	strace $0x8FFFFFFF  }
0x9e: {  	s18 =	sld [smem:$0x3FDB];
	_ =	sdelay $0x1  }
0x9f: {  	s19 =	simm.s32 $_scs_section_size  }
0xa0: {  	s5 =	simm.s32 $_size__tile_overlayer_lowered;
	s6 =	simm.s32 $_tile_overlayer_lowered  }
0xa1: {  	s22 =	simm.s32 $0x1BFF;
	s21 =	sshll.u32 s6, $0x1;
	s3 =	sadd.s32 s19, s18  }
0xa2: {  	s7 =	simm.s32 $0x0;
	s20 =	sshll.u32 s5, $0x1;
	s5 =	sadd.s32 s21, s3  }
0xa3: {  	[timem:s7], [sflag:s22] =	dma.local [hbm:s5], s20  }
0xa4: {  	_ =	swait.ge [sflag:s22], s20  }
0xa5: {  	s4 =	ssub.s32 $0x0, s20;
	[sflag:s22] =	ssyncset.done $0x0  }
0xa6: {  	[sflag:s22] =	ssyncadd.s32 s4;
	_ =	sdelay $0x1  }
0xa7: {  	s23 =	simm.s32 $0x1B8B  }
0xa8: {  	_ =	swait.ge [sflag:s23], $0x1  }
0xa9: {  	[sflag:s23] =	ssyncset.done $0x0  }
0xaa: {  	s25 =	simm.s32 $0x1B8E;
	s24 =	sld [smem:$0x3FFE];
	[sflag:s23] =	ssyncadd.s32 $0xFFFFFFFF  }
0xab: {  	s26 =	simm.s32 $execute0_lowered;
	[smem:$0x3FD2] =	sst s25  }
0xac: {  	s5 =	sshll.u32 s26, $0x1;
	_ =	strace $0x80000049;
	[dreg:$0x1] =	wrdreg $0xFFFFFFFF  }
0xad: {  	s28 =	simm.s32 $_size_execute0_lowered;
	s3 =	sadd.s32 s3, s5;
	[dreg:$0x0] =	wrdreg $0x0  }
0xae: {  	s5 =	sshll.u32 s28, $0x1;
	[dreg:$0x2] =	wrdreg s3  }
0xaf: {  	[dreg:$0x3] =	wrdreg s5  }
0xb0: {  	[dreg:$0x4] =	wrdreg $0xC0  }
0xb1: {  	_ =	task [dreg:s7], $0x5FFFF  }
0xb2: {  	[dreg:$0x1] =	wrdreg $0xFFFFFFFF  }
0xb3: {  	[dreg:$0x0] =	wrdreg $0x60  }
0xb4: {  	[dreg:$0x2] =	wrdreg s16  }
0xb5: {  	[dreg:$0x3] =	wrdreg s24  }
0xb6: {  	[dreg:$0x4] =	wrdreg $0xDD000  }
0xb7: {  	[dreg:$0x5] =	wrdreg $0x9  }
0xb8: {  	_ =	task.clear_ibuf [dreg:s7], $0x6FFFF;
	_ =	strace $0x90000049  }
0xb9: {  	s29 =	simm.s32 $0x9;
	_ =	strace $0x8000004B  }
0xba: {  	_ =	swait.ge [sflag:s29], $0x1  }
0xbb: {  	[sflag:s29] =	ssyncadd.s32 $0xFFFFFFFF  }
0xbc: {  	_ =	strace $0x9000004B  }
0xbd: {  	_ =	sfence  }
0xbe: {  	s30 =	sld [smem:$0x0];
	_ =	sdelay $0x2  }
0xbf: {  	s31 =	sshll.u32 s1, $0xD;
	s1 =	sshrl.u32 s1, $0x2  }
0xc0: {  	s3 =	sand.u32 $0x4000, s31;
	s1 =	sadd.s32 s1, s30  }
0xc1: {  	s0 =	sor.u32 s3, s0;
	s1 =	sshll.u32 s1, $0x11  }
0xc2: {  	s0 =	sor.u32 s1, s0  }
0xc3: {  	s0 =	sadd.s32 $0x8F2B, s0  }
0xc4: {  	[sflag:s0] =	ssyncadd.remote.s32 $0x1  }
0xc5: {  	_ =	sfence.sel $0xFFFF  }
0xc6: {  	[dreg:$0x0] =	wrdreg $0xFFFFFFFF;
	(pc) =	sbr.abs _section_cstart, $3  }
0xc7: {  	[dreg:$0x1] =	wrdreg $0xFFFFFFFF  }
0xc8: {  	_ =	task.clear_ibuf [dreg:s7], $0x2FFFF;
	_ =	strace $0x9FFFFFFF  }
0xc9: {  	(tm) =	ssettm $0x7FFFFFFF  }
tec
execute0_lowered:
.L_overlay_start_1:
0x0: {  	(tag) =	ssettag $0x1  }
0x1: {  	s0 =	srdreg.scid;
	s18 =	stileid.u32  }
0x2: {  	s2 =	sand.u32 $0x1, s0;
	s9 =	sshll.u32 s18, $0x1  }
0x3: {  	s1 =	rddreg [dreg:$0x1];
	s0 =	sor.u32 s2, s9  }
0x4: {  	s3 =	rddreg [dreg:$0x2];
	s0 =	smul.u32 $0x2710, s0  }
0x5: {  	s4 =	sadd.s32 $0x9E00, s1;
	s5 =	sadd.s32 $0x1DA00, s1;
	s6 =	sadd.s32 $0x27800, s1  }
0x6: {  	s7 =	sadd.s32 $0x45200, s1;
	s13 =	sadd.s32 $0x3B400, s1;
	s12 =	sshrl.u32 s0, $0x3  }
0x7: {  	s14 =	sadd.s32 $0x31600, s1;
	s17 =	sshrl.u32 s18, $0x3;
	s9 =	sadd.s32 $0xFA, s12  }
0x8: {  	s21 =	sshll.u32 s18, $0x7;
	s22 =	smul.u32 $0x280, s18;
	s11 =	sadd.s32 s4, s9  }
0x9: {  	s8 =	ssub.s32 $0x2, s2;
	s15 =	sadd.s32 s1, s9;
	[dreg:$0x4] =	wrdreg s11  }
0xa: {  	s10 =	sshrl.u32 s8, $0x1;
	s16 =	sadd.s32 s5, s9;
	[dreg:$0x5] =	wrdreg s15  }
0xb: {  	s0 =	ssub.s32 s8, s10;
	s10 =	sadd.s32 s6, s9;
	[dreg:$0x6] =	wrdreg s16  }
0xc: {  	s8 =	smul.u32 $0xF0000, s17;
	s19 =	sadd.s32 s7, s9;
	[dreg:$0x7] =	wrdreg s10  }
0xd: {  	s17 =	sadd.s32 $0x5000, s22;
	s20 =	sadd.s32 s13, s9;
	[dreg:$0x8] =	wrdreg s19  }
0xe: {  	s9 =	sadd.s32 s14, s9;
	[dreg:$0x9] =	wrdreg s20;
	s15 =	sadd.s32 $0x1F4, s12  }
0xf: {  	s25 =	sshll.u32 s17, $0x3;
	[dreg:$0xa] =	wrdreg s9;
	s26 =	sadd.s32 s4, s15  }
0x10: {  	s9 =	sand.u32 $0x380, s21;
	s31 =	sadd.s32 s1, s15;
	[dreg:$0xb] =	wrdreg s26  }
0x11: {  	s11 =	smul.u32 $0x5000, s18;
	s19 =	sadd.s32 s5, s15;
	[dreg:$0xc] =	wrdreg s31  }
0x12: {  	s16 =	sadd.s32 $0x2800, s22;
	s20 =	sadd.s32 s6, s15;
	[dreg:$0xd] =	wrdreg s19  }
0x13: {  	s24 =	sshll.u32 s16, $0x3;
	s21 =	sadd.s32 s7, s15;
	[dreg:$0xe] =	wrdreg s20  }
0x14: {  	s22 =	sadd.s32 s13, s15;
	s23 =	sshrl.u32 s11, $0x2;
	[dreg:$0xf] =	wrdreg s21  }
0x15: {  	s10 =	sadd.s32 s24, s3;
	[dreg:$0x10] =	wrdreg s22;
	s24 =	sadd.s32 s4, s12  }
0x16: {  	s11 =	sadd.s32 s25, s3;
	s25 =	sadd.s32 s1, s12;
	[dreg:$0x12] =	wrdreg s24  }
0x17: {  	s26 =	sadd.s32 s5, s12;
	[dreg:$0x13] =	wrdreg s25  }
0x18: {  	s8 =	sshrl.u32 s8, $0x2;
	s31 =	sadd.s32 s6, s12;
	[dreg:$0x14] =	wrdreg s26  }
0x19: {  	s8 =	sadd.s32 s8, s3;
	s19 =	sadd.s32 s13, s12;
	[dreg:$0x15] =	wrdreg s31  }
0x1a: {  	s8 =	sadd.s32 s9, s8;
	s20 =	sadd.s32 s14, s12;
	[dreg:$0x17] =	wrdreg s19  }
0x1b: {  	s9 =	sadd.s32 s23, s3;
	s23 =	sadd.s32 s14, s15;
	[dreg:$0x18] =	wrdreg s20  }
0x1c: {  	s21 =	sadd.s32 $0x2EE, s12;
	s15 =	sadd.s32 s7, s12;
	[dreg:$0x11] =	wrdreg s23  }
0x1d: {  	s22 =	sadd.s32 s4, s21;
	[dreg:$0x16] =	wrdreg s15  }
0x1e: {  	s24 =	sadd.s32 s5, s21;
	[dreg:$0x19] =	wrdreg s22  }
0x1f: {  	s25 =	sadd.s32 s6, s21;
	[dreg:$0x1b] =	wrdreg s24  }
0x20: {  	s26 =	sadd.s32 s7, s21;
	[dreg:$0x1c] =	wrdreg s25  }
0x21: {  	s31 =	sadd.s32 s13, s21;
	[dreg:$0x1d] =	wrdreg s26  }
0x22: {  	s2 =	sshll.u32 s2, $0x7;
	s3 =	sadd.s32 s14, s21;
	[dreg:$0x1e] =	wrdreg s31  }
0x23: {  	s12 =	sadd.s32 $0x3E8, s12;
	s23 =	sadd.s32 s1, s21;
	[dreg:$0x1f] =	wrdreg s3  }
0x24: {  	s20 =	smul.u32 $0x500, s18;
	s4 =	sadd.s32 s4, s12;
	[dreg:$0x1a] =	wrdreg s23  }
0x25: {  	s15 =	sadd.s32 s5, s12;
	s19 =	sadd.s32 s6, s12;
	[smem:$0x7CA] =	sst s4  }
0x26: {  	s21 =	sadd.s32 s7, s12;
	s22 =	sadd.s32 s13, s12;
	[smem:$0x7CB] =	sst s15  }
0x27: {  	s24 =	sadd.s32 s1, s12;
	s1 =	sadd.s32 $0x13E00, s1;
	[smem:$0x7CC] =	sst s19  }
0x28: {  	s25 =	sshll.u32 s16, $0x1;
	s26 =	sshll.u32 s17, $0x1;
	[smem:$0x7CD] =	sst s21  }
0x29: {  	s13 =	simm.s32 $0x0;
	[smem:$0x7CE] =	sst s22;
	s23 =	sadd.s32 s14, s12  }
0x2a: {  	[smem:$0x7D0] =	sst s24;
	s3 =	sor.u32 s2, s20;
	s4 =	sor.u32 s2, s25  }
0x2b: {  	s2 =	sor.u32 s2, s26;
	[smem:$0x7FF] =	sst s13;
	s3 =	sshrl.u32 s3, $0x3  }
0x2c: {  	[smem:$0x7CF] =	sst s23;
	s31 =	sshrl.u32 s4, $0x3;
	s3 =	sadd.s32 s1, s3  }
0x2d: {  	s2 =	sshrl.u32 s2, $0x3;
	[smem:$0x7D1] =	sst s3;
	s3 =	sadd.s32 s1, s31  }
0x2e: {  	s1 =	sadd.s32 s1, s2;
	[smem:$0x7D2] =	sst s3  }
0x2f: {  	s0 =	smax.u32 s0, $0x1;
	[smem:$0x7D3] =	sst s1  }
0x30: {  	s4 =	sadd.s32 $0x14000, s8;
	_ =	strace $0x8000004A;
	[smem:$0x7D4] =	sst s0  }
0x31: {  	s5 =	sadd.s32 $0x28000, s8;
	[smem:$0x7D5] =	sst s4  }
0x32: {  	s6 =	sadd.s32 $0x80, s9;
	[smem:$0x7D6] =	sst s5  }
0x33: {  	s7 =	sadd.s32 $0x100, s9;
	[smem:$0x7D7] =	sst s6  }
0x34: {  	s12 =	sadd.s32 $0x180, s9;
	[smem:$0x7D8] =	sst s7  }
0x35: {  	s14 =	sadd.s32 $0x200, s9;
	[smem:$0x7D9] =	sst s12  }
0x36: {  	s15 =	sadd.s32 $0x280, s9;
	[smem:$0x7DA] =	sst s14  }
0x37: {  	s16 =	sadd.s32 $0x300, s9;
	[smem:$0x7DB] =	sst s15  }
0x38: {  	s17 =	sadd.s32 $0x380, s9;
	[smem:$0x7DC] =	sst s16  }
0x39: {  	s18 =	sadd.s32 $0x3C000, s9;
	[smem:$0x7DD] =	sst s17  }
0x3a: {  	s19 =	sadd.s32 $0x3C080, s9;
	[smem:$0x7DE] =	sst s18  }
0x3b: {  	s20 =	sadd.s32 $0x3C100, s9;
	[smem:$0x7DF] =	sst s19  }
0x3c: {  	s21 =	sadd.s32 $0x3C180, s9;
	[smem:$0x7E0] =	sst s20  }
0x3d: {  	s22 =	sadd.s32 $0x3C200, s9;
	[smem:$0x7E1] =	sst s21  }
0x3e: {  	s23 =	sadd.s32 $0x3C280, s9;
	[smem:$0x7E2] =	sst s22  }
0x3f: {  	s24 =	sadd.s32 $0x3C300, s9;
	[smem:$0x7E3] =	sst s23  }
0x40: {  	s25 =	sadd.s32 $0x3C380, s9;
	[smem:$0x7E4] =	sst s24  }
0x41: {  	s26 =	sadd.s32 $0x80, s10;
	[smem:$0x7E5] =	sst s25  }
0x42: {  	s31 =	sadd.s32 $0x100, s10;
	[smem:$0x7E6] =	sst s26  }
0x43: {  	s1 =	sadd.s32 $0x180, s10;
	[smem:$0x7E7] =	sst s31  }
0x44: {  	s2 =	sadd.s32 $0x200, s10;
	[smem:$0x7E8] =	sst s1  }
0x45: {  	s3 =	sadd.s32 $0x280, s10;
	[smem:$0x7E9] =	sst s2  }
0x46: {  	[smem:$0x7EA] =	sst s3;
	s4 =	sadd.s32 $0x300, s10  }
0x47: {  	s5 =	sadd.s32 $0x380, s10;
	[smem:$0x7EB] =	sst s4  }
0x48: {  	s6 =	sadd.s32 $0x3C000, s10;
	[smem:$0x7EC] =	sst s5  }
0x49: {  	s7 =	sadd.s32 $0x3C080, s10;
	[smem:$0x7ED] =	sst s6  }
0x4a: {  	s12 =	sadd.s32 $0x3C100, s10;
	[smem:$0x7EE] =	sst s7  }
0x4b: {  	s14 =	sadd.s32 $0x3C180, s10;
	[smem:$0x7EF] =	sst s12  }
0x4c: {  	s15 =	sadd.s32 $0x3C200, s10;
	[smem:$0x7F0] =	sst s14  }
0x4d: {  	s16 =	sadd.s32 $0x3C280, s10;
	[smem:$0x7F1] =	sst s15  }
0x4e: {  	s17 =	sadd.s32 $0x3C300, s10;
	[smem:$0x7F2] =	sst s16  }
0x4f: {  	s18 =	sadd.s32 $0x3C380, s10;
	[smem:$0x7F3] =	sst s17  }
0x50: {  	s19 =	sadd.s32 $0x80, s11;
	[smem:$0x7F4] =	sst s18  }
0x51: {  	s20 =	sadd.s32 $0x100, s11;
	[smem:$0x7F5] =	sst s19  }
0x52: {  	s21 =	sadd.s32 $0x180, s11;
	[smem:$0x7F6] =	sst s20  }
0x53: {  	s22 =	sadd.s32 $0x200, s11;
	[smem:$0x7F7] =	sst s21  }
0x54: {  	s23 =	sadd.s32 $0x280, s11;
	[smem:$0x7F8] =	sst s22  }
0x55: {  	s24 =	sadd.s32 $0x300, s11;
	[smem:$0x7F9] =	sst s23  }
0x56: {  	s28 =	simm.s32 $0x100;
	s25 =	sadd.s32 $0x380, s11;
	[smem:$0x7FA] =	sst s24  }
0x57: {  	s29 =	simm.s32 $0xDA80;
	s26 =	sadd.s32 $0x3C000, s11;
	[smem:$0x7FB] =	sst s25  }
0x58: {  	s30 =	simm.s32 $0x0;
	s31 =	sadd.s32 $0x3C080, s11;
	[smem:$0x7FC] =	sst s26  }
0x59: {  	s2 =	sadd.s32 $0x3C100, s11;
	s3 =	sadd.s32 $0x3C180, s11;
	[smem:$0x7FD] =	sst s31  }
0x5a: {  	s4 =	sadd.s32 $0x3C200, s11;
	s5 =	sadd.s32 $0x3C280, s11;
	s6 =	sadd.s32 $0x3C300, s11  }
0x5b: {  	s7 =	sadd.s32 $0x3C380, s11;
	s12 =	simm.s32 $0x1;
	s14 =	simm.s32 $0x2800  }
0x5c: {  	s15 =	simm.s32 $0x3000;
	s16 =	simm.s32 $0x3800;
	s17 =	simm.s32 $0x4000  }
0x5d: {  	s18 =	simm.s32 $0x4800;
	s19 =	simm.s32 $0x5000;
	s20 =	simm.s32 $0x5800  }
0x5e: {  	s21 =	simm.s32 $0x6000;
	s22 =	simm.s32 $0x8800;
	s23 =	simm.s32 $0xB000  }
0x5f: {  	v0 =	vimm.f32 $0.0e+00;
	s24 =	simm.s32 $0x80;
	s25 =	simm.s32 $0x400;
	s26 =	simm.s32 $0xD800  }
.LBB2_1:
0x60: {  	s0 =	rddreg [dreg:$0x0]  }
0x61: {  	[tilespmem:s13], [sflag:$0x1] =	stream.linear.gather [hbm4b:s0+s13], $0x2800, $0x38;
	[tilespmem:$0x15500] =	vst v63  }
0x62: {  	_ =	swait.ge [sflag:s12], $0x2800  }
0x63: {  	[sflag:s12] =	ssyncset.done $0x0  }
0x64: {  	s31 =	simm.s32 $0x0;
	s0 =	simm.s32 $0x40;
	[sflag:s12] =	ssyncadd.s32 $0xFFFFD800  }
.LBB2_2:
0x65: {  	p0 =	sne.s32 s0, $0x9FC0;
	[tilespmem:s31+$0xB000] =	vst v0;
	s1 =	smov.u32 s0;
	s0 =	sadd.s32 $0x40, s0  }
.Ltmp0:
0x66: {  	[tilespmem:s31+$0x6000] =	vst v0;
	(pc) =	sbr.rel @p0 .LBB2_2-.Ltmp0, $2  }
0x67: {  	[tilespmem:s31+$0x8800] =	vst v0;
	_ =	sdelay $0x2  }
0x68: {  	s31 =	sshra.s32 s1, $0x2  }
0x69: {  	[tilespmem:s31+$0xB000] =	vst v0  }
0x6a: {  	[tilespmem:s31+$0x6000] =	vst v0  }
0x6b: {  	[tilespmem:s31+$0x8800] =	vst v0;
	s0 =	simm.s32 $0x0;
	s1 =	rddreg [dreg:$0x12]  }
0x6c: {  	[tilespmem:s14], [sflag:$0x1] =	stream.linear.gather [hbm4b:s1+s0], $0x7D0, $0x38;
	[tilespmem:$0x15500] =	vst v63  }
0x6d: {  	_ =	swait.ge [sflag:s12], $0x7D0  }
0x6e: {  	[sflag:s12] =	ssyncset.done $0x0  }
0x6f: {  	s1 =	rddreg [dreg:$0x13];
	[sflag:s12] =	ssyncadd.s32 $0xFFFFF830  }
0x70: {  	[tilespmem:s15], [sflag:$0x1] =	stream.linear.gather [hbm4b:s1+s0], $0x7D0, $0x38;
	[tilespmem:$0x15500] =	vst v63  }
0x71: {  	_ =	swait.ge [sflag:s12], $0x7D0  }
0x72: {  	[sflag:s12] =	ssyncset.done $0x0  }
0x73: {  	s1 =	rddreg [dreg:$0x14];
	[sflag:s12] =	ssyncadd.s32 $0xFFFFF830  }
0x74: {  	[tilespmem:s16], [sflag:$0x1] =	stream.linear.gather [hbm4b:s1+s0], $0x7D0, $0x38;
	[tilespmem:$0x15500] =	vst v63  }
0x75: {  	_ =	swait.ge [sflag:s12], $0x7D0  }
0x76: {  	[sflag:s12] =	ssyncset.done $0x0  }
0x77: {  	s1 =	rddreg [dreg:$0x15];
	[sflag:s12] =	ssyncadd.s32 $0xFFFFF830  }
0x78: {  	[tilespmem:s17], [sflag:$0x1] =	stream.linear.gather [hbm4b:s1+s0], $0x7D0, $0x38;
	[tilespmem:$0x15500] =	vst v63  }
0x79: {  	_ =	swait.ge [sflag:s12], $0x7D0  }
0x7a: {  	[sflag:s12] =	ssyncset.done $0x0  }
0x7b: {  	s1 =	rddreg [dreg:$0x16];
	[sflag:s12] =	ssyncadd.s32 $0xFFFFF830  }
0x7c: {  	[tilespmem:s18], [sflag:$0x1] =	stream.linear.gather [hbm4b:s1+s0], $0x7D0, $0x38;
	[tilespmem:$0x15500] =	vst v63  }
0x7d: {  	_ =	swait.ge [sflag:s12], $0x7D0  }
0x7e: {  	[sflag:s12] =	ssyncset.done $0x0  }
0x7f: {  	s1 =	rddreg [dreg:$0x17];
	[sflag:s12] =	ssyncadd.s32 $0xFFFFF830  }
0x80: {  	[tilespmem:s19], [sflag:$0x1] =	stream.linear.gather [hbm4b:s1+s0], $0x7D0, $0x38;
	[tilespmem:$0x15500] =	vst v63  }
0x81: {  	_ =	swait.ge [sflag:s12], $0x7D0  }
0x82: {  	[sflag:s12] =	ssyncset.done $0x0  }
0x83: {  	s1 =	rddreg [dreg:$0x18];
	[sflag:s12] =	ssyncadd.s32 $0xFFFFF830  }
0x84: {  	[tilespmem:s20], [sflag:$0x1] =	stream.linear.gather [hbm4b:s1+s0], $0x7D0, $0x38;
	[tilespmem:$0x15500] =	vst v63  }
0x85: {  	_ =	swait.ge [sflag:s12], $0x7D0  }
0x86: {  	[sflag:s12] =	ssyncset.done $0x0  }
0x87: {  	s1 =	simm.s32 $0x0;
	[sflag:s12] =	ssyncadd.s32 $0xFFFFF830  }
0x88: {  	v3 =	vld [tilespmem:s1+$0x2800];
	_ =	sdelay $0x6  }
0x89: {  	v2 =	vld [tilespmem:s1+$0x3800]  }
0x8a: {  	v1 =	vld.idx.msk [tilespmem:v3+s13+$0x0], $0xffff;
	_ =	sdelay $0x1  }
0x8b: {  	v4 =	vld [tilespmem:s1+$0x4000];
	_ =	sdelay $0x1  }
0x8c: {  	v5 =	vld [tilespmem:s1+$0x4800]  }
0x8d: {  	v1 =	vmul.f32 v2, v1;
	v2 =	vld [tilespmem:s1+$0x5000]  }
0x8e: {  	v6 =	vld [tilespmem:s1+$0x5800]  }
0x8f: {  	v4 =	vadd.f32 v4, v1  }
0x90: {  	v1 =	vld [tilespmem:s1+$0x3000]  }
0x91: {  	v5 =	vmul.f32 v5, v4  }
0x92: {  	v7 =	vmul.f32 v2, v4  }
0x93: {  	v2 =	vmul.f32 v6, v4;
	v61 =	vsub.f32 $0.0e+00, v5  }
0x94: {  	v62 =	vsub.f32 $0.0e+00, v7  }
0x95: {  	v63 =	vsub.f32 $0.0e+00, v2;
	[tilespmem:v3+s21+$0x0] =	vst.idx.add.f32.msk $0xffff, v61  }
0x96: {  	[tilespmem:v3+s22+$0x0] =	vst.idx.add.f32.msk $0xffff, v62  }
0x97: {  	[tilespmem:v3+s23+$0x0] =	vst.idx.add.f32.msk $0xffff, v63  }
0x98: {  	[tilespmem:v1+s21+$0x0] =	vst.idx.add.f32.msk $0xffff, v5  }
0x99: {  	s31 =	simm.s32 $0x40;
	s0 =	simm.s32 $0x80;
	[tilespmem:v1+s22+$0x0] =	vst.idx.add.f32.msk $0xffff, v7  }
.LBB2_4:
0x9a: {  	p0 =	sne.s32 s0, $0x1F00  }
0x9b: {  	s1 =	sshra.s32 s31, $0x2;
	[tilespmem:v1+s23+$0x0] =	vst.idx.add.f32.msk $0xffff, v2;
	s31 =	smov.u32 s0;
	s0 =	sadd.s32 $0x40, s0  }
0x9c: {  	v3 =	vld [tilespmem:s1+$0x2800];
	_ =	sdelay $0x7  }
0x9d: {  	v1 =	vld.idx.msk [tilespmem:v3+s13+$0x0], $0xffff  }
0x9e: {  	v2 =	vld [tilespmem:s1+$0x3800];
	_ =	sdelay $0x1  }
0x9f: {  	v4 =	vld [tilespmem:s1+$0x4000];
	_ =	sdelay $0x1  }
0xa0: {  	v5 =	vld [tilespmem:s1+$0x4800]  }
0xa1: {  	v1 =	vmul.f32 v2, v1;
	v2 =	vld [tilespmem:s1+$0x5000]  }
0xa2: {  	v6 =	vld [tilespmem:s1+$0x5800]  }
0xa3: {  	v4 =	vadd.f32 v4, v1  }
0xa4: {  	v1 =	vld [tilespmem:s1+$0x3000]  }
0xa5: {  	v5 =	vmul.f32 v5, v4  }
0xa6: {  	v7 =	vmul.f32 v2, v4  }
0xa7: {  	v2 =	vmul.f32 v6, v4;
	v4 =	vsub.f32 $0.0e+00, v5  }
0xa8: {  	v6 =	vsub.f32 $0.0e+00, v7  }
.Ltmp1:
0xa9: {  	[tilespmem:v3+s21+$0x0] =	vst.idx.add.f32.msk $0xffff, v4;
	v4 =	vsub.f32 $0.0e+00, v2;
	(pc) =	sbr.rel @p0 .LBB2_4-.Ltmp1, $4  }
0xaa: {  	[tilespmem:v3+s22+$0x0] =	vst.idx.add.f32.msk $0xffff, v6  }
0xab: {  	[tilespmem:v3+s23+$0x0] =	vst.idx.add.f32.msk $0xffff, v4  }
0xac: {  	[tilespmem:v1+s21+$0x0] =	vst.idx.add.f32.msk $0xffff, v5  }
0xad: {  	[tilespmem:v1+s22+$0x0] =	vst.idx.add.f32.msk $0xffff, v7  }
0xae: {  	_ =	sdelay $0x3  }
0xaf: {  	s0 =	sshra.s32 s31, $0x2;
	[tilespmem:v1+s23+$0x0] =	vst.idx.add.f32.msk $0xffff, v2  }
0xb0: {  	v1 =	vld [tilespmem:s0+$0x2800];
	_ =	sdelay $0x6  }
0xb1: {  	v3 =	vld [tilespmem:s0+$0x3800]  }
0xb2: {  	v2 =	vld.idx.msk [tilespmem:v1+s13+$0x0], $0xffff;
	_ =	sdelay $0x1  }
0xb3: {  	v4 =	vld [tilespmem:s0+$0x4000];
	_ =	sdelay $0x1  }
0xb4: {  	v5 =	vld [tilespmem:s0+$0x4800]  }
0xb5: {  	v2 =	vmul.f32 v3, v2;
	v3 =	vld [tilespmem:s0+$0x5000]  }
0xb6: {  	v6 =	vld [tilespmem:s0+$0x5800]  }
0xb7: {  	v2 =	vadd.f32 v4, v2  }
0xb8: {  	v54 =	vld [tilespmem:s0+$0x3000]  }
0xb9: {  	v5 =	vmul.f32 v5, v2  }
0xba: {  	v3 =	vmul.f32 v3, v2  }
0xbb: {  	v2 =	vmul.f32 v6, v2;
	v55 =	vsub.f32 $0.0e+00, v5  }
0xbc: {  	v7 =	vsub.f32 $0.0e+00, v3  }
0xbd: {  	v56 =	vsub.f32 $0.0e+00, v2;
	[tilespmem:v1+s21+$0x0] =	vst.idx.add.f32.msk $0xffff, v55  }
0xbe: {  	[tilespmem:v1+s22+$0x0] =	vst.idx.add.f32.msk $0xffff, v7  }
0xbf: {  	[tilespmem:v1+s23+$0x0] =	vst.idx.add.f32.msk $0xffff, v56  }
0xc0: {  	[tilespmem:v54+s21+$0x0] =	vst.idx.add.f32.msk $0xffff, v5  }
0xc1: {  	[tilespmem:v54+s22+$0x0] =	vst.idx.add.f32.msk $0xffff, v3  }
0xc2: {  	s1 =	rddreg [dreg:$0x4];
	s0 =	simm.s32 $0x0;
	[tilespmem:v54+s23+$0x0] =	vst.idx.add.f32.msk $0xffff, v2  }
0xc3: {  	[tilespmem:s14], [sflag:$0x1] =	stream.linear.gather [hbm4b:s1+s0], $0x7D0, $0x38;
	[tilespmem:$0x15500] =	vst v63  }
0xc4: {  	_ =	swait.ge [sflag:s12], $0x7D0  }
0xc5: {  	[sflag:s12] =	ssyncset.done $0x0  }
0xc6: {  	s1 =	rddreg [dreg:$0x5];
	[sflag:s12] =	ssyncadd.s32 $0xFFFFF830  }
0xc7: {  	[tilespmem:s15], [sflag:$0x1] =	stream.linear.gather [hbm4b:s1+s0], $0x7D0, $0x38;
	[tilespmem:$0x15500] =	vst v63  }
0xc8: {  	_ =	swait.ge [sflag:s12], $0x7D0  }
0xc9: {  	[sflag:s12] =	ssyncset.done $0x0  }
0xca: {  	s1 =	rddreg [dreg:$0x6];
	[sflag:s12] =	ssyncadd.s32 $0xFFFFF830  }
0xcb: {  	[tilespmem:s16], [sflag:$0x1] =	stream.linear.gather [hbm4b:s1+s0], $0x7D0, $0x38;
	[tilespmem:$0x15500] =	vst v63  }
0xcc: {  	_ =	swait.ge [sflag:s12], $0x7D0  }
0xcd: {  	[sflag:s12] =	ssyncset.done $0x0  }
0xce: {  	s1 =	rddreg [dreg:$0x7];
	[sflag:s12] =	ssyncadd.s32 $0xFFFFF830  }
0xcf: {  	[tilespmem:s17], [sflag:$0x1] =	stream.linear.gather [hbm4b:s1+s0], $0x7D0, $0x38;
	[tilespmem:$0x15500] =	vst v63  }
0xd0: {  	_ =	swait.ge [sflag:s12], $0x7D0  }
0xd1: {  	[sflag:s12] =	ssyncset.done $0x0  }
0xd2: {  	s1 =	rddreg [dreg:$0x8];
	[sflag:s12] =	ssyncadd.s32 $0xFFFFF830  }
0xd3: {  	[tilespmem:s18], [sflag:$0x1] =	stream.linear.gather [hbm4b:s1+s0], $0x7D0, $0x38;
	[tilespmem:$0x15500] =	vst v63  }
0xd4: {  	_ =	swait.ge [sflag:s12], $0x7D0  }
0xd5: {  	[sflag:s12] =	ssyncset.done $0x0  }
0xd6: {  	s1 =	rddreg [dreg:$0x9];
	[sflag:s12] =	ssyncadd.s32 $0xFFFFF830  }
0xd7: {  	[tilespmem:s19], [sflag:$0x1] =	stream.linear.gather [hbm4b:s1+s0], $0x7D0, $0x38;
	[tilespmem:$0x15500] =	vst v63  }
0xd8: {  	_ =	swait.ge [sflag:s12], $0x7D0  }
0xd9: {  	[sflag:s12] =	ssyncset.done $0x0  }
0xda: {  	s1 =	rddreg [dreg:$0xa];
	[sflag:s12] =	ssyncadd.s32 $0xFFFFF830  }
0xdb: {  	[tilespmem:s20], [sflag:$0x1] =	stream.linear.gather [hbm4b:s1+s0], $0x7D0, $0x38;
	[tilespmem:$0x15500] =	vst v63  }
0xdc: {  	_ =	swait.ge [sflag:s12], $0x7D0  }
0xdd: {  	[sflag:s12] =	ssyncset.done $0x0  }
0xde: {  	s1 =	simm.s32 $0x0;
	[sflag:s12] =	ssyncadd.s32 $0xFFFFF830  }
0xdf: {  	v3 =	vld [tilespmem:s1+$0x2800];
	_ =	sdelay $0x6  }
0xe0: {  	v2 =	vld [tilespmem:s1+$0x3800]  }
0xe1: {  	v1 =	vld.idx.msk [tilespmem:v3+s13+$0x0], $0xffff;
	_ =	sdelay $0x1  }
0xe2: {  	v57 =	vld [tilespmem:s1+$0x4000];
	_ =	sdelay $0x1  }
0xe3: {  	v58 =	vld [tilespmem:s1+$0x4800]  }
0xe4: {  	v1 =	vmul.f32 v2, v1;
	v2 =	vld [tilespmem:s1+$0x5000]  }
0xe5: {  	v59 =	vld [tilespmem:s1+$0x5800]  }
0xe6: {  	v4 =	vadd.f32 v57, v1  }
0xe7: {  	v1 =	vld [tilespmem:s1+$0x3000]  }
0xe8: {  	v5 =	vmul.f32 v58, v4  }
0xe9: {  	v60 =	vmul.f32 v2, v4  }
0xea: {  	v2 =	vmul.f32 v59, v4;
	v61 =	vsub.f32 $0.0e+00, v5  }
0xeb: {  	v62 =	vsub.f32 $0.0e+00, v60  }
0xec: {  	v63 =	vsub.f32 $0.0e+00, v2;
	[tilespmem:v3+s21+$0x0] =	vst.idx.add.f32.msk $0xffff, v61  }
0xed: {  	[tilespmem:v3+s22+$0x0] =	vst.idx.add.f32.msk $0xffff, v62  }
0xee: {  	[tilespmem:v3+s23+$0x0] =	vst.idx.add.f32.msk $0xffff, v63  }
0xef: {  	[tilespmem:v1+s21+$0x0] =	vst.idx.add.f32.msk $0xffff, v5  }
0xf0: {  	s31 =	simm.s32 $0x40;
	s0 =	simm.s32 $0x80;
	[tilespmem:v1+s22+$0x0] =	vst.idx.add.f32.msk $0xffff, v60  }
.LBB2_6:
0xf1: {  	p0 =	sne.s32 s0, $0x1F00  }
0xf2: {  	s1 =	sshra.s32 s31, $0x2;
	[tilespmem:v1+s23+$0x0] =	vst.idx.add.f32.msk $0xffff, v2;
	s31 =	smov.u32 s0;
	s0 =	sadd.s32 $0x40, s0  }
0xf3: {  	v3 =	vld [tilespmem:s1+$0x2800];
	_ =	sdelay $0x7  }
0xf4: {  	v1 =	vld.idx.msk [tilespmem:v3+s13+$0x0], $0xffff  }
0xf5: {  	v2 =	vld [tilespmem:s1+$0x3800];
	_ =	sdelay $0x1  }
0xf6: {  	v4 =	vld [tilespmem:s1+$0x4000];
	_ =	sdelay $0x1  }
0xf7: {  	v5 =	vld [tilespmem:s1+$0x4800]  }
0xf8: {  	v1 =	vmul.f32 v2, v1;
	v2 =	vld [tilespmem:s1+$0x5000]  }
0xf9: {  	v6 =	vld [tilespmem:s1+$0x5800]  }
0xfa: {  	v4 =	vadd.f32 v4, v1  }
0xfb: {  	v1 =	vld [tilespmem:s1+$0x3000]  }
0xfc: {  	v5 =	vmul.f32 v5, v4  }
0xfd: {  	v7 =	vmul.f32 v2, v4  }
0xfe: {  	v2 =	vmul.f32 v6, v4;
	v4 =	vsub.f32 $0.0e+00, v5  }
0xff: {  	v6 =	vsub.f32 $0.0e+00, v7  }
.Ltmp2:
0x100: {  	[tilespmem:v3+s21+$0x0] =	vst.idx.add.f32.msk $0xffff, v4;
	v4 =	vsub.f32 $0.0e+00, v2;
	(pc) =	sbr.rel @p0 .LBB2_6-.Ltmp2, $4  }
0x101: {  	[tilespmem:v3+s22+$0x0] =	vst.idx.add.f32.msk $0xffff, v6  }
0x102: {  	[tilespmem:v3+s23+$0x0] =	vst.idx.add.f32.msk $0xffff, v4  }
0x103: {  	[tilespmem:v1+s21+$0x0] =	vst.idx.add.f32.msk $0xffff, v5  }
0x104: {  	[tilespmem:v1+s22+$0x0] =	vst.idx.add.f32.msk $0xffff, v7  }
0x105: {  	_ =	sdelay $0x3  }
0x106: {  	s0 =	sshra.s32 s31, $0x2;
	[tilespmem:v1+s23+$0x0] =	vst.idx.add.f32.msk $0xffff, v2  }
0x107: {  	v1 =	vld [tilespmem:s0+$0x2800];
	_ =	sdelay $0x6  }
0x108: {  	v3 =	vld [tilespmem:s0+$0x3800]  }
0x109: {  	v2 =	vld.idx.msk [tilespmem:v1+s13+$0x0], $0xffff;
	_ =	sdelay $0x1  }
0x10a: {  	v4 =	vld [tilespmem:s0+$0x4000];
	_ =	sdelay $0x1  }
0x10b: {  	v5 =	vld [tilespmem:s0+$0x4800]  }
0x10c: {  	v2 =	vmul.f32 v3, v2;
	v3 =	vld [tilespmem:s0+$0x5000]  }
0x10d: {  	v6 =	vld [tilespmem:s0+$0x5800]  }
0x10e: {  	v2 =	vadd.f32 v4, v2  }
0x10f: {  	v54 =	vld [tilespmem:s0+$0x3000]  }
0x110: {  	v5 =	vmul.f32 v5, v2  }
0x111: {  	v3 =	vmul.f32 v3, v2  }
0x112: {  	v2 =	vmul.f32 v6, v2;
	v55 =	vsub.f32 $0.0e+00, v5  }
0x113: {  	v7 =	vsub.f32 $0.0e+00, v3  }
0x114: {  	v56 =	vsub.f32 $0.0e+00, v2;
	[tilespmem:v1+s21+$0x0] =	vst.idx.add.f32.msk $0xffff, v55  }
0x115: {  	[tilespmem:v1+s22+$0x0] =	vst.idx.add.f32.msk $0xffff, v7  }
0x116: {  	[tilespmem:v1+s23+$0x0] =	vst.idx.add.f32.msk $0xffff, v56  }
0x117: {  	[tilespmem:v54+s21+$0x0] =	vst.idx.add.f32.msk $0xffff, v5  }
0x118: {  	[tilespmem:v54+s22+$0x0] =	vst.idx.add.f32.msk $0xffff, v3  }
0x119: {  	s1 =	rddreg [dreg:$0xb];
	s0 =	simm.s32 $0x0;
	[tilespmem:v54+s23+$0x0] =	vst.idx.add.f32.msk $0xffff, v2  }
0x11a: {  	[tilespmem:s14], [sflag:$0x1] =	stream.linear.gather [hbm4b:s1+s0], $0x7D0, $0x38;
	[tilespmem:$0x15500] =	vst v63  }
0x11b: {  	_ =	swait.ge [sflag:s12], $0x7D0  }
0x11c: {  	[sflag:s12] =	ssyncset.done $0x0  }
0x11d: {  	s1 =	rddreg [dreg:$0xc];
	[sflag:s12] =	ssyncadd.s32 $0xFFFFF830  }
0x11e: {  	[tilespmem:s15], [sflag:$0x1] =	stream.linear.gather [hbm4b:s1+s0], $0x7D0, $0x38;
	[tilespmem:$0x15500] =	vst v63  }
0x11f: {  	_ =	swait.ge [sflag:s12], $0x7D0  }
0x120: {  	[sflag:s12] =	ssyncset.done $0x0  }
0x121: {  	s1 =	rddreg [dreg:$0xd];
	[sflag:s12] =	ssyncadd.s32 $0xFFFFF830  }
0x122: {  	[tilespmem:s16], [sflag:$0x1] =	stream.linear.gather [hbm4b:s1+s0], $0x7D0, $0x38;
	[tilespmem:$0x15500] =	vst v63  }
0x123: {  	_ =	swait.ge [sflag:s12], $0x7D0  }
0x124: {  	[sflag:s12] =	ssyncset.done $0x0  }
0x125: {  	s1 =	rddreg [dreg:$0xe];
	[sflag:s12] =	ssyncadd.s32 $0xFFFFF830  }
0x126: {  	[tilespmem:s17], [sflag:$0x1] =	stream.linear.gather [hbm4b:s1+s0], $0x7D0, $0x38;
	[tilespmem:$0x15500] =	vst v63  }
0x127: {  	_ =	swait.ge [sflag:s12], $0x7D0  }
0x128: {  	[sflag:s12] =	ssyncset.done $0x0  }
0x129: {  	s1 =	rddreg [dreg:$0xf];
	[sflag:s12] =	ssyncadd.s32 $0xFFFFF830  }
0x12a: {  	[tilespmem:s18], [sflag:$0x1] =	stream.linear.gather [hbm4b:s1+s0], $0x7D0, $0x38;
	[tilespmem:$0x15500] =	vst v63  }
0x12b: {  	_ =	swait.ge [sflag:s12], $0x7D0  }
0x12c: {  	[sflag:s12] =	ssyncset.done $0x0  }
0x12d: {  	s1 =	rddreg [dreg:$0x10];
	[sflag:s12] =	ssyncadd.s32 $0xFFFFF830  }
0x12e: {  	[tilespmem:s19], [sflag:$0x1] =	stream.linear.gather [hbm4b:s1+s0], $0x7D0, $0x38;
	[tilespmem:$0x15500] =	vst v63  }
0x12f: {  	_ =	swait.ge [sflag:s12], $0x7D0  }
0x130: {  	[sflag:s12] =	ssyncset.done $0x0  }
0x131: {  	s1 =	rddreg [dreg:$0x11];
	[sflag:s12] =	ssyncadd.s32 $0xFFFFF830  }
0x132: {  	[tilespmem:s20], [sflag:$0x1] =	stream.linear.gather [hbm4b:s1+s0], $0x7D0, $0x38;
	[tilespmem:$0x15500] =	vst v63  }
0x133: {  	_ =	swait.ge [sflag:s12], $0x7D0  }
0x134: {  	[sflag:s12] =	ssyncset.done $0x0  }
0x135: {  	s1 =	simm.s32 $0x0;
	[sflag:s12] =	ssyncadd.s32 $0xFFFFF830  }
0x136: {  	v3 =	vld [tilespmem:s1+$0x2800];
	_ =	sdelay $0x6  }
0x137: {  	v2 =	vld [tilespmem:s1+$0x3800]  }
0x138: {  	v1 =	vld.idx.msk [tilespmem:v3+s13+$0x0], $0xffff;
	_ =	sdelay $0x1  }
0x139: {  	v57 =	vld [tilespmem:s1+$0x4000];
	_ =	sdelay $0x1  }
0x13a: {  	v58 =	vld [tilespmem:s1+$0x4800]  }
0x13b: {  	v1 =	vmul.f32 v2, v1;
	v2 =	vld [tilespmem:s1+$0x5000]  }
0x13c: {  	v59 =	vld [tilespmem:s1+$0x5800]  }
0x13d: {  	v4 =	vadd.f32 v57, v1  }
0x13e: {  	v1 =	vld [tilespmem:s1+$0x3000]  }
0x13f: {  	v5 =	vmul.f32 v58, v4  }
0x140: {  	v60 =	vmul.f32 v2, v4  }
0x141: {  	v2 =	vmul.f32 v59, v4;
	v61 =	vsub.f32 $0.0e+00, v5  }
0x142: {  	v62 =	vsub.f32 $0.0e+00, v60  }
0x143: {  	v63 =	vsub.f32 $0.0e+00, v2;
	[tilespmem:v3+s21+$0x0] =	vst.idx.add.f32.msk $0xffff, v61  }
0x144: {  	[tilespmem:v3+s22+$0x0] =	vst.idx.add.f32.msk $0xffff, v62  }
0x145: {  	[tilespmem:v3+s23+$0x0] =	vst.idx.add.f32.msk $0xffff, v63  }
0x146: {  	[tilespmem:v1+s21+$0x0] =	vst.idx.add.f32.msk $0xffff, v5  }
0x147: {  	s31 =	simm.s32 $0x40;
	s0 =	simm.s32 $0x80;
	[tilespmem:v1+s22+$0x0] =	vst.idx.add.f32.msk $0xffff, v60  }
.LBB2_8:
0x148: {  	p0 =	sne.s32 s0, $0x1F00  }
0x149: {  	s1 =	sshra.s32 s31, $0x2;
	[tilespmem:v1+s23+$0x0] =	vst.idx.add.f32.msk $0xffff, v2;
	s31 =	smov.u32 s0;
	s0 =	sadd.s32 $0x40, s0  }
0x14a: {  	v3 =	vld [tilespmem:s1+$0x2800];
	_ =	sdelay $0x7  }
0x14b: {  	v1 =	vld.idx.msk [tilespmem:v3+s13+$0x0], $0xffff  }
0x14c: {  	v2 =	vld [tilespmem:s1+$0x3800];
	_ =	sdelay $0x1  }
0x14d: {  	v4 =	vld [tilespmem:s1+$0x4000];
	_ =	sdelay $0x1  }
0x14e: {  	v5 =	vld [tilespmem:s1+$0x4800]  }
0x14f: {  	v1 =	vmul.f32 v2, v1;
	v2 =	vld [tilespmem:s1+$0x5000]  }
0x150: {  	v6 =	vld [tilespmem:s1+$0x5800]  }
0x151: {  	v4 =	vadd.f32 v4, v1  }
0x152: {  	v1 =	vld [tilespmem:s1+$0x3000]  }
0x153: {  	v5 =	vmul.f32 v5, v4  }
0x154: {  	v7 =	vmul.f32 v2, v4  }
0x155: {  	v2 =	vmul.f32 v6, v4;
	v4 =	vsub.f32 $0.0e+00, v5  }
0x156: {  	v6 =	vsub.f32 $0.0e+00, v7  }
.Ltmp3:
0x157: {  	[tilespmem:v3+s21+$0x0] =	vst.idx.add.f32.msk $0xffff, v4;
	v4 =	vsub.f32 $0.0e+00, v2;
	(pc) =	sbr.rel @p0 .LBB2_8-.Ltmp3, $4  }
0x158: {  	[tilespmem:v3+s22+$0x0] =	vst.idx.add.f32.msk $0xffff, v6  }
0x159: {  	[tilespmem:v3+s23+$0x0] =	vst.idx.add.f32.msk $0xffff, v4  }
0x15a: {  	[tilespmem:v1+s21+$0x0] =	vst.idx.add.f32.msk $0xffff, v5  }
0x15b: {  	[tilespmem:v1+s22+$0x0] =	vst.idx.add.f32.msk $0xffff, v7  }
0x15c: {  	_ =	sdelay $0x3  }
0x15d: {  	s0 =	sshra.s32 s31, $0x2;
	[tilespmem:v1+s23+$0x0] =	vst.idx.add.f32.msk $0xffff, v2  }
0x15e: {  	v1 =	vld [tilespmem:s0+$0x2800];
	_ =	sdelay $0x6  }
0x15f: {  	v3 =	vld [tilespmem:s0+$0x3800]  }
0x160: {  	v2 =	vld.idx.msk [tilespmem:v1+s13+$0x0], $0xffff;
	_ =	sdelay $0x1  }
0x161: {  	v4 =	vld [tilespmem:s0+$0x4000];
	_ =	sdelay $0x1  }
0x162: {  	v5 =	vld [tilespmem:s0+$0x4800]  }
0x163: {  	v2 =	vmul.f32 v3, v2;
	v3 =	vld [tilespmem:s0+$0x5000]  }
0x164: {  	v6 =	vld [tilespmem:s0+$0x5800]  }
0x165: {  	v2 =	vadd.f32 v4, v2  }
0x166: {  	v54 =	vld [tilespmem:s0+$0x3000]  }
0x167: {  	v5 =	vmul.f32 v5, v2  }
0x168: {  	v3 =	vmul.f32 v3, v2  }
0x169: {  	v2 =	vmul.f32 v6, v2;
	v55 =	vsub.f32 $0.0e+00, v5  }
0x16a: {  	v7 =	vsub.f32 $0.0e+00, v3  }
0x16b: {  	v56 =	vsub.f32 $0.0e+00, v2;
	[tilespmem:v1+s21+$0x0] =	vst.idx.add.f32.msk $0xffff, v55  }
0x16c: {  	[tilespmem:v1+s22+$0x0] =	vst.idx.add.f32.msk $0xffff, v7  }
0x16d: {  	[tilespmem:v1+s23+$0x0] =	vst.idx.add.f32.msk $0xffff, v56  }
0x16e: {  	[tilespmem:v54+s21+$0x0] =	vst.idx.add.f32.msk $0xffff, v5  }
0x16f: {  	[tilespmem:v54+s22+$0x0] =	vst.idx.add.f32.msk $0xffff, v3  }
0x170: {  	s1 =	rddreg [dreg:$0x19];
	s0 =	simm.s32 $0x0;
	[tilespmem:v54+s23+$0x0] =	vst.idx.add.f32.msk $0xffff, v2  }
0x171: {  	[tilespmem:s14], [sflag:$0x1] =	stream.linear.gather [hbm4b:s1+s0], $0x7D0, $0x38;
	[tilespmem:$0x15500] =	vst v63  }
0x172: {  	_ =	swait.ge [sflag:s12], $0x7D0  }
0x173: {  	[sflag:s12] =	ssyncset.done $0x0  }
0x174: {  	s1 =	rddreg [dreg:$0x1a];
	[sflag:s12] =	ssyncadd.s32 $0xFFFFF830  }
0x175: {  	[tilespmem:s15], [sflag:$0x1] =	stream.linear.gather [hbm4b:s1+s0], $0x7D0, $0x38;
	[tilespmem:$0x15500] =	vst v63  }
0x176: {  	_ =	swait.ge [sflag:s12], $0x7D0  }
0x177: {  	[sflag:s12] =	ssyncset.done $0x0  }
0x178: {  	s1 =	rddreg [dreg:$0x1b];
	[sflag:s12] =	ssyncadd.s32 $0xFFFFF830  }
0x179: {  	[tilespmem:s16], [sflag:$0x1] =	stream.linear.gather [hbm4b:s1+s0], $0x7D0, $0x38;
	[tilespmem:$0x15500] =	vst v63  }
0x17a: {  	_ =	swait.ge [sflag:s12], $0x7D0  }
0x17b: {  	[sflag:s12] =	ssyncset.done $0x0  }
0x17c: {  	s1 =	rddreg [dreg:$0x1c];
	[sflag:s12] =	ssyncadd.s32 $0xFFFFF830  }
0x17d: {  	[tilespmem:s17], [sflag:$0x1] =	stream.linear.gather [hbm4b:s1+s0], $0x7D0, $0x38;
	[tilespmem:$0x15500] =	vst v63  }
0x17e: {  	_ =	swait.ge [sflag:s12], $0x7D0  }
0x17f: {  	[sflag:s12] =	ssyncset.done $0x0  }
0x180: {  	s1 =	rddreg [dreg:$0x1d];
	[sflag:s12] =	ssyncadd.s32 $0xFFFFF830  }
0x181: {  	[tilespmem:s18], [sflag:$0x1] =	stream.linear.gather [hbm4b:s1+s0], $0x7D0, $0x38;
	[tilespmem:$0x15500] =	vst v63  }
0x182: {  	_ =	swait.ge [sflag:s12], $0x7D0  }
0x183: {  	[sflag:s12] =	ssyncset.done $0x0  }
0x184: {  	s1 =	rddreg [dreg:$0x1e];
	[sflag:s12] =	ssyncadd.s32 $0xFFFFF830  }
0x185: {  	[tilespmem:s19], [sflag:$0x1] =	stream.linear.gather [hbm4b:s1+s0], $0x7D0, $0x38;
	[tilespmem:$0x15500] =	vst v63  }
0x186: {  	_ =	swait.ge [sflag:s12], $0x7D0  }
0x187: {  	[sflag:s12] =	ssyncset.done $0x0  }
0x188: {  	s1 =	rddreg [dreg:$0x1f];
	[sflag:s12] =	ssyncadd.s32 $0xFFFFF830  }
0x189: {  	[tilespmem:s20], [sflag:$0x1] =	stream.linear.gather [hbm4b:s1+s0], $0x7D0, $0x38;
	[tilespmem:$0x15500] =	vst v63  }
0x18a: {  	_ =	swait.ge [sflag:s12], $0x7D0  }
0x18b: {  	[sflag:s12] =	ssyncset.done $0x0  }
0x18c: {  	s1 =	simm.s32 $0x0;
	[sflag:s12] =	ssyncadd.s32 $0xFFFFF830  }
0x18d: {  	v3 =	vld [tilespmem:s1+$0x2800];
	_ =	sdelay $0x6  }
0x18e: {  	v2 =	vld [tilespmem:s1+$0x3800]  }
0x18f: {  	v1 =	vld.idx.msk [tilespmem:v3+s13+$0x0], $0xffff;
	_ =	sdelay $0x1  }
0x190: {  	v57 =	vld [tilespmem:s1+$0x4000];
	_ =	sdelay $0x1  }
0x191: {  	v58 =	vld [tilespmem:s1+$0x4800]  }
0x192: {  	v1 =	vmul.f32 v2, v1;
	v2 =	vld [tilespmem:s1+$0x5000]  }
0x193: {  	v59 =	vld [tilespmem:s1+$0x5800]  }
0x194: {  	v4 =	vadd.f32 v57, v1  }
0x195: {  	v1 =	vld [tilespmem:s1+$0x3000]  }
0x196: {  	v5 =	vmul.f32 v58, v4  }
0x197: {  	v60 =	vmul.f32 v2, v4  }
0x198: {  	v2 =	vmul.f32 v59, v4;
	v61 =	vsub.f32 $0.0e+00, v5  }
0x199: {  	v62 =	vsub.f32 $0.0e+00, v60  }
0x19a: {  	v63 =	vsub.f32 $0.0e+00, v2;
	[tilespmem:v3+s21+$0x0] =	vst.idx.add.f32.msk $0xffff, v61  }
0x19b: {  	[tilespmem:v3+s22+$0x0] =	vst.idx.add.f32.msk $0xffff, v62  }
0x19c: {  	[tilespmem:v3+s23+$0x0] =	vst.idx.add.f32.msk $0xffff, v63  }
0x19d: {  	[tilespmem:v1+s21+$0x0] =	vst.idx.add.f32.msk $0xffff, v5  }
0x19e: {  	s31 =	simm.s32 $0x40;
	s0 =	simm.s32 $0x80;
	[tilespmem:v1+s22+$0x0] =	vst.idx.add.f32.msk $0xffff, v60  }
.LBB2_10:
0x19f: {  	p0 =	sne.s32 s0, $0x1F00  }
0x1a0: {  	s1 =	sshra.s32 s31, $0x2;
	[tilespmem:v1+s23+$0x0] =	vst.idx.add.f32.msk $0xffff, v2;
	s31 =	smov.u32 s0;
	s0 =	sadd.s32 $0x40, s0  }
0x1a1: {  	v3 =	vld [tilespmem:s1+$0x2800];
	_ =	sdelay $0x7  }
0x1a2: {  	v1 =	vld.idx.msk [tilespmem:v3+s13+$0x0], $0xffff  }
0x1a3: {  	v2 =	vld [tilespmem:s1+$0x3800];
	_ =	sdelay $0x1  }
0x1a4: {  	v4 =	vld [tilespmem:s1+$0x4000];
	_ =	sdelay $0x1  }
0x1a5: {  	v5 =	vld [tilespmem:s1+$0x4800]  }
0x1a6: {  	v1 =	vmul.f32 v2, v1;
	v2 =	vld [tilespmem:s1+$0x5000]  }
0x1a7: {  	v6 =	vld [tilespmem:s1+$0x5800]  }
0x1a8: {  	v4 =	vadd.f32 v4, v1  }
0x1a9: {  	v1 =	vld [tilespmem:s1+$0x3000]  }
0x1aa: {  	v5 =	vmul.f32 v5, v4  }
0x1ab: {  	v7 =	vmul.f32 v2, v4  }
0x1ac: {  	v2 =	vmul.f32 v6, v4;
	v4 =	vsub.f32 $0.0e+00, v5  }
0x1ad: {  	v6 =	vsub.f32 $0.0e+00, v7  }
.Ltmp4:
0x1ae: {  	[tilespmem:v3+s21+$0x0] =	vst.idx.add.f32.msk $0xffff, v4;
	v4 =	vsub.f32 $0.0e+00, v2;
	(pc) =	sbr.rel @p0 .LBB2_10-.Ltmp4, $4  }
0x1af: {  	[tilespmem:v3+s22+$0x0] =	vst.idx.add.f32.msk $0xffff, v6  }
0x1b0: {  	[tilespmem:v3+s23+$0x0] =	vst.idx.add.f32.msk $0xffff, v4  }
0x1b1: {  	[tilespmem:v1+s21+$0x0] =	vst.idx.add.f32.msk $0xffff, v5  }
0x1b2: {  	[tilespmem:v1+s22+$0x0] =	vst.idx.add.f32.msk $0xffff, v7  }
0x1b3: {  	_ =	sdelay $0x3  }
0x1b4: {  	s0 =	sshra.s32 s31, $0x2;
	[tilespmem:v1+s23+$0x0] =	vst.idx.add.f32.msk $0xffff, v2  }
0x1b5: {  	v1 =	vld [tilespmem:s0+$0x2800];
	_ =	sdelay $0x6  }
0x1b6: {  	v3 =	vld [tilespmem:s0+$0x3800]  }
0x1b7: {  	v2 =	vld.idx.msk [tilespmem:v1+s13+$0x0], $0xffff;
	_ =	sdelay $0x1  }
0x1b8: {  	v4 =	vld [tilespmem:s0+$0x4000];
	_ =	sdelay $0x1  }
0x1b9: {  	v5 =	vld [tilespmem:s0+$0x4800]  }
0x1ba: {  	v2 =	vmul.f32 v3, v2;
	v3 =	vld [tilespmem:s0+$0x5000]  }
0x1bb: {  	v6 =	vld [tilespmem:s0+$0x5800]  }
0x1bc: {  	v2 =	vadd.f32 v4, v2  }
0x1bd: {  	v54 =	vld [tilespmem:s0+$0x3000]  }
0x1be: {  	v5 =	vmul.f32 v5, v2  }
0x1bf: {  	v3 =	vmul.f32 v3, v2  }
0x1c0: {  	v2 =	vmul.f32 v6, v2;
	v55 =	vsub.f32 $0.0e+00, v5  }
0x1c1: {  	v7 =	vsub.f32 $0.0e+00, v3  }
0x1c2: {  	v56 =	vsub.f32 $0.0e+00, v2;
	[tilespmem:v1+s21+$0x0] =	vst.idx.add.f32.msk $0xffff, v55  }
0x1c3: {  	[tilespmem:v1+s22+$0x0] =	vst.idx.add.f32.msk $0xffff, v7  }
0x1c4: {  	[tilespmem:v1+s23+$0x0] =	vst.idx.add.f32.msk $0xffff, v56  }
0x1c5: {  	s1 =	sld [smem:$0x7CA];
	[tilespmem:v54+s21+$0x0] =	vst.idx.add.f32.msk $0xffff, v5  }
0x1c6: {  	[tilespmem:v54+s22+$0x0] =	vst.idx.add.f32.msk $0xffff, v3  }
0x1c7: {  	s0 =	simm.s32 $0x0;
	[tilespmem:v54+s23+$0x0] =	vst.idx.add.f32.msk $0xffff, v2  }
0x1c8: {  	[tilespmem:s14], [sflag:$0x1] =	stream.linear.gather [hbm4b:s1+s0], $0x7D0, $0x38;
	[tilespmem:$0x15500] =	vst v63  }
0x1c9: {  	_ =	swait.ge [sflag:s12], $0x7D0  }
0x1ca: {  	s1 =	sld [smem:$0x7D0]  }
0x1cb: {  	[sflag:s12] =	ssyncset.done $0x0  }
0x1cc: {  	[sflag:s12] =	ssyncadd.s32 $0xFFFFF830  }
0x1cd: {  	[tilespmem:s15], [sflag:$0x1] =	stream.linear.gather [hbm4b:s1+s0], $0x7D0, $0x38;
	[tilespmem:$0x15500] =	vst v63  }
0x1ce: {  	_ =	swait.ge [sflag:s12], $0x7D0  }
0x1cf: {  	s1 =	sld [smem:$0x7CB]  }
0x1d0: {  	[sflag:s12] =	ssyncset.done $0x0  }
0x1d1: {  	[sflag:s12] =	ssyncadd.s32 $0xFFFFF830  }
0x1d2: {  	[tilespmem:s16], [sflag:$0x1] =	stream.linear.gather [hbm4b:s1+s0], $0x7D0, $0x38;
	[tilespmem:$0x15500] =	vst v63  }
0x1d3: {  	_ =	swait.ge [sflag:s12], $0x7D0  }
0x1d4: {  	s1 =	sld [smem:$0x7CC]  }
0x1d5: {  	[sflag:s12] =	ssyncset.done $0x0  }
0x1d6: {  	[sflag:s12] =	ssyncadd.s32 $0xFFFFF830  }
0x1d7: {  	[tilespmem:s17], [sflag:$0x1] =	stream.linear.gather [hbm4b:s1+s0], $0x7D0, $0x38;
	[tilespmem:$0x15500] =	vst v63  }
0x1d8: {  	_ =	swait.ge [sflag:s12], $0x7D0  }
0x1d9: {  	s1 =	sld [smem:$0x7CD]  }
0x1da: {  	[sflag:s12] =	ssyncset.done $0x0  }
0x1db: {  	[sflag:s12] =	ssyncadd.s32 $0xFFFFF830  }
0x1dc: {  	[tilespmem:s18], [sflag:$0x1] =	stream.linear.gather [hbm4b:s1+s0], $0x7D0, $0x38;
	[tilespmem:$0x15500] =	vst v63  }
0x1dd: {  	_ =	swait.ge [sflag:s12], $0x7D0  }
0x1de: {  	s1 =	sld [smem:$0x7CE]  }
0x1df: {  	[sflag:s12] =	ssyncset.done $0x0  }
0x1e0: {  	[sflag:s12] =	ssyncadd.s32 $0xFFFFF830  }
0x1e1: {  	[tilespmem:s19], [sflag:$0x1] =	stream.linear.gather [hbm4b:s1+s0], $0x7D0, $0x38;
	[tilespmem:$0x15500] =	vst v63  }
0x1e2: {  	_ =	swait.ge [sflag:s12], $0x7D0  }
0x1e3: {  	s1 =	sld [smem:$0x7CF]  }
0x1e4: {  	[sflag:s12] =	ssyncset.done $0x0  }
0x1e5: {  	[sflag:s12] =	ssyncadd.s32 $0xFFFFF830  }
0x1e6: {  	[tilespmem:s20], [sflag:$0x1] =	stream.linear.gather [hbm4b:s1+s0], $0x7D0, $0x38;
	[tilespmem:$0x15500] =	vst v63  }
0x1e7: {  	_ =	swait.ge [sflag:s12], $0x7D0  }
0x1e8: {  	[sflag:s12] =	ssyncset.done $0x0  }
0x1e9: {  	s1 =	simm.s32 $0x0;
	[sflag:s12] =	ssyncadd.s32 $0xFFFFF830  }
0x1ea: {  	v3 =	vld [tilespmem:s1+$0x2800];
	_ =	sdelay $0x6  }
0x1eb: {  	v2 =	vld [tilespmem:s1+$0x3800]  }
0x1ec: {  	v1 =	vld.idx.msk [tilespmem:v3+s13+$0x0], $0xffff;
	_ =	sdelay $0x1  }
0x1ed: {  	v57 =	vld [tilespmem:s1+$0x4000];
	_ =	sdelay $0x1  }
0x1ee: {  	v58 =	vld [tilespmem:s1+$0x4800]  }
0x1ef: {  	v1 =	vmul.f32 v2, v1;
	v2 =	vld [tilespmem:s1+$0x5000]  }
0x1f0: {  	v59 =	vld [tilespmem:s1+$0x5800]  }
0x1f1: {  	v4 =	vadd.f32 v57, v1  }
0x1f2: {  	v1 =	vld [tilespmem:s1+$0x3000]  }
0x1f3: {  	v5 =	vmul.f32 v58, v4  }
0x1f4: {  	v60 =	vmul.f32 v2, v4  }
0x1f5: {  	v2 =	vmul.f32 v59, v4;
	v61 =	vsub.f32 $0.0e+00, v5  }
0x1f6: {  	v62 =	vsub.f32 $0.0e+00, v60  }
0x1f7: {  	v63 =	vsub.f32 $0.0e+00, v2;
	[tilespmem:v3+s21+$0x0] =	vst.idx.add.f32.msk $0xffff, v61  }
0x1f8: {  	[tilespmem:v3+s22+$0x0] =	vst.idx.add.f32.msk $0xffff, v62  }
0x1f9: {  	[tilespmem:v3+s23+$0x0] =	vst.idx.add.f32.msk $0xffff, v63  }
0x1fa: {  	[tilespmem:v1+s21+$0x0] =	vst.idx.add.f32.msk $0xffff, v5  }
0x1fb: {  	s31 =	simm.s32 $0x40;
	s0 =	simm.s32 $0x80;
	[tilespmem:v1+s22+$0x0] =	vst.idx.add.f32.msk $0xffff, v60  }
.LBB2_12:
0x1fc: {  	p0 =	sne.s32 s0, $0x1F00  }
0x1fd: {  	s1 =	sshra.s32 s31, $0x2;
	[tilespmem:v1+s23+$0x0] =	vst.idx.add.f32.msk $0xffff, v2;
	s31 =	smov.u32 s0;
	s0 =	sadd.s32 $0x40, s0  }
0x1fe: {  	v3 =	vld [tilespmem:s1+$0x2800];
	_ =	sdelay $0x7  }
0x1ff: {  	v1 =	vld.idx.msk [tilespmem:v3+s13+$0x0], $0xffff  }
0x200: {  	v2 =	vld [tilespmem:s1+$0x3800];
	_ =	sdelay $0x1  }
0x201: {  	v4 =	vld [tilespmem:s1+$0x4000];
	_ =	sdelay $0x1  }
0x202: {  	v5 =	vld [tilespmem:s1+$0x4800]  }
0x203: {  	v1 =	vmul.f32 v2, v1;
	v2 =	vld [tilespmem:s1+$0x5000]  }
0x204: {  	v6 =	vld [tilespmem:s1+$0x5800]  }
0x205: {  	v4 =	vadd.f32 v4, v1  }
0x206: {  	v1 =	vld [tilespmem:s1+$0x3000]  }
0x207: {  	v5 =	vmul.f32 v5, v4  }
0x208: {  	v7 =	vmul.f32 v2, v4  }
0x209: {  	v2 =	vmul.f32 v6, v4;
	v4 =	vsub.f32 $0.0e+00, v5  }
0x20a: {  	v6 =	vsub.f32 $0.0e+00, v7  }
.Ltmp5:
0x20b: {  	[tilespmem:v3+s21+$0x0] =	vst.idx.add.f32.msk $0xffff, v4;
	v4 =	vsub.f32 $0.0e+00, v2;
	(pc) =	sbr.rel @p0 .LBB2_12-.Ltmp5, $4  }
0x20c: {  	[tilespmem:v3+s22+$0x0] =	vst.idx.add.f32.msk $0xffff, v6  }
0x20d: {  	[tilespmem:v3+s23+$0x0] =	vst.idx.add.f32.msk $0xffff, v4  }
0x20e: {  	[tilespmem:v1+s21+$0x0] =	vst.idx.add.f32.msk $0xffff, v5  }
0x20f: {  	[tilespmem:v1+s22+$0x0] =	vst.idx.add.f32.msk $0xffff, v7  }
0x210: {  	_ =	sdelay $0x3  }
0x211: {  	s0 =	sshra.s32 s31, $0x2;
	[tilespmem:v1+s23+$0x0] =	vst.idx.add.f32.msk $0xffff, v2  }
0x212: {  	v1 =	vld [tilespmem:s0+$0x2800];
	_ =	sdelay $0x6  }
0x213: {  	v3 =	vld [tilespmem:s0+$0x3800]  }
0x214: {  	v2 =	vld.idx.msk [tilespmem:v1+s13+$0x0], $0xffff;
	_ =	sdelay $0x1  }
0x215: {  	v4 =	vld [tilespmem:s0+$0x4000];
	_ =	sdelay $0x1  }
0x216: {  	v5 =	vld [tilespmem:s0+$0x4800]  }
0x217: {  	v2 =	vmul.f32 v3, v2;
	v3 =	vld [tilespmem:s0+$0x5000]  }
0x218: {  	v6 =	vld [tilespmem:s0+$0x5800]  }
0x219: {  	v2 =	vadd.f32 v4, v2  }
0x21a: {  	v61 =	vld [tilespmem:s0+$0x3000]  }
0x21b: {  	v5 =	vmul.f32 v5, v2  }
0x21c: {  	v3 =	vmul.f32 v3, v2  }
0x21d: {  	v2 =	vmul.f32 v6, v2;
	v62 =	vsub.f32 $0.0e+00, v5  }
0x21e: {  	v7 =	vsub.f32 $0.0e+00, v3  }
0x21f: {  	v63 =	vsub.f32 $0.0e+00, v2;
	[tilespmem:v1+s21+$0x0] =	vst.idx.add.f32.msk $0xffff, v62  }
0x220: {  	[tilespmem:v1+s22+$0x0] =	vst.idx.add.f32.msk $0xffff, v7  }
0x221: {  	[tilespmem:v1+s23+$0x0] =	vst.idx.add.f32.msk $0xffff, v63  }
0x222: {  	[tilespmem:v61+s21+$0x0] =	vst.idx.add.f32.msk $0xffff, v5  }
0x223: {  	[tilespmem:v61+s22+$0x0] =	vst.idx.add.f32.msk $0xffff, v3  }
0x224: {  	[tilespmem:v61+s23+$0x0] =	vst.idx.add.f32.msk $0xffff, v2  }
0x225: {  	[spmem:s8] =	stream.strided.scatter [tilespmem:s21], [sflag:$0x1], $0x2800, s25, s24, $0x38;
	[tilespmem:$0x15500] =	vst v63  }
0x226: {  	_ =	swait.ge [sflag:s12], $0x2800  }
0x227: {  	s1 =	sld [smem:$0x7D5]  }
0x228: {  	[sflag:s12] =	ssyncset.done $0x0  }
0x229: {  	[sflag:s12] =	ssyncadd.s32 $0xFFFFD800  }
0x22a: {  	[spmem:s1] =	stream.strided.scatter [tilespmem:s22], [sflag:$0x1], $0x2800, s25, s24, $0x38;
	[tilespmem:$0x15500] =	vst v63  }
0x22b: {  	_ =	swait.ge [sflag:s12], $0x2800  }
0x22c: {  	s1 =	sld [smem:$0x7D6]  }
0x22d: {  	[sflag:s12] =	ssyncset.done $0x0  }
0x22e: {  	[sflag:s12] =	ssyncadd.s32 $0xFFFFD800  }
0x22f: {  	[spmem:s1] =	stream.strided.scatter [tilespmem:s23], [sflag:$0x1], $0x2800, s25, s24, $0x38;
	[tilespmem:$0x15500] =	vst v63  }
0x230: {  	_ =	swait.ge [sflag:s12], $0x2800  }
0x231: {  	[sflag:s12] =	ssyncset.done $0x0  }
0x232: {  	[sflag:s12] =	ssyncadd.s32 $0xFFFFD800  }
0x233: {  	[bflag:$0x0] =	sbarrier.arrive $0xFFFF  }
0x234: {  	[tilespmem:$0xDA80] =	vst v0  }
0x235: {  	[tilespmem:$0xDA90] =	vst v0  }
0x236: {  	[tilespmem:$0xDAA0] =	vst v0  }
0x237: {  	[tilespmem:$0xDAB0] =	vst v0  }
0x238: {  	[tilespmem:$0xDAC0] =	vst v0  }
0x239: {  	[tilespmem:$0xDAD0] =	vst v0  }
0x23a: {  	[tilespmem:$0xDAE0] =	vst v0  }
0x23b: {  	[tilespmem:$0xDAF0] =	vst v0  }
0x23c: {  	[tilespmem:$0xDB00] =	vst v0  }
0x23d: {  	[tilespmem:$0xDB10] =	vst v0  }
0x23e: {  	[tilespmem:$0xDB20] =	vst v0  }
0x23f: {  	[tilespmem:$0xDB30] =	vst v0  }
0x240: {  	[tilespmem:$0xDB40] =	vst v0  }
0x241: {  	[tilespmem:$0xDB50] =	vst v0  }
0x242: {  	[tilespmem:$0xDB60] =	vst v0  }
0x243: {  	[tilespmem:$0xDB70] =	vst v0  }
0x244: {  	[tilespmem:$0xDB80] =	vst v0  }
0x245: {  	[tilespmem:$0xDB90] =	vst v0  }
0x246: {  	[tilespmem:$0xDBA0] =	vst v0  }
0x247: {  	[tilespmem:$0xDBB0] =	vst v0  }
0x248: {  	[tilespmem:$0xDBC0] =	vst v0  }
0x249: {  	[tilespmem:$0xDBD0] =	vst v0  }
0x24a: {  	[tilespmem:$0xDBE0] =	vst v0  }
0x24b: {  	[tilespmem:$0xDBF0] =	vst v0  }
0x24c: {  	[tilespmem:$0xDC00] =	vst v0  }
0x24d: {  	[tilespmem:$0xDC10] =	vst v0  }
0x24e: {  	[tilespmem:$0xDC20] =	vst v0  }
0x24f: {  	[tilespmem:$0xDC30] =	vst v0  }
0x250: {  	[tilespmem:$0xDC40] =	vst v0  }
0x251: {  	[tilespmem:$0xDC50] =	vst v0  }
0x252: {  	[tilespmem:$0xDC60] =	vst v0  }
0x253: {  	[tilespmem:$0xDC70] =	vst v0  }
0x254: {  	[tilespmem:$0xDC80] =	vst v0  }
0x255: {  	[tilespmem:$0xDC90] =	vst v0  }
0x256: {  	[tilespmem:$0xDCA0] =	vst v0  }
0x257: {  	[tilespmem:$0xDCB0] =	vst v0  }
0x258: {  	[tilespmem:$0xDCC0] =	vst v0  }
0x259: {  	[tilespmem:$0xDCD0] =	vst v0  }
0x25a: {  	[tilespmem:$0xDCE0] =	vst v0  }
0x25b: {  	[tilespmem:$0xDCF0] =	vst v0  }
0x25c: {  	[tilespmem:s26], [sflag:$0x1] =	stream.strided.gather [spmem:s9], $0x280, s25, s24, $0x38;
	[tilespmem:$0x15500] =	vst v63  }
0x25d: {  	_ =	swait.ge [sflag:s12], $0x280  }
0x25e: {  	[sflag:s12] =	ssyncset.done $0x0  }
0x25f: {  	s0 =	simm.s32 $0x0;
	[sflag:s12] =	ssyncadd.s32 $0xFFFFFD80  }
0x260: {  	s31 =	simm.s32 $0x40;
	v1 =	vld [tilespmem:s0+$0xD800]  }
.LBB2_14:
0x261: {  	p0 =	sne.s32 s31, $0x9C0;
	v2 =	vld [tilespmem:s0+$0xDA80];
	_ =	sdelay $0x2  }
.Ltmp6:
0x262: {  	(pc) =	sbr.rel @p0 .LBB2_14-.Ltmp6, $4  }
0x263: {  	_ = 	snop  }
0x264: {  	v2 =	vadd.f32 v1, v2  }
0x265: {  	s1 =	sshra.s32 s31, $0x2  }
0x266: {  	s31 =	sadd.s32 $0x40, s31;
	v1 =	vld [tilespmem:s1+$0xD800];
	[tilespmem:s0+$0xDA80] =	vst v2;
	s0 =	smov.u32 s1  }
0x267: {  	v2 =	vld [tilespmem:s0+$0xDA80];
	_ =	sdelay $0x4  }
0x268: {  	s1 =	sld [smem:$0x7D7];
	v1 =	vadd.f32 v1, v2;
	_ =	sdelay $0x1  }
0x269: {  	[tilespmem:s0+$0xDA80] =	vst v1  }
0x26a: {  	[tilespmem:s26], [sflag:$0x1] =	stream.strided.gather [spmem:s1], $0x280, s25, s24, $0x38;
	[tilespmem:$0x15500] =	vst v63  }
0x26b: {  	_ =	swait.ge [sflag:s12], $0x280  }
0x26c: {  	[sflag:s12] =	ssyncset.done $0x0  }
0x26d: {  	s0 =	simm.s32 $0x0;
	[sflag:s12] =	ssyncadd.s32 $0xFFFFFD80  }
0x26e: {  	s31 =	simm.s32 $0x40;
	v1 =	vld [tilespmem:s0+$0xD800]  }
.LBB2_16:
0x26f: {  	p0 =	sne.s32 s31, $0x9C0;
	v2 =	vld [tilespmem:s0+$0xDA80];
	_ =	sdelay $0x2  }
.Ltmp7:
0x270: {  	(pc) =	sbr.rel @p0 .LBB2_16-.Ltmp7, $4  }
0x271: {  	_ = 	snop  }
0x272: {  	v2 =	vadd.f32 v1, v2  }
0x273: {  	s1 =	sshra.s32 s31, $0x2  }
0x274: {  	s31 =	sadd.s32 $0x40, s31;
	v1 =	vld [tilespmem:s1+$0xD800];
	[tilespmem:s0+$0xDA80] =	vst v2;
	s0 =	smov.u32 s1  }
0x275: {  	v2 =	vld [tilespmem:s0+$0xDA80];
	_ =	sdelay $0x4  }
0x276: {  	s1 =	sld [smem:$0x7D8];
	v1 =	vadd.f32 v1, v2;
	_ =	sdelay $0x1  }
0x277: {  	[tilespmem:s0+$0xDA80] =	vst v1  }
0x278: {  	[tilespmem:s26], [sflag:$0x1] =	stream.strided.gather [spmem:s1], $0x280, s25, s24, $0x38;
	[tilespmem:$0x15500] =	vst v63  }
0x279: {  	_ =	swait.ge [sflag:s12], $0x280  }
0x27a: {  	[sflag:s12] =	ssyncset.done $0x0  }
0x27b: {  	s0 =	simm.s32 $0x0;
	[sflag:s12] =	ssyncadd.s32 $0xFFFFFD80  }
0x27c: {  	s31 =	simm.s32 $0x40;
	v1 =	vld [tilespmem:s0+$0xD800]  }
.LBB2_18:
0x27d: {  	p0 =	sne.s32 s31, $0x9C0;
	v2 =	vld [tilespmem:s0+$0xDA80];
	_ =	sdelay $0x2  }
.Ltmp8:
0x27e: {  	(pc) =	sbr.rel @p0 .LBB2_18-.Ltmp8, $4  }
0x27f: {  	_ = 	snop  }
0x280: {  	v2 =	vadd.f32 v1, v2  }
0x281: {  	s1 =	sshra.s32 s31, $0x2  }
0x282: {  	s31 =	sadd.s32 $0x40, s31;
	v1 =	vld [tilespmem:s1+$0xD800];
	[tilespmem:s0+$0xDA80] =	vst v2;
	s0 =	smov.u32 s1  }
0x283: {  	v2 =	vld [tilespmem:s0+$0xDA80];
	_ =	sdelay $0x4  }
0x284: {  	s1 =	sld [smem:$0x7D9];
	v1 =	vadd.f32 v1, v2;
	_ =	sdelay $0x1  }
0x285: {  	[tilespmem:s0+$0xDA80] =	vst v1  }
0x286: {  	[tilespmem:s26], [sflag:$0x1] =	stream.strided.gather [spmem:s1], $0x280, s25, s24, $0x38;
	[tilespmem:$0x15500] =	vst v63  }
0x287: {  	_ =	swait.ge [sflag:s12], $0x280  }
0x288: {  	[sflag:s12] =	ssyncset.done $0x0  }
0x289: {  	s0 =	simm.s32 $0x0;
	[sflag:s12] =	ssyncadd.s32 $0xFFFFFD80  }
0x28a: {  	s31 =	simm.s32 $0x40;
	v1 =	vld [tilespmem:s0+$0xD800]  }
.LBB2_20:
0x28b: {  	p0 =	sne.s32 s31, $0x9C0;
	v2 =	vld [tilespmem:s0+$0xDA80];
	_ =	sdelay $0x2  }
.Ltmp9:
0x28c: {  	(pc) =	sbr.rel @p0 .LBB2_20-.Ltmp9, $4  }
0x28d: {  	_ = 	snop  }
0x28e: {  	v2 =	vadd.f32 v1, v2  }
0x28f: {  	s1 =	sshra.s32 s31, $0x2  }
0x290: {  	s31 =	sadd.s32 $0x40, s31;
	v1 =	vld [tilespmem:s1+$0xD800];
	[tilespmem:s0+$0xDA80] =	vst v2;
	s0 =	smov.u32 s1  }
0x291: {  	v2 =	vld [tilespmem:s0+$0xDA80];
	_ =	sdelay $0x4  }
0x292: {  	s1 =	sld [smem:$0x7DA];
	v1 =	vadd.f32 v1, v2;
	_ =	sdelay $0x1  }
0x293: {  	[tilespmem:s0+$0xDA80] =	vst v1  }
0x294: {  	[tilespmem:s26], [sflag:$0x1] =	stream.strided.gather [spmem:s1], $0x280, s25, s24, $0x38;
	[tilespmem:$0x15500] =	vst v63  }
0x295: {  	_ =	swait.ge [sflag:s12], $0x280  }
0x296: {  	[sflag:s12] =	ssyncset.done $0x0  }
0x297: {  	s0 =	simm.s32 $0x0;
	[sflag:s12] =	ssyncadd.s32 $0xFFFFFD80  }
0x298: {  	s31 =	simm.s32 $0x40;
	v1 =	vld [tilespmem:s0+$0xD800]  }
.LBB2_22:
0x299: {  	p0 =	sne.s32 s31, $0x9C0;
	v2 =	vld [tilespmem:s0+$0xDA80];
	_ =	sdelay $0x2  }
.Ltmp10:
0x29a: {  	(pc) =	sbr.rel @p0 .LBB2_22-.Ltmp10, $4  }
0x29b: {  	_ = 	snop  }
0x29c: {  	v2 =	vadd.f32 v1, v2  }
0x29d: {  	s1 =	sshra.s32 s31, $0x2  }
0x29e: {  	s31 =	sadd.s32 $0x40, s31;
	v1 =	vld [tilespmem:s1+$0xD800];
	[tilespmem:s0+$0xDA80] =	vst v2;
	s0 =	smov.u32 s1  }
0x29f: {  	v2 =	vld [tilespmem:s0+$0xDA80];
	_ =	sdelay $0x4  }
0x2a0: {  	s1 =	sld [smem:$0x7DB];
	v1 =	vadd.f32 v1, v2;
	_ =	sdelay $0x1  }
0x2a1: {  	[tilespmem:s0+$0xDA80] =	vst v1  }
0x2a2: {  	[tilespmem:s26], [sflag:$0x1] =	stream.strided.gather [spmem:s1], $0x280, s25, s24, $0x38;
	[tilespmem:$0x15500] =	vst v63  }
0x2a3: {  	_ =	swait.ge [sflag:s12], $0x280  }
0x2a4: {  	[sflag:s12] =	ssyncset.done $0x0  }
0x2a5: {  	s0 =	simm.s32 $0x0;
	[sflag:s12] =	ssyncadd.s32 $0xFFFFFD80  }
0x2a6: {  	s31 =	simm.s32 $0x40;
	v1 =	vld [tilespmem:s0+$0xD800]  }
.LBB2_24:
0x2a7: {  	p0 =	sne.s32 s31, $0x9C0;
	v2 =	vld [tilespmem:s0+$0xDA80];
	_ =	sdelay $0x2  }
.Ltmp11:
0x2a8: {  	(pc) =	sbr.rel @p0 .LBB2_24-.Ltmp11, $4  }
0x2a9: {  	_ = 	snop  }
0x2aa: {  	v2 =	vadd.f32 v1, v2  }
0x2ab: {  	s1 =	sshra.s32 s31, $0x2  }
0x2ac: {  	s31 =	sadd.s32 $0x40, s31;
	v1 =	vld [tilespmem:s1+$0xD800];
	[tilespmem:s0+$0xDA80] =	vst v2;
	s0 =	smov.u32 s1  }
0x2ad: {  	v2 =	vld [tilespmem:s0+$0xDA80];
	_ =	sdelay $0x4  }
0x2ae: {  	s1 =	sld [smem:$0x7DC];
	v1 =	vadd.f32 v1, v2;
	_ =	sdelay $0x1  }
0x2af: {  	[tilespmem:s0+$0xDA80] =	vst v1  }
0x2b0: {  	[tilespmem:s26], [sflag:$0x1] =	stream.strided.gather [spmem:s1], $0x280, s25, s24, $0x38;
	[tilespmem:$0x15500] =	vst v63  }
0x2b1: {  	_ =	swait.ge [sflag:s12], $0x280  }
0x2b2: {  	[sflag:s12] =	ssyncset.done $0x0  }
0x2b3: {  	s0 =	simm.s32 $0x0;
	[sflag:s12] =	ssyncadd.s32 $0xFFFFFD80  }
0x2b4: {  	s31 =	simm.s32 $0x40;
	v1 =	vld [tilespmem:s0+$0xD800]  }
.LBB2_26:
0x2b5: {  	p0 =	sne.s32 s31, $0x9C0;
	v2 =	vld [tilespmem:s0+$0xDA80];
	_ =	sdelay $0x2  }
.Ltmp12:
0x2b6: {  	(pc) =	sbr.rel @p0 .LBB2_26-.Ltmp12, $4  }
0x2b7: {  	_ = 	snop  }
0x2b8: {  	v2 =	vadd.f32 v1, v2  }
0x2b9: {  	s1 =	sshra.s32 s31, $0x2  }
0x2ba: {  	s31 =	sadd.s32 $0x40, s31;
	v1 =	vld [tilespmem:s1+$0xD800];
	[tilespmem:s0+$0xDA80] =	vst v2;
	s0 =	smov.u32 s1  }
0x2bb: {  	v2 =	vld [tilespmem:s0+$0xDA80];
	_ =	sdelay $0x4  }
0x2bc: {  	s1 =	sld [smem:$0x7DD];
	v1 =	vadd.f32 v1, v2;
	_ =	sdelay $0x1  }
0x2bd: {  	[tilespmem:s0+$0xDA80] =	vst v1  }
0x2be: {  	[tilespmem:s26], [sflag:$0x1] =	stream.strided.gather [spmem:s1], $0x280, s25, s24, $0x38;
	[tilespmem:$0x15500] =	vst v63  }
0x2bf: {  	_ =	swait.ge [sflag:s12], $0x280  }
0x2c0: {  	[sflag:s12] =	ssyncset.done $0x0  }
0x2c1: {  	s0 =	simm.s32 $0x0;
	[sflag:s12] =	ssyncadd.s32 $0xFFFFFD80  }
0x2c2: {  	s31 =	simm.s32 $0x40;
	v1 =	vld [tilespmem:s0+$0xD800]  }
.LBB2_28:
0x2c3: {  	p0 =	sne.s32 s31, $0x9C0;
	v2 =	vld [tilespmem:s0+$0xDA80];
	_ =	sdelay $0x2  }
.Ltmp13:
0x2c4: {  	(pc) =	sbr.rel @p0 .LBB2_28-.Ltmp13, $4  }
0x2c5: {  	_ = 	snop  }
0x2c6: {  	v2 =	vadd.f32 v1, v2  }
0x2c7: {  	s1 =	sshra.s32 s31, $0x2  }
0x2c8: {  	s31 =	sadd.s32 $0x40, s31;
	v1 =	vld [tilespmem:s1+$0xD800];
	[tilespmem:s0+$0xDA80] =	vst v2;
	s0 =	smov.u32 s1  }
0x2c9: {  	v2 =	vld [tilespmem:s0+$0xDA80];
	_ =	sdelay $0x4  }
0x2ca: {  	s1 =	sld [smem:$0x7DE];
	v1 =	vadd.f32 v1, v2;
	_ =	sdelay $0x1  }
0x2cb: {  	[tilespmem:s0+$0xDA80] =	vst v1  }
0x2cc: {  	[tilespmem:s26], [sflag:$0x1] =	stream.strided.gather [spmem:s1], $0x280, s25, s24, $0x38;
	[tilespmem:$0x15500] =	vst v63  }
0x2cd: {  	_ =	swait.ge [sflag:s12], $0x280  }
0x2ce: {  	[sflag:s12] =	ssyncset.done $0x0  }
0x2cf: {  	s0 =	simm.s32 $0x0;
	[sflag:s12] =	ssyncadd.s32 $0xFFFFFD80  }
0x2d0: {  	s31 =	simm.s32 $0x40;
	v1 =	vld [tilespmem:s0+$0xD800]  }
.LBB2_30:
0x2d1: {  	p0 =	sne.s32 s31, $0x9C0;
	v2 =	vld [tilespmem:s0+$0xDA80];
	_ =	sdelay $0x2  }
.Ltmp14:
0x2d2: {  	(pc) =	sbr.rel @p0 .LBB2_30-.Ltmp14, $4  }
0x2d3: {  	_ = 	snop  }
0x2d4: {  	v2 =	vadd.f32 v1, v2  }
0x2d5: {  	s1 =	sshra.s32 s31, $0x2  }
0x2d6: {  	s31 =	sadd.s32 $0x40, s31;
	v1 =	vld [tilespmem:s1+$0xD800];
	[tilespmem:s0+$0xDA80] =	vst v2;
	s0 =	smov.u32 s1  }
0x2d7: {  	v2 =	vld [tilespmem:s0+$0xDA80];
	_ =	sdelay $0x4  }
0x2d8: {  	s1 =	sld [smem:$0x7DF];
	v1 =	vadd.f32 v1, v2;
	_ =	sdelay $0x1  }
0x2d9: {  	[tilespmem:s0+$0xDA80] =	vst v1  }
0x2da: {  	[tilespmem:s26], [sflag:$0x1] =	stream.strided.gather [spmem:s1], $0x280, s25, s24, $0x38;
	[tilespmem:$0x15500] =	vst v63  }
0x2db: {  	_ =	swait.ge [sflag:s12], $0x280  }
0x2dc: {  	[sflag:s12] =	ssyncset.done $0x0  }
0x2dd: {  	s0 =	simm.s32 $0x0;
	[sflag:s12] =	ssyncadd.s32 $0xFFFFFD80  }
0x2de: {  	s31 =	simm.s32 $0x40;
	v1 =	vld [tilespmem:s0+$0xD800]  }
.LBB2_32:
0x2df: {  	p0 =	sne.s32 s31, $0x9C0;
	v2 =	vld [tilespmem:s0+$0xDA80];
	_ =	sdelay $0x2  }
.Ltmp15:
0x2e0: {  	(pc) =	sbr.rel @p0 .LBB2_32-.Ltmp15, $4  }
0x2e1: {  	_ = 	snop  }
0x2e2: {  	v2 =	vadd.f32 v1, v2  }
0x2e3: {  	s1 =	sshra.s32 s31, $0x2  }
0x2e4: {  	s31 =	sadd.s32 $0x40, s31;
	v1 =	vld [tilespmem:s1+$0xD800];
	[tilespmem:s0+$0xDA80] =	vst v2;
	s0 =	smov.u32 s1  }
0x2e5: {  	v2 =	vld [tilespmem:s0+$0xDA80];
	_ =	sdelay $0x4  }
0x2e6: {  	s1 =	sld [smem:$0x7E0];
	v1 =	vadd.f32 v1, v2;
	_ =	sdelay $0x1  }
0x2e7: {  	[tilespmem:s0+$0xDA80] =	vst v1  }
0x2e8: {  	[tilespmem:s26], [sflag:$0x1] =	stream.strided.gather [spmem:s1], $0x280, s25, s24, $0x38;
	[tilespmem:$0x15500] =	vst v63  }
0x2e9: {  	_ =	swait.ge [sflag:s12], $0x280  }
0x2ea: {  	[sflag:s12] =	ssyncset.done $0x0  }
0x2eb: {  	s0 =	simm.s32 $0x0;
	[sflag:s12] =	ssyncadd.s32 $0xFFFFFD80  }
0x2ec: {  	s31 =	simm.s32 $0x40;
	v1 =	vld [tilespmem:s0+$0xD800]  }
.LBB2_34:
0x2ed: {  	p0 =	sne.s32 s31, $0x9C0;
	v2 =	vld [tilespmem:s0+$0xDA80];
	_ =	sdelay $0x2  }
.Ltmp16:
0x2ee: {  	(pc) =	sbr.rel @p0 .LBB2_34-.Ltmp16, $4  }
0x2ef: {  	_ = 	snop  }
0x2f0: {  	v2 =	vadd.f32 v1, v2  }
0x2f1: {  	s1 =	sshra.s32 s31, $0x2  }
0x2f2: {  	s31 =	sadd.s32 $0x40, s31;
	v1 =	vld [tilespmem:s1+$0xD800];
	[tilespmem:s0+$0xDA80] =	vst v2;
	s0 =	smov.u32 s1  }
0x2f3: {  	v2 =	vld [tilespmem:s0+$0xDA80];
	_ =	sdelay $0x4  }
0x2f4: {  	s1 =	sld [smem:$0x7E1];
	v1 =	vadd.f32 v1, v2;
	_ =	sdelay $0x1  }
0x2f5: {  	[tilespmem:s0+$0xDA80] =	vst v1  }
0x2f6: {  	[tilespmem:s26], [sflag:$0x1] =	stream.strided.gather [spmem:s1], $0x280, s25, s24, $0x38;
	[tilespmem:$0x15500] =	vst v63  }
0x2f7: {  	_ =	swait.ge [sflag:s12], $0x280  }
0x2f8: {  	[sflag:s12] =	ssyncset.done $0x0  }
0x2f9: {  	s0 =	simm.s32 $0x0;
	[sflag:s12] =	ssyncadd.s32 $0xFFFFFD80  }
0x2fa: {  	s31 =	simm.s32 $0x40;
	v1 =	vld [tilespmem:s0+$0xD800]  }
.LBB2_36:
0x2fb: {  	p0 =	sne.s32 s31, $0x9C0;
	v2 =	vld [tilespmem:s0+$0xDA80];
	_ =	sdelay $0x2  }
.Ltmp17:
0x2fc: {  	(pc) =	sbr.rel @p0 .LBB2_36-.Ltmp17, $4  }
0x2fd: {  	_ = 	snop  }
0x2fe: {  	v2 =	vadd.f32 v1, v2  }
0x2ff: {  	s1 =	sshra.s32 s31, $0x2  }
0x300: {  	s31 =	sadd.s32 $0x40, s31;
	v1 =	vld [tilespmem:s1+$0xD800];
	[tilespmem:s0+$0xDA80] =	vst v2;
	s0 =	smov.u32 s1  }
0x301: {  	v2 =	vld [tilespmem:s0+$0xDA80];
	_ =	sdelay $0x4  }
0x302: {  	s1 =	sld [smem:$0x7E2];
	v1 =	vadd.f32 v1, v2;
	_ =	sdelay $0x1  }
0x303: {  	[tilespmem:s0+$0xDA80] =	vst v1  }
0x304: {  	[tilespmem:s26], [sflag:$0x1] =	stream.strided.gather [spmem:s1], $0x280, s25, s24, $0x38;
	[tilespmem:$0x15500] =	vst v63  }
0x305: {  	_ =	swait.ge [sflag:s12], $0x280  }
0x306: {  	[sflag:s12] =	ssyncset.done $0x0  }
0x307: {  	s0 =	simm.s32 $0x0;
	[sflag:s12] =	ssyncadd.s32 $0xFFFFFD80  }
0x308: {  	s31 =	simm.s32 $0x40;
	v1 =	vld [tilespmem:s0+$0xD800]  }
.LBB2_38:
0x309: {  	p0 =	sne.s32 s31, $0x9C0;
	v2 =	vld [tilespmem:s0+$0xDA80];
	_ =	sdelay $0x2  }
.Ltmp18:
0x30a: {  	(pc) =	sbr.rel @p0 .LBB2_38-.Ltmp18, $4  }
0x30b: {  	_ = 	snop  }
0x30c: {  	v2 =	vadd.f32 v1, v2  }
0x30d: {  	s1 =	sshra.s32 s31, $0x2  }
0x30e: {  	s31 =	sadd.s32 $0x40, s31;
	v1 =	vld [tilespmem:s1+$0xD800];
	[tilespmem:s0+$0xDA80] =	vst v2;
	s0 =	smov.u32 s1  }
0x30f: {  	v2 =	vld [tilespmem:s0+$0xDA80];
	_ =	sdelay $0x4  }
0x310: {  	s1 =	sld [smem:$0x7E3];
	v1 =	vadd.f32 v1, v2;
	_ =	sdelay $0x1  }
0x311: {  	[tilespmem:s0+$0xDA80] =	vst v1  }
0x312: {  	[tilespmem:s26], [sflag:$0x1] =	stream.strided.gather [spmem:s1], $0x280, s25, s24, $0x38;
	[tilespmem:$0x15500] =	vst v63  }
0x313: {  	_ =	swait.ge [sflag:s12], $0x280  }
0x314: {  	[sflag:s12] =	ssyncset.done $0x0  }
0x315: {  	s0 =	simm.s32 $0x0;
	[sflag:s12] =	ssyncadd.s32 $0xFFFFFD80  }
0x316: {  	s31 =	simm.s32 $0x40;
	v1 =	vld [tilespmem:s0+$0xD800]  }
.LBB2_40:
0x317: {  	p0 =	sne.s32 s31, $0x9C0;
	v2 =	vld [tilespmem:s0+$0xDA80];
	_ =	sdelay $0x2  }
.Ltmp19:
0x318: {  	(pc) =	sbr.rel @p0 .LBB2_40-.Ltmp19, $4  }
0x319: {  	_ = 	snop  }
0x31a: {  	v2 =	vadd.f32 v1, v2  }
0x31b: {  	s1 =	sshra.s32 s31, $0x2  }
0x31c: {  	s31 =	sadd.s32 $0x40, s31;
	v1 =	vld [tilespmem:s1+$0xD800];
	[tilespmem:s0+$0xDA80] =	vst v2;
	s0 =	smov.u32 s1  }
0x31d: {  	v2 =	vld [tilespmem:s0+$0xDA80];
	_ =	sdelay $0x4  }
0x31e: {  	s1 =	sld [smem:$0x7E4];
	v1 =	vadd.f32 v1, v2;
	_ =	sdelay $0x1  }
0x31f: {  	[tilespmem:s0+$0xDA80] =	vst v1  }
0x320: {  	[tilespmem:s26], [sflag:$0x1] =	stream.strided.gather [spmem:s1], $0x280, s25, s24, $0x38;
	[tilespmem:$0x15500] =	vst v63  }
0x321: {  	_ =	swait.ge [sflag:s12], $0x280  }
0x322: {  	[sflag:s12] =	ssyncset.done $0x0  }
0x323: {  	s0 =	simm.s32 $0x0;
	[sflag:s12] =	ssyncadd.s32 $0xFFFFFD80  }
0x324: {  	s31 =	simm.s32 $0x40;
	v1 =	vld [tilespmem:s0+$0xD800]  }
.LBB2_42:
0x325: {  	p0 =	sne.s32 s31, $0x9C0;
	v2 =	vld [tilespmem:s0+$0xDA80];
	_ =	sdelay $0x2  }
.Ltmp20:
0x326: {  	(pc) =	sbr.rel @p0 .LBB2_42-.Ltmp20, $4  }
0x327: {  	_ = 	snop  }
0x328: {  	v2 =	vadd.f32 v1, v2  }
0x329: {  	s1 =	sshra.s32 s31, $0x2  }
0x32a: {  	s31 =	sadd.s32 $0x40, s31;
	v1 =	vld [tilespmem:s1+$0xD800];
	[tilespmem:s0+$0xDA80] =	vst v2;
	s0 =	smov.u32 s1  }
0x32b: {  	v2 =	vld [tilespmem:s0+$0xDA80];
	_ =	sdelay $0x4  }
0x32c: {  	s1 =	sld [smem:$0x7E5];
	v1 =	vadd.f32 v1, v2;
	_ =	sdelay $0x1  }
0x32d: {  	[tilespmem:s0+$0xDA80] =	vst v1  }
0x32e: {  	[tilespmem:s26], [sflag:$0x1] =	stream.strided.gather [spmem:s1], $0x280, s25, s24, $0x38;
	[tilespmem:$0x15500] =	vst v63  }
0x32f: {  	_ =	swait.ge [sflag:s12], $0x280  }
0x330: {  	[sflag:s12] =	ssyncset.done $0x0  }
0x331: {  	s0 =	simm.s32 $0x0;
	[sflag:s12] =	ssyncadd.s32 $0xFFFFFD80  }
0x332: {  	s31 =	simm.s32 $0x40;
	v1 =	vld [tilespmem:s0+$0xD800]  }
.LBB2_44:
0x333: {  	p0 =	sne.s32 s31, $0x9C0;
	v2 =	vld [tilespmem:s0+$0xDA80];
	_ =	sdelay $0x2  }
.Ltmp21:
0x334: {  	(pc) =	sbr.rel @p0 .LBB2_44-.Ltmp21, $4  }
0x335: {  	_ = 	snop  }
0x336: {  	v2 =	vadd.f32 v1, v2  }
0x337: {  	s1 =	sshra.s32 s31, $0x2  }
0x338: {  	s31 =	sadd.s32 $0x40, s31;
	v1 =	vld [tilespmem:s1+$0xD800];
	[tilespmem:s0+$0xDA80] =	vst v2;
	s0 =	smov.u32 s1  }
0x339: {  	v2 =	vld [tilespmem:s0+$0xDA80];
	_ =	sdelay $0x4  }
0x33a: {  	s1 =	sld [smem:$0x7D1];
	v1 =	vadd.f32 v1, v2;
	_ =	sdelay $0x1  }
0x33b: {  	[tilespmem:s0+$0xDA80] =	vst v1  }
0x33c: {  	[hbm4b:s1+s24] =	stream.strided.scatter [tilespmem:s29], [sflag:$0x1], $0x280, s28, s24, $0x38;
	[tilespmem:$0x15500] =	vst v63  }
0x33d: {  	_ =	swait.ge [sflag:s12], $0x280  }
0x33e: {  	[sflag:s12] =	ssyncset.done $0x0  }
0x33f: {  	[sflag:s12] =	ssyncadd.s32 $0xFFFFFD80  }
0x340: {  	[tilespmem:$0xDA80] =	vst v0  }
0x341: {  	[tilespmem:$0xDA90] =	vst v0  }
0x342: {  	[tilespmem:$0xDAA0] =	vst v0  }
0x343: {  	[tilespmem:$0xDAB0] =	vst v0  }
0x344: {  	[tilespmem:$0xDAC0] =	vst v0  }
0x345: {  	[tilespmem:$0xDAD0] =	vst v0  }
0x346: {  	[tilespmem:$0xDAE0] =	vst v0  }
0x347: {  	[tilespmem:$0xDAF0] =	vst v0  }
0x348: {  	[tilespmem:$0xDB00] =	vst v0  }
0x349: {  	[tilespmem:$0xDB10] =	vst v0  }
0x34a: {  	[tilespmem:$0xDB20] =	vst v0  }
0x34b: {  	[tilespmem:$0xDB30] =	vst v0  }
0x34c: {  	[tilespmem:$0xDB40] =	vst v0  }
0x34d: {  	[tilespmem:$0xDB50] =	vst v0  }
0x34e: {  	[tilespmem:$0xDB60] =	vst v0  }
0x34f: {  	[tilespmem:$0xDB70] =	vst v0  }
0x350: {  	[tilespmem:$0xDB80] =	vst v0  }
0x351: {  	[tilespmem:$0xDB90] =	vst v0  }
0x352: {  	[tilespmem:$0xDBA0] =	vst v0  }
0x353: {  	[tilespmem:$0xDBB0] =	vst v0  }
0x354: {  	[tilespmem:$0xDBC0] =	vst v0  }
0x355: {  	[tilespmem:$0xDBD0] =	vst v0  }
0x356: {  	[tilespmem:$0xDBE0] =	vst v0  }
0x357: {  	[tilespmem:$0xDBF0] =	vst v0  }
0x358: {  	[tilespmem:$0xDC00] =	vst v0  }
0x359: {  	[tilespmem:$0xDC10] =	vst v0  }
0x35a: {  	[tilespmem:$0xDC20] =	vst v0  }
0x35b: {  	[tilespmem:$0xDC30] =	vst v0  }
0x35c: {  	[tilespmem:$0xDC40] =	vst v0  }
0x35d: {  	[tilespmem:$0xDC50] =	vst v0  }
0x35e: {  	[tilespmem:$0xDC60] =	vst v0  }
0x35f: {  	[tilespmem:$0xDC70] =	vst v0  }
0x360: {  	[tilespmem:$0xDC80] =	vst v0  }
0x361: {  	[tilespmem:$0xDC90] =	vst v0  }
0x362: {  	[tilespmem:$0xDCA0] =	vst v0  }
0x363: {  	[tilespmem:$0xDCB0] =	vst v0  }
0x364: {  	[tilespmem:$0xDCC0] =	vst v0  }
0x365: {  	[tilespmem:$0xDCD0] =	vst v0  }
0x366: {  	[tilespmem:$0xDCE0] =	vst v0  }
0x367: {  	[tilespmem:$0xDCF0] =	vst v0  }
0x368: {  	[tilespmem:s26], [sflag:$0x1] =	stream.strided.gather [spmem:s10], $0x280, s25, s24, $0x38;
	[tilespmem:$0x15500] =	vst v63  }
0x369: {  	_ =	swait.ge [sflag:s12], $0x280  }
0x36a: {  	[sflag:s12] =	ssyncset.done $0x0  }
0x36b: {  	s0 =	simm.s32 $0x0;
	[sflag:s12] =	ssyncadd.s32 $0xFFFFFD80  }
0x36c: {  	s31 =	simm.s32 $0x40;
	v1 =	vld [tilespmem:s0+$0xD800]  }
.LBB2_46:
0x36d: {  	p0 =	sne.s32 s31, $0x9C0;
	v2 =	vld [tilespmem:s0+$0xDA80];
	_ =	sdelay $0x2  }
.Ltmp22:
0x36e: {  	(pc) =	sbr.rel @p0 .LBB2_46-.Ltmp22, $4  }
0x36f: {  	_ = 	snop  }
0x370: {  	v2 =	vadd.f32 v1, v2  }
0x371: {  	s1 =	sshra.s32 s31, $0x2  }
0x372: {  	s31 =	sadd.s32 $0x40, s31;
	v1 =	vld [tilespmem:s1+$0xD800];
	[tilespmem:s0+$0xDA80] =	vst v2;
	s0 =	smov.u32 s1  }
0x373: {  	v2 =	vld [tilespmem:s0+$0xDA80];
	_ =	sdelay $0x4  }
0x374: {  	s1 =	sld [smem:$0x7E6];
	v1 =	vadd.f32 v1, v2;
	_ =	sdelay $0x1  }
0x375: {  	[tilespmem:s0+$0xDA80] =	vst v1  }
0x376: {  	[tilespmem:s26], [sflag:$0x1] =	stream.strided.gather [spmem:s1], $0x280, s25, s24, $0x38;
	[tilespmem:$0x15500] =	vst v63  }
0x377: {  	_ =	swait.ge [sflag:s12], $0x280  }
0x378: {  	[sflag:s12] =	ssyncset.done $0x0  }
0x379: {  	s0 =	simm.s32 $0x0;
	[sflag:s12] =	ssyncadd.s32 $0xFFFFFD80  }
0x37a: {  	s31 =	simm.s32 $0x40;
	v1 =	vld [tilespmem:s0+$0xD800]  }
.LBB2_48:
0x37b: {  	p0 =	sne.s32 s31, $0x9C0;
	v2 =	vld [tilespmem:s0+$0xDA80];
	_ =	sdelay $0x2  }
.Ltmp23:
0x37c: {  	(pc) =	sbr.rel @p0 .LBB2_48-.Ltmp23, $4  }
0x37d: {  	_ = 	snop  }
0x37e: {  	v2 =	vadd.f32 v1, v2  }
0x37f: {  	s1 =	sshra.s32 s31, $0x2  }
0x380: {  	s31 =	sadd.s32 $0x40, s31;
	v1 =	vld [tilespmem:s1+$0xD800];
	[tilespmem:s0+$0xDA80] =	vst v2;
	s0 =	smov.u32 s1  }
0x381: {  	v2 =	vld [tilespmem:s0+$0xDA80];
	_ =	sdelay $0x4  }
0x382: {  	s1 =	sld [smem:$0x7E7];
	v1 =	vadd.f32 v1, v2;
	_ =	sdelay $0x1  }
0x383: {  	[tilespmem:s0+$0xDA80] =	vst v1  }
0x384: {  	[tilespmem:s26], [sflag:$0x1] =	stream.strided.gather [spmem:s1], $0x280, s25, s24, $0x38;
	[tilespmem:$0x15500] =	vst v63  }
0x385: {  	_ =	swait.ge [sflag:s12], $0x280  }
0x386: {  	[sflag:s12] =	ssyncset.done $0x0  }
0x387: {  	s0 =	simm.s32 $0x0;
	[sflag:s12] =	ssyncadd.s32 $0xFFFFFD80  }
0x388: {  	s31 =	simm.s32 $0x40;
	v1 =	vld [tilespmem:s0+$0xD800]  }
.LBB2_50:
0x389: {  	p0 =	sne.s32 s31, $0x9C0;
	v2 =	vld [tilespmem:s0+$0xDA80];
	_ =	sdelay $0x2  }
.Ltmp24:
0x38a: {  	(pc) =	sbr.rel @p0 .LBB2_50-.Ltmp24, $4  }
0x38b: {  	_ = 	snop  }
0x38c: {  	v2 =	vadd.f32 v1, v2  }
0x38d: {  	s1 =	sshra.s32 s31, $0x2  }
0x38e: {  	s31 =	sadd.s32 $0x40, s31;
	v1 =	vld [tilespmem:s1+$0xD800];
	[tilespmem:s0+$0xDA80] =	vst v2;
	s0 =	smov.u32 s1  }
0x38f: {  	v2 =	vld [tilespmem:s0+$0xDA80];
	_ =	sdelay $0x4  }
0x390: {  	s1 =	sld [smem:$0x7E8];
	v1 =	vadd.f32 v1, v2;
	_ =	sdelay $0x1  }
0x391: {  	[tilespmem:s0+$0xDA80] =	vst v1  }
0x392: {  	[tilespmem:s26], [sflag:$0x1] =	stream.strided.gather [spmem:s1], $0x280, s25, s24, $0x38;
	[tilespmem:$0x15500] =	vst v63  }
0x393: {  	_ =	swait.ge [sflag:s12], $0x280  }
0x394: {  	[sflag:s12] =	ssyncset.done $0x0  }
0x395: {  	s0 =	simm.s32 $0x0;
	[sflag:s12] =	ssyncadd.s32 $0xFFFFFD80  }
0x396: {  	s31 =	simm.s32 $0x40;
	v1 =	vld [tilespmem:s0+$0xD800]  }
.LBB2_52:
0x397: {  	p0 =	sne.s32 s31, $0x9C0;
	v2 =	vld [tilespmem:s0+$0xDA80];
	_ =	sdelay $0x2  }
.Ltmp25:
0x398: {  	(pc) =	sbr.rel @p0 .LBB2_52-.Ltmp25, $4  }
0x399: {  	_ = 	snop  }
0x39a: {  	v2 =	vadd.f32 v1, v2  }
0x39b: {  	s1 =	sshra.s32 s31, $0x2  }
0x39c: {  	s31 =	sadd.s32 $0x40, s31;
	v1 =	vld [tilespmem:s1+$0xD800];
	[tilespmem:s0+$0xDA80] =	vst v2;
	s0 =	smov.u32 s1  }
0x39d: {  	v2 =	vld [tilespmem:s0+$0xDA80];
	_ =	sdelay $0x4  }
0x39e: {  	s1 =	sld [smem:$0x7E9];
	v1 =	vadd.f32 v1, v2;
	_ =	sdelay $0x1  }
0x39f: {  	[tilespmem:s0+$0xDA80] =	vst v1  }
0x3a0: {  	[tilespmem:s26], [sflag:$0x1] =	stream.strided.gather [spmem:s1], $0x280, s25, s24, $0x38;
	[tilespmem:$0x15500] =	vst v63  }
0x3a1: {  	_ =	swait.ge [sflag:s12], $0x280  }
0x3a2: {  	[sflag:s12] =	ssyncset.done $0x0  }
0x3a3: {  	s0 =	simm.s32 $0x0;
	[sflag:s12] =	ssyncadd.s32 $0xFFFFFD80  }
0x3a4: {  	s31 =	simm.s32 $0x40;
	v1 =	vld [tilespmem:s0+$0xD800]  }
.LBB2_54:
0x3a5: {  	p0 =	sne.s32 s31, $0x9C0;
	v2 =	vld [tilespmem:s0+$0xDA80];
	_ =	sdelay $0x2  }
.Ltmp26:
0x3a6: {  	(pc) =	sbr.rel @p0 .LBB2_54-.Ltmp26, $4  }
0x3a7: {  	_ = 	snop  }
0x3a8: {  	v2 =	vadd.f32 v1, v2  }
0x3a9: {  	s1 =	sshra.s32 s31, $0x2  }
0x3aa: {  	s31 =	sadd.s32 $0x40, s31;
	v1 =	vld [tilespmem:s1+$0xD800];
	[tilespmem:s0+$0xDA80] =	vst v2;
	s0 =	smov.u32 s1  }
0x3ab: {  	v2 =	vld [tilespmem:s0+$0xDA80];
	_ =	sdelay $0x4  }
0x3ac: {  	s1 =	sld [smem:$0x7EA];
	v1 =	vadd.f32 v1, v2;
	_ =	sdelay $0x1  }
0x3ad: {  	[tilespmem:s0+$0xDA80] =	vst v1  }
0x3ae: {  	[tilespmem:s26], [sflag:$0x1] =	stream.strided.gather [spmem:s1], $0x280, s25, s24, $0x38;
	[tilespmem:$0x15500] =	vst v63  }
0x3af: {  	_ =	swait.ge [sflag:s12], $0x280  }
0x3b0: {  	[sflag:s12] =	ssyncset.done $0x0  }
0x3b1: {  	s0 =	simm.s32 $0x0;
	[sflag:s12] =	ssyncadd.s32 $0xFFFFFD80  }
0x3b2: {  	s31 =	simm.s32 $0x40;
	v1 =	vld [tilespmem:s0+$0xD800]  }
.LBB2_56:
0x3b3: {  	p0 =	sne.s32 s31, $0x9C0;
	v2 =	vld [tilespmem:s0+$0xDA80];
	_ =	sdelay $0x2  }
.Ltmp27:
0x3b4: {  	(pc) =	sbr.rel @p0 .LBB2_56-.Ltmp27, $4  }
0x3b5: {  	_ = 	snop  }
0x3b6: {  	v2 =	vadd.f32 v1, v2  }
0x3b7: {  	s1 =	sshra.s32 s31, $0x2  }
0x3b8: {  	s31 =	sadd.s32 $0x40, s31;
	v1 =	vld [tilespmem:s1+$0xD800];
	[tilespmem:s0+$0xDA80] =	vst v2;
	s0 =	smov.u32 s1  }
0x3b9: {  	v2 =	vld [tilespmem:s0+$0xDA80];
	_ =	sdelay $0x4  }
0x3ba: {  	s1 =	sld [smem:$0x7EB];
	v1 =	vadd.f32 v1, v2;
	_ =	sdelay $0x1  }
0x3bb: {  	[tilespmem:s0+$0xDA80] =	vst v1  }
0x3bc: {  	[tilespmem:s26], [sflag:$0x1] =	stream.strided.gather [spmem:s1], $0x280, s25, s24, $0x38;
	[tilespmem:$0x15500] =	vst v63  }
0x3bd: {  	_ =	swait.ge [sflag:s12], $0x280  }
0x3be: {  	[sflag:s12] =	ssyncset.done $0x0  }
0x3bf: {  	s0 =	simm.s32 $0x0;
	[sflag:s12] =	ssyncadd.s32 $0xFFFFFD80  }
0x3c0: {  	s31 =	simm.s32 $0x40;
	v1 =	vld [tilespmem:s0+$0xD800]  }
.LBB2_58:
0x3c1: {  	p0 =	sne.s32 s31, $0x9C0;
	v2 =	vld [tilespmem:s0+$0xDA80];
	_ =	sdelay $0x2  }
.Ltmp28:
0x3c2: {  	(pc) =	sbr.rel @p0 .LBB2_58-.Ltmp28, $4  }
0x3c3: {  	_ = 	snop  }
0x3c4: {  	v2 =	vadd.f32 v1, v2  }
0x3c5: {  	s1 =	sshra.s32 s31, $0x2  }
0x3c6: {  	s31 =	sadd.s32 $0x40, s31;
	v1 =	vld [tilespmem:s1+$0xD800];
	[tilespmem:s0+$0xDA80] =	vst v2;
	s0 =	smov.u32 s1  }
0x3c7: {  	v2 =	vld [tilespmem:s0+$0xDA80];
	_ =	sdelay $0x4  }
0x3c8: {  	s1 =	sld [smem:$0x7EC];
	v1 =	vadd.f32 v1, v2;
	_ =	sdelay $0x1  }
0x3c9: {  	[tilespmem:s0+$0xDA80] =	vst v1  }
0x3ca: {  	[tilespmem:s26], [sflag:$0x1] =	stream.strided.gather [spmem:s1], $0x280, s25, s24, $0x38;
	[tilespmem:$0x15500] =	vst v63  }
0x3cb: {  	_ =	swait.ge [sflag:s12], $0x280  }
0x3cc: {  	[sflag:s12] =	ssyncset.done $0x0  }
0x3cd: {  	s0 =	simm.s32 $0x0;
	[sflag:s12] =	ssyncadd.s32 $0xFFFFFD80  }
0x3ce: {  	s31 =	simm.s32 $0x40;
	v1 =	vld [tilespmem:s0+$0xD800]  }
.LBB2_60:
0x3cf: {  	p0 =	sne.s32 s31, $0x9C0;
	v2 =	vld [tilespmem:s0+$0xDA80];
	_ =	sdelay $0x2  }
.Ltmp29:
0x3d0: {  	(pc) =	sbr.rel @p0 .LBB2_60-.Ltmp29, $4  }
0x3d1: {  	_ = 	snop  }
0x3d2: {  	v2 =	vadd.f32 v1, v2  }
0x3d3: {  	s1 =	sshra.s32 s31, $0x2  }
0x3d4: {  	s31 =	sadd.s32 $0x40, s31;
	v1 =	vld [tilespmem:s1+$0xD800];
	[tilespmem:s0+$0xDA80] =	vst v2;
	s0 =	smov.u32 s1  }
0x3d5: {  	v2 =	vld [tilespmem:s0+$0xDA80];
	_ =	sdelay $0x4  }
0x3d6: {  	s1 =	sld [smem:$0x7ED];
	v1 =	vadd.f32 v1, v2;
	_ =	sdelay $0x1  }
0x3d7: {  	[tilespmem:s0+$0xDA80] =	vst v1  }
0x3d8: {  	[tilespmem:s26], [sflag:$0x1] =	stream.strided.gather [spmem:s1], $0x280, s25, s24, $0x38;
	[tilespmem:$0x15500] =	vst v63  }
0x3d9: {  	_ =	swait.ge [sflag:s12], $0x280  }
0x3da: {  	[sflag:s12] =	ssyncset.done $0x0  }
0x3db: {  	s0 =	simm.s32 $0x0;
	[sflag:s12] =	ssyncadd.s32 $0xFFFFFD80  }
0x3dc: {  	s31 =	simm.s32 $0x40;
	v1 =	vld [tilespmem:s0+$0xD800]  }
.LBB2_62:
0x3dd: {  	p0 =	sne.s32 s31, $0x9C0;
	v2 =	vld [tilespmem:s0+$0xDA80];
	_ =	sdelay $0x2  }
.Ltmp30:
0x3de: {  	(pc) =	sbr.rel @p0 .LBB2_62-.Ltmp30, $4  }
0x3df: {  	_ = 	snop  }
0x3e0: {  	v2 =	vadd.f32 v1, v2  }
0x3e1: {  	s1 =	sshra.s32 s31, $0x2  }
0x3e2: {  	s31 =	sadd.s32 $0x40, s31;
	v1 =	vld [tilespmem:s1+$0xD800];
	[tilespmem:s0+$0xDA80] =	vst v2;
	s0 =	smov.u32 s1  }
0x3e3: {  	v2 =	vld [tilespmem:s0+$0xDA80];
	_ =	sdelay $0x4  }
0x3e4: {  	s1 =	sld [smem:$0x7EE];
	v1 =	vadd.f32 v1, v2;
	_ =	sdelay $0x1  }
0x3e5: {  	[tilespmem:s0+$0xDA80] =	vst v1  }
0x3e6: {  	[tilespmem:s26], [sflag:$0x1] =	stream.strided.gather [spmem:s1], $0x280, s25, s24, $0x38;
	[tilespmem:$0x15500] =	vst v63  }
0x3e7: {  	_ =	swait.ge [sflag:s12], $0x280  }
0x3e8: {  	[sflag:s12] =	ssyncset.done $0x0  }
0x3e9: {  	s0 =	simm.s32 $0x0;
	[sflag:s12] =	ssyncadd.s32 $0xFFFFFD80  }
0x3ea: {  	s31 =	simm.s32 $0x40;
	v1 =	vld [tilespmem:s0+$0xD800]  }
.LBB2_64:
0x3eb: {  	p0 =	sne.s32 s31, $0x9C0;
	v2 =	vld [tilespmem:s0+$0xDA80];
	_ =	sdelay $0x2  }
.Ltmp31:
0x3ec: {  	(pc) =	sbr.rel @p0 .LBB2_64-.Ltmp31, $4  }
0x3ed: {  	_ = 	snop  }
0x3ee: {  	v2 =	vadd.f32 v1, v2  }
0x3ef: {  	s1 =	sshra.s32 s31, $0x2  }
0x3f0: {  	s31 =	sadd.s32 $0x40, s31;
	v1 =	vld [tilespmem:s1+$0xD800];
	[tilespmem:s0+$0xDA80] =	vst v2;
	s0 =	smov.u32 s1  }
0x3f1: {  	v2 =	vld [tilespmem:s0+$0xDA80];
	_ =	sdelay $0x4  }
0x3f2: {  	s1 =	sld [smem:$0x7EF];
	v1 =	vadd.f32 v1, v2;
	_ =	sdelay $0x1  }
0x3f3: {  	[tilespmem:s0+$0xDA80] =	vst v1  }
0x3f4: {  	[tilespmem:s26], [sflag:$0x1] =	stream.strided.gather [spmem:s1], $0x280, s25, s24, $0x38;
	[tilespmem:$0x15500] =	vst v63  }
0x3f5: {  	_ =	swait.ge [sflag:s12], $0x280  }
0x3f6: {  	[sflag:s12] =	ssyncset.done $0x0  }
0x3f7: {  	s0 =	simm.s32 $0x0;
	[sflag:s12] =	ssyncadd.s32 $0xFFFFFD80  }
0x3f8: {  	s31 =	simm.s32 $0x40;
	v1 =	vld [tilespmem:s0+$0xD800]  }
.LBB2_66:
0x3f9: {  	p0 =	sne.s32 s31, $0x9C0;
	v2 =	vld [tilespmem:s0+$0xDA80];
	_ =	sdelay $0x2  }
.Ltmp32:
0x3fa: {  	(pc) =	sbr.rel @p0 .LBB2_66-.Ltmp32, $4  }
0x3fb: {  	_ = 	snop  }
0x3fc: {  	v2 =	vadd.f32 v1, v2  }
0x3fd: {  	s1 =	sshra.s32 s31, $0x2  }
0x3fe: {  	s31 =	sadd.s32 $0x40, s31;
	v1 =	vld [tilespmem:s1+$0xD800];
	[tilespmem:s0+$0xDA80] =	vst v2;
	s0 =	smov.u32 s1  }
0x3ff: {  	v2 =	vld [tilespmem:s0+$0xDA80];
	_ =	sdelay $0x4  }
0x400: {  	s1 =	sld [smem:$0x7F0];
	v1 =	vadd.f32 v1, v2;
	_ =	sdelay $0x1  }
0x401: {  	[tilespmem:s0+$0xDA80] =	vst v1  }
0x402: {  	[tilespmem:s26], [sflag:$0x1] =	stream.strided.gather [spmem:s1], $0x280, s25, s24, $0x38;
	[tilespmem:$0x15500] =	vst v63  }
0x403: {  	_ =	swait.ge [sflag:s12], $0x280  }
0x404: {  	[sflag:s12] =	ssyncset.done $0x0  }
0x405: {  	s0 =	simm.s32 $0x0;
	[sflag:s12] =	ssyncadd.s32 $0xFFFFFD80  }
0x406: {  	s31 =	simm.s32 $0x40;
	v1 =	vld [tilespmem:s0+$0xD800]  }
.LBB2_68:
0x407: {  	p0 =	sne.s32 s31, $0x9C0;
	v2 =	vld [tilespmem:s0+$0xDA80];
	_ =	sdelay $0x2  }
.Ltmp33:
0x408: {  	(pc) =	sbr.rel @p0 .LBB2_68-.Ltmp33, $4  }
0x409: {  	_ = 	snop  }
0x40a: {  	v2 =	vadd.f32 v1, v2  }
0x40b: {  	s1 =	sshra.s32 s31, $0x2  }
0x40c: {  	s31 =	sadd.s32 $0x40, s31;
	v1 =	vld [tilespmem:s1+$0xD800];
	[tilespmem:s0+$0xDA80] =	vst v2;
	s0 =	smov.u32 s1  }
0x40d: {  	v2 =	vld [tilespmem:s0+$0xDA80];
	_ =	sdelay $0x4  }
0x40e: {  	s1 =	sld [smem:$0x7F1];
	v1 =	vadd.f32 v1, v2;
	_ =	sdelay $0x1  }
0x40f: {  	[tilespmem:s0+$0xDA80] =	vst v1  }
0x410: {  	[tilespmem:s26], [sflag:$0x1] =	stream.strided.gather [spmem:s1], $0x280, s25, s24, $0x38;
	[tilespmem:$0x15500] =	vst v63  }
0x411: {  	_ =	swait.ge [sflag:s12], $0x280  }
0x412: {  	[sflag:s12] =	ssyncset.done $0x0  }
0x413: {  	s0 =	simm.s32 $0x0;
	[sflag:s12] =	ssyncadd.s32 $0xFFFFFD80  }
0x414: {  	s31 =	simm.s32 $0x40;
	v1 =	vld [tilespmem:s0+$0xD800]  }
.LBB2_70:
0x415: {  	p0 =	sne.s32 s31, $0x9C0;
	v2 =	vld [tilespmem:s0+$0xDA80];
	_ =	sdelay $0x2  }
.Ltmp34:
0x416: {  	(pc) =	sbr.rel @p0 .LBB2_70-.Ltmp34, $4  }
0x417: {  	_ = 	snop  }
0x418: {  	v2 =	vadd.f32 v1, v2  }
0x419: {  	s1 =	sshra.s32 s31, $0x2  }
0x41a: {  	s31 =	sadd.s32 $0x40, s31;
	v1 =	vld [tilespmem:s1+$0xD800];
	[tilespmem:s0+$0xDA80] =	vst v2;
	s0 =	smov.u32 s1  }
0x41b: {  	v2 =	vld [tilespmem:s0+$0xDA80];
	_ =	sdelay $0x4  }
0x41c: {  	s1 =	sld [smem:$0x7F2];
	v1 =	vadd.f32 v1, v2;
	_ =	sdelay $0x1  }
0x41d: {  	[tilespmem:s0+$0xDA80] =	vst v1  }
0x41e: {  	[tilespmem:s26], [sflag:$0x1] =	stream.strided.gather [spmem:s1], $0x280, s25, s24, $0x38;
	[tilespmem:$0x15500] =	vst v63  }
0x41f: {  	_ =	swait.ge [sflag:s12], $0x280  }
0x420: {  	[sflag:s12] =	ssyncset.done $0x0  }
0x421: {  	s0 =	simm.s32 $0x0;
	[sflag:s12] =	ssyncadd.s32 $0xFFFFFD80  }
0x422: {  	s31 =	simm.s32 $0x40;
	v1 =	vld [tilespmem:s0+$0xD800]  }
.LBB2_72:
0x423: {  	p0 =	sne.s32 s31, $0x9C0;
	v2 =	vld [tilespmem:s0+$0xDA80];
	_ =	sdelay $0x2  }
.Ltmp35:
0x424: {  	(pc) =	sbr.rel @p0 .LBB2_72-.Ltmp35, $4  }
0x425: {  	_ = 	snop  }
0x426: {  	v2 =	vadd.f32 v1, v2  }
0x427: {  	s1 =	sshra.s32 s31, $0x2  }
0x428: {  	s31 =	sadd.s32 $0x40, s31;
	v1 =	vld [tilespmem:s1+$0xD800];
	[tilespmem:s0+$0xDA80] =	vst v2;
	s0 =	smov.u32 s1  }
0x429: {  	v2 =	vld [tilespmem:s0+$0xDA80];
	_ =	sdelay $0x4  }
0x42a: {  	s1 =	sld [smem:$0x7F3];
	v1 =	vadd.f32 v1, v2;
	_ =	sdelay $0x1  }
0x42b: {  	[tilespmem:s0+$0xDA80] =	vst v1  }
0x42c: {  	[tilespmem:s26], [sflag:$0x1] =	stream.strided.gather [spmem:s1], $0x280, s25, s24, $0x38;
	[tilespmem:$0x15500] =	vst v63  }
0x42d: {  	_ =	swait.ge [sflag:s12], $0x280  }
0x42e: {  	[sflag:s12] =	ssyncset.done $0x0  }
0x42f: {  	s0 =	simm.s32 $0x0;
	[sflag:s12] =	ssyncadd.s32 $0xFFFFFD80  }
0x430: {  	s31 =	simm.s32 $0x40;
	v1 =	vld [tilespmem:s0+$0xD800]  }
.LBB2_74:
0x431: {  	p0 =	sne.s32 s31, $0x9C0;
	v2 =	vld [tilespmem:s0+$0xDA80];
	_ =	sdelay $0x2  }
.Ltmp36:
0x432: {  	(pc) =	sbr.rel @p0 .LBB2_74-.Ltmp36, $4  }
0x433: {  	_ = 	snop  }
0x434: {  	v2 =	vadd.f32 v1, v2  }
0x435: {  	s1 =	sshra.s32 s31, $0x2  }
0x436: {  	s31 =	sadd.s32 $0x40, s31;
	v1 =	vld [tilespmem:s1+$0xD800];
	[tilespmem:s0+$0xDA80] =	vst v2;
	s0 =	smov.u32 s1  }
0x437: {  	v2 =	vld [tilespmem:s0+$0xDA80];
	_ =	sdelay $0x4  }
0x438: {  	s1 =	sld [smem:$0x7F4];
	v1 =	vadd.f32 v1, v2;
	_ =	sdelay $0x1  }
0x439: {  	[tilespmem:s0+$0xDA80] =	vst v1  }
0x43a: {  	[tilespmem:s26], [sflag:$0x1] =	stream.strided.gather [spmem:s1], $0x280, s25, s24, $0x38;
	[tilespmem:$0x15500] =	vst v63  }
0x43b: {  	_ =	swait.ge [sflag:s12], $0x280  }
0x43c: {  	[sflag:s12] =	ssyncset.done $0x0  }
0x43d: {  	s0 =	simm.s32 $0x0;
	[sflag:s12] =	ssyncadd.s32 $0xFFFFFD80  }
0x43e: {  	s31 =	simm.s32 $0x40;
	v1 =	vld [tilespmem:s0+$0xD800]  }
.LBB2_76:
0x43f: {  	p0 =	sne.s32 s31, $0x9C0;
	v2 =	vld [tilespmem:s0+$0xDA80];
	_ =	sdelay $0x2  }
.Ltmp37:
0x440: {  	(pc) =	sbr.rel @p0 .LBB2_76-.Ltmp37, $4  }
0x441: {  	_ = 	snop  }
0x442: {  	v2 =	vadd.f32 v1, v2  }
0x443: {  	s1 =	sshra.s32 s31, $0x2  }
0x444: {  	s31 =	sadd.s32 $0x40, s31;
	v1 =	vld [tilespmem:s1+$0xD800];
	[tilespmem:s0+$0xDA80] =	vst v2;
	s0 =	smov.u32 s1  }
0x445: {  	v2 =	vld [tilespmem:s0+$0xDA80];
	_ =	sdelay $0x4  }
0x446: {  	s1 =	sld [smem:$0x7D2];
	v1 =	vadd.f32 v1, v2;
	_ =	sdelay $0x1  }
0x447: {  	[tilespmem:s0+$0xDA80] =	vst v1  }
0x448: {  	[hbm4b:s1+s24] =	stream.strided.scatter [tilespmem:s29], [sflag:$0x1], $0x280, s28, s24, $0x38;
	[tilespmem:$0x15500] =	vst v63  }
0x449: {  	_ =	swait.ge [sflag:s12], $0x280  }
0x44a: {  	[sflag:s12] =	ssyncset.done $0x0  }
0x44b: {  	[sflag:s12] =	ssyncadd.s32 $0xFFFFFD80  }
0x44c: {  	[tilespmem:$0xDA80] =	vst v0  }
0x44d: {  	[tilespmem:$0xDA90] =	vst v0  }
0x44e: {  	[tilespmem:$0xDAA0] =	vst v0  }
0x44f: {  	[tilespmem:$0xDAB0] =	vst v0  }
0x450: {  	[tilespmem:$0xDAC0] =	vst v0  }
0x451: {  	[tilespmem:$0xDAD0] =	vst v0  }
0x452: {  	[tilespmem:$0xDAE0] =	vst v0  }
0x453: {  	[tilespmem:$0xDAF0] =	vst v0  }
0x454: {  	[tilespmem:$0xDB00] =	vst v0  }
0x455: {  	[tilespmem:$0xDB10] =	vst v0  }
0x456: {  	[tilespmem:$0xDB20] =	vst v0  }
0x457: {  	[tilespmem:$0xDB30] =	vst v0  }
0x458: {  	[tilespmem:$0xDB40] =	vst v0  }
0x459: {  	[tilespmem:$0xDB50] =	vst v0  }
0x45a: {  	[tilespmem:$0xDB60] =	vst v0  }
0x45b: {  	[tilespmem:$0xDB70] =	vst v0  }
0x45c: {  	[tilespmem:$0xDB80] =	vst v0  }
0x45d: {  	[tilespmem:$0xDB90] =	vst v0  }
0x45e: {  	[tilespmem:$0xDBA0] =	vst v0  }
0x45f: {  	[tilespmem:$0xDBB0] =	vst v0  }
0x460: {  	[tilespmem:$0xDBC0] =	vst v0  }
0x461: {  	[tilespmem:$0xDBD0] =	vst v0  }
0x462: {  	[tilespmem:$0xDBE0] =	vst v0  }
0x463: {  	[tilespmem:$0xDBF0] =	vst v0  }
0x464: {  	[tilespmem:$0xDC00] =	vst v0  }
0x465: {  	[tilespmem:$0xDC10] =	vst v0  }
0x466: {  	[tilespmem:$0xDC20] =	vst v0  }
0x467: {  	[tilespmem:$0xDC30] =	vst v0  }
0x468: {  	[tilespmem:$0xDC40] =	vst v0  }
0x469: {  	[tilespmem:$0xDC50] =	vst v0  }
0x46a: {  	[tilespmem:$0xDC60] =	vst v0  }
0x46b: {  	[tilespmem:$0xDC70] =	vst v0  }
0x46c: {  	[tilespmem:$0xDC80] =	vst v0  }
0x46d: {  	[tilespmem:$0xDC90] =	vst v0  }
0x46e: {  	[tilespmem:$0xDCA0] =	vst v0  }
0x46f: {  	[tilespmem:$0xDCB0] =	vst v0  }
0x470: {  	[tilespmem:$0xDCC0] =	vst v0  }
0x471: {  	[tilespmem:$0xDCD0] =	vst v0  }
0x472: {  	[tilespmem:$0xDCE0] =	vst v0  }
0x473: {  	[tilespmem:$0xDCF0] =	vst v0  }
0x474: {  	[tilespmem:s26], [sflag:$0x1] =	stream.strided.gather [spmem:s11], $0x280, s25, s24, $0x38;
	[tilespmem:$0x15500] =	vst v63  }
0x475: {  	_ =	swait.ge [sflag:s12], $0x280  }
0x476: {  	[sflag:s12] =	ssyncset.done $0x0  }
0x477: {  	s0 =	simm.s32 $0x0;
	[sflag:s12] =	ssyncadd.s32 $0xFFFFFD80  }
0x478: {  	s31 =	simm.s32 $0x40;
	v1 =	vld [tilespmem:s0+$0xD800]  }
.LBB2_78:
0x479: {  	p0 =	sne.s32 s31, $0x9C0;
	v2 =	vld [tilespmem:s0+$0xDA80];
	_ =	sdelay $0x2  }
.Ltmp38:
0x47a: {  	(pc) =	sbr.rel @p0 .LBB2_78-.Ltmp38, $4  }
0x47b: {  	_ = 	snop  }
0x47c: {  	v2 =	vadd.f32 v1, v2  }
0x47d: {  	s1 =	sshra.s32 s31, $0x2  }
0x47e: {  	s31 =	sadd.s32 $0x40, s31;
	v1 =	vld [tilespmem:s1+$0xD800];
	[tilespmem:s0+$0xDA80] =	vst v2;
	s0 =	smov.u32 s1  }
0x47f: {  	v2 =	vld [tilespmem:s0+$0xDA80];
	_ =	sdelay $0x4  }
0x480: {  	s1 =	sld [smem:$0x7F5];
	v1 =	vadd.f32 v1, v2;
	_ =	sdelay $0x1  }
0x481: {  	[tilespmem:s0+$0xDA80] =	vst v1  }
0x482: {  	[tilespmem:s26], [sflag:$0x1] =	stream.strided.gather [spmem:s1], $0x280, s25, s24, $0x38;
	[tilespmem:$0x15500] =	vst v63  }
0x483: {  	_ =	swait.ge [sflag:s12], $0x280  }
0x484: {  	[sflag:s12] =	ssyncset.done $0x0  }
0x485: {  	s0 =	simm.s32 $0x0;
	[sflag:s12] =	ssyncadd.s32 $0xFFFFFD80  }
0x486: {  	s31 =	simm.s32 $0x40;
	v1 =	vld [tilespmem:s0+$0xD800]  }
.LBB2_80:
0x487: {  	p0 =	sne.s32 s31, $0x9C0;
	v2 =	vld [tilespmem:s0+$0xDA80];
	_ =	sdelay $0x2  }
.Ltmp39:
0x488: {  	(pc) =	sbr.rel @p0 .LBB2_80-.Ltmp39, $4  }
0x489: {  	_ = 	snop  }
0x48a: {  	v2 =	vadd.f32 v1, v2  }
0x48b: {  	s1 =	sshra.s32 s31, $0x2  }
0x48c: {  	s31 =	sadd.s32 $0x40, s31;
	v1 =	vld [tilespmem:s1+$0xD800];
	[tilespmem:s0+$0xDA80] =	vst v2;
	s0 =	smov.u32 s1  }
0x48d: {  	v2 =	vld [tilespmem:s0+$0xDA80];
	_ =	sdelay $0x4  }
0x48e: {  	s1 =	sld [smem:$0x7F6];
	v1 =	vadd.f32 v1, v2;
	_ =	sdelay $0x1  }
0x48f: {  	[tilespmem:s0+$0xDA80] =	vst v1  }
0x490: {  	[tilespmem:s26], [sflag:$0x1] =	stream.strided.gather [spmem:s1], $0x280, s25, s24, $0x38;
	[tilespmem:$0x15500] =	vst v63  }
0x491: {  	_ =	swait.ge [sflag:s12], $0x280  }
0x492: {  	[sflag:s12] =	ssyncset.done $0x0  }
0x493: {  	s0 =	simm.s32 $0x0;
	[sflag:s12] =	ssyncadd.s32 $0xFFFFFD80  }
0x494: {  	s31 =	simm.s32 $0x40;
	v1 =	vld [tilespmem:s0+$0xD800]  }
.LBB2_82:
0x495: {  	p0 =	sne.s32 s31, $0x9C0;
	v2 =	vld [tilespmem:s0+$0xDA80];
	_ =	sdelay $0x2  }
.Ltmp40:
0x496: {  	(pc) =	sbr.rel @p0 .LBB2_82-.Ltmp40, $4  }
0x497: {  	_ = 	snop  }
0x498: {  	v2 =	vadd.f32 v1, v2  }
0x499: {  	s1 =	sshra.s32 s31, $0x2  }
0x49a: {  	s31 =	sadd.s32 $0x40, s31;
	v1 =	vld [tilespmem:s1+$0xD800];
	[tilespmem:s0+$0xDA80] =	vst v2;
	s0 =	smov.u32 s1  }
0x49b: {  	v2 =	vld [tilespmem:s0+$0xDA80];
	_ =	sdelay $0x4  }
0x49c: {  	s1 =	sld [smem:$0x7F7];
	v1 =	vadd.f32 v1, v2;
	_ =	sdelay $0x1  }
0x49d: {  	[tilespmem:s0+$0xDA80] =	vst v1  }
0x49e: {  	[tilespmem:s26], [sflag:$0x1] =	stream.strided.gather [spmem:s1], $0x280, s25, s24, $0x38;
	[tilespmem:$0x15500] =	vst v63  }
0x49f: {  	_ =	swait.ge [sflag:s12], $0x280  }
0x4a0: {  	[sflag:s12] =	ssyncset.done $0x0  }
0x4a1: {  	s0 =	simm.s32 $0x0;
	[sflag:s12] =	ssyncadd.s32 $0xFFFFFD80  }
0x4a2: {  	s31 =	simm.s32 $0x40;
	v1 =	vld [tilespmem:s0+$0xD800]  }
.LBB2_84:
0x4a3: {  	p0 =	sne.s32 s31, $0x9C0;
	v2 =	vld [tilespmem:s0+$0xDA80];
	_ =	sdelay $0x2  }
.Ltmp41:
0x4a4: {  	(pc) =	sbr.rel @p0 .LBB2_84-.Ltmp41, $4  }
0x4a5: {  	_ = 	snop  }
0x4a6: {  	v2 =	vadd.f32 v1, v2  }
0x4a7: {  	s1 =	sshra.s32 s31, $0x2  }
0x4a8: {  	s31 =	sadd.s32 $0x40, s31;
	v1 =	vld [tilespmem:s1+$0xD800];
	[tilespmem:s0+$0xDA80] =	vst v2;
	s0 =	smov.u32 s1  }
0x4a9: {  	v2 =	vld [tilespmem:s0+$0xDA80];
	_ =	sdelay $0x4  }
0x4aa: {  	s1 =	sld [smem:$0x7F8];
	v1 =	vadd.f32 v1, v2;
	_ =	sdelay $0x1  }
0x4ab: {  	[tilespmem:s0+$0xDA80] =	vst v1  }
0x4ac: {  	[tilespmem:s26], [sflag:$0x1] =	stream.strided.gather [spmem:s1], $0x280, s25, s24, $0x38;
	[tilespmem:$0x15500] =	vst v63  }
0x4ad: {  	_ =	swait.ge [sflag:s12], $0x280  }
0x4ae: {  	[sflag:s12] =	ssyncset.done $0x0  }
0x4af: {  	s0 =	simm.s32 $0x0;
	[sflag:s12] =	ssyncadd.s32 $0xFFFFFD80  }
0x4b0: {  	s31 =	simm.s32 $0x40;
	v1 =	vld [tilespmem:s0+$0xD800]  }
.LBB2_86:
0x4b1: {  	p0 =	sne.s32 s31, $0x9C0;
	v2 =	vld [tilespmem:s0+$0xDA80];
	_ =	sdelay $0x2  }
.Ltmp42:
0x4b2: {  	(pc) =	sbr.rel @p0 .LBB2_86-.Ltmp42, $4  }
0x4b3: {  	_ = 	snop  }
0x4b4: {  	v2 =	vadd.f32 v1, v2  }
0x4b5: {  	s1 =	sshra.s32 s31, $0x2  }
0x4b6: {  	s31 =	sadd.s32 $0x40, s31;
	v1 =	vld [tilespmem:s1+$0xD800];
	[tilespmem:s0+$0xDA80] =	vst v2;
	s0 =	smov.u32 s1  }
0x4b7: {  	v2 =	vld [tilespmem:s0+$0xDA80];
	_ =	sdelay $0x4  }
0x4b8: {  	s1 =	sld [smem:$0x7F9];
	v1 =	vadd.f32 v1, v2;
	_ =	sdelay $0x1  }
0x4b9: {  	[tilespmem:s0+$0xDA80] =	vst v1  }
0x4ba: {  	[tilespmem:s26], [sflag:$0x1] =	stream.strided.gather [spmem:s1], $0x280, s25, s24, $0x38;
	[tilespmem:$0x15500] =	vst v63  }
0x4bb: {  	_ =	swait.ge [sflag:s12], $0x280  }
0x4bc: {  	[sflag:s12] =	ssyncset.done $0x0  }
0x4bd: {  	s0 =	simm.s32 $0x0;
	[sflag:s12] =	ssyncadd.s32 $0xFFFFFD80  }
0x4be: {  	s31 =	simm.s32 $0x40;
	v1 =	vld [tilespmem:s0+$0xD800]  }
.LBB2_88:
0x4bf: {  	p0 =	sne.s32 s31, $0x9C0;
	v2 =	vld [tilespmem:s0+$0xDA80];
	_ =	sdelay $0x2  }
.Ltmp43:
0x4c0: {  	(pc) =	sbr.rel @p0 .LBB2_88-.Ltmp43, $4  }
0x4c1: {  	_ = 	snop  }
0x4c2: {  	v2 =	vadd.f32 v1, v2  }
0x4c3: {  	s1 =	sshra.s32 s31, $0x2  }
0x4c4: {  	s31 =	sadd.s32 $0x40, s31;
	v1 =	vld [tilespmem:s1+$0xD800];
	[tilespmem:s0+$0xDA80] =	vst v2;
	s0 =	smov.u32 s1  }
0x4c5: {  	v2 =	vld [tilespmem:s0+$0xDA80];
	_ =	sdelay $0x4  }
0x4c6: {  	s1 =	sld [smem:$0x7FA];
	v1 =	vadd.f32 v1, v2;
	_ =	sdelay $0x1  }
0x4c7: {  	[tilespmem:s0+$0xDA80] =	vst v1  }
0x4c8: {  	[tilespmem:s26], [sflag:$0x1] =	stream.strided.gather [spmem:s1], $0x280, s25, s24, $0x38;
	[tilespmem:$0x15500] =	vst v63  }
0x4c9: {  	_ =	swait.ge [sflag:s12], $0x280  }
0x4ca: {  	[sflag:s12] =	ssyncset.done $0x0  }
0x4cb: {  	s0 =	simm.s32 $0x0;
	[sflag:s12] =	ssyncadd.s32 $0xFFFFFD80  }
0x4cc: {  	s31 =	simm.s32 $0x40;
	v1 =	vld [tilespmem:s0+$0xD800]  }
.LBB2_90:
0x4cd: {  	p0 =	sne.s32 s31, $0x9C0;
	v2 =	vld [tilespmem:s0+$0xDA80];
	_ =	sdelay $0x2  }
.Ltmp44:
0x4ce: {  	(pc) =	sbr.rel @p0 .LBB2_90-.Ltmp44, $4  }
0x4cf: {  	_ = 	snop  }
0x4d0: {  	v2 =	vadd.f32 v1, v2  }
0x4d1: {  	s1 =	sshra.s32 s31, $0x2  }
0x4d2: {  	s31 =	sadd.s32 $0x40, s31;
	v1 =	vld [tilespmem:s1+$0xD800];
	[tilespmem:s0+$0xDA80] =	vst v2;
	s0 =	smov.u32 s1  }
0x4d3: {  	v2 =	vld [tilespmem:s0+$0xDA80];
	_ =	sdelay $0x4  }
0x4d4: {  	s1 =	sld [smem:$0x7FB];
	v1 =	vadd.f32 v1, v2;
	_ =	sdelay $0x1  }
0x4d5: {  	[tilespmem:s0+$0xDA80] =	vst v1  }
0x4d6: {  	[tilespmem:s26], [sflag:$0x1] =	stream.strided.gather [spmem:s1], $0x280, s25, s24, $0x38;
	[tilespmem:$0x15500] =	vst v63  }
0x4d7: {  	_ =	swait.ge [sflag:s12], $0x280  }
0x4d8: {  	[sflag:s12] =	ssyncset.done $0x0  }
0x4d9: {  	s0 =	simm.s32 $0x0;
	[sflag:s12] =	ssyncadd.s32 $0xFFFFFD80  }
0x4da: {  	s31 =	simm.s32 $0x40;
	v1 =	vld [tilespmem:s0+$0xD800]  }
.LBB2_92:
0x4db: {  	p0 =	sne.s32 s31, $0x9C0;
	v2 =	vld [tilespmem:s0+$0xDA80];
	_ =	sdelay $0x2  }
.Ltmp45:
0x4dc: {  	(pc) =	sbr.rel @p0 .LBB2_92-.Ltmp45, $4  }
0x4dd: {  	_ = 	snop  }
0x4de: {  	v2 =	vadd.f32 v1, v2  }
0x4df: {  	s1 =	sshra.s32 s31, $0x2  }
0x4e0: {  	s31 =	sadd.s32 $0x40, s31;
	v1 =	vld [tilespmem:s1+$0xD800];
	[tilespmem:s0+$0xDA80] =	vst v2;
	s0 =	smov.u32 s1  }
0x4e1: {  	v2 =	vld [tilespmem:s0+$0xDA80];
	_ =	sdelay $0x4  }
0x4e2: {  	s1 =	sld [smem:$0x7FC];
	v1 =	vadd.f32 v1, v2;
	_ =	sdelay $0x1  }
0x4e3: {  	[tilespmem:s0+$0xDA80] =	vst v1  }
0x4e4: {  	[tilespmem:s26], [sflag:$0x1] =	stream.strided.gather [spmem:s1], $0x280, s25, s24, $0x38;
	[tilespmem:$0x15500] =	vst v63  }
0x4e5: {  	_ =	swait.ge [sflag:s12], $0x280  }
0x4e6: {  	[sflag:s12] =	ssyncset.done $0x0  }
0x4e7: {  	s0 =	simm.s32 $0x0;
	[sflag:s12] =	ssyncadd.s32 $0xFFFFFD80  }
0x4e8: {  	s31 =	simm.s32 $0x40;
	v1 =	vld [tilespmem:s0+$0xD800]  }
.LBB2_94:
0x4e9: {  	p0 =	sne.s32 s31, $0x9C0;
	v2 =	vld [tilespmem:s0+$0xDA80];
	_ =	sdelay $0x2  }
.Ltmp46:
0x4ea: {  	(pc) =	sbr.rel @p0 .LBB2_94-.Ltmp46, $4  }
0x4eb: {  	_ = 	snop  }
0x4ec: {  	v2 =	vadd.f32 v1, v2  }
0x4ed: {  	s1 =	sshra.s32 s31, $0x2  }
0x4ee: {  	s31 =	sadd.s32 $0x40, s31;
	v1 =	vld [tilespmem:s1+$0xD800];
	[tilespmem:s0+$0xDA80] =	vst v2;
	s0 =	smov.u32 s1  }
0x4ef: {  	v2 =	vld [tilespmem:s0+$0xDA80];
	_ =	sdelay $0x4  }
0x4f0: {  	s1 =	sld [smem:$0x7FD];
	v1 =	vadd.f32 v1, v2;
	_ =	sdelay $0x1  }
0x4f1: {  	[tilespmem:s0+$0xDA80] =	vst v1  }
0x4f2: {  	[tilespmem:s26], [sflag:$0x1] =	stream.strided.gather [spmem:s1], $0x280, s25, s24, $0x38;
	[tilespmem:$0x15500] =	vst v63  }
0x4f3: {  	_ =	swait.ge [sflag:s12], $0x280  }
0x4f4: {  	[sflag:s12] =	ssyncset.done $0x0  }
0x4f5: {  	s0 =	simm.s32 $0x0;
	[sflag:s12] =	ssyncadd.s32 $0xFFFFFD80  }
0x4f6: {  	s31 =	simm.s32 $0x40;
	v1 =	vld [tilespmem:s0+$0xD800]  }
.LBB2_96:
0x4f7: {  	p0 =	sne.s32 s31, $0x9C0;
	v2 =	vld [tilespmem:s0+$0xDA80];
	_ =	sdelay $0x2  }
.Ltmp47:
0x4f8: {  	(pc) =	sbr.rel @p0 .LBB2_96-.Ltmp47, $4  }
0x4f9: {  	_ = 	snop  }
0x4fa: {  	v2 =	vadd.f32 v1, v2  }
0x4fb: {  	s1 =	sshra.s32 s31, $0x2  }
0x4fc: {  	s31 =	sadd.s32 $0x40, s31;
	v1 =	vld [tilespmem:s1+$0xD800];
	[tilespmem:s0+$0xDA80] =	vst v2;
	s0 =	smov.u32 s1  }
0x4fd: {  	v2 =	vld [tilespmem:s0+$0xDA80];
	_ =	sdelay $0x4  }
0x4fe: {  	v1 =	vadd.f32 v1, v2;
	_ =	sdelay $0x1  }
0x4ff: {  	[tilespmem:s0+$0xDA80] =	vst v1  }
0x500: {  	[tilespmem:s26], [sflag:$0x1] =	stream.strided.gather [spmem:s2], $0x280, s25, s24, $0x38;
	[tilespmem:$0x15500] =	vst v63  }
0x501: {  	_ =	swait.ge [sflag:s12], $0x280  }
0x502: {  	[sflag:s12] =	ssyncset.done $0x0  }
0x503: {  	s0 =	simm.s32 $0x0;
	[sflag:s12] =	ssyncadd.s32 $0xFFFFFD80  }
0x504: {  	s31 =	simm.s32 $0x40;
	v1 =	vld [tilespmem:s0+$0xD800]  }
.LBB2_98:
0x505: {  	p0 =	sne.s32 s31, $0x9C0;
	v2 =	vld [tilespmem:s0+$0xDA80];
	_ =	sdelay $0x2  }
.Ltmp48:
0x506: {  	(pc) =	sbr.rel @p0 .LBB2_98-.Ltmp48, $4  }
0x507: {  	_ = 	snop  }
0x508: {  	v2 =	vadd.f32 v1, v2  }
0x509: {  	s1 =	sshra.s32 s31, $0x2  }
0x50a: {  	s31 =	sadd.s32 $0x40, s31;
	v1 =	vld [tilespmem:s1+$0xD800];
	[tilespmem:s0+$0xDA80] =	vst v2;
	s0 =	smov.u32 s1  }
0x50b: {  	v2 =	vld [tilespmem:s0+$0xDA80];
	_ =	sdelay $0x4  }
0x50c: {  	v1 =	vadd.f32 v1, v2;
	_ =	sdelay $0x1  }
0x50d: {  	[tilespmem:s0+$0xDA80] =	vst v1  }
0x50e: {  	[tilespmem:s26], [sflag:$0x1] =	stream.strided.gather [spmem:s3], $0x280, s25, s24, $0x38;
	[tilespmem:$0x15500] =	vst v63  }
0x50f: {  	_ =	swait.ge [sflag:s12], $0x280  }
0x510: {  	[sflag:s12] =	ssyncset.done $0x0  }
0x511: {  	s0 =	simm.s32 $0x0;
	[sflag:s12] =	ssyncadd.s32 $0xFFFFFD80  }
0x512: {  	s31 =	simm.s32 $0x40;
	v1 =	vld [tilespmem:s0+$0xD800]  }
.LBB2_100:
0x513: {  	p0 =	sne.s32 s31, $0x9C0;
	v2 =	vld [tilespmem:s0+$0xDA80];
	_ =	sdelay $0x2  }
.Ltmp49:
0x514: {  	(pc) =	sbr.rel @p0 .LBB2_100-.Ltmp49, $4  }
0x515: {  	_ = 	snop  }
0x516: {  	v2 =	vadd.f32 v1, v2  }
0x517: {  	s1 =	sshra.s32 s31, $0x2  }
0x518: {  	s31 =	sadd.s32 $0x40, s31;
	v1 =	vld [tilespmem:s1+$0xD800];
	[tilespmem:s0+$0xDA80] =	vst v2;
	s0 =	smov.u32 s1  }
0x519: {  	v2 =	vld [tilespmem:s0+$0xDA80];
	_ =	sdelay $0x4  }
0x51a: {  	v1 =	vadd.f32 v1, v2;
	_ =	sdelay $0x1  }
0x51b: {  	[tilespmem:s0+$0xDA80] =	vst v1  }
0x51c: {  	[tilespmem:s26], [sflag:$0x1] =	stream.strided.gather [spmem:s4], $0x280, s25, s24, $0x38;
	[tilespmem:$0x15500] =	vst v63  }
0x51d: {  	_ =	swait.ge [sflag:s12], $0x280  }
0x51e: {  	[sflag:s12] =	ssyncset.done $0x0  }
0x51f: {  	s0 =	simm.s32 $0x0;
	[sflag:s12] =	ssyncadd.s32 $0xFFFFFD80  }
0x520: {  	s31 =	simm.s32 $0x40;
	v1 =	vld [tilespmem:s0+$0xD800]  }
.LBB2_102:
0x521: {  	p0 =	sne.s32 s31, $0x9C0;
	v2 =	vld [tilespmem:s0+$0xDA80];
	_ =	sdelay $0x2  }
.Ltmp50:
0x522: {  	(pc) =	sbr.rel @p0 .LBB2_102-.Ltmp50, $4  }
0x523: {  	_ = 	snop  }
0x524: {  	v2 =	vadd.f32 v1, v2  }
0x525: {  	s1 =	sshra.s32 s31, $0x2  }
0x526: {  	s31 =	sadd.s32 $0x40, s31;
	v1 =	vld [tilespmem:s1+$0xD800];
	[tilespmem:s0+$0xDA80] =	vst v2;
	s0 =	smov.u32 s1  }
0x527: {  	v2 =	vld [tilespmem:s0+$0xDA80];
	_ =	sdelay $0x4  }
0x528: {  	v1 =	vadd.f32 v1, v2;
	_ =	sdelay $0x1  }
0x529: {  	[tilespmem:s0+$0xDA80] =	vst v1  }
0x52a: {  	[tilespmem:s26], [sflag:$0x1] =	stream.strided.gather [spmem:s5], $0x280, s25, s24, $0x38;
	[tilespmem:$0x15500] =	vst v63  }
0x52b: {  	_ =	swait.ge [sflag:s12], $0x280  }
0x52c: {  	[sflag:s12] =	ssyncset.done $0x0  }
0x52d: {  	s0 =	simm.s32 $0x0;
	[sflag:s12] =	ssyncadd.s32 $0xFFFFFD80  }
0x52e: {  	s31 =	simm.s32 $0x40;
	v1 =	vld [tilespmem:s0+$0xD800]  }
.LBB2_104:
0x52f: {  	p0 =	sne.s32 s31, $0x9C0;
	v2 =	vld [tilespmem:s0+$0xDA80];
	_ =	sdelay $0x2  }
.Ltmp51:
0x530: {  	(pc) =	sbr.rel @p0 .LBB2_104-.Ltmp51, $4  }
0x531: {  	_ = 	snop  }
0x532: {  	v2 =	vadd.f32 v1, v2  }
0x533: {  	s1 =	sshra.s32 s31, $0x2  }
0x534: {  	s31 =	sadd.s32 $0x40, s31;
	v1 =	vld [tilespmem:s1+$0xD800];
	[tilespmem:s0+$0xDA80] =	vst v2;
	s0 =	smov.u32 s1  }
0x535: {  	v2 =	vld [tilespmem:s0+$0xDA80];
	_ =	sdelay $0x4  }
0x536: {  	v1 =	vadd.f32 v1, v2;
	_ =	sdelay $0x1  }
0x537: {  	[tilespmem:s0+$0xDA80] =	vst v1  }
0x538: {  	[tilespmem:s26], [sflag:$0x1] =	stream.strided.gather [spmem:s6], $0x280, s25, s24, $0x38;
	[tilespmem:$0x15500] =	vst v63  }
0x539: {  	_ =	swait.ge [sflag:s12], $0x280  }
0x53a: {  	[sflag:s12] =	ssyncset.done $0x0  }
0x53b: {  	s0 =	simm.s32 $0x0;
	[sflag:s12] =	ssyncadd.s32 $0xFFFFFD80  }
0x53c: {  	s31 =	simm.s32 $0x40;
	v1 =	vld [tilespmem:s0+$0xD800]  }
.LBB2_106:
0x53d: {  	p0 =	sne.s32 s31, $0x9C0;
	v2 =	vld [tilespmem:s0+$0xDA80];
	_ =	sdelay $0x2  }
.Ltmp52:
0x53e: {  	(pc) =	sbr.rel @p0 .LBB2_106-.Ltmp52, $4  }
0x53f: {  	_ = 	snop  }
0x540: {  	v2 =	vadd.f32 v1, v2  }
0x541: {  	s1 =	sshra.s32 s31, $0x2  }
0x542: {  	s31 =	sadd.s32 $0x40, s31;
	v1 =	vld [tilespmem:s1+$0xD800];
	[tilespmem:s0+$0xDA80] =	vst v2;
	s0 =	smov.u32 s1  }
0x543: {  	v2 =	vld [tilespmem:s0+$0xDA80];
	_ =	sdelay $0x4  }
0x544: {  	v1 =	vadd.f32 v1, v2;
	_ =	sdelay $0x1  }
0x545: {  	[tilespmem:s0+$0xDA80] =	vst v1  }
0x546: {  	[tilespmem:s26], [sflag:$0x1] =	stream.strided.gather [spmem:s7], $0x280, s25, s24, $0x38;
	[tilespmem:$0x15500] =	vst v63  }
0x547: {  	_ =	swait.ge [sflag:s12], $0x280  }
0x548: {  	[sflag:s12] =	ssyncset.done $0x0  }
0x549: {  	s0 =	simm.s32 $0x0;
	[sflag:s12] =	ssyncadd.s32 $0xFFFFFD80  }
0x54a: {  	s31 =	simm.s32 $0x40;
	v1 =	vld [tilespmem:s0+$0xD800]  }
.LBB2_108:
0x54b: {  	p0 =	sne.s32 s31, $0x9C0;
	v2 =	vld [tilespmem:s0+$0xDA80];
	_ =	sdelay $0x2  }
.Ltmp53:
0x54c: {  	(pc) =	sbr.rel @p0 .LBB2_108-.Ltmp53, $4  }
0x54d: {  	_ = 	snop  }
0x54e: {  	v2 =	vadd.f32 v1, v2  }
0x54f: {  	s1 =	sshra.s32 s31, $0x2  }
0x550: {  	s31 =	sadd.s32 $0x40, s31;
	v1 =	vld [tilespmem:s1+$0xD800];
	[tilespmem:s0+$0xDA80] =	vst v2;
	s0 =	smov.u32 s1  }
0x551: {  	v2 =	vld [tilespmem:s0+$0xDA80];
	_ =	sdelay $0x4  }
0x552: {  	s1 =	sld [smem:$0x7D3];
	v1 =	vadd.f32 v1, v2;
	_ =	sdelay $0x1  }
0x553: {  	[tilespmem:s0+$0xDA80] =	vst v1  }
0x554: {  	[hbm4b:s1+s24] =	stream.strided.scatter [tilespmem:s29], [sflag:$0x1], $0x280, s28, s24, $0x38;
	[tilespmem:$0x15500] =	vst v63  }
0x555: {  	_ =	swait.ge [sflag:s12], $0x280  }
0x556: {  	s31 =	sld [smem:$0x7D4];
	_ =	sdelay $0x1  }
0x557: {  	s30 =	sadd.s32 $0x1, s30  }
0x558: {  	p0 =	sne.s32 s30, s31  }
.Ltmp54:
0x559: {  	_ = 	snop;
	(pc) =	sbr.rel @p0 .LBB2_1-.Ltmp54, $3  }
0x55a: {  	_ =	sdelay $0x1  }
0x55b: {  	[sflag:s12] =	ssyncset.done $0x0  }
0x55c: {  	[sflag:s12] =	ssyncadd.s32 $0xFFFFFD80  }
0x55d: {  	_ =	sfence.sel $0x180000  }
0x55e: {  	[bflag:$0x0] =	sbarrier.arrive $0xFFFF  }
0x55f: {  	_ =	strace $0x9000004A  }
0x560: {  	s0 =	stileid.u32;
	[bflag:$0x2] =	sbarrier.arrive $0xFFFF  }
0x561: {  	p0 =	sne.s32 s0, $0x0;
	s0 =	rddreg [dreg:$0x3]  }
0x562: {  	s0 =	sadd.s32 @!p0 $0x100000, s0  }
0x563: {  	[sflag:s0] =	ssyncadd.tile.s32 @!p0 $0x1;
	_ =	shalt  }
.Lfunc_end2:
_tile_overlayer_lowered:
.L_overlay_start_2:
0x564: {  	(tag) =	ssettag $0x2  }
0x565: {  	s0 =	rddreg [dreg:$0x0];
	s2 =	stileid.u32  }
0x566: {  	s1 =	rddreg [dreg:$0x1];
	p0 =	sne.s32 s2, $0x0  }
0x567: {  	s3 =	rddreg [dreg:$0x2];
	[bflag:$0x3] =	sbarrier.arrive $0xFFFF;
	s2 =	simm.s32 @!p0 $0x1C01  }
0x568: {  	[timem:s3], [sflag:s2] =	dma.local @!p0 [hbm:s0], s1  }
0x569: {  	s0 =	simm.s32 @!p0 $0x1  }
0x56a: {  	_ =	swait.ge @!p0 [sflag:s0], s1  }
0x56b: {  	s1 =	ssub.s32 @!p0 $0x0, s1;
	[sflag:s0] =	ssyncset.done @!p0 $0x0  }
0x56c: {  	[sflag:s0] =	ssyncadd.s32 @!p0 s1  }
0x56d: {  	[bflag:$0x3] =	sbarrier.arrive $0xFFFF  }
0x56e: {  	_ =	shalt  }

</sc_bundles>
